<compile_context>
chip_gen: v7x
topology: tpu7x:2x2x1
jax: 0.10.2.dev20260603
libtpu: 0.0.44.dev20260713+nightly
codegen_flags: <defaults>
</compile_context>

<pallas_src>
import functools

import jax
import jax.numpy as jnp
from jax import lax
from jax.experimental import pallas as pl
from jax.experimental.pallas import tpu as pltpu
from jax.experimental.pallas import tpu_sc as plsc

NUM_EMB = 1000000
DIM = 32
BATCH = 16384
SEQ = 50
TOTAL = BATCH * SEQ

NC = 2
NS = 16
NW = NC * NS
PER_W = TOTAL // NW
G = 128
STEPS = PER_W // G
GROUPS_PER_S = BATCH // G
OUT_ROWS = TOTAL * DIM // G
TR_STRIDE = 131
NSLOT = 4

_mesh = plsc.VectorSubcoreMesh(core_axis_name="c", subcore_axis_name="s")


def _transpose_block(rows_v, tr_v):
    lanes = lax.iota(jnp.int32, 16)
    hi_lanes = lanes + 16

    @pl.loop(0, G, step=8)
    def _t(k0):
        for u in range(8):
            k = k0 + u
            kv = jnp.broadcast_to(k, (16,))
            v_lo = rows_v[k, pl.ds(0, 16)]
            v_hi = rows_v[k, pl.ds(16, 16)]
            plsc.store_scatter(tr_v, [lanes, kv], v_lo)
            plsc.store_scatter(tr_v, [hi_lanes, kv], v_hi)


@functools.partial(
    pl.kernel,
    out_type=jax.ShapeDtypeStruct((OUT_ROWS, G), jnp.float32),
    mesh=_mesh,
    scratch_types=[
        pltpu.VMEM((SEQ, BATCH // NW), jnp.int32),
        pltpu.VMEM((NSLOT, G, DIM), jnp.float32),
        pltpu.VMEM((NSLOT, DIM, TR_STRIDE), jnp.float32),
        pltpu.SemaphoreType.DMA,
        pltpu.SemaphoreType.DMA,
    ],
    compiler_params=pltpu.CompilerParams(
        use_tc_tiling_on_sc=False, needs_layout_passes=False
    ),
)
def _emb_lookup(idx_hbm, table_hbm, out_hbm, idx_v, rows_v, tr_v, gsem, ssem):
    wid = lax.axis_index("s") * NC + lax.axis_index("c")
    bw = BATCH // NW
    jpw = bw // G
    pltpu.sync_copy(idx_hbm.at[:, pl.ds(wid * bw, bw)], idx_v)

    def start_gather(i, slot):
        pltpu.async_copy(
            table_hbm.at[idx_v.at[i // jpw, pl.ds((i % jpw) * G, G)]],
            rows_v.at[slot],
            gsem,
        )

    def wait_gather(slot):
        pltpu.make_async_copy(
            table_hbm.at[idx_v.at[0, pl.ds(0, G)]], rows_v.at[slot], gsem
        ).wait()

    def start_stores(i, slot):
        s = i // jpw
        tb = wid * jpw + i % jpw
        base = s * 4096 + tb * 8
        for tf in range(4):
            pltpu.async_copy(
                tr_v.at[slot].at[pl.ds(8 * tf, 8), pl.ds(0, G)],
                out_hbm.at[pl.ds(base + tf * 1024, 8)],
                ssem,
            )

    def wait_stores(slot):
        for tf in range(4):
            pltpu.make_async_copy(
                tr_v.at[slot].at[pl.ds(8 * tf, 8), pl.ds(0, G)],
                out_hbm.at[pl.ds(0, 8)],
                ssem,
            ).wait()

    for slot in range(NSLOT - 1):
        start_gather(slot, slot)

    @pl.loop(0, STEPS, step=NSLOT)
    def _main(i):
        for slot in range(NSLOT):
            g = i + slot

            @pl.when(g + NSLOT - 1 < STEPS)
            def _():
                start_gather(g + NSLOT - 1, (slot + NSLOT - 1) % NSLOT)

            wait_gather(slot)

            @pl.when(g >= NSLOT)
            def _():
                wait_stores(slot)

            _transpose_block(rows_v.at[slot], tr_v.at[slot])
            start_stores(g, slot)

    for slot in range(NSLOT):
        wait_stores(slot)


def kernel(token_ids, embedding_table):
    idx = jnp.transpose(token_ids).astype(jnp.int32)
    out_lin = _emb_lookup(idx, embedding_table)
    x = out_lin.reshape(SEQ, 4, GROUPS_PER_S, 8, G)
    x = jnp.transpose(x, (2, 4, 0, 1, 3))
    return x.reshape(BATCH, SEQ, DIM)

# --- scband reference (transcript-rebuilt; emitter-appended) ---
"""Pipeline reference for scband-embedding-84482006713332 (READ-ONLY COPY).

The authoritative reference and input builder live on the scoring server;
editing this copy changes nothing except your own understanding.
"""

import jax, jax.numpy as jnp
import numpy as np

NUM_EMBEDDINGS = 1000000
EMBEDDING_DIM = 32


def setup_inputs(seed: int = 0) -> dict:
    key = jax.random.key(seed)
    k1, k2 = jax.random.split(key)
    token_ids = jax.random.randint(k1, (16384, 50), 0, NUM_EMBEDDINGS, dtype=jnp.int64 if jax.config.jax_enable_x64 else jnp.int32)
    # trunc_normal(mean=0, std=1, a=-3, b=3) approximated via clipped normal
    embedding_table = jnp.clip(jax.random.normal(k2, (NUM_EMBEDDINGS, EMBEDDING_DIM), dtype=jnp.float32), -3.0, 3.0)
    return {"token_ids": token_ids, "embedding_table": embedding_table}


def reference(token_ids, embedding_table):
    # Faithful to: self.embedding_table[token_ids, :]
    return jnp.take(embedding_table, token_ids, axis=0)

if __name__ == "__main__":
    import jax
    _d = setup_inputs()
    print(jax.jit(kernel)(*tuple(_d.values())))

</pallas_src>

<mosaic_0001>
#map = affine_map<(d0, d1) -> (0, 0)>
module attributes {stable_mosaic.version = 14 : i64} {
  func.func @_emb_lookup(%arg0: i32, %arg1: i32, %arg2: memref<50x16384xi32, #tpu.memory_space<hbm>>, %arg3: memref<1000000x32xf32, #tpu.memory_space<hbm>>, %arg4: memref<204800x128xf32, #tpu.memory_space<hbm>>, %arg5: memref<50x512xi32, #tpu.memory_space<vmem>>, %arg6: memref<4x128x32xf32, #tpu.memory_space<vmem>>, %arg7: memref<4x32x131xf32, #tpu.memory_space<vmem>>, %arg8: memref<!tpu.dma_semaphore, #tpu.memory_space<semaphore_mem>>, %arg9: memref<!tpu.dma_semaphore, #tpu.memory_space<semaphore_mem>>) attributes {dimension_semantics = [#tpu.dimension_semantics<core_parallel>, #tpu.dimension_semantics<subcore_parallel>], iteration_bounds = array<i64: 2, 16>, scalar_prefetch = 0 : i64, scratch_operands = 5 : i64, tpu.core_type = #tpu.core_type<sc_vector_subcore>, window_params = [{transform_indices = #map}, {transform_indices = #map}, {transform_indices = #map}]} {
    %mul3A = arith.constant 2 : i32
    %mul3A_0 = arith.muli %arg1, %mul3A : i32
    %add3A = arith.addi %mul3A_0, %arg0 : i32
    %mul3A_1 = arith.constant 512 : i32
    %mul3A_2 = arith.muli %add3A, %mul3A_1 : i32
    "tpu.region"() ({
      %run_scoped3A = tpu.sem_alloc : memref<!tpu.dma_semaphore, #tpu.memory_space<semaphore_mem>>
      %dma_start3A_377 = arith.constant 0 : i32
      %dma_start3A_378 = tpu.memref_slice %arg2[%dma_start3A_377, %mul3A_2] : memref<50x16384xi32, #tpu.memory_space<hbm>> -> memref<50x512xi32, #tpu.memory_space<hbm>>
      %dma_start3A_379 = arith.constant 0 : i32
      %dma_start3A_380 = tpu.memref_slice %arg2[%dma_start3A_379, %mul3A_2] : memref<50x16384xi32, #tpu.memory_space<hbm>> -> memref<50x512xi32, #tpu.memory_space<hbm>>
      tpu.enqueue_dma source(%dma_start3A_380 : memref<50x512xi32, #tpu.memory_space<hbm>>) target(%arg5 : memref<50x512xi32, #tpu.memory_space<vmem>>) target_semaphore(%run_scoped3A : memref<!tpu.dma_semaphore, #tpu.memory_space<semaphore_mem>>)
      %dma_wait3A_381 = arith.constant 0 : i32
      %dma_wait3A_382 = tpu.memref_slice %arg2[%dma_wait3A_381, %mul3A_2] : memref<50x16384xi32, #tpu.memory_space<hbm>> -> memref<50x512xi32, #tpu.memory_space<hbm>>
      %dma_wait3A_383 = arith.constant 0 : i32
      %dma_wait3A_384 = tpu.memref_slice %arg2[%dma_wait3A_383, %mul3A_2] : memref<50x16384xi32, #tpu.memory_space<hbm>> -> memref<50x512xi32, #tpu.memory_space<hbm>>
      tpu.wait_dma2 semaphore(%run_scoped3A : memref<!tpu.dma_semaphore, #tpu.memory_space<semaphore_mem>>) src(%dma_wait3A_384 : memref<50x512xi32, #tpu.memory_space<hbm>>) dst(%arg5 : memref<50x512xi32, #tpu.memory_space<vmem>>)
      tpu.yield
    }) : () -> ()
    %dma_start3A = arith.constant 0 : i32
    %dma_start3A_3 = arith.constant 0 : i32
    %dma_start3A_4 = arith.constant 0 : i32
    %dma_start3A_5 = arith.constant 0 : i32
    %dma_start3A_6 = tpu.memref_slice %arg6[%dma_start3A_3, %dma_start3A_4, %dma_start3A_5] : memref<4x128x32xf32, #tpu.memory_space<vmem>> -> memref<1x128x32xf32, #tpu.memory_space<vmem>>
    %dma_start3A_7 = tpu.memref_squeeze %dma_start3A_6 : memref<1x128x32xf32, #tpu.memory_space<vmem>> -> memref<128x32xf32, #tpu.memory_space<vmem>>
    %dma_start3A_8 = arith.constant 0 : i32
    %dma_start3A_9 = tpu.memref_slice %arg5[%dma_start3A, %dma_start3A_8] : memref<50x512xi32, #tpu.memory_space<vmem>> -> memref<1x128xi32, #tpu.memory_space<vmem>>
    %dma_start3A_10 = tpu.memref_squeeze %dma_start3A_9 : memref<1x128xi32, #tpu.memory_space<vmem>> -> memref<128xi32, #tpu.memory_space<vmem>>
    %dma_start3A_11 = arith.constant 0 : i32
    %dma_start3A_12 = arith.constant 0 : i32
    %dma_start3A_13 = tpu.memref_slice %arg3[%dma_start3A_11, %dma_start3A_12] : memref<1000000x32xf32, #tpu.memory_space<hbm>> -> memref<1000000x32xf32, #tpu.memory_space<hbm>>
    tpu.enqueue_indirect_dma source(%dma_start3A_13 : memref<1000000x32xf32, #tpu.memory_space<hbm>>) target(%dma_start3A_7 : memref<128x32xf32, #tpu.memory_space<vmem>>) offsets(%dma_start3A_10 : memref<128xi32, #tpu.memory_space<vmem>>) semaphore(%arg8 : memref<!tpu.dma_semaphore, #tpu.memory_space<semaphore_mem>>)
    %dma_start3A_14 = arith.constant 0 : i32
    %dma_start3A_15 = arith.constant 1 : i32
    %dma_start3A_16 = arith.constant 0 : i32
    %dma_start3A_17 = arith.constant 0 : i32
    %dma_start3A_18 = tpu.memref_slice %arg6[%dma_start3A_15, %dma_start3A_16, %dma_start3A_17] : memref<4x128x32xf32, #tpu.memory_space<vmem>> -> memref<1x128x32xf32, #tpu.memory_space<vmem>>
    %dma_start3A_19 = tpu.memref_squeeze %dma_start3A_18 : memref<1x128x32xf32, #tpu.memory_space<vmem>> -> memref<128x32xf32, #tpu.memory_space<vmem>>
    %dma_start3A_20 = arith.constant 128 : i32
    %dma_start3A_21 = tpu.memref_slice %arg5[%dma_start3A_14, %dma_start3A_20] : memref<50x512xi32, #tpu.memory_space<vmem>> -> memref<1x128xi32, #tpu.memory_space<vmem>>
    %dma_start3A_22 = tpu.memref_squeeze %dma_start3A_21 : memref<1x128xi32, #tpu.memory_space<vmem>> -> memref<128xi32, #tpu.memory_space<vmem>>
    %dma_start3A_23 = arith.constant 0 : i32
    %dma_start3A_24 = arith.constant 0 : i32
    %dma_start3A_25 = tpu.memref_slice %arg3[%dma_start3A_23, %dma_start3A_24] : memref<1000000x32xf32, #tpu.memory_space<hbm>> -> memref<1000000x32xf32, #tpu.memory_space<hbm>>
    tpu.enqueue_indirect_dma source(%dma_start3A_25 : memref<1000000x32xf32, #tpu.memory_space<hbm>>) target(%dma_start3A_19 : memref<128x32xf32, #tpu.memory_space<vmem>>) offsets(%dma_start3A_22 : memref<128xi32, #tpu.memory_space<vmem>>) semaphore(%arg8 : memref<!tpu.dma_semaphore, #tpu.memory_space<semaphore_mem>>)
    %dma_start3A_26 = arith.constant 0 : i32
    %dma_start3A_27 = arith.constant 2 : i32
    %dma_start3A_28 = arith.constant 0 : i32
    %dma_start3A_29 = arith.constant 0 : i32
    %dma_start3A_30 = tpu.memref_slice %arg6[%dma_start3A_27, %dma_start3A_28, %dma_start3A_29] : memref<4x128x32xf32, #tpu.memory_space<vmem>> -> memref<1x128x32xf32, #tpu.memory_space<vmem>>
    %dma_start3A_31 = tpu.memref_squeeze %dma_start3A_30 : memref<1x128x32xf32, #tpu.memory_space<vmem>> -> memref<128x32xf32, #tpu.memory_space<vmem>>
    %dma_start3A_32 = arith.constant 256 : i32
    %dma_start3A_33 = tpu.memref_slice %arg5[%dma_start3A_26, %dma_start3A_32] : memref<50x512xi32, #tpu.memory_space<vmem>> -> memref<1x128xi32, #tpu.memory_space<vmem>>
    %dma_start3A_34 = tpu.memref_squeeze %dma_start3A_33 : memref<1x128xi32, #tpu.memory_space<vmem>> -> memref<128xi32, #tpu.memory_space<vmem>>
    %dma_start3A_35 = arith.constant 0 : i32
    %dma_start3A_36 = arith.constant 0 : i32
    %dma_start3A_37 = tpu.memref_slice %arg3[%dma_start3A_35, %dma_start3A_36] : memref<1000000x32xf32, #tpu.memory_space<hbm>> -> memref<1000000x32xf32, #tpu.memory_space<hbm>>
    tpu.enqueue_indirect_dma source(%dma_start3A_37 : memref<1000000x32xf32, #tpu.memory_space<hbm>>) target(%dma_start3A_31 : memref<128x32xf32, #tpu.memory_space<vmem>>) offsets(%dma_start3A_34 : memref<128xi32, #tpu.memory_space<vmem>>) semaphore(%arg8 : memref<!tpu.dma_semaphore, #tpu.memory_space<semaphore_mem>>)
    %scan3A = arith.constant 0 : i32
    %scan3A_38 = arith.constant 50 : i32
    %scan3A_39 = arith.addi %scan3A, %scan3A_38 : i32
    %scan3A_40 = arith.constant 1 : i32
    scf.for %scan3A_377 = %scan3A to %scan3A_39 step %scan3A_40  : i32 {
      %mul3A_378 = arith.constant 4 : i32
      %mul3A_379 = arith.muli %scan3A_377, %mul3A_378 : i32
      %add3A_380 = arith.constant 0 : i32
      %add3A_381 = arith.addi %add3A_380, %mul3A_379 : i32
      %add3A_382 = arith.constant 0 : i32
      %add3A_383 = arith.addi %add3A_381, %add3A_382 : i32
      %add3A_384 = arith.constant 4 : i32
      %add3A_385 = arith.addi %add3A_383, %add3A_384 : i32
      %sub3A = arith.constant 1 : i32
      %sub3A_386 = arith.subi %add3A_385, %sub3A : i32
      %lt3A = arith.constant 200 : i32
      %lt3A_387 = arith.cmpi slt, %sub3A_386, %lt3A : i32
      %convert_element_type3A = arith.extui %lt3A_387 : i1 to i32
      %cond3A = arith.constant 0 : i32
      %cond3A_388 = arith.cmpi ne, %convert_element_type3A, %cond3A : i32
      scf.if %cond3A_388 {
        %add3A_1052 = arith.constant 4 : i32
        %add3A_1053 = arith.addi %add3A_383, %add3A_1052 : i32
        %sub3A_1054 = arith.constant 1 : i32
        %sub3A_1055 = arith.subi %add3A_1053, %sub3A_1054 : i32
        %jit3A_1056 = arith.constant 4 : i32
        %div3A_1057 = arith.divsi %sub3A_1055, %jit3A_1056 : i32
        %sign3A_1058 = arith.constant 0 : i32
        %sign3A_1059 = arith.cmpi sgt, %sub3A_1055, %sign3A_1058 : i32
        %sign3A_1060 = arith.extui %sign3A_1059 : i1 to i32
        %sign3A_1061 = arith.constant 0 : i32
        %sign3A_1062 = arith.cmpi slt, %sub3A_1055, %sign3A_1061 : i32
        %sign3A_1063 = arith.extui %sign3A_1062 : i1 to i32
        %sign3A_1064 = arith.subi %sign3A_1060, %sign3A_1063 : i32
        %sign3A_1065 = arith.constant 0 : i32
        %sign3A_1066 = arith.cmpi sgt, %jit3A_1056, %sign3A_1065 : i32
        %sign3A_1067 = arith.extui %sign3A_1066 : i1 to i32
        %sign3A_1068 = arith.constant 0 : i32
        %sign3A_1069 = arith.cmpi slt, %jit3A_1056, %sign3A_1068 : i32
        %sign3A_1070 = arith.extui %sign3A_1069 : i1 to i32
        %sign3A_1071 = arith.subi %sign3A_1067, %sign3A_1070 : i32
        %ne3A_1072 = arith.cmpi ne, %sign3A_1064, %sign3A_1071 : i32
        %rem3A_1073 = arith.remsi %sub3A_1055, %jit3A_1056 : i32
        %ne3A_1074 = arith.constant 0 : i32
        %ne3A_1075 = arith.cmpi ne, %rem3A_1073, %ne3A_1074 : i32
        %and3A_1076 = arith.andi %ne3A_1072, %ne3A_1075 : i1
        %sub3A_1077 = arith.constant 1 : i32
        %sub3A_1078 = arith.subi %div3A_1057, %sub3A_1077 : i32
        %select_n3A_1079 = arith.select %and3A_1076, %sub3A_1078, %div3A_1057 : i32
        %jit3A_1080 = arith.constant 4 : i32
        %eq3A_1081 = arith.constant 0 : i32
        %eq3A_1082 = arith.cmpi eq, %jit3A_1080, %eq3A_1081 : i32
        %jit3A_1083 = arith.constant 1 : i32
        %select_n3A_1084 = arith.select %eq3A_1082, %jit3A_1083, %jit3A_1080 : i32
        %rem3A_1085 = arith.remsi %sub3A_1055, %select_n3A_1084 : i32
        %ne3A_1086 = arith.constant 0 : i32
        %ne3A_1087 = arith.cmpi ne, %rem3A_1085, %ne3A_1086 : i32
        %lt3A_1088 = arith.constant 0 : i32
        %lt3A_1089 = arith.cmpi slt, %rem3A_1085, %lt3A_1088 : i32
        %lt3A_1090 = arith.constant 0 : i32
        %lt3A_1091 = arith.cmpi slt, %select_n3A_1084, %lt3A_1090 : i32
        %ne3A_1092 = arith.xori %lt3A_1089, %lt3A_1091 : i1
        %and3A_1093 = arith.andi %ne3A_1092, %ne3A_1087 : i1
        %add3A_1094 = arith.addi %rem3A_1085, %select_n3A_1084 : i32
        %select_n3A_1095 = arith.select %and3A_1093, %add3A_1094, %rem3A_1085 : i32
        %mul3A_1096 = arith.constant 128 : i32
        %mul3A_1097 = arith.muli %select_n3A_1095, %mul3A_1096 : i32
        %dma_start3A_1098 = arith.constant 3 : i32
        %dma_start3A_1099 = arith.constant 0 : i32
        %dma_start3A_1100 = arith.constant 0 : i32
        %dma_start3A_1101 = tpu.memref_slice %arg6[%dma_start3A_1098, %dma_start3A_1099, %dma_start3A_1100] : memref<4x128x32xf32, #tpu.memory_space<vmem>> -> memref<1x128x32xf32, #tpu.memory_space<vmem>>
        %dma_start3A_1102 = tpu.memref_squeeze %dma_start3A_1101 : memref<1x128x32xf32, #tpu.memory_space<vmem>> -> memref<128x32xf32, #tpu.memory_space<vmem>>
        %dma_start3A_1103 = tpu.memref_slice %arg5[%select_n3A_1079, %mul3A_1097] : memref<50x512xi32, #tpu.memory_space<vmem>> -> memref<1x128xi32, #tpu.memory_space<vmem>>
        %dma_start3A_1104 = tpu.memref_squeeze %dma_start3A_1103 : memref<1x128xi32, #tpu.memory_space<vmem>> -> memref<128xi32, #tpu.memory_space<vmem>>
        %dma_start3A_1105 = arith.constant 0 : i32
        %dma_start3A_1106 = arith.constant 0 : i32
        %dma_start3A_1107 = tpu.memref_slice %arg3[%dma_start3A_1105, %dma_start3A_1106] : memref<1000000x32xf32, #tpu.memory_space<hbm>> -> memref<1000000x32xf32, #tpu.memory_space<hbm>>
        tpu.enqueue_indirect_dma source(%dma_start3A_1107 : memref<1000000x32xf32, #tpu.memory_space<hbm>>) target(%dma_start3A_1102 : memref<128x32xf32, #tpu.memory_space<vmem>>) offsets(%dma_start3A_1104 : memref<128xi32, #tpu.memory_space<vmem>>) semaphore(%arg8 : memref<!tpu.dma_semaphore, #tpu.memory_space<semaphore_mem>>)
      } else {
      }
      %dma_wait3A_389 = arith.constant 0 : i32
      %dma_wait3A_390 = arith.constant 0 : i32
      %dma_wait3A_391 = arith.constant 0 : i32
      %dma_wait3A_392 = arith.constant 0 : i32
      %dma_wait3A_393 = tpu.memref_slice %arg6[%dma_wait3A_390, %dma_wait3A_391, %dma_wait3A_392] : memref<4x128x32xf32, #tpu.memory_space<vmem>> -> memref<1x128x32xf32, #tpu.memory_space<vmem>>
      %dma_wait3A_394 = tpu.memref_squeeze %dma_wait3A_393 : memref<1x128x32xf32, #tpu.memory_space<vmem>> -> memref<128x32xf32, #tpu.memory_space<vmem>>
      %dma_wait3A_395 = arith.constant 0 : i32
      %dma_wait3A_396 = tpu.memref_slice %arg5[%dma_wait3A_389, %dma_wait3A_395] : memref<50x512xi32, #tpu.memory_space<vmem>> -> memref<1x128xi32, #tpu.memory_space<vmem>>
      %dma_wait3A_397 = tpu.memref_squeeze %dma_wait3A_396 : memref<1x128xi32, #tpu.memory_space<vmem>> -> memref<128xi32, #tpu.memory_space<vmem>>
      %dma_wait3A_398 = arith.constant 0 : i32
      %dma_wait3A_399 = arith.constant 0 : i32
      %dma_wait3A_400 = tpu.memref_slice %arg3[%dma_wait3A_398, %dma_wait3A_399] : memref<1000000x32xf32, #tpu.memory_space<hbm>> -> memref<1000000x32xf32, #tpu.memory_space<hbm>>
      tpu.wait_indirect_dma semaphore(%arg8 : memref<!tpu.dma_semaphore, #tpu.memory_space<semaphore_mem>>) src(%dma_wait3A_400 : memref<1000000x32xf32, #tpu.memory_space<hbm>>) dst(%dma_wait3A_394 : memref<128x32xf32, #tpu.memory_space<vmem>>)
      %ge3A = arith.constant 4 : i32
      %ge3A_401 = arith.cmpi sge, %add3A_383, %ge3A : i32
      %convert_element_type3A_402 = arith.extui %ge3A_401 : i1 to i32
      %cond3A_403 = arith.constant 0 : i32
      %cond3A_404 = arith.cmpi ne, %convert_element_type3A_402, %cond3A_403 : i32
      scf.if %cond3A_404 {
        %dma_wait3A_1052 = arith.constant 0 : i32
        %dma_wait3A_1053 = arith.constant 0 : i32
        %dma_wait3A_1054 = arith.constant 0 : i32
        %dma_wait3A_1055 = tpu.memref_slice %arg7[%dma_wait3A_1052, %dma_wait3A_1053, %dma_wait3A_1054] : memref<4x32x131xf32, #tpu.memory_space<vmem>> -> memref<1x32x131xf32, #tpu.memory_space<vmem>>
        %dma_wait3A_1056 = tpu.memref_squeeze %dma_wait3A_1055 : memref<1x32x131xf32, #tpu.memory_space<vmem>> -> memref<32x131xf32, #tpu.memory_space<vmem>>
        %dma_wait3A_1057 = arith.constant 0 : i32
        %dma_wait3A_1058 = arith.constant 0 : i32
        %dma_wait3A_1059 = tpu.memref_slice %dma_wait3A_1056[%dma_wait3A_1057, %dma_wait3A_1058] : memref<32x131xf32, #tpu.memory_space<vmem>> -> memref<8x128xf32, #tpu.memory_space<vmem>>
        %dma_wait3A_1060 = arith.constant 0 : i32
        %dma_wait3A_1061 = arith.constant 0 : i32
        %dma_wait3A_1062 = tpu.memref_slice %arg4[%dma_wait3A_1060, %dma_wait3A_1061] : memref<204800x128xf32, #tpu.memory_space<hbm>> -> memref<8x128xf32, #tpu.memory_space<hbm>>
        %dma_wait3A_1063 = arith.constant 0 : i32
        %dma_wait3A_1064 = arith.constant 0 : i32
        %dma_wait3A_1065 = tpu.memref_slice %arg4[%dma_wait3A_1063, %dma_wait3A_1064] : memref<204800x128xf32, #tpu.memory_space<hbm>> -> memref<8x128xf32, #tpu.memory_space<hbm>>
        %dma_wait3A_1066 = arith.constant 0 : i32
        %dma_wait3A_1067 = arith.constant 0 : i32
        %dma_wait3A_1068 = tpu.memref_slice %arg7[%dma_wait3A_1052, %dma_wait3A_1066, %dma_wait3A_1067] : memref<4x32x131xf32, #tpu.memory_space<vmem>> -> memref<1x32x131xf32, #tpu.memory_space<vmem>>
        %dma_wait3A_1069 = tpu.memref_squeeze %dma_wait3A_1068 : memref<1x32x131xf32, #tpu.memory_space<vmem>> -> memref<32x131xf32, #tpu.memory_space<vmem>>
        %dma_wait3A_1070 = arith.constant 0 : i32
        %dma_wait3A_1071 = arith.constant 0 : i32
        %dma_wait3A_1072 = tpu.memref_slice %dma_wait3A_1069[%dma_wait3A_1070, %dma_wait3A_1071] : memref<32x131xf32, #tpu.memory_space<vmem>> -> memref<8x128xf32, #tpu.memory_space<vmem>>
        tpu.wait_dma2 semaphore(%arg9 : memref<!tpu.dma_semaphore, #tpu.memory_space<semaphore_mem>>) src(%dma_wait3A_1072 : memref<8x128xf32, #tpu.memory_space<vmem>>) dst(%dma_wait3A_1065 : memref<8x128xf32, #tpu.memory_space<hbm>>)
        %dma_wait3A_1073 = arith.constant 0 : i32
        %dma_wait3A_1074 = arith.constant 0 : i32
        %dma_wait3A_1075 = arith.constant 0 : i32
        %dma_wait3A_1076 = tpu.memref_slice %arg7[%dma_wait3A_1073, %dma_wait3A_1074, %dma_wait3A_1075] : memref<4x32x131xf32, #tpu.memory_space<vmem>> -> memref<1x32x131xf32, #tpu.memory_space<vmem>>
        %dma_wait3A_1077 = tpu.memref_squeeze %dma_wait3A_1076 : memref<1x32x131xf32, #tpu.memory_space<vmem>> -> memref<32x131xf32, #tpu.memory_space<vmem>>
        %dma_wait3A_1078 = arith.constant 8 : i32
        %dma_wait3A_1079 = arith.constant 0 : i32
        %dma_wait3A_1080 = tpu.memref_slice %dma_wait3A_1077[%dma_wait3A_1078, %dma_wait3A_1079] : memref<32x131xf32, #tpu.memory_space<vmem>> -> memref<8x128xf32, #tpu.memory_space<vmem>>
        %dma_wait3A_1081 = arith.constant 0 : i32
        %dma_wait3A_1082 = arith.constant 0 : i32
        %dma_wait3A_1083 = tpu.memref_slice %arg4[%dma_wait3A_1081, %dma_wait3A_1082] : memref<204800x128xf32, #tpu.memory_space<hbm>> -> memref<8x128xf32, #tpu.memory_space<hbm>>
        %dma_wait3A_1084 = arith.constant 0 : i32
        %dma_wait3A_1085 = arith.constant 0 : i32
        %dma_wait3A_1086 = tpu.memref_slice %arg4[%dma_wait3A_1084, %dma_wait3A_1085] : memref<204800x128xf32, #tpu.memory_space<hbm>> -> memref<8x128xf32, #tpu.memory_space<hbm>>
        %dma_wait3A_1087 = arith.constant 0 : i32
        %dma_wait3A_1088 = arith.constant 0 : i32
        %dma_wait3A_1089 = tpu.memref_slice %arg7[%dma_wait3A_1073, %dma_wait3A_1087, %dma_wait3A_1088] : memref<4x32x131xf32, #tpu.memory_space<vmem>> -> memref<1x32x131xf32, #tpu.memory_space<vmem>>
        %dma_wait3A_1090 = tpu.memref_squeeze %dma_wait3A_1089 : memref<1x32x131xf32, #tpu.memory_space<vmem>> -> memref<32x131xf32, #tpu.memory_space<vmem>>
        %dma_wait3A_1091 = arith.constant 8 : i32
        %dma_wait3A_1092 = arith.constant 0 : i32
        %dma_wait3A_1093 = tpu.memref_slice %dma_wait3A_1090[%dma_wait3A_1091, %dma_wait3A_1092] : memref<32x131xf32, #tpu.memory_space<vmem>> -> memref<8x128xf32, #tpu.memory_space<vmem>>
        tpu.wait_dma2 semaphore(%arg9 : memref<!tpu.dma_semaphore, #tpu.memory_space<semaphore_mem>>) src(%dma_wait3A_1093 : memref<8x128xf32, #tpu.memory_space<vmem>>) dst(%dma_wait3A_1086 : memref<8x128xf32, #tpu.memory_space<hbm>>)
        %dma_wait3A_1094 = arith.constant 0 : i32
        %dma_wait3A_1095 = arith.constant 0 : i32
        %dma_wait3A_1096 = arith.constant 0 : i32
        %dma_wait3A_1097 = tpu.memref_slice %arg7[%dma_wait3A_1094, %dma_wait3A_1095, %dma_wait3A_1096] : memref<4x32x131xf32, #tpu.memory_space<vmem>> -> memref<1x32x131xf32, #tpu.memory_space<vmem>>
        %dma_wait3A_1098 = tpu.memref_squeeze %dma_wait3A_1097 : memref<1x32x131xf32, #tpu.memory_space<vmem>> -> memref<32x131xf32, #tpu.memory_space<vmem>>
        %dma_wait3A_1099 = arith.constant 16 : i32
        %dma_wait3A_1100 = arith.constant 0 : i32
        %dma_wait3A_1101 = tpu.memref_slice %dma_wait3A_1098[%dma_wait3A_1099, %dma_wait3A_1100] : memref<32x131xf32, #tpu.memory_space<vmem>> -> memref<8x128xf32, #tpu.memory_space<vmem>>
        %dma_wait3A_1102 = arith.constant 0 : i32
        %dma_wait3A_1103 = arith.constant 0 : i32
        %dma_wait3A_1104 = tpu.memref_slice %arg4[%dma_wait3A_1102, %dma_wait3A_1103] : memref<204800x128xf32, #tpu.memory_space<hbm>> -> memref<8x128xf32, #tpu.memory_space<hbm>>
        %dma_wait3A_1105 = arith.constant 0 : i32
        %dma_wait3A_1106 = arith.constant 0 : i32
        %dma_wait3A_1107 = tpu.memref_slice %arg4[%dma_wait3A_1105, %dma_wait3A_1106] : memref<204800x128xf32, #tpu.memory_space<hbm>> -> memref<8x128xf32, #tpu.memory_space<hbm>>
        %dma_wait3A_1108 = arith.constant 0 : i32
        %dma_wait3A_1109 = arith.constant 0 : i32
        %dma_wait3A_1110 = tpu.memref_slice %arg7[%dma_wait3A_1094, %dma_wait3A_1108, %dma_wait3A_1109] : memref<4x32x131xf32, #tpu.memory_space<vmem>> -> memref<1x32x131xf32, #tpu.memory_space<vmem>>
        %dma_wait3A_1111 = tpu.memref_squeeze %dma_wait3A_1110 : memref<1x32x131xf32, #tpu.memory_space<vmem>> -> memref<32x131xf32, #tpu.memory_space<vmem>>
        %dma_wait3A_1112 = arith.constant 16 : i32
        %dma_wait3A_1113 = arith.constant 0 : i32
        %dma_wait3A_1114 = tpu.memref_slice %dma_wait3A_1111[%dma_wait3A_1112, %dma_wait3A_1113] : memref<32x131xf32, #tpu.memory_space<vmem>> -> memref<8x128xf32, #tpu.memory_space<vmem>>
        tpu.wait_dma2 semaphore(%arg9 : memref<!tpu.dma_semaphore, #tpu.memory_space<semaphore_mem>>) src(%dma_wait3A_1114 : memref<8x128xf32, #tpu.memory_space<vmem>>) dst(%dma_wait3A_1107 : memref<8x128xf32, #tpu.memory_space<hbm>>)
        %dma_wait3A_1115 = arith.constant 0 : i32
        %dma_wait3A_1116 = arith.constant 0 : i32
        %dma_wait3A_1117 = arith.constant 0 : i32
        %dma_wait3A_1118 = tpu.memref_slice %arg7[%dma_wait3A_1115, %dma_wait3A_1116, %dma_wait3A_1117] : memref<4x32x131xf32, #tpu.memory_space<vmem>> -> memref<1x32x131xf32, #tpu.memory_space<vmem>>
        %dma_wait3A_1119 = tpu.memref_squeeze %dma_wait3A_1118 : memref<1x32x131xf32, #tpu.memory_space<vmem>> -> memref<32x131xf32, #tpu.memory_space<vmem>>
        %dma_wait3A_1120 = arith.constant 24 : i32
        %dma_wait3A_1121 = arith.constant 0 : i32
        %dma_wait3A_1122 = tpu.memref_slice %dma_wait3A_1119[%dma_wait3A_1120, %dma_wait3A_1121] : memref<32x131xf32, #tpu.memory_space<vmem>> -> memref<8x128xf32, #tpu.memory_space<vmem>>
        %dma_wait3A_1123 = arith.constant 0 : i32
        %dma_wait3A_1124 = arith.constant 0 : i32
        %dma_wait3A_1125 = tpu.memref_slice %arg4[%dma_wait3A_1123, %dma_wait3A_1124] : memref<204800x128xf32, #tpu.memory_space<hbm>> -> memref<8x128xf32, #tpu.memory_space<hbm>>
        %dma_wait3A_1126 = arith.constant 0 : i32
        %dma_wait3A_1127 = arith.constant 0 : i32
        %dma_wait3A_1128 = tpu.memref_slice %arg4[%dma_wait3A_1126, %dma_wait3A_1127] : memref<204800x128xf32, #tpu.memory_space<hbm>> -> memref<8x128xf32, #tpu.memory_space<hbm>>
        %dma_wait3A_1129 = arith.constant 0 : i32
        %dma_wait3A_1130 = arith.constant 0 : i32
        %dma_wait3A_1131 = tpu.memref_slice %arg7[%dma_wait3A_1115, %dma_wait3A_1129, %dma_wait3A_1130] : memref<4x32x131xf32, #tpu.memory_space<vmem>> -> memref<1x32x131xf32, #tpu.memory_space<vmem>>
        %dma_wait3A_1132 = tpu.memref_squeeze %dma_wait3A_1131 : memref<1x32x131xf32, #tpu.memory_space<vmem>> -> memref<32x131xf32, #tpu.memory_space<vmem>>
        %dma_wait3A_1133 = arith.constant 24 : i32
        %dma_wait3A_1134 = arith.constant 0 : i32
        %dma_wait3A_1135 = tpu.memref_slice %dma_wait3A_1132[%dma_wait3A_1133, %dma_wait3A_1134] : memref<32x131xf32, #tpu.memory_space<vmem>> -> memref<8x128xf32, #tpu.memory_space<vmem>>
        tpu.wait_dma2 semaphore(%arg9 : memref<!tpu.dma_semaphore, #tpu.memory_space<semaphore_mem>>) src(%dma_wait3A_1135 : memref<8x128xf32, #tpu.memory_space<vmem>>) dst(%dma_wait3A_1128 : memref<8x128xf32, #tpu.memory_space<hbm>>)
      } else {
      }
      %iota3A = tpu.iota {dimensions = array<i32: 0>} : vector<16xi32>
      %add3A_405 = arith.constant 16 : i32
      %add3A_406 = vector.broadcast %add3A_405 : i32 to vector<16xi32>
      %add3A_407 = arith.addi %iota3A, %add3A_406 : vector<16xi32>
      %scan3A_408 = arith.constant 0 : i32
      %scan3A_409 = arith.constant 0 : i32
      %scan3A_410 = arith.constant 0 : i32
      %scan3A_411 = arith.constant 16 : i32
      %scan3A_412 = arith.addi %scan3A_410, %scan3A_411 : i32
      %scan3A_413 = arith.constant 1 : i32
      scf.for %scan3A_1052 = %scan3A_410 to %scan3A_412 step %scan3A_413  : i32 {
        %mul3A_1053 = arith.constant 8 : i32
        %mul3A_1054 = arith.muli %scan3A_1052, %mul3A_1053 : i32
        %add3A_1055 = arith.constant 0 : i32
        %add3A_1056 = arith.addi %add3A_1055, %mul3A_1054 : i32
        %add3A_1057 = arith.constant 0 : i32
        %add3A_1058 = arith.addi %add3A_1056, %add3A_1057 : i32
        %broadcast_in_dim3A = vector.broadcast %add3A_1058 : i32 to vector<16xi32>
        %get3A = arith.constant 0 : i32
        %get3A_1059 = arith.constant 0 : i32
        %get3A_1060 = tpu.memref_slice %arg6[%scan3A_408, %get3A, %get3A_1059] : memref<4x128x32xf32, #tpu.memory_space<vmem>> -> memref<1x128x32xf32, #tpu.memory_space<vmem>>
        %get3A_1061 = tpu.memref_squeeze %get3A_1060 : memref<1x128x32xf32, #tpu.memory_space<vmem>> -> memref<128x32xf32, #tpu.memory_space<vmem>>
        %get3A_1062 = arith.index_cast %add3A_1058 : i32 to index
        %get3A_1063 = arith.constant 0 : index
        %get3A_1064 = tpu.vector_load %get3A_1061[%get3A_1062, %get3A_1063] {strides = array<i32>} : memref<128x32xf32, #tpu.memory_space<vmem>>, vector<16xf32>,
        %get3A_1065 = arith.constant 0 : i32
        %get3A_1066 = arith.constant 0 : i32
        %get3A_1067 = tpu.memref_slice %arg6[%scan3A_408, %get3A_1065, %get3A_1066] : memref<4x128x32xf32, #tpu.memory_space<vmem>> -> memref<1x128x32xf32, #tpu.memory_space<vmem>>
        %get3A_1068 = tpu.memref_squeeze %get3A_1067 : memref<1x128x32xf32, #tpu.memory_space<vmem>> -> memref<128x32xf32, #tpu.memory_space<vmem>>
        %get3A_1069 = arith.index_cast %add3A_1058 : i32 to index
        %get3A_1070 = arith.constant 16 : index
        %get3A_1071 = tpu.vector_load %get3A_1068[%get3A_1069, %get3A_1070] {strides = array<i32>} : memref<128x32xf32, #tpu.memory_space<vmem>>, vector<16xf32>,
        %scatter3A = arith.constant 0 : i32
        %scatter3A_1072 = arith.constant 0 : i32
        %scatter3A_1073 = tpu.memref_slice %arg7[%scan3A_409, %scatter3A, %scatter3A_1072] : memref<4x32x131xf32, #tpu.memory_space<vmem>> -> memref<1x32x131xf32, #tpu.memory_space<vmem>>
        %scatter3A_1074 = tpu.memref_squeeze %scatter3A_1073 : memref<1x32x131xf32, #tpu.memory_space<vmem>> -> memref<32x131xf32, #tpu.memory_space<vmem>>
        tpu.vector_store_idx %scatter3A_1074[%iota3A, %broadcast_in_dim3A], %get3A_1064 : memref<32x131xf32, #tpu.memory_space<vmem>>[vector<16xi32>, vector<16xi32>], vector<16xf32>,
        %scatter3A_1075 = arith.constant 0 : i32
        %scatter3A_1076 = arith.constant 0 : i32
        %scatter3A_1077 = tpu.memref_slice %arg7[%scan3A_409, %scatter3A_1075, %scatter3A_1076] : memref<4x32x131xf32, #tpu.memory_space<vmem>> -> memref<1x32x131xf32, #tpu.memory_space<vmem>>
        %scatter3A_1078 = tpu.memref_squeeze %scatter3A_1077 : memref<1x32x131xf32, #tpu.memory_space<vmem>> -> memref<32x131xf32, #tpu.memory_space<vmem>>
        tpu.vector_store_idx %scatter3A_1078[%add3A_407, %broadcast_in_dim3A], %get3A_1071 : memref<32x131xf32, #tpu.memory_space<vmem>>[vector<16xi32>, vector<16xi32>], vector<16xf32>,
        %add3A_1079 = arith.constant 1 : i32
        %add3A_1080 = arith.addi %add3A_1056, %add3A_1079 : i32
        %broadcast_in_dim3A_1081 = vector.broadcast %add3A_1080 : i32 to vector<16xi32>
        %get3A_1082 = arith.constant 0 : i32
        %get3A_1083 = arith.constant 0 : i32
        %get3A_1084 = tpu.memref_slice %arg6[%scan3A_408, %get3A_1082, %get3A_1083] : memref<4x128x32xf32, #tpu.memory_space<vmem>> -> memref<1x128x32xf32, #tpu.memory_space<vmem>>
        %get3A_1085 = tpu.memref_squeeze %get3A_1084 : memref<1x128x32xf32, #tpu.memory_space<vmem>> -> memref<128x32xf32, #tpu.memory_space<vmem>>
        %get3A_1086 = arith.index_cast %add3A_1080 : i32 to index
        %get3A_1087 = arith.constant 0 : index
        %get3A_1088 = tpu.vector_load %get3A_1085[%get3A_1086, %get3A_1087] {strides = array<i32>} : memref<128x32xf32, #tpu.memory_space<vmem>>, vector<16xf32>,
        %get3A_1089 = arith.constant 0 : i32
        %get3A_1090 = arith.constant 0 : i32
        %get3A_1091 = tpu.memref_slice %arg6[%scan3A_408, %get3A_1089, %get3A_1090] : memref<4x128x32xf32, #tpu.memory_space<vmem>> -> memref<1x128x32xf32, #tpu.memory_space<vmem>>
        %get3A_1092 = tpu.memref_squeeze %get3A_1091 : memref<1x128x32xf32, #tpu.memory_space<vmem>> -> memref<128x32xf32, #tpu.memory_space<vmem>>
        %get3A_1093 = arith.index_cast %add3A_1080 : i32 to index
        %get3A_1094 = arith.constant 16 : index
        %get3A_1095 = tpu.vector_load %get3A_1092[%get3A_1093, %get3A_1094] {strides = array<i32>} : memref<128x32xf32, #tpu.memory_space<vmem>>, vector<16xf32>,
        %scatter3A_1096 = arith.constant 0 : i32
        %scatter3A_1097 = arith.constant 0 : i32
        %scatter3A_1098 = tpu.memref_slice %arg7[%scan3A_409, %scatter3A_1096, %scatter3A_1097] : memref<4x32x131xf32, #tpu.memory_space<vmem>> -> memref<1x32x131xf32, #tpu.memory_space<vmem>>
        %scatter3A_1099 = tpu.memref_squeeze %scatter3A_1098 : memref<1x32x131xf32, #tpu.memory_space<vmem>> -> memref<32x131xf32, #tpu.memory_space<vmem>>
        tpu.vector_store_idx %scatter3A_1099[%iota3A, %broadcast_in_dim3A_1081], %get3A_1088 : memref<32x131xf32, #tpu.memory_space<vmem>>[vector<16xi32>, vector<16xi32>], vector<16xf32>,
        %scatter3A_1100 = arith.constant 0 : i32
        %scatter3A_1101 = arith.constant 0 : i32
        %scatter3A_1102 = tpu.memref_slice %arg7[%scan3A_409, %scatter3A_1100, %scatter3A_1101] : memref<4x32x131xf32, #tpu.memory_space<vmem>> -> memref<1x32x131xf32, #tpu.memory_space<vmem>>
        %scatter3A_1103 = tpu.memref_squeeze %scatter3A_1102 : memref<1x32x131xf32, #tpu.memory_space<vmem>> -> memref<32x131xf32, #tpu.memory_space<vmem>>
        tpu.vector_store_idx %scatter3A_1103[%add3A_407, %broadcast_in_dim3A_1081], %get3A_1095 : memref<32x131xf32, #tpu.memory_space<vmem>>[vector<16xi32>, vector<16xi32>], vector<16xf32>,
        %add3A_1104 = arith.constant 2 : i32
        %add3A_1105 = arith.addi %add3A_1056, %add3A_1104 : i32
        %broadcast_in_dim3A_1106 = vector.broadcast %add3A_1105 : i32 to vector<16xi32>
        %get3A_1107 = arith.constant 0 : i32
        %get3A_1108 = arith.constant 0 : i32
        %get3A_1109 = tpu.memref_slice %arg6[%scan3A_408, %get3A_1107, %get3A_1108] : memref<4x128x32xf32, #tpu.memory_space<vmem>> -> memref<1x128x32xf32, #tpu.memory_space<vmem>>
        %get3A_1110 = tpu.memref_squeeze %get3A_1109 : memref<1x128x32xf32, #tpu.memory_space<vmem>> -> memref<128x32xf32, #tpu.memory_space<vmem>>
        %get3A_1111 = arith.index_cast %add3A_1105 : i32 to index
        %get3A_1112 = arith.constant 0 : index
        %get3A_1113 = tpu.vector_load %get3A_1110[%get3A_1111, %get3A_1112] {strides = array<i32>} : memref<128x32xf32, #tpu.memory_space<vmem>>, vector<16xf32>,
        %get3A_1114 = arith.constant 0 : i32
        %get3A_1115 = arith.constant 0 : i32
        %get3A_1116 = tpu.memref_slice %arg6[%scan3A_408, %get3A_1114, %get3A_1115] : memref<4x128x32xf32, #tpu.memory_space<vmem>> -> memref<1x128x32xf32, #tpu.memory_space<vmem>>
        %get3A_1117 = tpu.memref_squeeze %get3A_1116 : memref<1x128x32xf32, #tpu.memory_space<vmem>> -> memref<128x32xf32, #tpu.memory_space<vmem>>
        %get3A_1118 = arith.index_cast %add3A_1105 : i32 to index
        %get3A_1119 = arith.constant 16 : index
        %get3A_1120 = tpu.vector_load %get3A_1117[%get3A_1118, %get3A_1119] {strides = array<i32>} : memref<128x32xf32, #tpu.memory_space<vmem>>, vector<16xf32>,
        %scatter3A_1121 = arith.constant 0 : i32
        %scatter3A_1122 = arith.constant 0 : i32
        %scatter3A_1123 = tpu.memref_slice %arg7[%scan3A_409, %scatter3A_1121, %scatter3A_1122] : memref<4x32x131xf32, #tpu.memory_space<vmem>> -> memref<1x32x131xf32, #tpu.memory_space<vmem>>
        %scatter3A_1124 = tpu.memref_squeeze %scatter3A_1123 : memref<1x32x131xf32, #tpu.memory_space<vmem>> -> memref<32x131xf32, #tpu.memory_space<vmem>>
        tpu.vector_store_idx %scatter3A_1124[%iota3A, %broadcast_in_dim3A_1106], %get3A_1113 : memref<32x131xf32, #tpu.memory_space<vmem>>[vector<16xi32>, vector<16xi32>], vector<16xf32>,
        %scatter3A_1125 = arith.constant 0 : i32
        %scatter3A_1126 = arith.constant 0 : i32
        %scatter3A_1127 = tpu.memref_slice %arg7[%scan3A_409, %scatter3A_1125, %scatter3A_1126] : memref<4x32x131xf32, #tpu.memory_space<vmem>> -> memref<1x32x131xf32, #tpu.memory_space<vmem>>
        %scatter3A_1128 = tpu.memref_squeeze %scatter3A_1127 : memref<1x32x131xf32, #tpu.memory_space<vmem>> -> memref<32x131xf32, #tpu.memory_space<vmem>>
        tpu.vector_store_idx %scatter3A_1128[%add3A_407, %broadcast_in_dim3A_1106], %get3A_1120 : memref<32x131xf32, #tpu.memory_space<vmem>>[vector<16xi32>, vector<16xi32>], vector<16xf32>,
        %add3A_1129 = arith.constant 3 : i32
        %add3A_1130 = arith.addi %add3A_1056, %add3A_1129 : i32
        %broadcast_in_dim3A_1131 = vector.broadcast %add3A_1130 : i32 to vector<16xi32>
        %get3A_1132 = arith.constant 0 : i32
        %get3A_1133 = arith.constant 0 : i32
        %get3A_1134 = tpu.memref_slice %arg6[%scan3A_408, %get3A_1132, %get3A_1133] : memref<4x128x32xf32, #tpu.memory_space<vmem>> -> memref<1x128x32xf32, #tpu.memory_space<vmem>>
        %get3A_1135 = tpu.memref_squeeze %get3A_1134 : memref<1x128x32xf32, #tpu.memory_space<vmem>> -> memref<128x32xf32, #tpu.memory_space<vmem>>
        %get3A_1136 = arith.index_cast %add3A_1130 : i32 to index
        %get3A_1137 = arith.constant 0 : index
        %get3A_1138 = tpu.vector_load %get3A_1135[%get3A_1136, %get3A_1137] {strides = array<i32>} : memref<128x32xf32, #tpu.memory_space<vmem>>, vector<16xf32>,
        %get3A_1139 = arith.constant 0 : i32
        %get3A_1140 = arith.constant 0 : i32
        %get3A_1141 = tpu.memref_slice %arg6[%scan3A_408, %get3A_1139, %get3A_1140] : memref<4x128x32xf32, #tpu.memory_space<vmem>> -> memref<1x128x32xf32, #tpu.memory_space<vmem>>
        %get3A_1142 = tpu.memref_squeeze %get3A_1141 : memref<1x128x32xf32, #tpu.memory_space<vmem>> -> memref<128x32xf32, #tpu.memory_space<vmem>>
        %get3A_1143 = arith.index_cast %add3A_1130 : i32 to index
        %get3A_1144 = arith.constant 16 : index
        %get3A_1145 = tpu.vector_load %get3A_1142[%get3A_1143, %get3A_1144] {strides = array<i32>} : memref<128x32xf32, #tpu.memory_space<vmem>>, vector<16xf32>,
        %scatter3A_1146 = arith.constant 0 : i32
        %scatter3A_1147 = arith.constant 0 : i32
        %scatter3A_1148 = tpu.memref_slice %arg7[%scan3A_409, %scatter3A_1146, %scatter3A_1147] : memref<4x32x131xf32, #tpu.memory_space<vmem>> -> memref<1x32x131xf32, #tpu.memory_space<vmem>>
        %scatter3A_1149 = tpu.memref_squeeze %scatter3A_1148 : memref<1x32x131xf32, #tpu.memory_space<vmem>> -> memref<32x131xf32, #tpu.memory_space<vmem>>
        tpu.vector_store_idx %scatter3A_1149[%iota3A, %broadcast_in_dim3A_1131], %get3A_1138 : memref<32x131xf32, #tpu.memory_space<vmem>>[vector<16xi32>, vector<16xi32>], vector<16xf32>,
        %scatter3A_1150 = arith.constant 0 : i32
        %scatter3A_1151 = arith.constant 0 : i32
        %scatter3A_1152 = tpu.memref_slice %arg7[%scan3A_409, %scatter3A_1150, %scatter3A_1151] : memref<4x32x131xf32, #tpu.memory_space<vmem>> -> memref<1x32x131xf32, #tpu.memory_space<vmem>>
        %scatter3A_1153 = tpu.memref_squeeze %scatter3A_1152 : memref<1x32x131xf32, #tpu.memory_space<vmem>> -> memref<32x131xf32, #tpu.memory_space<vmem>>
        tpu.vector_store_idx %scatter3A_1153[%add3A_407, %broadcast_in_dim3A_1131], %get3A_1145 : memref<32x131xf32, #tpu.memory_space<vmem>>[vector<16xi32>, vector<16xi32>], vector<16xf32>,
        %add3A_1154 = arith.constant 4 : i32
        %add3A_1155 = arith.addi %add3A_1056, %add3A_1154 : i32
        %broadcast_in_dim3A_1156 = vector.broadcast %add3A_1155 : i32 to vector<16xi32>
        %get3A_1157 = arith.constant 0 : i32
        %get3A_1158 = arith.constant 0 : i32
        %get3A_1159 = tpu.memref_slice %arg6[%scan3A_408, %get3A_1157, %get3A_1158] : memref<4x128x32xf32, #tpu.memory_space<vmem>> -> memref<1x128x32xf32, #tpu.memory_space<vmem>>
        %get3A_1160 = tpu.memref_squeeze %get3A_1159 : memref<1x128x32xf32, #tpu.memory_space<vmem>> -> memref<128x32xf32, #tpu.memory_space<vmem>>
        %get3A_1161 = arith.index_cast %add3A_1155 : i32 to index
        %get3A_1162 = arith.constant 0 : index
        %get3A_1163 = tpu.vector_load %get3A_1160[%get3A_1161, %get3A_1162] {strides = array<i32>} : memref<128x32xf32, #tpu.memory_space<vmem>>, vector<16xf32>,
        %get3A_1164 = arith.constant 0 : i32
        %get3A_1165 = arith.constant 0 : i32
        %get3A_1166 = tpu.memref_slice %arg6[%scan3A_408, %get3A_1164, %get3A_1165] : memref<4x128x32xf32, #tpu.memory_space<vmem>> -> memref<1x128x32xf32, #tpu.memory_space<vmem>>
        %get3A_1167 = tpu.memref_squeeze %get3A_1166 : memref<1x128x32xf32, #tpu.memory_space<vmem>> -> memref<128x32xf32, #tpu.memory_space<vmem>>
        %get3A_1168 = arith.index_cast %add3A_1155 : i32 to index
        %get3A_1169 = arith.constant 16 : index
        %get3A_1170 = tpu.vector_load %get3A_1167[%get3A_1168, %get3A_1169] {strides = array<i32>} : memref<128x32xf32, #tpu.memory_space<vmem>>, vector<16xf32>,
        %scatter3A_1171 = arith.constant 0 : i32
        %scatter3A_1172 = arith.constant 0 : i32
        %scatter3A_1173 = tpu.memref_slice %arg7[%scan3A_409, %scatter3A_1171, %scatter3A_1172] : memref<4x32x131xf32, #tpu.memory_space<vmem>> -> memref<1x32x131xf32, #tpu.memory_space<vmem>>
        %scatter3A_1174 = tpu.memref_squeeze %scatter3A_1173 : memref<1x32x131xf32, #tpu.memory_space<vmem>> -> memref<32x131xf32, #tpu.memory_space<vmem>>
        tpu.vector_store_idx %scatter3A_1174[%iota3A, %broadcast_in_dim3A_1156], %get3A_1163 : memref<32x131xf32, #tpu.memory_space<vmem>>[vector<16xi32>, vector<16xi32>], vector<16xf32>,
        %scatter3A_1175 = arith.constant 0 : i32
        %scatter3A_1176 = arith.constant 0 : i32
        %scatter3A_1177 = tpu.memref_slice %arg7[%scan3A_409, %scatter3A_1175, %scatter3A_1176] : memref<4x32x131xf32, #tpu.memory_space<vmem>> -> memref<1x32x131xf32, #tpu.memory_space<vmem>>
        %scatter3A_1178 = tpu.memref_squeeze %scatter3A_1177 : memref<1x32x131xf32, #tpu.memory_space<vmem>> -> memref<32x131xf32, #tpu.memory_space<vmem>>
        tpu.vector_store_idx %scatter3A_1178[%add3A_407, %broadcast_in_dim3A_1156], %get3A_1170 : memref<32x131xf32, #tpu.memory_space<vmem>>[vector<16xi32>, vector<16xi32>], vector<16xf32>,
        %add3A_1179 = arith.constant 5 : i32
        %add3A_1180 = arith.addi %add3A_1056, %add3A_1179 : i32
        %broadcast_in_dim3A_1181 = vector.broadcast %add3A_1180 : i32 to vector<16xi32>
        %get3A_1182 = arith.constant 0 : i32
        %get3A_1183 = arith.constant 0 : i32
        %get3A_1184 = tpu.memref_slice %arg6[%scan3A_408, %get3A_1182, %get3A_1183] : memref<4x128x32xf32, #tpu.memory_space<vmem>> -> memref<1x128x32xf32, #tpu.memory_space<vmem>>
        %get3A_1185 = tpu.memref_squeeze %get3A_1184 : memref<1x128x32xf32, #tpu.memory_space<vmem>> -> memref<128x32xf32, #tpu.memory_space<vmem>>
        %get3A_1186 = arith.index_cast %add3A_1180 : i32 to index
        %get3A_1187 = arith.constant 0 : index
        %get3A_1188 = tpu.vector_load %get3A_1185[%get3A_1186, %get3A_1187] {strides = array<i32>} : memref<128x32xf32, #tpu.memory_space<vmem>>, vector<16xf32>,
        %get3A_1189 = arith.constant 0 : i32
        %get3A_1190 = arith.constant 0 : i32
        %get3A_1191 = tpu.memref_slice %arg6[%scan3A_408, %get3A_1189, %get3A_1190] : memref<4x128x32xf32, #tpu.memory_space<vmem>> -> memref<1x128x32xf32, #tpu.memory_space<vmem>>
        %get3A_1192 = tpu.memref_squeeze %get3A_1191 : memref<1x128x32xf32, #tpu.memory_space<vmem>> -> memref<128x32xf32, #tpu.memory_space<vmem>>
        %get3A_1193 = arith.index_cast %add3A_1180 : i32 to index
        %get3A_1194 = arith.constant 16 : index
        %get3A_1195 = tpu.vector_load %get3A_1192[%get3A_1193, %get3A_1194] {strides = array<i32>} : memref<128x32xf32, #tpu.memory_space<vmem>>, vector<16xf32>,
        %scatter3A_1196 = arith.constant 0 : i32
        %scatter3A_1197 = arith.constant 0 : i32
        %scatter3A_1198 = tpu.memref_slice %arg7[%scan3A_409, %scatter3A_1196, %scatter3A_1197] : memref<4x32x131xf32, #tpu.memory_space<vmem>> -> memref<1x32x131xf32, #tpu.memory_space<vmem>>
        %scatter3A_1199 = tpu.memref_squeeze %scatter3A_1198 : memref<1x32x131xf32, #tpu.memory_space<vmem>> -> memref<32x131xf32, #tpu.memory_space<vmem>>
        tpu.vector_store_idx %scatter3A_1199[%iota3A, %broadcast_in_dim3A_1181], %get3A_1188 : memref<32x131xf32, #tpu.memory_space<vmem>>[vector<16xi32>, vector<16xi32>], vector<16xf32>,
        %scatter3A_1200 = arith.constant 0 : i32
        %scatter3A_1201 = arith.constant 0 : i32
        %scatter3A_1202 = tpu.memref_slice %arg7[%scan3A_409, %scatter3A_1200, %scatter3A_1201] : memref<4x32x131xf32, #tpu.memory_space<vmem>> -> memref<1x32x131xf32, #tpu.memory_space<vmem>>
        %scatter3A_1203 = tpu.memref_squeeze %scatter3A_1202 : memref<1x32x131xf32, #tpu.memory_space<vmem>> -> memref<32x131xf32, #tpu.memory_space<vmem>>
        tpu.vector_store_idx %scatter3A_1203[%add3A_407, %broadcast_in_dim3A_1181], %get3A_1195 : memref<32x131xf32, #tpu.memory_space<vmem>>[vector<16xi32>, vector<16xi32>], vector<16xf32>,
        %add3A_1204 = arith.constant 6 : i32
        %add3A_1205 = arith.addi %add3A_1056, %add3A_1204 : i32
        %broadcast_in_dim3A_1206 = vector.broadcast %add3A_1205 : i32 to vector<16xi32>
        %get3A_1207 = arith.constant 0 : i32
        %get3A_1208 = arith.constant 0 : i32
        %get3A_1209 = tpu.memref_slice %arg6[%scan3A_408, %get3A_1207, %get3A_1208] : memref<4x128x32xf32, #tpu.memory_space<vmem>> -> memref<1x128x32xf32, #tpu.memory_space<vmem>>
        %get3A_1210 = tpu.memref_squeeze %get3A_1209 : memref<1x128x32xf32, #tpu.memory_space<vmem>> -> memref<128x32xf32, #tpu.memory_space<vmem>>
        %get3A_1211 = arith.index_cast %add3A_1205 : i32 to index
        %get3A_1212 = arith.constant 0 : index
        %get3A_1213 = tpu.vector_load %get3A_1210[%get3A_1211, %get3A_1212] {strides = array<i32>} : memref<128x32xf32, #tpu.memory_space<vmem>>, vector<16xf32>,
        %get3A_1214 = arith.constant 0 : i32
        %get3A_1215 = arith.constant 0 : i32
        %get3A_1216 = tpu.memref_slice %arg6[%scan3A_408, %get3A_1214, %get3A_1215] : memref<4x128x32xf32, #tpu.memory_space<vmem>> -> memref<1x128x32xf32, #tpu.memory_space<vmem>>
        %get3A_1217 = tpu.memref_squeeze %get3A_1216 : memref<1x128x32xf32, #tpu.memory_space<vmem>> -> memref<128x32xf32, #tpu.memory_space<vmem>>
        %get3A_1218 = arith.index_cast %add3A_1205 : i32 to index
        %get3A_1219 = arith.constant 16 : index
        %get3A_1220 = tpu.vector_load %get3A_1217[%get3A_1218, %get3A_1219] {strides = array<i32>} : memref<128x32xf32, #tpu.memory_space<vmem>>, vector<16xf32>,
        %scatter3A_1221 = arith.constant 0 : i32
        %scatter3A_1222 = arith.constant 0 : i32
        %scatter3A_1223 = tpu.memref_slice %arg7[%scan3A_409, %scatter3A_1221, %scatter3A_1222] : memref<4x32x131xf32, #tpu.memory_space<vmem>> -> memref<1x32x131xf32, #tpu.memory_space<vmem>>
        %scatter3A_1224 = tpu.memref_squeeze %scatter3A_1223 : memref<1x32x131xf32, #tpu.memory_space<vmem>> -> memref<32x131xf32, #tpu.memory_space<vmem>>
        tpu.vector_store_idx %scatter3A_1224[%iota3A, %broadcast_in_dim3A_1206], %get3A_1213 : memref<32x131xf32, #tpu.memory_space<vmem>>[vector<16xi32>, vector<16xi32>], vector<16xf32>,
        %scatter3A_1225 = arith.constant 0 : i32
        %scatter3A_1226 = arith.constant 0 : i32
        %scatter3A_1227 = tpu.memref_slice %arg7[%scan3A_409, %scatter3A_1225, %scatter3A_1226] : memref<4x32x131xf32, #tpu.memory_space<vmem>> -> memref<1x32x131xf32, #tpu.memory_space<vmem>>
        %scatter3A_1228 = tpu.memref_squeeze %scatter3A_1227 : memref<1x32x131xf32, #tpu.memory_space<vmem>> -> memref<32x131xf32, #tpu.memory_space<vmem>>
        tpu.vector_store_idx %scatter3A_1228[%add3A_407, %broadcast_in_dim3A_1206], %get3A_1220 : memref<32x131xf32, #tpu.memory_space<vmem>>[vector<16xi32>, vector<16xi32>], vector<16xf32>,
        %add3A_1229 = arith.constant 7 : i32
        %add3A_1230 = arith.addi %add3A_1056, %add3A_1229 : i32
        %broadcast_in_dim3A_1231 = vector.broadcast %add3A_1230 : i32 to vector<16xi32>
        %get3A_1232 = arith.constant 0 : i32
        %get3A_1233 = arith.constant 0 : i32
        %get3A_1234 = tpu.memref_slice %arg6[%scan3A_408, %get3A_1232, %get3A_1233] : memref<4x128x32xf32, #tpu.memory_space<vmem>> -> memref<1x128x32xf32, #tpu.memory_space<vmem>>
        %get3A_1235 = tpu.memref_squeeze %get3A_1234 : memref<1x128x32xf32, #tpu.memory_space<vmem>> -> memref<128x32xf32, #tpu.memory_space<vmem>>
        %get3A_1236 = arith.index_cast %add3A_1230 : i32 to index
        %get3A_1237 = arith.constant 0 : index
        %get3A_1238 = tpu.vector_load %get3A_1235[%get3A_1236, %get3A_1237] {strides = array<i32>} : memref<128x32xf32, #tpu.memory_space<vmem>>, vector<16xf32>,
        %get3A_1239 = arith.constant 0 : i32
        %get3A_1240 = arith.constant 0 : i32
        %get3A_1241 = tpu.memref_slice %arg6[%scan3A_408, %get3A_1239, %get3A_1240] : memref<4x128x32xf32, #tpu.memory_space<vmem>> -> memref<1x128x32xf32, #tpu.memory_space<vmem>>
        %get3A_1242 = tpu.memref_squeeze %get3A_1241 : memref<1x128x32xf32, #tpu.memory_space<vmem>> -> memref<128x32xf32, #tpu.memory_space<vmem>>
        %get3A_1243 = arith.index_cast %add3A_1230 : i32 to index
        %get3A_1244 = arith.constant 16 : index
        %get3A_1245 = tpu.vector_load %get3A_1242[%get3A_1243, %get3A_1244] {strides = array<i32>} : memref<128x32xf32, #tpu.memory_space<vmem>>, vector<16xf32>,
        %scatter3A_1246 = arith.constant 0 : i32
        %scatter3A_1247 = arith.constant 0 : i32
        %scatter3A_1248 = tpu.memref_slice %arg7[%scan3A_409, %scatter3A_1246, %scatter3A_1247] : memref<4x32x131xf32, #tpu.memory_space<vmem>> -> memref<1x32x131xf32, #tpu.memory_space<vmem>>
        %scatter3A_1249 = tpu.memref_squeeze %scatter3A_1248 : memref<1x32x131xf32, #tpu.memory_space<vmem>> -> memref<32x131xf32, #tpu.memory_space<vmem>>
        tpu.vector_store_idx %scatter3A_1249[%iota3A, %broadcast_in_dim3A_1231], %get3A_1238 : memref<32x131xf32, #tpu.memory_space<vmem>>[vector<16xi32>, vector<16xi32>], vector<16xf32>,
        %scatter3A_1250 = arith.constant 0 : i32
        %scatter3A_1251 = arith.constant 0 : i32
        %scatter3A_1252 = tpu.memref_slice %arg7[%scan3A_409, %scatter3A_1250, %scatter3A_1251] : memref<4x32x131xf32, #tpu.memory_space<vmem>> -> memref<1x32x131xf32, #tpu.memory_space<vmem>>
        %scatter3A_1253 = tpu.memref_squeeze %scatter3A_1252 : memref<1x32x131xf32, #tpu.memory_space<vmem>> -> memref<32x131xf32, #tpu.memory_space<vmem>>
        tpu.vector_store_idx %scatter3A_1253[%add3A_407, %broadcast_in_dim3A_1231], %get3A_1245 : memref<32x131xf32, #tpu.memory_space<vmem>>[vector<16xi32>, vector<16xi32>], vector<16xf32>,
      }
      %scan3A_414 = arith.constant 16 : i32
      %jit3A = arith.constant 4 : i32
      %div3A = arith.divsi %add3A_383, %jit3A : i32
      %sign3A = arith.constant 0 : i32
      %sign3A_415 = arith.cmpi sgt, %add3A_383, %sign3A : i32
      %sign3A_416 = arith.extui %sign3A_415 : i1 to i32
      %sign3A_417 = arith.constant 0 : i32
      %sign3A_418 = arith.cmpi slt, %add3A_383, %sign3A_417 : i32
      %sign3A_419 = arith.extui %sign3A_418 : i1 to i32
      %sign3A_420 = arith.subi %sign3A_416, %sign3A_419 : i32
      %sign3A_421 = arith.constant 0 : i32
      %sign3A_422 = arith.cmpi sgt, %jit3A, %sign3A_421 : i32
      %sign3A_423 = arith.extui %sign3A_422 : i1 to i32
      %sign3A_424 = arith.constant 0 : i32
      %sign3A_425 = arith.cmpi slt, %jit3A, %sign3A_424 : i32
      %sign3A_426 = arith.extui %sign3A_425 : i1 to i32
      %sign3A_427 = arith.subi %sign3A_423, %sign3A_426 : i32
      %ne3A = arith.cmpi ne, %sign3A_420, %sign3A_427 : i32
      %rem3A = arith.remsi %add3A_383, %jit3A : i32
      %ne3A_428 = arith.constant 0 : i32
      %ne3A_429 = arith.cmpi ne, %rem3A, %ne3A_428 : i32
      %and3A = arith.andi %ne3A, %ne3A_429 : i1
      %sub3A_430 = arith.constant 1 : i32
      %sub3A_431 = arith.subi %div3A, %sub3A_430 : i32
      %select_n3A = arith.select %and3A, %sub3A_431, %div3A : i32
      %mul3A_432 = arith.constant 4 : i32
      %mul3A_433 = arith.muli %add3A, %mul3A_432 : i32
      %jit3A_434 = arith.constant 4 : i32
      %eq3A = arith.constant 0 : i32
      %eq3A_435 = arith.cmpi eq, %jit3A_434, %eq3A : i32
      %jit3A_436 = arith.constant 1 : i32
      %select_n3A_437 = arith.select %eq3A_435, %jit3A_436, %jit3A_434 : i32
      %rem3A_438 = arith.remsi %add3A_383, %select_n3A_437 : i32
      %ne3A_439 = arith.constant 0 : i32
      %ne3A_440 = arith.cmpi ne, %rem3A_438, %ne3A_439 : i32
      %lt3A_441 = arith.constant 0 : i32
      %lt3A_442 = arith.cmpi slt, %rem3A_438, %lt3A_441 : i32
      %lt3A_443 = arith.constant 0 : i32
      %lt3A_444 = arith.cmpi slt, %select_n3A_437, %lt3A_443 : i32
      %ne3A_445 = arith.xori %lt3A_442, %lt3A_444 : i1
      %and3A_446 = arith.andi %ne3A_445, %ne3A_440 : i1
      %add3A_447 = arith.addi %rem3A_438, %select_n3A_437 : i32
      %select_n3A_448 = arith.select %and3A_446, %add3A_447, %rem3A_438 : i32
      %add3A_449 = arith.addi %mul3A_433, %select_n3A_448 : i32
      %mul3A_450 = arith.constant 4096 : i32
      %mul3A_451 = arith.muli %select_n3A, %mul3A_450 : i32
      %mul3A_452 = arith.constant 8 : i32
      %mul3A_453 = arith.muli %add3A_449, %mul3A_452 : i32
      %add3A_454 = arith.addi %mul3A_451, %mul3A_453 : i32
      %add3A_455 = arith.constant 0 : i32
      %add3A_456 = arith.addi %add3A_454, %add3A_455 : i32
      %dma_start3A_457 = arith.constant 0 : i32
      %dma_start3A_458 = arith.constant 0 : i32
      %dma_start3A_459 = arith.constant 0 : i32
      %dma_start3A_460 = tpu.memref_slice %arg7[%dma_start3A_457, %dma_start3A_458, %dma_start3A_459] : memref<4x32x131xf32, #tpu.memory_space<vmem>> -> memref<1x32x131xf32, #tpu.memory_space<vmem>>
      %dma_start3A_461 = tpu.memref_squeeze %dma_start3A_460 : memref<1x32x131xf32, #tpu.memory_space<vmem>> -> memref<32x131xf32, #tpu.memory_space<vmem>>
      %dma_start3A_462 = arith.constant 0 : i32
      %dma_start3A_463 = arith.constant 0 : i32
      %dma_start3A_464 = tpu.memref_slice %dma_start3A_461[%dma_start3A_462, %dma_start3A_463] : memref<32x131xf32, #tpu.memory_space<vmem>> -> memref<8x128xf32, #tpu.memory_space<vmem>>
      %dma_start3A_465 = arith.constant 0 : i32
      %dma_start3A_466 = tpu.memref_slice %arg4[%add3A_456, %dma_start3A_465] : memref<204800x128xf32, #tpu.memory_space<hbm>> -> memref<8x128xf32, #tpu.memory_space<hbm>>
      %dma_start3A_467 = arith.constant 0 : i32
      %dma_start3A_468 = tpu.memref_slice %arg4[%add3A_456, %dma_start3A_467] : memref<204800x128xf32, #tpu.memory_space<hbm>> -> memref<8x128xf32, #tpu.memory_space<hbm>>
      %dma_start3A_469 = arith.constant 0 : i32
      %dma_start3A_470 = arith.constant 0 : i32
      %dma_start3A_471 = tpu.memref_slice %arg7[%dma_start3A_457, %dma_start3A_469, %dma_start3A_470] : memref<4x32x131xf32, #tpu.memory_space<vmem>> -> memref<1x32x131xf32, #tpu.memory_space<vmem>>
      %dma_start3A_472 = tpu.memref_squeeze %dma_start3A_471 : memref<1x32x131xf32, #tpu.memory_space<vmem>> -> memref<32x131xf32, #tpu.memory_space<vmem>>
      %dma_start3A_473 = arith.constant 0 : i32
      %dma_start3A_474 = arith.constant 0 : i32
      %dma_start3A_475 = tpu.memref_slice %dma_start3A_472[%dma_start3A_473, %dma_start3A_474] : memref<32x131xf32, #tpu.memory_space<vmem>> -> memref<8x128xf32, #tpu.memory_space<vmem>>
      tpu.enqueue_dma source(%dma_start3A_475 : memref<8x128xf32, #tpu.memory_space<vmem>>) target(%dma_start3A_468 : memref<8x128xf32, #tpu.memory_space<hbm>>) target_semaphore(%arg9 : memref<!tpu.dma_semaphore, #tpu.memory_space<semaphore_mem>>)
      %add3A_476 = arith.constant 1024 : i32
      %add3A_477 = arith.addi %add3A_454, %add3A_476 : i32
      %dma_start3A_478 = arith.constant 0 : i32
      %dma_start3A_479 = arith.constant 0 : i32
      %dma_start3A_480 = arith.constant 0 : i32
      %dma_start3A_481 = tpu.memref_slice %arg7[%dma_start3A_478, %dma_start3A_479, %dma_start3A_480] : memref<4x32x131xf32, #tpu.memory_space<vmem>> -> memref<1x32x131xf32, #tpu.memory_space<vmem>>
      %dma_start3A_482 = tpu.memref_squeeze %dma_start3A_481 : memref<1x32x131xf32, #tpu.memory_space<vmem>> -> memref<32x131xf32, #tpu.memory_space<vmem>>
      %dma_start3A_483 = arith.constant 8 : i32
      %dma_start3A_484 = arith.constant 0 : i32
      %dma_start3A_485 = tpu.memref_slice %dma_start3A_482[%dma_start3A_483, %dma_start3A_484] : memref<32x131xf32, #tpu.memory_space<vmem>> -> memref<8x128xf32, #tpu.memory_space<vmem>>
      %dma_start3A_486 = arith.constant 0 : i32
      %dma_start3A_487 = tpu.memref_slice %arg4[%add3A_477, %dma_start3A_486] : memref<204800x128xf32, #tpu.memory_space<hbm>> -> memref<8x128xf32, #tpu.memory_space<hbm>>
      %dma_start3A_488 = arith.constant 0 : i32
      %dma_start3A_489 = tpu.memref_slice %arg4[%add3A_477, %dma_start3A_488] : memref<204800x128xf32, #tpu.memory_space<hbm>> -> memref<8x128xf32, #tpu.memory_space<hbm>>
      %dma_start3A_490 = arith.constant 0 : i32
      %dma_start3A_491 = arith.constant 0 : i32
      %dma_start3A_492 = tpu.memref_slice %arg7[%dma_start3A_478, %dma_start3A_490, %dma_start3A_491] : memref<4x32x131xf32, #tpu.memory_space<vmem>> -> memref<1x32x131xf32, #tpu.memory_space<vmem>>
      %dma_start3A_493 = tpu.memref_squeeze %dma_start3A_492 : memref<1x32x131xf32, #tpu.memory_space<vmem>> -> memref<32x131xf32, #tpu.memory_space<vmem>>
      %dma_start3A_494 = arith.constant 8 : i32
      %dma_start3A_495 = arith.constant 0 : i32
      %dma_start3A_496 = tpu.memref_slice %dma_start3A_493[%dma_start3A_494, %dma_start3A_495] : memref<32x131xf32, #tpu.memory_space<vmem>> -> memref<8x128xf32, #tpu.memory_space<vmem>>
      tpu.enqueue_dma source(%dma_start3A_496 : memref<8x128xf32, #tpu.memory_space<vmem>>) target(%dma_start3A_489 : memref<8x128xf32, #tpu.memory_space<hbm>>) target_semaphore(%arg9 : memref<!tpu.dma_semaphore, #tpu.memory_space<semaphore_mem>>)
      %add3A_497 = arith.constant 2048 : i32
      %add3A_498 = arith.addi %add3A_454, %add3A_497 : i32
      %dma_start3A_499 = arith.constant 0 : i32
      %dma_start3A_500 = arith.constant 0 : i32
      %dma_start3A_501 = arith.constant 0 : i32
      %dma_start3A_502 = tpu.memref_slice %arg7[%dma_start3A_499, %dma_start3A_500, %dma_start3A_501] : memref<4x32x131xf32, #tpu.memory_space<vmem>> -> memref<1x32x131xf32, #tpu.memory_space<vmem>>
      %dma_start3A_503 = tpu.memref_squeeze %dma_start3A_502 : memref<1x32x131xf32, #tpu.memory_space<vmem>> -> memref<32x131xf32, #tpu.memory_space<vmem>>
      %dma_start3A_504 = arith.constant 16 : i32
      %dma_start3A_505 = arith.constant 0 : i32
      %dma_start3A_506 = tpu.memref_slice %dma_start3A_503[%dma_start3A_504, %dma_start3A_505] : memref<32x131xf32, #tpu.memory_space<vmem>> -> memref<8x128xf32, #tpu.memory_space<vmem>>
      %dma_start3A_507 = arith.constant 0 : i32
      %dma_start3A_508 = tpu.memref_slice %arg4[%add3A_498, %dma_start3A_507] : memref<204800x128xf32, #tpu.memory_space<hbm>> -> memref<8x128xf32, #tpu.memory_space<hbm>>
      %dma_start3A_509 = arith.constant 0 : i32
      %dma_start3A_510 = tpu.memref_slice %arg4[%add3A_498, %dma_start3A_509] : memref<204800x128xf32, #tpu.memory_space<hbm>> -> memref<8x128xf32, #tpu.memory_space<hbm>>
      %dma_start3A_511 = arith.constant 0 : i32
      %dma_start3A_512 = arith.constant 0 : i32
      %dma_start3A_513 = tpu.memref_slice %arg7[%dma_start3A_499, %dma_start3A_511, %dma_start3A_512] : memref<4x32x131xf32, #tpu.memory_space<vmem>> -> memref<1x32x131xf32, #tpu.memory_space<vmem>>
      %dma_start3A_514 = tpu.memref_squeeze %dma_start3A_513 : memref<1x32x131xf32, #tpu.memory_space<vmem>> -> memref<32x131xf32, #tpu.memory_space<vmem>>
      %dma_start3A_515 = arith.constant 16 : i32
      %dma_start3A_516 = arith.constant 0 : i32
      %dma_start3A_517 = tpu.memref_slice %dma_start3A_514[%dma_start3A_515, %dma_start3A_516] : memref<32x131xf32, #tpu.memory_space<vmem>> -> memref<8x128xf32, #tpu.memory_space<vmem>>
      tpu.enqueue_dma source(%dma_start3A_517 : memref<8x128xf32, #tpu.memory_space<vmem>>) target(%dma_start3A_510 : memref<8x128xf32, #tpu.memory_space<hbm>>) target_semaphore(%arg9 : memref<!tpu.dma_semaphore, #tpu.memory_space<semaphore_mem>>)
      %add3A_518 = arith.constant 3072 : i32
      %add3A_519 = arith.addi %add3A_454, %add3A_518 : i32
      %dma_start3A_520 = arith.constant 0 : i32
      %dma_start3A_521 = arith.constant 0 : i32
      %dma_start3A_522 = arith.constant 0 : i32
      %dma_start3A_523 = tpu.memref_slice %arg7[%dma_start3A_520, %dma_start3A_521, %dma_start3A_522] : memref<4x32x131xf32, #tpu.memory_space<vmem>> -> memref<1x32x131xf32, #tpu.memory_space<vmem>>
      %dma_start3A_524 = tpu.memref_squeeze %dma_start3A_523 : memref<1x32x131xf32, #tpu.memory_space<vmem>> -> memref<32x131xf32, #tpu.memory_space<vmem>>
      %dma_start3A_525 = arith.constant 24 : i32
      %dma_start3A_526 = arith.constant 0 : i32
      %dma_start3A_527 = tpu.memref_slice %dma_start3A_524[%dma_start3A_525, %dma_start3A_526] : memref<32x131xf32, #tpu.memory_space<vmem>> -> memref<8x128xf32, #tpu.memory_space<vmem>>
      %dma_start3A_528 = arith.constant 0 : i32
      %dma_start3A_529 = tpu.memref_slice %arg4[%add3A_519, %dma_start3A_528] : memref<204800x128xf32, #tpu.memory_space<hbm>> -> memref<8x128xf32, #tpu.memory_space<hbm>>
      %dma_start3A_530 = arith.constant 0 : i32
      %dma_start3A_531 = tpu.memref_slice %arg4[%add3A_519, %dma_start3A_530] : memref<204800x128xf32, #tpu.memory_space<hbm>> -> memref<8x128xf32, #tpu.memory_space<hbm>>
      %dma_start3A_532 = arith.constant 0 : i32
      %dma_start3A_533 = arith.constant 0 : i32
      %dma_start3A_534 = tpu.memref_slice %arg7[%dma_start3A_520, %dma_start3A_532, %dma_start3A_533] : memref<4x32x131xf32, #tpu.memory_space<vmem>> -> memref<1x32x131xf32, #tpu.memory_space<vmem>>
      %dma_start3A_535 = tpu.memref_squeeze %dma_start3A_534 : memref<1x32x131xf32, #tpu.memory_space<vmem>> -> memref<32x131xf32, #tpu.memory_space<vmem>>
      %dma_start3A_536 = arith.constant 24 : i32
      %dma_start3A_537 = arith.constant 0 : i32
      %dma_start3A_538 = tpu.memref_slice %dma_start3A_535[%dma_start3A_536, %dma_start3A_537] : memref<32x131xf32, #tpu.memory_space<vmem>> -> memref<8x128xf32, #tpu.memory_space<vmem>>
      tpu.enqueue_dma source(%dma_start3A_538 : memref<8x128xf32, #tpu.memory_space<vmem>>) target(%dma_start3A_531 : memref<8x128xf32, #tpu.memory_space<hbm>>) target_semaphore(%arg9 : memref<!tpu.dma_semaphore, #tpu.memory_space<semaphore_mem>>)
      %add3A_539 = arith.constant 1 : i32
      %add3A_540 = arith.addi %add3A_381, %add3A_539 : i32
      %add3A_541 = arith.constant 4 : i32
      %add3A_542 = arith.addi %add3A_540, %add3A_541 : i32
      %sub3A_543 = arith.constant 1 : i32
      %sub3A_544 = arith.subi %add3A_542, %sub3A_543 : i32
      %lt3A_545 = arith.constant 200 : i32
      %lt3A_546 = arith.cmpi slt, %sub3A_544, %lt3A_545 : i32
      %convert_element_type3A_547 = arith.extui %lt3A_546 : i1 to i32
      %cond3A_548 = arith.constant 0 : i32
      %cond3A_549 = arith.cmpi ne, %convert_element_type3A_547, %cond3A_548 : i32
      scf.if %cond3A_549 {
        %add3A_1052 = arith.constant 4 : i32
        %add3A_1053 = arith.addi %add3A_540, %add3A_1052 : i32
        %sub3A_1054 = arith.constant 1 : i32
        %sub3A_1055 = arith.subi %add3A_1053, %sub3A_1054 : i32
        %jit3A_1056 = arith.constant 4 : i32
        %div3A_1057 = arith.divsi %sub3A_1055, %jit3A_1056 : i32
        %sign3A_1058 = arith.constant 0 : i32
        %sign3A_1059 = arith.cmpi sgt, %sub3A_1055, %sign3A_1058 : i32
        %sign3A_1060 = arith.extui %sign3A_1059 : i1 to i32
        %sign3A_1061 = arith.constant 0 : i32
        %sign3A_1062 = arith.cmpi slt, %sub3A_1055, %sign3A_1061 : i32
        %sign3A_1063 = arith.extui %sign3A_1062 : i1 to i32
        %sign3A_1064 = arith.subi %sign3A_1060, %sign3A_1063 : i32
        %sign3A_1065 = arith.constant 0 : i32
        %sign3A_1066 = arith.cmpi sgt, %jit3A_1056, %sign3A_1065 : i32
        %sign3A_1067 = arith.extui %sign3A_1066 : i1 to i32
        %sign3A_1068 = arith.constant 0 : i32
        %sign3A_1069 = arith.cmpi slt, %jit3A_1056, %sign3A_1068 : i32
        %sign3A_1070 = arith.extui %sign3A_1069 : i1 to i32
        %sign3A_1071 = arith.subi %sign3A_1067, %sign3A_1070 : i32
        %ne3A_1072 = arith.cmpi ne, %sign3A_1064, %sign3A_1071 : i32
        %rem3A_1073 = arith.remsi %sub3A_1055, %jit3A_1056 : i32
        %ne3A_1074 = arith.constant 0 : i32
        %ne3A_1075 = arith.cmpi ne, %rem3A_1073, %ne3A_1074 : i32
        %and3A_1076 = arith.andi %ne3A_1072, %ne3A_1075 : i1
        %sub3A_1077 = arith.constant 1 : i32
        %sub3A_1078 = arith.subi %div3A_1057, %sub3A_1077 : i32
        %select_n3A_1079 = arith.select %and3A_1076, %sub3A_1078, %div3A_1057 : i32
        %jit3A_1080 = arith.constant 4 : i32
        %eq3A_1081 = arith.constant 0 : i32
        %eq3A_1082 = arith.cmpi eq, %jit3A_1080, %eq3A_1081 : i32
        %jit3A_1083 = arith.constant 1 : i32
        %select_n3A_1084 = arith.select %eq3A_1082, %jit3A_1083, %jit3A_1080 : i32
        %rem3A_1085 = arith.remsi %sub3A_1055, %select_n3A_1084 : i32
        %ne3A_1086 = arith.constant 0 : i32
        %ne3A_1087 = arith.cmpi ne, %rem3A_1085, %ne3A_1086 : i32
        %lt3A_1088 = arith.constant 0 : i32
        %lt3A_1089 = arith.cmpi slt, %rem3A_1085, %lt3A_1088 : i32
        %lt3A_1090 = arith.constant 0 : i32
        %lt3A_1091 = arith.cmpi slt, %select_n3A_1084, %lt3A_1090 : i32
        %ne3A_1092 = arith.xori %lt3A_1089, %lt3A_1091 : i1
        %and3A_1093 = arith.andi %ne3A_1092, %ne3A_1087 : i1
        %add3A_1094 = arith.addi %rem3A_1085, %select_n3A_1084 : i32
        %select_n3A_1095 = arith.select %and3A_1093, %add3A_1094, %rem3A_1085 : i32
        %mul3A_1096 = arith.constant 128 : i32
        %mul3A_1097 = arith.muli %select_n3A_1095, %mul3A_1096 : i32
        %dma_start3A_1098 = arith.constant 0 : i32
        %dma_start3A_1099 = arith.constant 0 : i32
        %dma_start3A_1100 = arith.constant 0 : i32
        %dma_start3A_1101 = tpu.memref_slice %arg6[%dma_start3A_1098, %dma_start3A_1099, %dma_start3A_1100] : memref<4x128x32xf32, #tpu.memory_space<vmem>> -> memref<1x128x32xf32, #tpu.memory_space<vmem>>
        %dma_start3A_1102 = tpu.memref_squeeze %dma_start3A_1101 : memref<1x128x32xf32, #tpu.memory_space<vmem>> -> memref<128x32xf32, #tpu.memory_space<vmem>>
        %dma_start3A_1103 = tpu.memref_slice %arg5[%select_n3A_1079, %mul3A_1097] : memref<50x512xi32, #tpu.memory_space<vmem>> -> memref<1x128xi32, #tpu.memory_space<vmem>>
        %dma_start3A_1104 = tpu.memref_squeeze %dma_start3A_1103 : memref<1x128xi32, #tpu.memory_space<vmem>> -> memref<128xi32, #tpu.memory_space<vmem>>
        %dma_start3A_1105 = arith.constant 0 : i32
        %dma_start3A_1106 = arith.constant 0 : i32
        %dma_start3A_1107 = tpu.memref_slice %arg3[%dma_start3A_1105, %dma_start3A_1106] : memref<1000000x32xf32, #tpu.memory_space<hbm>> -> memref<1000000x32xf32, #tpu.memory_space<hbm>>
        tpu.enqueue_indirect_dma source(%dma_start3A_1107 : memref<1000000x32xf32, #tpu.memory_space<hbm>>) target(%dma_start3A_1102 : memref<128x32xf32, #tpu.memory_space<vmem>>) offsets(%dma_start3A_1104 : memref<128xi32, #tpu.memory_space<vmem>>) semaphore(%arg8 : memref<!tpu.dma_semaphore, #tpu.memory_space<semaphore_mem>>)
      } else {
      }
      %dma_wait3A_550 = arith.constant 0 : i32
      %dma_wait3A_551 = arith.constant 1 : i32
      %dma_wait3A_552 = arith.constant 0 : i32
      %dma_wait3A_553 = arith.constant 0 : i32
      %dma_wait3A_554 = tpu.memref_slice %arg6[%dma_wait3A_551, %dma_wait3A_552, %dma_wait3A_553] : memref<4x128x32xf32, #tpu.memory_space<vmem>> -> memref<1x128x32xf32, #tpu.memory_space<vmem>>
      %dma_wait3A_555 = tpu.memref_squeeze %dma_wait3A_554 : memref<1x128x32xf32, #tpu.memory_space<vmem>> -> memref<128x32xf32, #tpu.memory_space<vmem>>
      %dma_wait3A_556 = arith.constant 0 : i32
      %dma_wait3A_557 = tpu.memref_slice %arg5[%dma_wait3A_550, %dma_wait3A_556] : memref<50x512xi32, #tpu.memory_space<vmem>> -> memref<1x128xi32, #tpu.memory_space<vmem>>
      %dma_wait3A_558 = tpu.memref_squeeze %dma_wait3A_557 : memref<1x128xi32, #tpu.memory_space<vmem>> -> memref<128xi32, #tpu.memory_space<vmem>>
      %dma_wait3A_559 = arith.constant 0 : i32
      %dma_wait3A_560 = arith.constant 0 : i32
      %dma_wait3A_561 = tpu.memref_slice %arg3[%dma_wait3A_559, %dma_wait3A_560] : memref<1000000x32xf32, #tpu.memory_space<hbm>> -> memref<1000000x32xf32, #tpu.memory_space<hbm>>
      tpu.wait_indirect_dma semaphore(%arg8 : memref<!tpu.dma_semaphore, #tpu.memory_space<semaphore_mem>>) src(%dma_wait3A_561 : memref<1000000x32xf32, #tpu.memory_space<hbm>>) dst(%dma_wait3A_555 : memref<128x32xf32, #tpu.memory_space<vmem>>)
      %ge3A_562 = arith.constant 4 : i32
      %ge3A_563 = arith.cmpi sge, %add3A_540, %ge3A_562 : i32
      %convert_element_type3A_564 = arith.extui %ge3A_563 : i1 to i32
      %cond3A_565 = arith.constant 0 : i32
      %cond3A_566 = arith.cmpi ne, %convert_element_type3A_564, %cond3A_565 : i32
      scf.if %cond3A_566 {
        %dma_wait3A_1052 = arith.constant 1 : i32
        %dma_wait3A_1053 = arith.constant 0 : i32
        %dma_wait3A_1054 = arith.constant 0 : i32
        %dma_wait3A_1055 = tpu.memref_slice %arg7[%dma_wait3A_1052, %dma_wait3A_1053, %dma_wait3A_1054] : memref<4x32x131xf32, #tpu.memory_space<vmem>> -> memref<1x32x131xf32, #tpu.memory_space<vmem>>
        %dma_wait3A_1056 = tpu.memref_squeeze %dma_wait3A_1055 : memref<1x32x131xf32, #tpu.memory_space<vmem>> -> memref<32x131xf32, #tpu.memory_space<vmem>>
        %dma_wait3A_1057 = arith.constant 0 : i32
        %dma_wait3A_1058 = arith.constant 0 : i32
        %dma_wait3A_1059 = tpu.memref_slice %dma_wait3A_1056[%dma_wait3A_1057, %dma_wait3A_1058] : memref<32x131xf32, #tpu.memory_space<vmem>> -> memref<8x128xf32, #tpu.memory_space<vmem>>
        %dma_wait3A_1060 = arith.constant 0 : i32
        %dma_wait3A_1061 = arith.constant 0 : i32
        %dma_wait3A_1062 = tpu.memref_slice %arg4[%dma_wait3A_1060, %dma_wait3A_1061] : memref<204800x128xf32, #tpu.memory_space<hbm>> -> memref<8x128xf32, #tpu.memory_space<hbm>>
        %dma_wait3A_1063 = arith.constant 0 : i32
        %dma_wait3A_1064 = arith.constant 0 : i32
        %dma_wait3A_1065 = tpu.memref_slice %arg4[%dma_wait3A_1063, %dma_wait3A_1064] : memref<204800x128xf32, #tpu.memory_space<hbm>> -> memref<8x128xf32, #tpu.memory_space<hbm>>
        %dma_wait3A_1066 = arith.constant 0 : i32
        %dma_wait3A_1067 = arith.constant 0 : i32
        %dma_wait3A_1068 = tpu.memref_slice %arg7[%dma_wait3A_1052, %dma_wait3A_1066, %dma_wait3A_1067] : memref<4x32x131xf32, #tpu.memory_space<vmem>> -> memref<1x32x131xf32, #tpu.memory_space<vmem>>
        %dma_wait3A_1069 = tpu.memref_squeeze %dma_wait3A_1068 : memref<1x32x131xf32, #tpu.memory_space<vmem>> -> memref<32x131xf32, #tpu.memory_space<vmem>>
        %dma_wait3A_1070 = arith.constant 0 : i32
        %dma_wait3A_1071 = arith.constant 0 : i32
        %dma_wait3A_1072 = tpu.memref_slice %dma_wait3A_1069[%dma_wait3A_1070, %dma_wait3A_1071] : memref<32x131xf32, #tpu.memory_space<vmem>> -> memref<8x128xf32, #tpu.memory_space<vmem>>
        tpu.wait_dma2 semaphore(%arg9 : memref<!tpu.dma_semaphore, #tpu.memory_space<semaphore_mem>>) src(%dma_wait3A_1072 : memref<8x128xf32, #tpu.memory_space<vmem>>) dst(%dma_wait3A_1065 : memref<8x128xf32, #tpu.memory_space<hbm>>)
        %dma_wait3A_1073 = arith.constant 1 : i32
        %dma_wait3A_1074 = arith.constant 0 : i32
        %dma_wait3A_1075 = arith.constant 0 : i32
        %dma_wait3A_1076 = tpu.memref_slice %arg7[%dma_wait3A_1073, %dma_wait3A_1074, %dma_wait3A_1075] : memref<4x32x131xf32, #tpu.memory_space<vmem>> -> memref<1x32x131xf32, #tpu.memory_space<vmem>>
        %dma_wait3A_1077 = tpu.memref_squeeze %dma_wait3A_1076 : memref<1x32x131xf32, #tpu.memory_space<vmem>> -> memref<32x131xf32, #tpu.memory_space<vmem>>
        %dma_wait3A_1078 = arith.constant 8 : i32
        %dma_wait3A_1079 = arith.constant 0 : i32
        %dma_wait3A_1080 = tpu.memref_slice %dma_wait3A_1077[%dma_wait3A_1078, %dma_wait3A_1079] : memref<32x131xf32, #tpu.memory_space<vmem>> -> memref<8x128xf32, #tpu.memory_space<vmem>>
        %dma_wait3A_1081 = arith.constant 0 : i32
        %dma_wait3A_1082 = arith.constant 0 : i32
        %dma_wait3A_1083 = tpu.memref_slice %arg4[%dma_wait3A_1081, %dma_wait3A_1082] : memref<204800x128xf32, #tpu.memory_space<hbm>> -> memref<8x128xf32, #tpu.memory_space<hbm>>
        %dma_wait3A_1084 = arith.constant 0 : i32
        %dma_wait3A_1085 = arith.constant 0 : i32
        %dma_wait3A_1086 = tpu.memref_slice %arg4[%dma_wait3A_1084, %dma_wait3A_1085] : memref<204800x128xf32, #tpu.memory_space<hbm>> -> memref<8x128xf32, #tpu.memory_space<hbm>>
        %dma_wait3A_1087 = arith.constant 0 : i32
        %dma_wait3A_1088 = arith.constant 0 : i32
        %dma_wait3A_1089 = tpu.memref_slice %arg7[%dma_wait3A_1073, %dma_wait3A_1087, %dma_wait3A_1088] : memref<4x32x131xf32, #tpu.memory_space<vmem>> -> memref<1x32x131xf32, #tpu.memory_space<vmem>>
        %dma_wait3A_1090 = tpu.memref_squeeze %dma_wait3A_1089 : memref<1x32x131xf32, #tpu.memory_space<vmem>> -> memref<32x131xf32, #tpu.memory_space<vmem>>
        %dma_wait3A_1091 = arith.constant 8 : i32
        %dma_wait3A_1092 = arith.constant 0 : i32
        %dma_wait3A_1093 = tpu.memref_slice %dma_wait3A_1090[%dma_wait3A_1091, %dma_wait3A_1092] : memref<32x131xf32, #tpu.memory_space<vmem>> -> memref<8x128xf32, #tpu.memory_space<vmem>>
        tpu.wait_dma2 semaphore(%arg9 : memref<!tpu.dma_semaphore, #tpu.memory_space<semaphore_mem>>) src(%dma_wait3A_1093 : memref<8x128xf32, #tpu.memory_space<vmem>>) dst(%dma_wait3A_1086 : memref<8x128xf32, #tpu.memory_space<hbm>>)
        %dma_wait3A_1094 = arith.constant 1 : i32
        %dma_wait3A_1095 = arith.constant 0 : i32
        %dma_wait3A_1096 = arith.constant 0 : i32
        %dma_wait3A_1097 = tpu.memref_slice %arg7[%dma_wait3A_1094, %dma_wait3A_1095, %dma_wait3A_1096] : memref<4x32x131xf32, #tpu.memory_space<vmem>> -> memref<1x32x131xf32, #tpu.memory_space<vmem>>
        %dma_wait3A_1098 = tpu.memref_squeeze %dma_wait3A_1097 : memref<1x32x131xf32, #tpu.memory_space<vmem>> -> memref<32x131xf32, #tpu.memory_space<vmem>>
        %dma_wait3A_1099 = arith.constant 16 : i32
        %dma_wait3A_1100 = arith.constant 0 : i32
        %dma_wait3A_1101 = tpu.memref_slice %dma_wait3A_1098[%dma_wait3A_1099, %dma_wait3A_1100] : memref<32x131xf32, #tpu.memory_space<vmem>> -> memref<8x128xf32, #tpu.memory_space<vmem>>
        %dma_wait3A_1102 = arith.constant 0 : i32
        %dma_wait3A_1103 = arith.constant 0 : i32
        %dma_wait3A_1104 = tpu.memref_slice %arg4[%dma_wait3A_1102, %dma_wait3A_1103] : memref<204800x128xf32, #tpu.memory_space<hbm>> -> memref<8x128xf32, #tpu.memory_space<hbm>>
        %dma_wait3A_1105 = arith.constant 0 : i32
        %dma_wait3A_1106 = arith.constant 0 : i32
        %dma_wait3A_1107 = tpu.memref_slice %arg4[%dma_wait3A_1105, %dma_wait3A_1106] : memref<204800x128xf32, #tpu.memory_space<hbm>> -> memref<8x128xf32, #tpu.memory_space<hbm>>
        %dma_wait3A_1108 = arith.constant 0 : i32
        %dma_wait3A_1109 = arith.constant 0 : i32
        %dma_wait3A_1110 = tpu.memref_slice %arg7[%dma_wait3A_1094, %dma_wait3A_1108, %dma_wait3A_1109] : memref<4x32x131xf32, #tpu.memory_space<vmem>> -> memref<1x32x131xf32, #tpu.memory_space<vmem>>
        %dma_wait3A_1111 = tpu.memref_squeeze %dma_wait3A_1110 : memref<1x32x131xf32, #tpu.memory_space<vmem>> -> memref<32x131xf32, #tpu.memory_space<vmem>>
        %dma_wait3A_1112 = arith.constant 16 : i32
        %dma_wait3A_1113 = arith.constant 0 : i32
        %dma_wait3A_1114 = tpu.memref_slice %dma_wait3A_1111[%dma_wait3A_1112, %dma_wait3A_1113] : memref<32x131xf32, #tpu.memory_space<vmem>> -> memref<8x128xf32, #tpu.memory_space<vmem>>
        tpu.wait_dma2 semaphore(%arg9 : memref<!tpu.dma_semaphore, #tpu.memory_space<semaphore_mem>>) src(%dma_wait3A_1114 : memref<8x128xf32, #tpu.memory_space<vmem>>) dst(%dma_wait3A_1107 : memref<8x128xf32, #tpu.memory_space<hbm>>)
        %dma_wait3A_1115 = arith.constant 1 : i32
        %dma_wait3A_1116 = arith.constant 0 : i32
        %dma_wait3A_1117 = arith.constant 0 : i32
        %dma_wait3A_1118 = tpu.memref_slice %arg7[%dma_wait3A_1115, %dma_wait3A_1116, %dma_wait3A_1117] : memref<4x32x131xf32, #tpu.memory_space<vmem>> -> memref<1x32x131xf32, #tpu.memory_space<vmem>>
        %dma_wait3A_1119 = tpu.memref_squeeze %dma_wait3A_1118 : memref<1x32x131xf32, #tpu.memory_space<vmem>> -> memref<32x131xf32, #tpu.memory_space<vmem>>
        %dma_wait3A_1120 = arith.constant 24 : i32
        %dma_wait3A_1121 = arith.constant 0 : i32
        %dma_wait3A_1122 = tpu.memref_slice %dma_wait3A_1119[%dma_wait3A_1120, %dma_wait3A_1121] : memref<32x131xf32, #tpu.memory_space<vmem>> -> memref<8x128xf32, #tpu.memory_space<vmem>>
        %dma_wait3A_1123 = arith.constant 0 : i32
        %dma_wait3A_1124 = arith.constant 0 : i32
        %dma_wait3A_1125 = tpu.memref_slice %arg4[%dma_wait3A_1123, %dma_wait3A_1124] : memref<204800x128xf32, #tpu.memory_space<hbm>> -> memref<8x128xf32, #tpu.memory_space<hbm>>
        %dma_wait3A_1126 = arith.constant 0 : i32
        %dma_wait3A_1127 = arith.constant 0 : i32
        %dma_wait3A_1128 = tpu.memref_slice %arg4[%dma_wait3A_1126, %dma_wait3A_1127] : memref<204800x128xf32, #tpu.memory_space<hbm>> -> memref<8x128xf32, #tpu.memory_space<hbm>>
        %dma_wait3A_1129 = arith.constant 0 : i32
        %dma_wait3A_1130 = arith.constant 0 : i32
        %dma_wait3A_1131 = tpu.memref_slice %arg7[%dma_wait3A_1115, %dma_wait3A_1129, %dma_wait3A_1130] : memref<4x32x131xf32, #tpu.memory_space<vmem>> -> memref<1x32x131xf32, #tpu.memory_space<vmem>>
        %dma_wait3A_1132 = tpu.memref_squeeze %dma_wait3A_1131 : memref<1x32x131xf32, #tpu.memory_space<vmem>> -> memref<32x131xf32, #tpu.memory_space<vmem>>
        %dma_wait3A_1133 = arith.constant 24 : i32
        %dma_wait3A_1134 = arith.constant 0 : i32
        %dma_wait3A_1135 = tpu.memref_slice %dma_wait3A_1132[%dma_wait3A_1133, %dma_wait3A_1134] : memref<32x131xf32, #tpu.memory_space<vmem>> -> memref<8x128xf32, #tpu.memory_space<vmem>>
        tpu.wait_dma2 semaphore(%arg9 : memref<!tpu.dma_semaphore, #tpu.memory_space<semaphore_mem>>) src(%dma_wait3A_1135 : memref<8x128xf32, #tpu.memory_space<vmem>>) dst(%dma_wait3A_1128 : memref<8x128xf32, #tpu.memory_space<hbm>>)
      } else {
      }
      %iota3A_567 = tpu.iota {dimensions = array<i32: 0>} : vector<16xi32>
      %add3A_568 = arith.constant 16 : i32
      %add3A_569 = vector.broadcast %add3A_568 : i32 to vector<16xi32>
      %add3A_570 = arith.addi %iota3A_567, %add3A_569 : vector<16xi32>
      %scan3A_571 = arith.constant 1 : i32
      %scan3A_572 = arith.constant 1 : i32
      %scan3A_573 = arith.constant 0 : i32
      %scan3A_574 = arith.constant 16 : i32
      %scan3A_575 = arith.addi %scan3A_573, %scan3A_574 : i32
      %scan3A_576 = arith.constant 1 : i32
      scf.for %scan3A_1052 = %scan3A_573 to %scan3A_575 step %scan3A_576  : i32 {
        %mul3A_1053 = arith.constant 8 : i32
        %mul3A_1054 = arith.muli %scan3A_1052, %mul3A_1053 : i32
        %add3A_1055 = arith.constant 0 : i32
        %add3A_1056 = arith.addi %add3A_1055, %mul3A_1054 : i32
        %add3A_1057 = arith.constant 0 : i32
        %add3A_1058 = arith.addi %add3A_1056, %add3A_1057 : i32
        %broadcast_in_dim3A = vector.broadcast %add3A_1058 : i32 to vector<16xi32>
        %get3A = arith.constant 0 : i32
        %get3A_1059 = arith.constant 0 : i32
        %get3A_1060 = tpu.memref_slice %arg6[%scan3A_571, %get3A, %get3A_1059] : memref<4x128x32xf32, #tpu.memory_space<vmem>> -> memref<1x128x32xf32, #tpu.memory_space<vmem>>
        %get3A_1061 = tpu.memref_squeeze %get3A_1060 : memref<1x128x32xf32, #tpu.memory_space<vmem>> -> memref<128x32xf32, #tpu.memory_space<vmem>>
        %get3A_1062 = arith.index_cast %add3A_1058 : i32 to index
        %get3A_1063 = arith.constant 0 : index
        %get3A_1064 = tpu.vector_load %get3A_1061[%get3A_1062, %get3A_1063] {strides = array<i32>} : memref<128x32xf32, #tpu.memory_space<vmem>>, vector<16xf32>,
        %get3A_1065 = arith.constant 0 : i32
        %get3A_1066 = arith.constant 0 : i32
        %get3A_1067 = tpu.memref_slice %arg6[%scan3A_571, %get3A_1065, %get3A_1066] : memref<4x128x32xf32, #tpu.memory_space<vmem>> -> memref<1x128x32xf32, #tpu.memory_space<vmem>>
        %get3A_1068 = tpu.memref_squeeze %get3A_1067 : memref<1x128x32xf32, #tpu.memory_space<vmem>> -> memref<128x32xf32, #tpu.memory_space<vmem>>
        %get3A_1069 = arith.index_cast %add3A_1058 : i32 to index
        %get3A_1070 = arith.constant 16 : index
        %get3A_1071 = tpu.vector_load %get3A_1068[%get3A_1069, %get3A_1070] {strides = array<i32>} : memref<128x32xf32, #tpu.memory_space<vmem>>, vector<16xf32>,
        %scatter3A = arith.constant 0 : i32
        %scatter3A_1072 = arith.constant 0 : i32
        %scatter3A_1073 = tpu.memref_slice %arg7[%scan3A_572, %scatter3A, %scatter3A_1072] : memref<4x32x131xf32, #tpu.memory_space<vmem>> -> memref<1x32x131xf32, #tpu.memory_space<vmem>>
        %scatter3A_1074 = tpu.memref_squeeze %scatter3A_1073 : memref<1x32x131xf32, #tpu.memory_space<vmem>> -> memref<32x131xf32, #tpu.memory_space<vmem>>
        tpu.vector_store_idx %scatter3A_1074[%iota3A_567, %broadcast_in_dim3A], %get3A_1064 : memref<32x131xf32, #tpu.memory_space<vmem>>[vector<16xi32>, vector<16xi32>], vector<16xf32>,
        %scatter3A_1075 = arith.constant 0 : i32
        %scatter3A_1076 = arith.constant 0 : i32
        %scatter3A_1077 = tpu.memref_slice %arg7[%scan3A_572, %scatter3A_1075, %scatter3A_1076] : memref<4x32x131xf32, #tpu.memory_space<vmem>> -> memref<1x32x131xf32, #tpu.memory_space<vmem>>
        %scatter3A_1078 = tpu.memref_squeeze %scatter3A_1077 : memref<1x32x131xf32, #tpu.memory_space<vmem>> -> memref<32x131xf32, #tpu.memory_space<vmem>>
        tpu.vector_store_idx %scatter3A_1078[%add3A_570, %broadcast_in_dim3A], %get3A_1071 : memref<32x131xf32, #tpu.memory_space<vmem>>[vector<16xi32>, vector<16xi32>], vector<16xf32>,
        %add3A_1079 = arith.constant 1 : i32
        %add3A_1080 = arith.addi %add3A_1056, %add3A_1079 : i32
        %broadcast_in_dim3A_1081 = vector.broadcast %add3A_1080 : i32 to vector<16xi32>
        %get3A_1082 = arith.constant 0 : i32
        %get3A_1083 = arith.constant 0 : i32
        %get3A_1084 = tpu.memref_slice %arg6[%scan3A_571, %get3A_1082, %get3A_1083] : memref<4x128x32xf32, #tpu.memory_space<vmem>> -> memref<1x128x32xf32, #tpu.memory_space<vmem>>
        %get3A_1085 = tpu.memref_squeeze %get3A_1084 : memref<1x128x32xf32, #tpu.memory_space<vmem>> -> memref<128x32xf32, #tpu.memory_space<vmem>>
        %get3A_1086 = arith.index_cast %add3A_1080 : i32 to index
        %get3A_1087 = arith.constant 0 : index
        %get3A_1088 = tpu.vector_load %get3A_1085[%get3A_1086, %get3A_1087] {strides = array<i32>} : memref<128x32xf32, #tpu.memory_space<vmem>>, vector<16xf32>,
        %get3A_1089 = arith.constant 0 : i32
        %get3A_1090 = arith.constant 0 : i32
        %get3A_1091 = tpu.memref_slice %arg6[%scan3A_571, %get3A_1089, %get3A_1090] : memref<4x128x32xf32, #tpu.memory_space<vmem>> -> memref<1x128x32xf32, #tpu.memory_space<vmem>>
        %get3A_1092 = tpu.memref_squeeze %get3A_1091 : memref<1x128x32xf32, #tpu.memory_space<vmem>> -> memref<128x32xf32, #tpu.memory_space<vmem>>
        %get3A_1093 = arith.index_cast %add3A_1080 : i32 to index
        %get3A_1094 = arith.constant 16 : index
        %get3A_1095 = tpu.vector_load %get3A_1092[%get3A_1093, %get3A_1094] {strides = array<i32>} : memref<128x32xf32, #tpu.memory_space<vmem>>, vector<16xf32>,
        %scatter3A_1096 = arith.constant 0 : i32
        %scatter3A_1097 = arith.constant 0 : i32
        %scatter3A_1098 = tpu.memref_slice %arg7[%scan3A_572, %scatter3A_1096, %scatter3A_1097] : memref<4x32x131xf32, #tpu.memory_space<vmem>> -> memref<1x32x131xf32, #tpu.memory_space<vmem>>
        %scatter3A_1099 = tpu.memref_squeeze %scatter3A_1098 : memref<1x32x131xf32, #tpu.memory_space<vmem>> -> memref<32x131xf32, #tpu.memory_space<vmem>>
        tpu.vector_store_idx %scatter3A_1099[%iota3A_567, %broadcast_in_dim3A_1081], %get3A_1088 : memref<32x131xf32, #tpu.memory_space<vmem>>[vector<16xi32>, vector<16xi32>], vector<16xf32>,
        %scatter3A_1100 = arith.constant 0 : i32
        %scatter3A_1101 = arith.constant 0 : i32
        %scatter3A_1102 = tpu.memref_slice %arg7[%scan3A_572, %scatter3A_1100, %scatter3A_1101] : memref<4x32x131xf32, #tpu.memory_space<vmem>> -> memref<1x32x131xf32, #tpu.memory_space<vmem>>
        %scatter3A_1103 = tpu.memref_squeeze %scatter3A_1102 : memref<1x32x131xf32, #tpu.memory_space<vmem>> -> memref<32x131xf32, #tpu.memory_space<vmem>>
        tpu.vector_store_idx %scatter3A_1103[%add3A_570, %broadcast_in_dim3A_1081], %get3A_1095 : memref<32x131xf32, #tpu.memory_space<vmem>>[vector<16xi32>, vector<16xi32>], vector<16xf32>,
        %add3A_1104 = arith.constant 2 : i32
        %add3A_1105 = arith.addi %add3A_1056, %add3A_1104 : i32
        %broadcast_in_dim3A_1106 = vector.broadcast %add3A_1105 : i32 to vector<16xi32>
        %get3A_1107 = arith.constant 0 : i32
        %get3A_1108 = arith.constant 0 : i32
        %get3A_1109 = tpu.memref_slice %arg6[%scan3A_571, %get3A_1107, %get3A_1108] : memref<4x128x32xf32, #tpu.memory_space<vmem>> -> memref<1x128x32xf32, #tpu.memory_space<vmem>>
        %get3A_1110 = tpu.memref_squeeze %get3A_1109 : memref<1x128x32xf32, #tpu.memory_space<vmem>> -> memref<128x32xf32, #tpu.memory_space<vmem>>
        %get3A_1111 = arith.index_cast %add3A_1105 : i32 to index
        %get3A_1112 = arith.constant 0 : index
        %get3A_1113 = tpu.vector_load %get3A_1110[%get3A_1111, %get3A_1112] {strides = array<i32>} : memref<128x32xf32, #tpu.memory_space<vmem>>, vector<16xf32>,
        %get3A_1114 = arith.constant 0 : i32
        %get3A_1115 = arith.constant 0 : i32
        %get3A_1116 = tpu.memref_slice %arg6[%scan3A_571, %get3A_1114, %get3A_1115] : memref<4x128x32xf32, #tpu.memory_space<vmem>> -> memref<1x128x32xf32, #tpu.memory_space<vmem>>
        %get3A_1117 = tpu.memref_squeeze %get3A_1116 : memref<1x128x32xf32, #tpu.memory_space<vmem>> -> memref<128x32xf32, #tpu.memory_space<vmem>>
        %get3A_1118 = arith.index_cast %add3A_1105 : i32 to index
        %get3A_1119 = arith.constant 16 : index
        %get3A_1120 = tpu.vector_load %get3A_1117[%get3A_1118, %get3A_1119] {strides = array<i32>} : memref<128x32xf32, #tpu.memory_space<vmem>>, vector<16xf32>,
        %scatter3A_1121 = arith.constant 0 : i32
        %scatter3A_1122 = arith.constant 0 : i32
        %scatter3A_1123 = tpu.memref_slice %arg7[%scan3A_572, %scatter3A_1121, %scatter3A_1122] : memref<4x32x131xf32, #tpu.memory_space<vmem>> -> memref<1x32x131xf32, #tpu.memory_space<vmem>>
        %scatter3A_1124 = tpu.memref_squeeze %scatter3A_1123 : memref<1x32x131xf32, #tpu.memory_space<vmem>> -> memref<32x131xf32, #tpu.memory_space<vmem>>
        tpu.vector_store_idx %scatter3A_1124[%iota3A_567, %broadcast_in_dim3A_1106], %get3A_1113 : memref<32x131xf32, #tpu.memory_space<vmem>>[vector<16xi32>, vector<16xi32>], vector<16xf32>,
        %scatter3A_1125 = arith.constant 0 : i32
        %scatter3A_1126 = arith.constant 0 : i32
        %scatter3A_1127 = tpu.memref_slice %arg7[%scan3A_572, %scatter3A_1125, %scatter3A_1126] : memref<4x32x131xf32, #tpu.memory_space<vmem>> -> memref<1x32x131xf32, #tpu.memory_space<vmem>>
        %scatter3A_1128 = tpu.memref_squeeze %scatter3A_1127 : memref<1x32x131xf32, #tpu.memory_space<vmem>> -> memref<32x131xf32, #tpu.memory_space<vmem>>
        tpu.vector_store_idx %scatter3A_1128[%add3A_570, %broadcast_in_dim3A_1106], %get3A_1120 : memref<32x131xf32, #tpu.memory_space<vmem>>[vector<16xi32>, vector<16xi32>], vector<16xf32>,
        %add3A_1129 = arith.constant 3 : i32
        %add3A_1130 = arith.addi %add3A_1056, %add3A_1129 : i32
        %broadcast_in_dim3A_1131 = vector.broadcast %add3A_1130 : i32 to vector<16xi32>
        %get3A_1132 = arith.constant 0 : i32
        %get3A_1133 = arith.constant 0 : i32
        %get3A_1134 = tpu.memref_slice %arg6[%scan3A_571, %get3A_1132, %get3A_1133] : memref<4x128x32xf32, #tpu.memory_space<vmem>> -> memref<1x128x32xf32, #tpu.memory_space<vmem>>
        %get3A_1135 = tpu.memref_squeeze %get3A_1134 : memref<1x128x32xf32, #tpu.memory_space<vmem>> -> memref<128x32xf32, #tpu.memory_space<vmem>>
        %get3A_1136 = arith.index_cast %add3A_1130 : i32 to index
        %get3A_1137 = arith.constant 0 : index
        %get3A_1138 = tpu.vector_load %get3A_1135[%get3A_1136, %get3A_1137] {strides = array<i32>} : memref<128x32xf32, #tpu.memory_space<vmem>>, vector<16xf32>,
        %get3A_1139 = arith.constant 0 : i32
        %get3A_1140 = arith.constant 0 : i32
        %get3A_1141 = tpu.memref_slice %arg6[%scan3A_571, %get3A_1139, %get3A_1140] : memref<4x128x32xf32, #tpu.memory_space<vmem>> -> memref<1x128x32xf32, #tpu.memory_space<vmem>>
        %get3A_1142 = tpu.memref_squeeze %get3A_1141 : memref<1x128x32xf32, #tpu.memory_space<vmem>> -> memref<128x32xf32, #tpu.memory_space<vmem>>
        %get3A_1143 = arith.index_cast %add3A_1130 : i32 to index
        %get3A_1144 = arith.constant 16 : index
        %get3A_1145 = tpu.vector_load %get3A_1142[%get3A_1143, %get3A_1144] {strides = array<i32>} : memref<128x32xf32, #tpu.memory_space<vmem>>, vector<16xf32>,
        %scatter3A_1146 = arith.constant 0 : i32
        %scatter3A_1147 = arith.constant 0 : i32
        %scatter3A_1148 = tpu.memref_slice %arg7[%scan3A_572, %scatter3A_1146, %scatter3A_1147] : memref<4x32x131xf32, #tpu.memory_space<vmem>> -> memref<1x32x131xf32, #tpu.memory_space<vmem>>
        %scatter3A_1149 = tpu.memref_squeeze %scatter3A_1148 : memref<1x32x131xf32, #tpu.memory_space<vmem>> -> memref<32x131xf32, #tpu.memory_space<vmem>>
        tpu.vector_store_idx %scatter3A_1149[%iota3A_567, %broadcast_in_dim3A_1131], %get3A_1138 : memref<32x131xf32, #tpu.memory_space<vmem>>[vector<16xi32>, vector<16xi32>], vector<16xf32>,
        %scatter3A_1150 = arith.constant 0 : i32
        %scatter3A_1151 = arith.constant 0 : i32
        %scatter3A_1152 = tpu.memref_slice %arg7[%scan3A_572, %scatter3A_1150, %scatter3A_1151] : memref<4x32x131xf32, #tpu.memory_space<vmem>> -> memref<1x32x131xf32, #tpu.memory_space<vmem>>
        %scatter3A_1153 = tpu.memref_squeeze %scatter3A_1152 : memref<1x32x131xf32, #tpu.memory_space<vmem>> -> memref<32x131xf32, #tpu.memory_space<vmem>>
        tpu.vector_store_idx %scatter3A_1153[%add3A_570, %broadcast_in_dim3A_1131], %get3A_1145 : memref<32x131xf32, #tpu.memory_space<vmem>>[vector<16xi32>, vector<16xi32>], vector<16xf32>,
        %add3A_1154 = arith.constant 4 : i32
        %add3A_1155 = arith.addi %add3A_1056, %add3A_1154 : i32
        %broadcast_in_dim3A_1156 = vector.broadcast %add3A_1155 : i32 to vector<16xi32>
        %get3A_1157 = arith.constant 0 : i32
        %get3A_1158 = arith.constant 0 : i32
        %get3A_1159 = tpu.memref_slice %arg6[%scan3A_571, %get3A_1157, %get3A_1158] : memref<4x128x32xf32, #tpu.memory_space<vmem>> -> memref<1x128x32xf32, #tpu.memory_space<vmem>>
        %get3A_1160 = tpu.memref_squeeze %get3A_1159 : memref<1x128x32xf32, #tpu.memory_space<vmem>> -> memref<128x32xf32, #tpu.memory_space<vmem>>
        %get3A_1161 = arith.index_cast %add3A_1155 : i32 to index
        %get3A_1162 = arith.constant 0 : index
        %get3A_1163 = tpu.vector_load %get3A_1160[%get3A_1161, %get3A_1162] {strides = array<i32>} : memref<128x32xf32, #tpu.memory_space<vmem>>, vector<16xf32>,
        %get3A_1164 = arith.constant 0 : i32
        %get3A_1165 = arith.constant 0 : i32
        %get3A_1166 = tpu.memref_slice %arg6[%scan3A_571, %get3A_1164, %get3A_1165] : memref<4x128x32xf32, #tpu.memory_space<vmem>> -> memref<1x128x32xf32, #tpu.memory_space<vmem>>
        %get3A_1167 = tpu.memref_squeeze %get3A_1166 : memref<1x128x32xf32, #tpu.memory_space<vmem>> -> memref<128x32xf32, #tpu.memory_space<vmem>>
        %get3A_1168 = arith.index_cast %add3A_1155 : i32 to index
        %get3A_1169 = arith.constant 16 : index
        %get3A_1170 = tpu.vector_load %get3A_1167[%get3A_1168, %get3A_1169] {strides = array<i32>} : memref<128x32xf32, #tpu.memory_space<vmem>>, vector<16xf32>,
        %scatter3A_1171 = arith.constant 0 : i32
        %scatter3A_1172 = arith.constant 0 : i32
        %scatter3A_1173 = tpu.memref_slice %arg7[%scan3A_572, %scatter3A_1171, %scatter3A_1172] : memref<4x32x131xf32, #tpu.memory_space<vmem>> -> memref<1x32x131xf32, #tpu.memory_space<vmem>>
        %scatter3A_1174 = tpu.memref_squeeze %scatter3A_1173 : memref<1x32x131xf32, #tpu.memory_space<vmem>> -> memref<32x131xf32, #tpu.memory_space<vmem>>
        tpu.vector_store_idx %scatter3A_1174[%iota3A_567, %broadcast_in_dim3A_1156], %get3A_1163 : memref<32x131xf32, #tpu.memory_space<vmem>>[vector<16xi32>, vector<16xi32>], vector<16xf32>,
        %scatter3A_1175 = arith.constant 0 : i32
        %scatter3A_1176 = arith.constant 0 : i32
        %scatter3A_1177 = tpu.memref_slice %arg7[%scan3A_572, %scatter3A_1175, %scatter3A_1176] : memref<4x32x131xf32, #tpu.memory_space<vmem>> -> memref<1x32x131xf32, #tpu.memory_space<vmem>>
        %scatter3A_1178 = tpu.memref_squeeze %scatter3A_1177 : memref<1x32x131xf32, #tpu.memory_space<vmem>> -> memref<32x131xf32, #tpu.memory_space<vmem>>
        tpu.vector_store_idx %scatter3A_1178[%add3A_570, %broadcast_in_dim3A_1156], %get3A_1170 : memref<32x131xf32, #tpu.memory_space<vmem>>[vector<16xi32>, vector<16xi32>], vector<16xf32>,
        %add3A_1179 = arith.constant 5 : i32
        %add3A_1180 = arith.addi %add3A_1056, %add3A_1179 : i32
        %broadcast_in_dim3A_1181 = vector.broadcast %add3A_1180 : i32 to vector<16xi32>
        %get3A_1182 = arith.constant 0 : i32
        %get3A_1183 = arith.constant 0 : i32
        %get3A_1184 = tpu.memref_slice %arg6[%scan3A_571, %get3A_1182, %get3A_1183] : memref<4x128x32xf32, #tpu.memory_space<vmem>> -> memref<1x128x32xf32, #tpu.memory_space<vmem>>
        %get3A_1185 = tpu.memref_squeeze %get3A_1184 : memref<1x128x32xf32, #tpu.memory_space<vmem>> -> memref<128x32xf32, #tpu.memory_space<vmem>>
        %get3A_1186 = arith.index_cast %add3A_1180 : i32 to index
        %get3A_1187 = arith.constant 0 : index
        %get3A_1188 = tpu.vector_load %get3A_1185[%get3A_1186, %get3A_1187] {strides = array<i32>} : memref<128x32xf32, #tpu.memory_space<vmem>>, vector<16xf32>,
        %get3A_1189 = arith.constant 0 : i32
        %get3A_1190 = arith.constant 0 : i32
        %get3A_1191 = tpu.memref_slice %arg6[%scan3A_571, %get3A_1189, %get3A_1190] : memref<4x128x32xf32, #tpu.memory_space<vmem>> -> memref<1x128x32xf32, #tpu.memory_space<vmem>>
        %get3A_1192 = tpu.memref_squeeze %get3A_1191 : memref<1x128x32xf32, #tpu.memory_space<vmem>> -> memref<128x32xf32, #tpu.memory_space<vmem>>
        %get3A_1193 = arith.index_cast %add3A_1180 : i32 to index
        %get3A_1194 = arith.constant 16 : index
        %get3A_1195 = tpu.vector_load %get3A_1192[%get3A_1193, %get3A_1194] {strides = array<i32>} : memref<128x32xf32, #tpu.memory_space<vmem>>, vector<16xf32>,
        %scatter3A_1196 = arith.constant 0 : i32
        %scatter3A_1197 = arith.constant 0 : i32
        %scatter3A_1198 = tpu.memref_slice %arg7[%scan3A_572, %scatter3A_1196, %scatter3A_1197] : memref<4x32x131xf32, #tpu.memory_space<vmem>> -> memref<1x32x131xf32, #tpu.memory_space<vmem>>
        %scatter3A_1199 = tpu.memref_squeeze %scatter3A_1198 : memref<1x32x131xf32, #tpu.memory_space<vmem>> -> memref<32x131xf32, #tpu.memory_space<vmem>>
        tpu.vector_store_idx %scatter3A_1199[%iota3A_567, %broadcast_in_dim3A_1181], %get3A_1188 : memref<32x131xf32, #tpu.memory_space<vmem>>[vector<16xi32>, vector<16xi32>], vector<16xf32>,
        %scatter3A_1200 = arith.constant 0 : i32
        %scatter3A_1201 = arith.constant 0 : i32
        %scatter3A_1202 = tpu.memref_slice %arg7[%scan3A_572, %scatter3A_1200, %scatter3A_1201] : memref<4x32x131xf32, #tpu.memory_space<vmem>> -> memref<1x32x131xf32, #tpu.memory_space<vmem>>
        %scatter3A_1203 = tpu.memref_squeeze %scatter3A_1202 : memref<1x32x131xf32, #tpu.memory_space<vmem>> -> memref<32x131xf32, #tpu.memory_space<vmem>>
        tpu.vector_store_idx %scatter3A_1203[%add3A_570, %broadcast_in_dim3A_1181], %get3A_1195 : memref<32x131xf32, #tpu.memory_space<vmem>>[vector<16xi32>, vector<16xi32>], vector<16xf32>,
        %add3A_1204 = arith.constant 6 : i32
        %add3A_1205 = arith.addi %add3A_1056, %add3A_1204 : i32
        %broadcast_in_dim3A_1206 = vector.broadcast %add3A_1205 : i32 to vector<16xi32>
        %get3A_1207 = arith.constant 0 : i32
        %get3A_1208 = arith.constant 0 : i32
        %get3A_1209 = tpu.memref_slice %arg6[%scan3A_571, %get3A_1207, %get3A_1208] : memref<4x128x32xf32, #tpu.memory_space<vmem>> -> memref<1x128x32xf32, #tpu.memory_space<vmem>>
        %get3A_1210 = tpu.memref_squeeze %get3A_1209 : memref<1x128x32xf32, #tpu.memory_space<vmem>> -> memref<128x32xf32, #tpu.memory_space<vmem>>
        %get3A_1211 = arith.index_cast %add3A_1205 : i32 to index
        %get3A_1212 = arith.constant 0 : index
        %get3A_1213 = tpu.vector_load %get3A_1210[%get3A_1211, %get3A_1212] {strides = array<i32>} : memref<128x32xf32, #tpu.memory_space<vmem>>, vector<16xf32>,
        %get3A_1214 = arith.constant 0 : i32
        %get3A_1215 = arith.constant 0 : i32
        %get3A_1216 = tpu.memref_slice %arg6[%scan3A_571, %get3A_1214, %get3A_1215] : memref<4x128x32xf32, #tpu.memory_space<vmem>> -> memref<1x128x32xf32, #tpu.memory_space<vmem>>
        %get3A_1217 = tpu.memref_squeeze %get3A_1216 : memref<1x128x32xf32, #tpu.memory_space<vmem>> -> memref<128x32xf32, #tpu.memory_space<vmem>>
        %get3A_1218 = arith.index_cast %add3A_1205 : i32 to index
        %get3A_1219 = arith.constant 16 : index
        %get3A_1220 = tpu.vector_load %get3A_1217[%get3A_1218, %get3A_1219] {strides = array<i32>} : memref<128x32xf32, #tpu.memory_space<vmem>>, vector<16xf32>,
        %scatter3A_1221 = arith.constant 0 : i32
        %scatter3A_1222 = arith.constant 0 : i32
        %scatter3A_1223 = tpu.memref_slice %arg7[%scan3A_572, %scatter3A_1221, %scatter3A_1222] : memref<4x32x131xf32, #tpu.memory_space<vmem>> -> memref<1x32x131xf32, #tpu.memory_space<vmem>>
        %scatter3A_1224 = tpu.memref_squeeze %scatter3A_1223 : memref<1x32x131xf32, #tpu.memory_space<vmem>> -> memref<32x131xf32, #tpu.memory_space<vmem>>
        tpu.vector_store_idx %scatter3A_1224[%iota3A_567, %broadcast_in_dim3A_1206], %get3A_1213 : memref<32x131xf32, #tpu.memory_space<vmem>>[vector<16xi32>, vector<16xi32>], vector<16xf32>,
        %scatter3A_1225 = arith.constant 0 : i32
        %scatter3A_1226 = arith.constant 0 : i32
        %scatter3A_1227 = tpu.memref_slice %arg7[%scan3A_572, %scatter3A_1225, %scatter3A_1226] : memref<4x32x131xf32, #tpu.memory_space<vmem>> -> memref<1x32x131xf32, #tpu.memory_space<vmem>>
        %scatter3A_1228 = tpu.memref_squeeze %scatter3A_1227 : memref<1x32x131xf32, #tpu.memory_space<vmem>> -> memref<32x131xf32, #tpu.memory_space<vmem>>
        tpu.vector_store_idx %scatter3A_1228[%add3A_570, %broadcast_in_dim3A_1206], %get3A_1220 : memref<32x131xf32, #tpu.memory_space<vmem>>[vector<16xi32>, vector<16xi32>], vector<16xf32>,
        %add3A_1229 = arith.constant 7 : i32
        %add3A_1230 = arith.addi %add3A_1056, %add3A_1229 : i32
        %broadcast_in_dim3A_1231 = vector.broadcast %add3A_1230 : i32 to vector<16xi32>
        %get3A_1232 = arith.constant 0 : i32
        %get3A_1233 = arith.constant 0 : i32
        %get3A_1234 = tpu.memref_slice %arg6[%scan3A_571, %get3A_1232, %get3A_1233] : memref<4x128x32xf32, #tpu.memory_space<vmem>> -> memref<1x128x32xf32, #tpu.memory_space<vmem>>
        %get3A_1235 = tpu.memref_squeeze %get3A_1234 : memref<1x128x32xf32, #tpu.memory_space<vmem>> -> memref<128x32xf32, #tpu.memory_space<vmem>>
        %get3A_1236 = arith.index_cast %add3A_1230 : i32 to index
        %get3A_1237 = arith.constant 0 : index
        %get3A_1238 = tpu.vector_load %get3A_1235[%get3A_1236, %get3A_1237] {strides = array<i32>} : memref<128x32xf32, #tpu.memory_space<vmem>>, vector<16xf32>,
        %get3A_1239 = arith.constant 0 : i32
        %get3A_1240 = arith.constant 0 : i32
        %get3A_1241 = tpu.memref_slice %arg6[%scan3A_571, %get3A_1239, %get3A_1240] : memref<4x128x32xf32, #tpu.memory_space<vmem>> -> memref<1x128x32xf32, #tpu.memory_space<vmem>>
        %get3A_1242 = tpu.memref_squeeze %get3A_1241 : memref<1x128x32xf32, #tpu.memory_space<vmem>> -> memref<128x32xf32, #tpu.memory_space<vmem>>
        %get3A_1243 = arith.index_cast %add3A_1230 : i32 to index
        %get3A_1244 = arith.constant 16 : index
        %get3A_1245 = tpu.vector_load %get3A_1242[%get3A_1243, %get3A_1244] {strides = array<i32>} : memref<128x32xf32, #tpu.memory_space<vmem>>, vector<16xf32>,
        %scatter3A_1246 = arith.constant 0 : i32
        %scatter3A_1247 = arith.constant 0 : i32
        %scatter3A_1248 = tpu.memref_slice %arg7[%scan3A_572, %scatter3A_1246, %scatter3A_1247] : memref<4x32x131xf32, #tpu.memory_space<vmem>> -> memref<1x32x131xf32, #tpu.memory_space<vmem>>
        %scatter3A_1249 = tpu.memref_squeeze %scatter3A_1248 : memref<1x32x131xf32, #tpu.memory_space<vmem>> -> memref<32x131xf32, #tpu.memory_space<vmem>>
        tpu.vector_store_idx %scatter3A_1249[%iota3A_567, %broadcast_in_dim3A_1231], %get3A_1238 : memref<32x131xf32, #tpu.memory_space<vmem>>[vector<16xi32>, vector<16xi32>], vector<16xf32>,
        %scatter3A_1250 = arith.constant 0 : i32
        %scatter3A_1251 = arith.constant 0 : i32
        %scatter3A_1252 = tpu.memref_slice %arg7[%scan3A_572, %scatter3A_1250, %scatter3A_1251] : memref<4x32x131xf32, #tpu.memory_space<vmem>> -> memref<1x32x131xf32, #tpu.memory_space<vmem>>
        %scatter3A_1253 = tpu.memref_squeeze %scatter3A_1252 : memref<1x32x131xf32, #tpu.memory_space<vmem>> -> memref<32x131xf32, #tpu.memory_space<vmem>>
        tpu.vector_store_idx %scatter3A_1253[%add3A_570, %broadcast_in_dim3A_1231], %get3A_1245 : memref<32x131xf32, #tpu.memory_space<vmem>>[vector<16xi32>, vector<16xi32>], vector<16xf32>,
      }
      %scan3A_577 = arith.constant 16 : i32
      %jit3A_578 = arith.constant 4 : i32
      %div3A_579 = arith.divsi %add3A_540, %jit3A_578 : i32
      %sign3A_580 = arith.constant 0 : i32
      %sign3A_581 = arith.cmpi sgt, %add3A_540, %sign3A_580 : i32
      %sign3A_582 = arith.extui %sign3A_581 : i1 to i32
      %sign3A_583 = arith.constant 0 : i32
      %sign3A_584 = arith.cmpi slt, %add3A_540, %sign3A_583 : i32
      %sign3A_585 = arith.extui %sign3A_584 : i1 to i32
      %sign3A_586 = arith.subi %sign3A_582, %sign3A_585 : i32
      %sign3A_587 = arith.constant 0 : i32
      %sign3A_588 = arith.cmpi sgt, %jit3A_578, %sign3A_587 : i32
      %sign3A_589 = arith.extui %sign3A_588 : i1 to i32
      %sign3A_590 = arith.constant 0 : i32
      %sign3A_591 = arith.cmpi slt, %jit3A_578, %sign3A_590 : i32
      %sign3A_592 = arith.extui %sign3A_591 : i1 to i32
      %sign3A_593 = arith.subi %sign3A_589, %sign3A_592 : i32
      %ne3A_594 = arith.cmpi ne, %sign3A_586, %sign3A_593 : i32
      %rem3A_595 = arith.remsi %add3A_540, %jit3A_578 : i32
      %ne3A_596 = arith.constant 0 : i32
      %ne3A_597 = arith.cmpi ne, %rem3A_595, %ne3A_596 : i32
      %and3A_598 = arith.andi %ne3A_594, %ne3A_597 : i1
      %sub3A_599 = arith.constant 1 : i32
      %sub3A_600 = arith.subi %div3A_579, %sub3A_599 : i32
      %select_n3A_601 = arith.select %and3A_598, %sub3A_600, %div3A_579 : i32
      %mul3A_602 = arith.constant 4 : i32
      %mul3A_603 = arith.muli %add3A, %mul3A_602 : i32
      %jit3A_604 = arith.constant 4 : i32
      %eq3A_605 = arith.constant 0 : i32
      %eq3A_606 = arith.cmpi eq, %jit3A_604, %eq3A_605 : i32
      %jit3A_607 = arith.constant 1 : i32
      %select_n3A_608 = arith.select %eq3A_606, %jit3A_607, %jit3A_604 : i32
      %rem3A_609 = arith.remsi %add3A_540, %select_n3A_608 : i32
      %ne3A_610 = arith.constant 0 : i32
      %ne3A_611 = arith.cmpi ne, %rem3A_609, %ne3A_610 : i32
      %lt3A_612 = arith.constant 0 : i32
      %lt3A_613 = arith.cmpi slt, %rem3A_609, %lt3A_612 : i32
      %lt3A_614 = arith.constant 0 : i32
      %lt3A_615 = arith.cmpi slt, %select_n3A_608, %lt3A_614 : i32
      %ne3A_616 = arith.xori %lt3A_613, %lt3A_615 : i1
      %and3A_617 = arith.andi %ne3A_616, %ne3A_611 : i1
      %add3A_618 = arith.addi %rem3A_609, %select_n3A_608 : i32
      %select_n3A_619 = arith.select %and3A_617, %add3A_618, %rem3A_609 : i32
      %add3A_620 = arith.addi %mul3A_603, %select_n3A_619 : i32
      %mul3A_621 = arith.constant 4096 : i32
      %mul3A_622 = arith.muli %select_n3A_601, %mul3A_621 : i32
      %mul3A_623 = arith.constant 8 : i32
      %mul3A_624 = arith.muli %add3A_620, %mul3A_623 : i32
      %add3A_625 = arith.addi %mul3A_622, %mul3A_624 : i32
      %add3A_626 = arith.constant 0 : i32
      %add3A_627 = arith.addi %add3A_625, %add3A_626 : i32
      %dma_start3A_628 = arith.constant 1 : i32
      %dma_start3A_629 = arith.constant 0 : i32
      %dma_start3A_630 = arith.constant 0 : i32
      %dma_start3A_631 = tpu.memref_slice %arg7[%dma_start3A_628, %dma_start3A_629, %dma_start3A_630] : memref<4x32x131xf32, #tpu.memory_space<vmem>> -> memref<1x32x131xf32, #tpu.memory_space<vmem>>
      %dma_start3A_632 = tpu.memref_squeeze %dma_start3A_631 : memref<1x32x131xf32, #tpu.memory_space<vmem>> -> memref<32x131xf32, #tpu.memory_space<vmem>>
      %dma_start3A_633 = arith.constant 0 : i32
      %dma_start3A_634 = arith.constant 0 : i32
      %dma_start3A_635 = tpu.memref_slice %dma_start3A_632[%dma_start3A_633, %dma_start3A_634] : memref<32x131xf32, #tpu.memory_space<vmem>> -> memref<8x128xf32, #tpu.memory_space<vmem>>
      %dma_start3A_636 = arith.constant 0 : i32
      %dma_start3A_637 = tpu.memref_slice %arg4[%add3A_627, %dma_start3A_636] : memref<204800x128xf32, #tpu.memory_space<hbm>> -> memref<8x128xf32, #tpu.memory_space<hbm>>
      %dma_start3A_638 = arith.constant 0 : i32
      %dma_start3A_639 = tpu.memref_slice %arg4[%add3A_627, %dma_start3A_638] : memref<204800x128xf32, #tpu.memory_space<hbm>> -> memref<8x128xf32, #tpu.memory_space<hbm>>
      %dma_start3A_640 = arith.constant 0 : i32
      %dma_start3A_641 = arith.constant 0 : i32
      %dma_start3A_642 = tpu.memref_slice %arg7[%dma_start3A_628, %dma_start3A_640, %dma_start3A_641] : memref<4x32x131xf32, #tpu.memory_space<vmem>> -> memref<1x32x131xf32, #tpu.memory_space<vmem>>
      %dma_start3A_643 = tpu.memref_squeeze %dma_start3A_642 : memref<1x32x131xf32, #tpu.memory_space<vmem>> -> memref<32x131xf32, #tpu.memory_space<vmem>>
      %dma_start3A_644 = arith.constant 0 : i32
      %dma_start3A_645 = arith.constant 0 : i32
      %dma_start3A_646 = tpu.memref_slice %dma_start3A_643[%dma_start3A_644, %dma_start3A_645] : memref<32x131xf32, #tpu.memory_space<vmem>> -> memref<8x128xf32, #tpu.memory_space<vmem>>
      tpu.enqueue_dma source(%dma_start3A_646 : memref<8x128xf32, #tpu.memory_space<vmem>>) target(%dma_start3A_639 : memref<8x128xf32, #tpu.memory_space<hbm>>) target_semaphore(%arg9 : memref<!tpu.dma_semaphore, #tpu.memory_space<semaphore_mem>>)
      %add3A_647 = arith.constant 1024 : i32
      %add3A_648 = arith.addi %add3A_625, %add3A_647 : i32
      %dma_start3A_649 = arith.constant 1 : i32
      %dma_start3A_650 = arith.constant 0 : i32
      %dma_start3A_651 = arith.constant 0 : i32
      %dma_start3A_652 = tpu.memref_slice %arg7[%dma_start3A_649, %dma_start3A_650, %dma_start3A_651] : memref<4x32x131xf32, #tpu.memory_space<vmem>> -> memref<1x32x131xf32, #tpu.memory_space<vmem>>
      %dma_start3A_653 = tpu.memref_squeeze %dma_start3A_652 : memref<1x32x131xf32, #tpu.memory_space<vmem>> -> memref<32x131xf32, #tpu.memory_space<vmem>>
      %dma_start3A_654 = arith.constant 8 : i32
      %dma_start3A_655 = arith.constant 0 : i32
      %dma_start3A_656 = tpu.memref_slice %dma_start3A_653[%dma_start3A_654, %dma_start3A_655] : memref<32x131xf32, #tpu.memory_space<vmem>> -> memref<8x128xf32, #tpu.memory_space<vmem>>
      %dma_start3A_657 = arith.constant 0 : i32
      %dma_start3A_658 = tpu.memref_slice %arg4[%add3A_648, %dma_start3A_657] : memref<204800x128xf32, #tpu.memory_space<hbm>> -> memref<8x128xf32, #tpu.memory_space<hbm>>
      %dma_start3A_659 = arith.constant 0 : i32
      %dma_start3A_660 = tpu.memref_slice %arg4[%add3A_648, %dma_start3A_659] : memref<204800x128xf32, #tpu.memory_space<hbm>> -> memref<8x128xf32, #tpu.memory_space<hbm>>
      %dma_start3A_661 = arith.constant 0 : i32
      %dma_start3A_662 = arith.constant 0 : i32
      %dma_start3A_663 = tpu.memref_slice %arg7[%dma_start3A_649, %dma_start3A_661, %dma_start3A_662] : memref<4x32x131xf32, #tpu.memory_space<vmem>> -> memref<1x32x131xf32, #tpu.memory_space<vmem>>
      %dma_start3A_664 = tpu.memref_squeeze %dma_start3A_663 : memref<1x32x131xf32, #tpu.memory_space<vmem>> -> memref<32x131xf32, #tpu.memory_space<vmem>>
      %dma_start3A_665 = arith.constant 8 : i32
      %dma_start3A_666 = arith.constant 0 : i32
      %dma_start3A_667 = tpu.memref_slice %dma_start3A_664[%dma_start3A_665, %dma_start3A_666] : memref<32x131xf32, #tpu.memory_space<vmem>> -> memref<8x128xf32, #tpu.memory_space<vmem>>
      tpu.enqueue_dma source(%dma_start3A_667 : memref<8x128xf32, #tpu.memory_space<vmem>>) target(%dma_start3A_660 : memref<8x128xf32, #tpu.memory_space<hbm>>) target_semaphore(%arg9 : memref<!tpu.dma_semaphore, #tpu.memory_space<semaphore_mem>>)
      %add3A_668 = arith.constant 2048 : i32
      %add3A_669 = arith.addi %add3A_625, %add3A_668 : i32
      %dma_start3A_670 = arith.constant 1 : i32
      %dma_start3A_671 = arith.constant 0 : i32
      %dma_start3A_672 = arith.constant 0 : i32
      %dma_start3A_673 = tpu.memref_slice %arg7[%dma_start3A_670, %dma_start3A_671, %dma_start3A_672] : memref<4x32x131xf32, #tpu.memory_space<vmem>> -> memref<1x32x131xf32, #tpu.memory_space<vmem>>
      %dma_start3A_674 = tpu.memref_squeeze %dma_start3A_673 : memref<1x32x131xf32, #tpu.memory_space<vmem>> -> memref<32x131xf32, #tpu.memory_space<vmem>>
      %dma_start3A_675 = arith.constant 16 : i32
      %dma_start3A_676 = arith.constant 0 : i32
      %dma_start3A_677 = tpu.memref_slice %dma_start3A_674[%dma_start3A_675, %dma_start3A_676] : memref<32x131xf32, #tpu.memory_space<vmem>> -> memref<8x128xf32, #tpu.memory_space<vmem>>
      %dma_start3A_678 = arith.constant 0 : i32
      %dma_start3A_679 = tpu.memref_slice %arg4[%add3A_669, %dma_start3A_678] : memref<204800x128xf32, #tpu.memory_space<hbm>> -> memref<8x128xf32, #tpu.memory_space<hbm>>
      %dma_start3A_680 = arith.constant 0 : i32
      %dma_start3A_681 = tpu.memref_slice %arg4[%add3A_669, %dma_start3A_680] : memref<204800x128xf32, #tpu.memory_space<hbm>> -> memref<8x128xf32, #tpu.memory_space<hbm>>
      %dma_start3A_682 = arith.constant 0 : i32
      %dma_start3A_683 = arith.constant 0 : i32
      %dma_start3A_684 = tpu.memref_slice %arg7[%dma_start3A_670, %dma_start3A_682, %dma_start3A_683] : memref<4x32x131xf32, #tpu.memory_space<vmem>> -> memref<1x32x131xf32, #tpu.memory_space<vmem>>
      %dma_start3A_685 = tpu.memref_squeeze %dma_start3A_684 : memref<1x32x131xf32, #tpu.memory_space<vmem>> -> memref<32x131xf32, #tpu.memory_space<vmem>>
      %dma_start3A_686 = arith.constant 16 : i32
      %dma_start3A_687 = arith.constant 0 : i32
      %dma_start3A_688 = tpu.memref_slice %dma_start3A_685[%dma_start3A_686, %dma_start3A_687] : memref<32x131xf32, #tpu.memory_space<vmem>> -> memref<8x128xf32, #tpu.memory_space<vmem>>
      tpu.enqueue_dma source(%dma_start3A_688 : memref<8x128xf32, #tpu.memory_space<vmem>>) target(%dma_start3A_681 : memref<8x128xf32, #tpu.memory_space<hbm>>) target_semaphore(%arg9 : memref<!tpu.dma_semaphore, #tpu.memory_space<semaphore_mem>>)
      %add3A_689 = arith.constant 3072 : i32
      %add3A_690 = arith.addi %add3A_625, %add3A_689 : i32
      %dma_start3A_691 = arith.constant 1 : i32
      %dma_start3A_692 = arith.constant 0 : i32
      %dma_start3A_693 = arith.constant 0 : i32
      %dma_start3A_694 = tpu.memref_slice %arg7[%dma_start3A_691, %dma_start3A_692, %dma_start3A_693] : memref<4x32x131xf32, #tpu.memory_space<vmem>> -> memref<1x32x131xf32, #tpu.memory_space<vmem>>
      %dma_start3A_695 = tpu.memref_squeeze %dma_start3A_694 : memref<1x32x131xf32, #tpu.memory_space<vmem>> -> memref<32x131xf32, #tpu.memory_space<vmem>>
      %dma_start3A_696 = arith.constant 24 : i32
      %dma_start3A_697 = arith.constant 0 : i32
      %dma_start3A_698 = tpu.memref_slice %dma_start3A_695[%dma_start3A_696, %dma_start3A_697] : memref<32x131xf32, #tpu.memory_space<vmem>> -> memref<8x128xf32, #tpu.memory_space<vmem>>
      %dma_start3A_699 = arith.constant 0 : i32
      %dma_start3A_700 = tpu.memref_slice %arg4[%add3A_690, %dma_start3A_699] : memref<204800x128xf32, #tpu.memory_space<hbm>> -> memref<8x128xf32, #tpu.memory_space<hbm>>
      %dma_start3A_701 = arith.constant 0 : i32
      %dma_start3A_702 = tpu.memref_slice %arg4[%add3A_690, %dma_start3A_701] : memref<204800x128xf32, #tpu.memory_space<hbm>> -> memref<8x128xf32, #tpu.memory_space<hbm>>
      %dma_start3A_703 = arith.constant 0 : i32
      %dma_start3A_704 = arith.constant 0 : i32
      %dma_start3A_705 = tpu.memref_slice %arg7[%dma_start3A_691, %dma_start3A_703, %dma_start3A_704] : memref<4x32x131xf32, #tpu.memory_space<vmem>> -> memref<1x32x131xf32, #tpu.memory_space<vmem>>
      %dma_start3A_706 = tpu.memref_squeeze %dma_start3A_705 : memref<1x32x131xf32, #tpu.memory_space<vmem>> -> memref<32x131xf32, #tpu.memory_space<vmem>>
      %dma_start3A_707 = arith.constant 24 : i32
      %dma_start3A_708 = arith.constant 0 : i32
      %dma_start3A_709 = tpu.memref_slice %dma_start3A_706[%dma_start3A_707, %dma_start3A_708] : memref<32x131xf32, #tpu.memory_space<vmem>> -> memref<8x128xf32, #tpu.memory_space<vmem>>
      tpu.enqueue_dma source(%dma_start3A_709 : memref<8x128xf32, #tpu.memory_space<vmem>>) target(%dma_start3A_702 : memref<8x128xf32, #tpu.memory_space<hbm>>) target_semaphore(%arg9 : memref<!tpu.dma_semaphore, #tpu.memory_space<semaphore_mem>>)
      %add3A_710 = arith.constant 2 : i32
      %add3A_711 = arith.addi %add3A_381, %add3A_710 : i32
      %add3A_712 = arith.constant 4 : i32
      %add3A_713 = arith.addi %add3A_711, %add3A_712 : i32
      %sub3A_714 = arith.constant 1 : i32
      %sub3A_715 = arith.subi %add3A_713, %sub3A_714 : i32
      %lt3A_716 = arith.constant 200 : i32
      %lt3A_717 = arith.cmpi slt, %sub3A_715, %lt3A_716 : i32
      %convert_element_type3A_718 = arith.extui %lt3A_717 : i1 to i32
      %cond3A_719 = arith.constant 0 : i32
      %cond3A_720 = arith.cmpi ne, %convert_element_type3A_718, %cond3A_719 : i32
      scf.if %cond3A_720 {
        %add3A_1052 = arith.constant 4 : i32
        %add3A_1053 = arith.addi %add3A_711, %add3A_1052 : i32
        %sub3A_1054 = arith.constant 1 : i32
        %sub3A_1055 = arith.subi %add3A_1053, %sub3A_1054 : i32
        %jit3A_1056 = arith.constant 4 : i32
        %div3A_1057 = arith.divsi %sub3A_1055, %jit3A_1056 : i32
        %sign3A_1058 = arith.constant 0 : i32
        %sign3A_1059 = arith.cmpi sgt, %sub3A_1055, %sign3A_1058 : i32
        %sign3A_1060 = arith.extui %sign3A_1059 : i1 to i32
        %sign3A_1061 = arith.constant 0 : i32
        %sign3A_1062 = arith.cmpi slt, %sub3A_1055, %sign3A_1061 : i32
        %sign3A_1063 = arith.extui %sign3A_1062 : i1 to i32
        %sign3A_1064 = arith.subi %sign3A_1060, %sign3A_1063 : i32
        %sign3A_1065 = arith.constant 0 : i32
        %sign3A_1066 = arith.cmpi sgt, %jit3A_1056, %sign3A_1065 : i32
        %sign3A_1067 = arith.extui %sign3A_1066 : i1 to i32
        %sign3A_1068 = arith.constant 0 : i32
        %sign3A_1069 = arith.cmpi slt, %jit3A_1056, %sign3A_1068 : i32
        %sign3A_1070 = arith.extui %sign3A_1069 : i1 to i32
        %sign3A_1071 = arith.subi %sign3A_1067, %sign3A_1070 : i32
        %ne3A_1072 = arith.cmpi ne, %sign3A_1064, %sign3A_1071 : i32
        %rem3A_1073 = arith.remsi %sub3A_1055, %jit3A_1056 : i32
        %ne3A_1074 = arith.constant 0 : i32
        %ne3A_1075 = arith.cmpi ne, %rem3A_1073, %ne3A_1074 : i32
        %and3A_1076 = arith.andi %ne3A_1072, %ne3A_1075 : i1
        %sub3A_1077 = arith.constant 1 : i32
        %sub3A_1078 = arith.subi %div3A_1057, %sub3A_1077 : i32
        %select_n3A_1079 = arith.select %and3A_1076, %sub3A_1078, %div3A_1057 : i32
        %jit3A_1080 = arith.constant 4 : i32
        %eq3A_1081 = arith.constant 0 : i32
        %eq3A_1082 = arith.cmpi eq, %jit3A_1080, %eq3A_1081 : i32
        %jit3A_1083 = arith.constant 1 : i32
        %select_n3A_1084 = arith.select %eq3A_1082, %jit3A_1083, %jit3A_1080 : i32
        %rem3A_1085 = arith.remsi %sub3A_1055, %select_n3A_1084 : i32
        %ne3A_1086 = arith.constant 0 : i32
        %ne3A_1087 = arith.cmpi ne, %rem3A_1085, %ne3A_1086 : i32
        %lt3A_1088 = arith.constant 0 : i32
        %lt3A_1089 = arith.cmpi slt, %rem3A_1085, %lt3A_1088 : i32
        %lt3A_1090 = arith.constant 0 : i32
        %lt3A_1091 = arith.cmpi slt, %select_n3A_1084, %lt3A_1090 : i32
        %ne3A_1092 = arith.xori %lt3A_1089, %lt3A_1091 : i1
        %and3A_1093 = arith.andi %ne3A_1092, %ne3A_1087 : i1
        %add3A_1094 = arith.addi %rem3A_1085, %select_n3A_1084 : i32
        %select_n3A_1095 = arith.select %and3A_1093, %add3A_1094, %rem3A_1085 : i32
        %mul3A_1096 = arith.constant 128 : i32
        %mul3A_1097 = arith.muli %select_n3A_1095, %mul3A_1096 : i32
        %dma_start3A_1098 = arith.constant 1 : i32
        %dma_start3A_1099 = arith.constant 0 : i32
        %dma_start3A_1100 = arith.constant 0 : i32
        %dma_start3A_1101 = tpu.memref_slice %arg6[%dma_start3A_1098, %dma_start3A_1099, %dma_start3A_1100] : memref<4x128x32xf32, #tpu.memory_space<vmem>> -> memref<1x128x32xf32, #tpu.memory_space<vmem>>
        %dma_start3A_1102 = tpu.memref_squeeze %dma_start3A_1101 : memref<1x128x32xf32, #tpu.memory_space<vmem>> -> memref<128x32xf32, #tpu.memory_space<vmem>>
        %dma_start3A_1103 = tpu.memref_slice %arg5[%select_n3A_1079, %mul3A_1097] : memref<50x512xi32, #tpu.memory_space<vmem>> -> memref<1x128xi32, #tpu.memory_space<vmem>>
        %dma_start3A_1104 = tpu.memref_squeeze %dma_start3A_1103 : memref<1x128xi32, #tpu.memory_space<vmem>> -> memref<128xi32, #tpu.memory_space<vmem>>
        %dma_start3A_1105 = arith.constant 0 : i32
        %dma_start3A_1106 = arith.constant 0 : i32
        %dma_start3A_1107 = tpu.memref_slice %arg3[%dma_start3A_1105, %dma_start3A_1106] : memref<1000000x32xf32, #tpu.memory_space<hbm>> -> memref<1000000x32xf32, #tpu.memory_space<hbm>>
        tpu.enqueue_indirect_dma source(%dma_start3A_1107 : memref<1000000x32xf32, #tpu.memory_space<hbm>>) target(%dma_start3A_1102 : memref<128x32xf32, #tpu.memory_space<vmem>>) offsets(%dma_start3A_1104 : memref<128xi32, #tpu.memory_space<vmem>>) semaphore(%arg8 : memref<!tpu.dma_semaphore, #tpu.memory_space<semaphore_mem>>)
      } else {
      }
      %dma_wait3A_721 = arith.constant 0 : i32
      %dma_wait3A_722 = arith.constant 2 : i32
      %dma_wait3A_723 = arith.constant 0 : i32
      %dma_wait3A_724 = arith.constant 0 : i32
      %dma_wait3A_725 = tpu.memref_slice %arg6[%dma_wait3A_722, %dma_wait3A_723, %dma_wait3A_724] : memref<4x128x32xf32, #tpu.memory_space<vmem>> -> memref<1x128x32xf32, #tpu.memory_space<vmem>>
      %dma_wait3A_726 = tpu.memref_squeeze %dma_wait3A_725 : memref<1x128x32xf32, #tpu.memory_space<vmem>> -> memref<128x32xf32, #tpu.memory_space<vmem>>
      %dma_wait3A_727 = arith.constant 0 : i32
      %dma_wait3A_728 = tpu.memref_slice %arg5[%dma_wait3A_721, %dma_wait3A_727] : memref<50x512xi32, #tpu.memory_space<vmem>> -> memref<1x128xi32, #tpu.memory_space<vmem>>
      %dma_wait3A_729 = tpu.memref_squeeze %dma_wait3A_728 : memref<1x128xi32, #tpu.memory_space<vmem>> -> memref<128xi32, #tpu.memory_space<vmem>>
      %dma_wait3A_730 = arith.constant 0 : i32
      %dma_wait3A_731 = arith.constant 0 : i32
      %dma_wait3A_732 = tpu.memref_slice %arg3[%dma_wait3A_730, %dma_wait3A_731] : memref<1000000x32xf32, #tpu.memory_space<hbm>> -> memref<1000000x32xf32, #tpu.memory_space<hbm>>
      tpu.wait_indirect_dma semaphore(%arg8 : memref<!tpu.dma_semaphore, #tpu.memory_space<semaphore_mem>>) src(%dma_wait3A_732 : memref<1000000x32xf32, #tpu.memory_space<hbm>>) dst(%dma_wait3A_726 : memref<128x32xf32, #tpu.memory_space<vmem>>)
      %ge3A_733 = arith.constant 4 : i32
      %ge3A_734 = arith.cmpi sge, %add3A_711, %ge3A_733 : i32
      %convert_element_type3A_735 = arith.extui %ge3A_734 : i1 to i32
      %cond3A_736 = arith.constant 0 : i32
      %cond3A_737 = arith.cmpi ne, %convert_element_type3A_735, %cond3A_736 : i32
      scf.if %cond3A_737 {
        %dma_wait3A_1052 = arith.constant 2 : i32
        %dma_wait3A_1053 = arith.constant 0 : i32
        %dma_wait3A_1054 = arith.constant 0 : i32
        %dma_wait3A_1055 = tpu.memref_slice %arg7[%dma_wait3A_1052, %dma_wait3A_1053, %dma_wait3A_1054] : memref<4x32x131xf32, #tpu.memory_space<vmem>> -> memref<1x32x131xf32, #tpu.memory_space<vmem>>
        %dma_wait3A_1056 = tpu.memref_squeeze %dma_wait3A_1055 : memref<1x32x131xf32, #tpu.memory_space<vmem>> -> memref<32x131xf32, #tpu.memory_space<vmem>>
        %dma_wait3A_1057 = arith.constant 0 : i32
        %dma_wait3A_1058 = arith.constant 0 : i32
        %dma_wait3A_1059 = tpu.memref_slice %dma_wait3A_1056[%dma_wait3A_1057, %dma_wait3A_1058] : memref<32x131xf32, #tpu.memory_space<vmem>> -> memref<8x128xf32, #tpu.memory_space<vmem>>
        %dma_wait3A_1060 = arith.constant 0 : i32
        %dma_wait3A_1061 = arith.constant 0 : i32
        %dma_wait3A_1062 = tpu.memref_slice %arg4[%dma_wait3A_1060, %dma_wait3A_1061] : memref<204800x128xf32, #tpu.memory_space<hbm>> -> memref<8x128xf32, #tpu.memory_space<hbm>>
        %dma_wait3A_1063 = arith.constant 0 : i32
        %dma_wait3A_1064 = arith.constant 0 : i32
        %dma_wait3A_1065 = tpu.memref_slice %arg4[%dma_wait3A_1063, %dma_wait3A_1064] : memref<204800x128xf32, #tpu.memory_space<hbm>> -> memref<8x128xf32, #tpu.memory_space<hbm>>
        %dma_wait3A_1066 = arith.constant 0 : i32
        %dma_wait3A_1067 = arith.constant 0 : i32
        %dma_wait3A_1068 = tpu.memref_slice %arg7[%dma_wait3A_1052, %dma_wait3A_1066, %dma_wait3A_1067] : memref<4x32x131xf32, #tpu.memory_space<vmem>> -> memref<1x32x131xf32, #tpu.memory_space<vmem>>
        %dma_wait3A_1069 = tpu.memref_squeeze %dma_wait3A_1068 : memref<1x32x131xf32, #tpu.memory_space<vmem>> -> memref<32x131xf32, #tpu.memory_space<vmem>>
        %dma_wait3A_1070 = arith.constant 0 : i32
        %dma_wait3A_1071 = arith.constant 0 : i32
        %dma_wait3A_1072 = tpu.memref_slice %dma_wait3A_1069[%dma_wait3A_1070, %dma_wait3A_1071] : memref<32x131xf32, #tpu.memory_space<vmem>> -> memref<8x128xf32, #tpu.memory_space<vmem>>
        tpu.wait_dma2 semaphore(%arg9 : memref<!tpu.dma_semaphore, #tpu.memory_space<semaphore_mem>>) src(%dma_wait3A_1072 : memref<8x128xf32, #tpu.memory_space<vmem>>) dst(%dma_wait3A_1065 : memref<8x128xf32, #tpu.memory_space<hbm>>)
        %dma_wait3A_1073 = arith.constant 2 : i32
        %dma_wait3A_1074 = arith.constant 0 : i32
        %dma_wait3A_1075 = arith.constant 0 : i32
        %dma_wait3A_1076 = tpu.memref_slice %arg7[%dma_wait3A_1073, %dma_wait3A_1074, %dma_wait3A_1075] : memref<4x32x131xf32, #tpu.memory_space<vmem>> -> memref<1x32x131xf32, #tpu.memory_space<vmem>>
        %dma_wait3A_1077 = tpu.memref_squeeze %dma_wait3A_1076 : memref<1x32x131xf32, #tpu.memory_space<vmem>> -> memref<32x131xf32, #tpu.memory_space<vmem>>
        %dma_wait3A_1078 = arith.constant 8 : i32
        %dma_wait3A_1079 = arith.constant 0 : i32
        %dma_wait3A_1080 = tpu.memref_slice %dma_wait3A_1077[%dma_wait3A_1078, %dma_wait3A_1079] : memref<32x131xf32, #tpu.memory_space<vmem>> -> memref<8x128xf32, #tpu.memory_space<vmem>>
        %dma_wait3A_1081 = arith.constant 0 : i32
        %dma_wait3A_1082 = arith.constant 0 : i32
        %dma_wait3A_1083 = tpu.memref_slice %arg4[%dma_wait3A_1081, %dma_wait3A_1082] : memref<204800x128xf32, #tpu.memory_space<hbm>> -> memref<8x128xf32, #tpu.memory_space<hbm>>
        %dma_wait3A_1084 = arith.constant 0 : i32
        %dma_wait3A_1085 = arith.constant 0 : i32
        %dma_wait3A_1086 = tpu.memref_slice %arg4[%dma_wait3A_1084, %dma_wait3A_1085] : memref<204800x128xf32, #tpu.memory_space<hbm>> -> memref<8x128xf32, #tpu.memory_space<hbm>>
        %dma_wait3A_1087 = arith.constant 0 : i32
        %dma_wait3A_1088 = arith.constant 0 : i32
        %dma_wait3A_1089 = tpu.memref_slice %arg7[%dma_wait3A_1073, %dma_wait3A_1087, %dma_wait3A_1088] : memref<4x32x131xf32, #tpu.memory_space<vmem>> -> memref<1x32x131xf32, #tpu.memory_space<vmem>>
        %dma_wait3A_1090 = tpu.memref_squeeze %dma_wait3A_1089 : memref<1x32x131xf32, #tpu.memory_space<vmem>> -> memref<32x131xf32, #tpu.memory_space<vmem>>
        %dma_wait3A_1091 = arith.constant 8 : i32
        %dma_wait3A_1092 = arith.constant 0 : i32
        %dma_wait3A_1093 = tpu.memref_slice %dma_wait3A_1090[%dma_wait3A_1091, %dma_wait3A_1092] : memref<32x131xf32, #tpu.memory_space<vmem>> -> memref<8x128xf32, #tpu.memory_space<vmem>>
        tpu.wait_dma2 semaphore(%arg9 : memref<!tpu.dma_semaphore, #tpu.memory_space<semaphore_mem>>) src(%dma_wait3A_1093 : memref<8x128xf32, #tpu.memory_space<vmem>>) dst(%dma_wait3A_1086 : memref<8x128xf32, #tpu.memory_space<hbm>>)
        %dma_wait3A_1094 = arith.constant 2 : i32
        %dma_wait3A_1095 = arith.constant 0 : i32
        %dma_wait3A_1096 = arith.constant 0 : i32
        %dma_wait3A_1097 = tpu.memref_slice %arg7[%dma_wait3A_1094, %dma_wait3A_1095, %dma_wait3A_1096] : memref<4x32x131xf32, #tpu.memory_space<vmem>> -> memref<1x32x131xf32, #tpu.memory_space<vmem>>
        %dma_wait3A_1098 = tpu.memref_squeeze %dma_wait3A_1097 : memref<1x32x131xf32, #tpu.memory_space<vmem>> -> memref<32x131xf32, #tpu.memory_space<vmem>>
        %dma_wait3A_1099 = arith.constant 16 : i32
        %dma_wait3A_1100 = arith.constant 0 : i32
        %dma_wait3A_1101 = tpu.memref_slice %dma_wait3A_1098[%dma_wait3A_1099, %dma_wait3A_1100] : memref<32x131xf32, #tpu.memory_space<vmem>> -> memref<8x128xf32, #tpu.memory_space<vmem>>
        %dma_wait3A_1102 = arith.constant 0 : i32
        %dma_wait3A_1103 = arith.constant 0 : i32
        %dma_wait3A_1104 = tpu.memref_slice %arg4[%dma_wait3A_1102, %dma_wait3A_1103] : memref<204800x128xf32, #tpu.memory_space<hbm>> -> memref<8x128xf32, #tpu.memory_space<hbm>>
        %dma_wait3A_1105 = arith.constant 0 : i32
        %dma_wait3A_1106 = arith.constant 0 : i32
        %dma_wait3A_1107 = tpu.memref_slice %arg4[%dma_wait3A_1105, %dma_wait3A_1106] : memref<204800x128xf32, #tpu.memory_space<hbm>> -> memref<8x128xf32, #tpu.memory_space<hbm>>
        %dma_wait3A_1108 = arith.constant 0 : i32
        %dma_wait3A_1109 = arith.constant 0 : i32
        %dma_wait3A_1110 = tpu.memref_slice %arg7[%dma_wait3A_1094, %dma_wait3A_1108, %dma_wait3A_1109] : memref<4x32x131xf32, #tpu.memory_space<vmem>> -> memref<1x32x131xf32, #tpu.memory_space<vmem>>
        %dma_wait3A_1111 = tpu.memref_squeeze %dma_wait3A_1110 : memref<1x32x131xf32, #tpu.memory_space<vmem>> -> memref<32x131xf32, #tpu.memory_space<vmem>>
        %dma_wait3A_1112 = arith.constant 16 : i32
        %dma_wait3A_1113 = arith.constant 0 : i32
        %dma_wait3A_1114 = tpu.memref_slice %dma_wait3A_1111[%dma_wait3A_1112, %dma_wait3A_1113] : memref<32x131xf32, #tpu.memory_space<vmem>> -> memref<8x128xf32, #tpu.memory_space<vmem>>
        tpu.wait_dma2 semaphore(%arg9 : memref<!tpu.dma_semaphore, #tpu.memory_space<semaphore_mem>>) src(%dma_wait3A_1114 : memref<8x128xf32, #tpu.memory_space<vmem>>) dst(%dma_wait3A_1107 : memref<8x128xf32, #tpu.memory_space<hbm>>)
        %dma_wait3A_1115 = arith.constant 2 : i32
        %dma_wait3A_1116 = arith.constant 0 : i32
        %dma_wait3A_1117 = arith.constant 0 : i32
        %dma_wait3A_1118 = tpu.memref_slice %arg7[%dma_wait3A_1115, %dma_wait3A_1116, %dma_wait3A_1117] : memref<4x32x131xf32, #tpu.memory_space<vmem>> -> memref<1x32x131xf32, #tpu.memory_space<vmem>>
        %dma_wait3A_1119 = tpu.memref_squeeze %dma_wait3A_1118 : memref<1x32x131xf32, #tpu.memory_space<vmem>> -> memref<32x131xf32, #tpu.memory_space<vmem>>
        %dma_wait3A_1120 = arith.constant 24 : i32
        %dma_wait3A_1121 = arith.constant 0 : i32
        %dma_wait3A_1122 = tpu.memref_slice %dma_wait3A_1119[%dma_wait3A_1120, %dma_wait3A_1121] : memref<32x131xf32, #tpu.memory_space<vmem>> -> memref<8x128xf32, #tpu.memory_space<vmem>>
        %dma_wait3A_1123 = arith.constant 0 : i32
        %dma_wait3A_1124 = arith.constant 0 : i32
        %dma_wait3A_1125 = tpu.memref_slice %arg4[%dma_wait3A_1123, %dma_wait3A_1124] : memref<204800x128xf32, #tpu.memory_space<hbm>> -> memref<8x128xf32, #tpu.memory_space<hbm>>
        %dma_wait3A_1126 = arith.constant 0 : i32
        %dma_wait3A_1127 = arith.constant 0 : i32
        %dma_wait3A_1128 = tpu.memref_slice %arg4[%dma_wait3A_1126, %dma_wait3A_1127] : memref<204800x128xf32, #tpu.memory_space<hbm>> -> memref<8x128xf32, #tpu.memory_space<hbm>>
        %dma_wait3A_1129 = arith.constant 0 : i32
        %dma_wait3A_1130 = arith.constant 0 : i32
        %dma_wait3A_1131 = tpu.memref_slice %arg7[%dma_wait3A_1115, %dma_wait3A_1129, %dma_wait3A_1130] : memref<4x32x131xf32, #tpu.memory_space<vmem>> -> memref<1x32x131xf32, #tpu.memory_space<vmem>>
        %dma_wait3A_1132 = tpu.memref_squeeze %dma_wait3A_1131 : memref<1x32x131xf32, #tpu.memory_space<vmem>> -> memref<32x131xf32, #tpu.memory_space<vmem>>
        %dma_wait3A_1133 = arith.constant 24 : i32
        %dma_wait3A_1134 = arith.constant 0 : i32
        %dma_wait3A_1135 = tpu.memref_slice %dma_wait3A_1132[%dma_wait3A_1133, %dma_wait3A_1134] : memref<32x131xf32, #tpu.memory_space<vmem>> -> memref<8x128xf32, #tpu.memory_space<vmem>>
        tpu.wait_dma2 semaphore(%arg9 : memref<!tpu.dma_semaphore, #tpu.memory_space<semaphore_mem>>) src(%dma_wait3A_1135 : memref<8x128xf32, #tpu.memory_space<vmem>>) dst(%dma_wait3A_1128 : memref<8x128xf32, #tpu.memory_space<hbm>>)
      } else {
      }
      %iota3A_738 = tpu.iota {dimensions = array<i32: 0>} : vector<16xi32>
      %add3A_739 = arith.constant 16 : i32
      %add3A_740 = vector.broadcast %add3A_739 : i32 to vector<16xi32>
      %add3A_741 = arith.addi %iota3A_738, %add3A_740 : vector<16xi32>
      %scan3A_742 = arith.constant 2 : i32
      %scan3A_743 = arith.constant 2 : i32
      %scan3A_744 = arith.constant 0 : i32
      %scan3A_745 = arith.constant 16 : i32
      %scan3A_746 = arith.addi %scan3A_744, %scan3A_745 : i32
      %scan3A_747 = arith.constant 1 : i32
      scf.for %scan3A_1052 = %scan3A_744 to %scan3A_746 step %scan3A_747  : i32 {
        %mul3A_1053 = arith.constant 8 : i32
        %mul3A_1054 = arith.muli %scan3A_1052, %mul3A_1053 : i32
        %add3A_1055 = arith.constant 0 : i32
        %add3A_1056 = arith.addi %add3A_1055, %mul3A_1054 : i32
        %add3A_1057 = arith.constant 0 : i32
        %add3A_1058 = arith.addi %add3A_1056, %add3A_1057 : i32
        %broadcast_in_dim3A = vector.broadcast %add3A_1058 : i32 to vector<16xi32>
        %get3A = arith.constant 0 : i32
        %get3A_1059 = arith.constant 0 : i32
        %get3A_1060 = tpu.memref_slice %arg6[%scan3A_742, %get3A, %get3A_1059] : memref<4x128x32xf32, #tpu.memory_space<vmem>> -> memref<1x128x32xf32, #tpu.memory_space<vmem>>
        %get3A_1061 = tpu.memref_squeeze %get3A_1060 : memref<1x128x32xf32, #tpu.memory_space<vmem>> -> memref<128x32xf32, #tpu.memory_space<vmem>>
        %get3A_1062 = arith.index_cast %add3A_1058 : i32 to index
        %get3A_1063 = arith.constant 0 : index
        %get3A_1064 = tpu.vector_load %get3A_1061[%get3A_1062, %get3A_1063] {strides = array<i32>} : memref<128x32xf32, #tpu.memory_space<vmem>>, vector<16xf32>,
        %get3A_1065 = arith.constant 0 : i32
        %get3A_1066 = arith.constant 0 : i32
        %get3A_1067 = tpu.memref_slice %arg6[%scan3A_742, %get3A_1065, %get3A_1066] : memref<4x128x32xf32, #tpu.memory_space<vmem>> -> memref<1x128x32xf32, #tpu.memory_space<vmem>>
        %get3A_1068 = tpu.memref_squeeze %get3A_1067 : memref<1x128x32xf32, #tpu.memory_space<vmem>> -> memref<128x32xf32, #tpu.memory_space<vmem>>
        %get3A_1069 = arith.index_cast %add3A_1058 : i32 to index
        %get3A_1070 = arith.constant 16 : index
        %get3A_1071 = tpu.vector_load %get3A_1068[%get3A_1069, %get3A_1070] {strides = array<i32>} : memref<128x32xf32, #tpu.memory_space<vmem>>, vector<16xf32>,
        %scatter3A = arith.constant 0 : i32
        %scatter3A_1072 = arith.constant 0 : i32
        %scatter3A_1073 = tpu.memref_slice %arg7[%scan3A_743, %scatter3A, %scatter3A_1072] : memref<4x32x131xf32, #tpu.memory_space<vmem>> -> memref<1x32x131xf32, #tpu.memory_space<vmem>>
        %scatter3A_1074 = tpu.memref_squeeze %scatter3A_1073 : memref<1x32x131xf32, #tpu.memory_space<vmem>> -> memref<32x131xf32, #tpu.memory_space<vmem>>
        tpu.vector_store_idx %scatter3A_1074[%iota3A_738, %broadcast_in_dim3A], %get3A_1064 : memref<32x131xf32, #tpu.memory_space<vmem>>[vector<16xi32>, vector<16xi32>], vector<16xf32>,
        %scatter3A_1075 = arith.constant 0 : i32
        %scatter3A_1076 = arith.constant 0 : i32
        %scatter3A_1077 = tpu.memref_slice %arg7[%scan3A_743, %scatter3A_1075, %scatter3A_1076] : memref<4x32x131xf32, #tpu.memory_space<vmem>> -> memref<1x32x131xf32, #tpu.memory_space<vmem>>
        %scatter3A_1078 = tpu.memref_squeeze %scatter3A_1077 : memref<1x32x131xf32, #tpu.memory_space<vmem>> -> memref<32x131xf32, #tpu.memory_space<vmem>>
        tpu.vector_store_idx %scatter3A_1078[%add3A_741, %broadcast_in_dim3A], %get3A_1071 : memref<32x131xf32, #tpu.memory_space<vmem>>[vector<16xi32>, vector<16xi32>], vector<16xf32>,
        %add3A_1079 = arith.constant 1 : i32
        %add3A_1080 = arith.addi %add3A_1056, %add3A_1079 : i32
        %broadcast_in_dim3A_1081 = vector.broadcast %add3A_1080 : i32 to vector<16xi32>
        %get3A_1082 = arith.constant 0 : i32
        %get3A_1083 = arith.constant 0 : i32
        %get3A_1084 = tpu.memref_slice %arg6[%scan3A_742, %get3A_1082, %get3A_1083] : memref<4x128x32xf32, #tpu.memory_space<vmem>> -> memref<1x128x32xf32, #tpu.memory_space<vmem>>
        %get3A_1085 = tpu.memref_squeeze %get3A_1084 : memref<1x128x32xf32, #tpu.memory_space<vmem>> -> memref<128x32xf32, #tpu.memory_space<vmem>>
        %get3A_1086 = arith.index_cast %add3A_1080 : i32 to index
        %get3A_1087 = arith.constant 0 : index
        %get3A_1088 = tpu.vector_load %get3A_1085[%get3A_1086, %get3A_1087] {strides = array<i32>} : memref<128x32xf32, #tpu.memory_space<vmem>>, vector<16xf32>,
        %get3A_1089 = arith.constant 0 : i32
        %get3A_1090 = arith.constant 0 : i32
        %get3A_1091 = tpu.memref_slice %arg6[%scan3A_742, %get3A_1089, %get3A_1090] : memref<4x128x32xf32, #tpu.memory_space<vmem>> -> memref<1x128x32xf32, #tpu.memory_space<vmem>>
        %get3A_1092 = tpu.memref_squeeze %get3A_1091 : memref<1x128x32xf32, #tpu.memory_space<vmem>> -> memref<128x32xf32, #tpu.memory_space<vmem>>
        %get3A_1093 = arith.index_cast %add3A_1080 : i32 to index
        %get3A_1094 = arith.constant 16 : index
        %get3A_1095 = tpu.vector_load %get3A_1092[%get3A_1093, %get3A_1094] {strides = array<i32>} : memref<128x32xf32, #tpu.memory_space<vmem>>, vector<16xf32>,
        %scatter3A_1096 = arith.constant 0 : i32
        %scatter3A_1097 = arith.constant 0 : i32
        %scatter3A_1098 = tpu.memref_slice %arg7[%scan3A_743, %scatter3A_1096, %scatter3A_1097] : memref<4x32x131xf32, #tpu.memory_space<vmem>> -> memref<1x32x131xf32, #tpu.memory_space<vmem>>
        %scatter3A_1099 = tpu.memref_squeeze %scatter3A_1098 : memref<1x32x131xf32, #tpu.memory_space<vmem>> -> memref<32x131xf32, #tpu.memory_space<vmem>>
        tpu.vector_store_idx %scatter3A_1099[%iota3A_738, %broadcast_in_dim3A_1081], %get3A_1088 : memref<32x131xf32, #tpu.memory_space<vmem>>[vector<16xi32>, vector<16xi32>], vector<16xf32>,
        %scatter3A_1100 = arith.constant 0 : i32
        %scatter3A_1101 = arith.constant 0 : i32
        %scatter3A_1102 = tpu.memref_slice %arg7[%scan3A_743, %scatter3A_1100, %scatter3A_1101] : memref<4x32x131xf32, #tpu.memory_space<vmem>> -> memref<1x32x131xf32, #tpu.memory_space<vmem>>
        %scatter3A_1103 = tpu.memref_squeeze %scatter3A_1102 : memref<1x32x131xf32, #tpu.memory_space<vmem>> -> memref<32x131xf32, #tpu.memory_space<vmem>>
        tpu.vector_store_idx %scatter3A_1103[%add3A_741, %broadcast_in_dim3A_1081], %get3A_1095 : memref<32x131xf32, #tpu.memory_space<vmem>>[vector<16xi32>, vector<16xi32>], vector<16xf32>,
        %add3A_1104 = arith.constant 2 : i32
        %add3A_1105 = arith.addi %add3A_1056, %add3A_1104 : i32
        %broadcast_in_dim3A_1106 = vector.broadcast %add3A_1105 : i32 to vector<16xi32>
        %get3A_1107 = arith.constant 0 : i32
        %get3A_1108 = arith.constant 0 : i32
        %get3A_1109 = tpu.memref_slice %arg6[%scan3A_742, %get3A_1107, %get3A_1108] : memref<4x128x32xf32, #tpu.memory_space<vmem>> -> memref<1x128x32xf32, #tpu.memory_space<vmem>>
        %get3A_1110 = tpu.memref_squeeze %get3A_1109 : memref<1x128x32xf32, #tpu.memory_space<vmem>> -> memref<128x32xf32, #tpu.memory_space<vmem>>
        %get3A_1111 = arith.index_cast %add3A_1105 : i32 to index
        %get3A_1112 = arith.constant 0 : index
        %get3A_1113 = tpu.vector_load %get3A_1110[%get3A_1111, %get3A_1112] {strides = array<i32>} : memref<128x32xf32, #tpu.memory_space<vmem>>, vector<16xf32>,
        %get3A_1114 = arith.constant 0 : i32
        %get3A_1115 = arith.constant 0 : i32
        %get3A_1116 = tpu.memref_slice %arg6[%scan3A_742, %get3A_1114, %get3A_1115] : memref<4x128x32xf32, #tpu.memory_space<vmem>> -> memref<1x128x32xf32, #tpu.memory_space<vmem>>
        %get3A_1117 = tpu.memref_squeeze %get3A_1116 : memref<1x128x32xf32, #tpu.memory_space<vmem>> -> memref<128x32xf32, #tpu.memory_space<vmem>>
        %get3A_1118 = arith.index_cast %add3A_1105 : i32 to index
        %get3A_1119 = arith.constant 16 : index
        %get3A_1120 = tpu.vector_load %get3A_1117[%get3A_1118, %get3A_1119] {strides = array<i32>} : memref<128x32xf32, #tpu.memory_space<vmem>>, vector<16xf32>,
        %scatter3A_1121 = arith.constant 0 : i32
        %scatter3A_1122 = arith.constant 0 : i32
        %scatter3A_1123 = tpu.memref_slice %arg7[%scan3A_743, %scatter3A_1121, %scatter3A_1122] : memref<4x32x131xf32, #tpu.memory_space<vmem>> -> memref<1x32x131xf32, #tpu.memory_space<vmem>>
        %scatter3A_1124 = tpu.memref_squeeze %scatter3A_1123 : memref<1x32x131xf32, #tpu.memory_space<vmem>> -> memref<32x131xf32, #tpu.memory_space<vmem>>
        tpu.vector_store_idx %scatter3A_1124[%iota3A_738, %broadcast_in_dim3A_1106], %get3A_1113 : memref<32x131xf32, #tpu.memory_space<vmem>>[vector<16xi32>, vector<16xi32>], vector<16xf32>,
        %scatter3A_1125 = arith.constant 0 : i32
        %scatter3A_1126 = arith.constant 0 : i32
        %scatter3A_1127 = tpu.memref_slice %arg7[%scan3A_743, %scatter3A_1125, %scatter3A_1126] : memref<4x32x131xf32, #tpu.memory_space<vmem>> -> memref<1x32x131xf32, #tpu.memory_space<vmem>>
        %scatter3A_1128 = tpu.memref_squeeze %scatter3A_1127 : memref<1x32x131xf32, #tpu.memory_space<vmem>> -> memref<32x131xf32, #tpu.memory_space<vmem>>
        tpu.vector_store_idx %scatter3A_1128[%add3A_741, %broadcast_in_dim3A_1106], %get3A_1120 : memref<32x131xf32, #tpu.memory_space<vmem>>[vector<16xi32>, vector<16xi32>], vector<16xf32>,
        %add3A_1129 = arith.constant 3 : i32
        %add3A_1130 = arith.addi %add3A_1056, %add3A_1129 : i32
        %broadcast_in_dim3A_1131 = vector.broadcast %add3A_1130 : i32 to vector<16xi32>
        %get3A_1132 = arith.constant 0 : i32
        %get3A_1133 = arith.constant 0 : i32
        %get3A_1134 = tpu.memref_slice %arg6[%scan3A_742, %get3A_1132, %get3A_1133] : memref<4x128x32xf32, #tpu.memory_space<vmem>> -> memref<1x128x32xf32, #tpu.memory_space<vmem>>
        %get3A_1135 = tpu.memref_squeeze %get3A_1134 : memref<1x128x32xf32, #tpu.memory_space<vmem>> -> memref<128x32xf32, #tpu.memory_space<vmem>>
        %get3A_1136 = arith.index_cast %add3A_1130 : i32 to index
        %get3A_1137 = arith.constant 0 : index
        %get3A_1138 = tpu.vector_load %get3A_1135[%get3A_1136, %get3A_1137] {strides = array<i32>} : memref<128x32xf32, #tpu.memory_space<vmem>>, vector<16xf32>,
        %get3A_1139 = arith.constant 0 : i32
        %get3A_1140 = arith.constant 0 : i32
        %get3A_1141 = tpu.memref_slice %arg6[%scan3A_742, %get3A_1139, %get3A_1140] : memref<4x128x32xf32, #tpu.memory_space<vmem>> -> memref<1x128x32xf32, #tpu.memory_space<vmem>>
        %get3A_1142 = tpu.memref_squeeze %get3A_1141 : memref<1x128x32xf32, #tpu.memory_space<vmem>> -> memref<128x32xf32, #tpu.memory_space<vmem>>
        %get3A_1143 = arith.index_cast %add3A_1130 : i32 to index
        %get3A_1144 = arith.constant 16 : index
        %get3A_1145 = tpu.vector_load %get3A_1142[%get3A_1143, %get3A_1144] {strides = array<i32>} : memref<128x32xf32, #tpu.memory_space<vmem>>, vector<16xf32>,
        %scatter3A_1146 = arith.constant 0 : i32
        %scatter3A_1147 = arith.constant 0 : i32
        %scatter3A_1148 = tpu.memref_slice %arg7[%scan3A_743, %scatter3A_1146, %scatter3A_1147] : memref<4x32x131xf32, #tpu.memory_space<vmem>> -> memref<1x32x131xf32, #tpu.memory_space<vmem>>
        %scatter3A_1149 = tpu.memref_squeeze %scatter3A_1148 : memref<1x32x131xf32, #tpu.memory_space<vmem>> -> memref<32x131xf32, #tpu.memory_space<vmem>>
        tpu.vector_store_idx %scatter3A_1149[%iota3A_738, %broadcast_in_dim3A_1131], %get3A_1138 : memref<32x131xf32, #tpu.memory_space<vmem>>[vector<16xi32>, vector<16xi32>], vector<16xf32>,
        %scatter3A_1150 = arith.constant 0 : i32
        %scatter3A_1151 = arith.constant 0 : i32
        %scatter3A_1152 = tpu.memref_slice %arg7[%scan3A_743, %scatter3A_1150, %scatter3A_1151] : memref<4x32x131xf32, #tpu.memory_space<vmem>> -> memref<1x32x131xf32, #tpu.memory_space<vmem>>
        %scatter3A_1153 = tpu.memref_squeeze %scatter3A_1152 : memref<1x32x131xf32, #tpu.memory_space<vmem>> -> memref<32x131xf32, #tpu.memory_space<vmem>>
        tpu.vector_store_idx %scatter3A_1153[%add3A_741, %broadcast_in_dim3A_1131], %get3A_1145 : memref<32x131xf32, #tpu.memory_space<vmem>>[vector<16xi32>, vector<16xi32>], vector<16xf32>,
        %add3A_1154 = arith.constant 4 : i32
        %add3A_1155 = arith.addi %add3A_1056, %add3A_1154 : i32
        %broadcast_in_dim3A_1156 = vector.broadcast %add3A_1155 : i32 to vector<16xi32>
        %get3A_1157 = arith.constant 0 : i32
        %get3A_1158 = arith.constant 0 : i32
        %get3A_1159 = tpu.memref_slice %arg6[%scan3A_742, %get3A_1157, %get3A_1158] : memref<4x128x32xf32, #tpu.memory_space<vmem>> -> memref<1x128x32xf32, #tpu.memory_space<vmem>>
        %get3A_1160 = tpu.memref_squeeze %get3A_1159 : memref<1x128x32xf32, #tpu.memory_space<vmem>> -> memref<128x32xf32, #tpu.memory_space<vmem>>
        %get3A_1161 = arith.index_cast %add3A_1155 : i32 to index
        %get3A_1162 = arith.constant 0 : index
        %get3A_1163 = tpu.vector_load %get3A_1160[%get3A_1161, %get3A_1162] {strides = array<i32>} : memref<128x32xf32, #tpu.memory_space<vmem>>, vector<16xf32>,
        %get3A_1164 = arith.constant 0 : i32
        %get3A_1165 = arith.constant 0 : i32
        %get3A_1166 = tpu.memref_slice %arg6[%scan3A_742, %get3A_1164, %get3A_1165] : memref<4x128x32xf32, #tpu.memory_space<vmem>> -> memref<1x128x32xf32, #tpu.memory_space<vmem>>
        %get3A_1167 = tpu.memref_squeeze %get3A_1166 : memref<1x128x32xf32, #tpu.memory_space<vmem>> -> memref<128x32xf32, #tpu.memory_space<vmem>>
        %get3A_1168 = arith.index_cast %add3A_1155 : i32 to index
        %get3A_1169 = arith.constant 16 : index
        %get3A_1170 = tpu.vector_load %get3A_1167[%get3A_1168, %get3A_1169] {strides = array<i32>} : memref<128x32xf32, #tpu.memory_space<vmem>>, vector<16xf32>,
        %scatter3A_1171 = arith.constant 0 : i32
        %scatter3A_1172 = arith.constant 0 : i32
        %scatter3A_1173 = tpu.memref_slice %arg7[%scan3A_743, %scatter3A_1171, %scatter3A_1172] : memref<4x32x131xf32, #tpu.memory_space<vmem>> -> memref<1x32x131xf32, #tpu.memory_space<vmem>>
        %scatter3A_1174 = tpu.memref_squeeze %scatter3A_1173 : memref<1x32x131xf32, #tpu.memory_space<vmem>> -> memref<32x131xf32, #tpu.memory_space<vmem>>
        tpu.vector_store_idx %scatter3A_1174[%iota3A_738, %broadcast_in_dim3A_1156], %get3A_1163 : memref<32x131xf32, #tpu.memory_space<vmem>>[vector<16xi32>, vector<16xi32>], vector<16xf32>,
        %scatter3A_1175 = arith.constant 0 : i32
        %scatter3A_1176 = arith.constant 0 : i32
        %scatter3A_1177 = tpu.memref_slice %arg7[%scan3A_743, %scatter3A_1175, %scatter3A_1176] : memref<4x32x131xf32, #tpu.memory_space<vmem>> -> memref<1x32x131xf32, #tpu.memory_space<vmem>>
        %scatter3A_1178 = tpu.memref_squeeze %scatter3A_1177 : memref<1x32x131xf32, #tpu.memory_space<vmem>> -> memref<32x131xf32, #tpu.memory_space<vmem>>
        tpu.vector_store_idx %scatter3A_1178[%add3A_741, %broadcast_in_dim3A_1156], %get3A_1170 : memref<32x131xf32, #tpu.memory_space<vmem>>[vector<16xi32>, vector<16xi32>], vector<16xf32>,
        %add3A_1179 = arith.constant 5 : i32
        %add3A_1180 = arith.addi %add3A_1056, %add3A_1179 : i32
        %broadcast_in_dim3A_1181 = vector.broadcast %add3A_1180 : i32 to vector<16xi32>
        %get3A_1182 = arith.constant 0 : i32
        %get3A_1183 = arith.constant 0 : i32
        %get3A_1184 = tpu.memref_slice %arg6[%scan3A_742, %get3A_1182, %get3A_1183] : memref<4x128x32xf32, #tpu.memory_space<vmem>> -> memref<1x128x32xf32, #tpu.memory_space<vmem>>
        %get3A_1185 = tpu.memref_squeeze %get3A_1184 : memref<1x128x32xf32, #tpu.memory_space<vmem>> -> memref<128x32xf32, #tpu.memory_space<vmem>>
        %get3A_1186 = arith.index_cast %add3A_1180 : i32 to index
        %get3A_1187 = arith.constant 0 : index
        %get3A_1188 = tpu.vector_load %get3A_1185[%get3A_1186, %get3A_1187] {strides = array<i32>} : memref<128x32xf32, #tpu.memory_space<vmem>>, vector<16xf32>,
        %get3A_1189 = arith.constant 0 : i32
        %get3A_1190 = arith.constant 0 : i32
        %get3A_1191 = tpu.memref_slice %arg6[%scan3A_742, %get3A_1189, %get3A_1190] : memref<4x128x32xf32, #tpu.memory_space<vmem>> -> memref<1x128x32xf32, #tpu.memory_space<vmem>>
        %get3A_1192 = tpu.memref_squeeze %get3A_1191 : memref<1x128x32xf32, #tpu.memory_space<vmem>> -> memref<128x32xf32, #tpu.memory_space<vmem>>
        %get3A_1193 = arith.index_cast %add3A_1180 : i32 to index
        %get3A_1194 = arith.constant 16 : index
        %get3A_1195 = tpu.vector_load %get3A_1192[%get3A_1193, %get3A_1194] {strides = array<i32>} : memref<128x32xf32, #tpu.memory_space<vmem>>, vector<16xf32>,
        %scatter3A_1196 = arith.constant 0 : i32
        %scatter3A_1197 = arith.constant 0 : i32
        %scatter3A_1198 = tpu.memref_slice %arg7[%scan3A_743, %scatter3A_1196, %scatter3A_1197] : memref<4x32x131xf32, #tpu.memory_space<vmem>> -> memref<1x32x131xf32, #tpu.memory_space<vmem>>
        %scatter3A_1199 = tpu.memref_squeeze %scatter3A_1198 : memref<1x32x131xf32, #tpu.memory_space<vmem>> -> memref<32x131xf32, #tpu.memory_space<vmem>>
        tpu.vector_store_idx %scatter3A_1199[%iota3A_738, %broadcast_in_dim3A_1181], %get3A_1188 : memref<32x131xf32, #tpu.memory_space<vmem>>[vector<16xi32>, vector<16xi32>], vector<16xf32>,
        %scatter3A_1200 = arith.constant 0 : i32
        %scatter3A_1201 = arith.constant 0 : i32
        %scatter3A_1202 = tpu.memref_slice %arg7[%scan3A_743, %scatter3A_1200, %scatter3A_1201] : memref<4x32x131xf32, #tpu.memory_space<vmem>> -> memref<1x32x131xf32, #tpu.memory_space<vmem>>
        %scatter3A_1203 = tpu.memref_squeeze %scatter3A_1202 : memref<1x32x131xf32, #tpu.memory_space<vmem>> -> memref<32x131xf32, #tpu.memory_space<vmem>>
        tpu.vector_store_idx %scatter3A_1203[%add3A_741, %broadcast_in_dim3A_1181], %get3A_1195 : memref<32x131xf32, #tpu.memory_space<vmem>>[vector<16xi32>, vector<16xi32>], vector<16xf32>,
        %add3A_1204 = arith.constant 6 : i32
        %add3A_1205 = arith.addi %add3A_1056, %add3A_1204 : i32
        %broadcast_in_dim3A_1206 = vector.broadcast %add3A_1205 : i32 to vector<16xi32>
        %get3A_1207 = arith.constant 0 : i32
        %get3A_1208 = arith.constant 0 : i32
        %get3A_1209 = tpu.memref_slice %arg6[%scan3A_742, %get3A_1207, %get3A_1208] : memref<4x128x32xf32, #tpu.memory_space<vmem>> -> memref<1x128x32xf32, #tpu.memory_space<vmem>>
        %get3A_1210 = tpu.memref_squeeze %get3A_1209 : memref<1x128x32xf32, #tpu.memory_space<vmem>> -> memref<128x32xf32, #tpu.memory_space<vmem>>
        %get3A_1211 = arith.index_cast %add3A_1205 : i32 to index
        %get3A_1212 = arith.constant 0 : index
        %get3A_1213 = tpu.vector_load %get3A_1210[%get3A_1211, %get3A_1212] {strides = array<i32>} : memref<128x32xf32, #tpu.memory_space<vmem>>, vector<16xf32>,
        %get3A_1214 = arith.constant 0 : i32
        %get3A_1215 = arith.constant 0 : i32
        %get3A_1216 = tpu.memref_slice %arg6[%scan3A_742, %get3A_1214, %get3A_1215] : memref<4x128x32xf32, #tpu.memory_space<vmem>> -> memref<1x128x32xf32, #tpu.memory_space<vmem>>
        %get3A_1217 = tpu.memref_squeeze %get3A_1216 : memref<1x128x32xf32, #tpu.memory_space<vmem>> -> memref<128x32xf32, #tpu.memory_space<vmem>>
        %get3A_1218 = arith.index_cast %add3A_1205 : i32 to index
        %get3A_1219 = arith.constant 16 : index
        %get3A_1220 = tpu.vector_load %get3A_1217[%get3A_1218, %get3A_1219] {strides = array<i32>} : memref<128x32xf32, #tpu.memory_space<vmem>>, vector<16xf32>,
        %scatter3A_1221 = arith.constant 0 : i32
        %scatter3A_1222 = arith.constant 0 : i32
        %scatter3A_1223 = tpu.memref_slice %arg7[%scan3A_743, %scatter3A_1221, %scatter3A_1222] : memref<4x32x131xf32, #tpu.memory_space<vmem>> -> memref<1x32x131xf32, #tpu.memory_space<vmem>>
        %scatter3A_1224 = tpu.memref_squeeze %scatter3A_1223 : memref<1x32x131xf32, #tpu.memory_space<vmem>> -> memref<32x131xf32, #tpu.memory_space<vmem>>
        tpu.vector_store_idx %scatter3A_1224[%iota3A_738, %broadcast_in_dim3A_1206], %get3A_1213 : memref<32x131xf32, #tpu.memory_space<vmem>>[vector<16xi32>, vector<16xi32>], vector<16xf32>,
        %scatter3A_1225 = arith.constant 0 : i32
        %scatter3A_1226 = arith.constant 0 : i32
        %scatter3A_1227 = tpu.memref_slice %arg7[%scan3A_743, %scatter3A_1225, %scatter3A_1226] : memref<4x32x131xf32, #tpu.memory_space<vmem>> -> memref<1x32x131xf32, #tpu.memory_space<vmem>>
        %scatter3A_1228 = tpu.memref_squeeze %scatter3A_1227 : memref<1x32x131xf32, #tpu.memory_space<vmem>> -> memref<32x131xf32, #tpu.memory_space<vmem>>
        tpu.vector_store_idx %scatter3A_1228[%add3A_741, %broadcast_in_dim3A_1206], %get3A_1220 : memref<32x131xf32, #tpu.memory_space<vmem>>[vector<16xi32>, vector<16xi32>], vector<16xf32>,
        %add3A_1229 = arith.constant 7 : i32
        %add3A_1230 = arith.addi %add3A_1056, %add3A_1229 : i32
        %broadcast_in_dim3A_1231 = vector.broadcast %add3A_1230 : i32 to vector<16xi32>
        %get3A_1232 = arith.constant 0 : i32
        %get3A_1233 = arith.constant 0 : i32
        %get3A_1234 = tpu.memref_slice %arg6[%scan3A_742, %get3A_1232, %get3A_1233] : memref<4x128x32xf32, #tpu.memory_space<vmem>> -> memref<1x128x32xf32, #tpu.memory_space<vmem>>
        %get3A_1235 = tpu.memref_squeeze %get3A_1234 : memref<1x128x32xf32, #tpu.memory_space<vmem>> -> memref<128x32xf32, #tpu.memory_space<vmem>>
        %get3A_1236 = arith.index_cast %add3A_1230 : i32 to index
        %get3A_1237 = arith.constant 0 : index
        %get3A_1238 = tpu.vector_load %get3A_1235[%get3A_1236, %get3A_1237] {strides = array<i32>} : memref<128x32xf32, #tpu.memory_space<vmem>>, vector<16xf32>,
        %get3A_1239 = arith.constant 0 : i32
        %get3A_1240 = arith.constant 0 : i32
        %get3A_1241 = tpu.memref_slice %arg6[%scan3A_742, %get3A_1239, %get3A_1240] : memref<4x128x32xf32, #tpu.memory_space<vmem>> -> memref<1x128x32xf32, #tpu.memory_space<vmem>>
        %get3A_1242 = tpu.memref_squeeze %get3A_1241 : memref<1x128x32xf32, #tpu.memory_space<vmem>> -> memref<128x32xf32, #tpu.memory_space<vmem>>
        %get3A_1243 = arith.index_cast %add3A_1230 : i32 to index
        %get3A_1244 = arith.constant 16 : index
        %get3A_1245 = tpu.vector_load %get3A_1242[%get3A_1243, %get3A_1244] {strides = array<i32>} : memref<128x32xf32, #tpu.memory_space<vmem>>, vector<16xf32>,
        %scatter3A_1246 = arith.constant 0 : i32
        %scatter3A_1247 = arith.constant 0 : i32
        %scatter3A_1248 = tpu.memref_slice %arg7[%scan3A_743, %scatter3A_1246, %scatter3A_1247] : memref<4x32x131xf32, #tpu.memory_space<vmem>> -> memref<1x32x131xf32, #tpu.memory_space<vmem>>
        %scatter3A_1249 = tpu.memref_squeeze %scatter3A_1248 : memref<1x32x131xf32, #tpu.memory_space<vmem>> -> memref<32x131xf32, #tpu.memory_space<vmem>>
        tpu.vector_store_idx %scatter3A_1249[%iota3A_738, %broadcast_in_dim3A_1231], %get3A_1238 : memref<32x131xf32, #tpu.memory_space<vmem>>[vector<16xi32>, vector<16xi32>], vector<16xf32>,
        %scatter3A_1250 = arith.constant 0 : i32
        %scatter3A_1251 = arith.constant 0 : i32
        %scatter3A_1252 = tpu.memref_slice %arg7[%scan3A_743, %scatter3A_1250, %scatter3A_1251] : memref<4x32x131xf32, #tpu.memory_space<vmem>> -> memref<1x32x131xf32, #tpu.memory_space<vmem>>
        %scatter3A_1253 = tpu.memref_squeeze %scatter3A_1252 : memref<1x32x131xf32, #tpu.memory_space<vmem>> -> memref<32x131xf32, #tpu.memory_space<vmem>>
        tpu.vector_store_idx %scatter3A_1253[%add3A_741, %broadcast_in_dim3A_1231], %get3A_1245 : memref<32x131xf32, #tpu.memory_space<vmem>>[vector<16xi32>, vector<16xi32>], vector<16xf32>,
      }
      %scan3A_748 = arith.constant 16 : i32
      %jit3A_749 = arith.constant 4 : i32
      %div3A_750 = arith.divsi %add3A_711, %jit3A_749 : i32
      %sign3A_751 = arith.constant 0 : i32
      %sign3A_752 = arith.cmpi sgt, %add3A_711, %sign3A_751 : i32
      %sign3A_753 = arith.extui %sign3A_752 : i1 to i32
      %sign3A_754 = arith.constant 0 : i32
      %sign3A_755 = arith.cmpi slt, %add3A_711, %sign3A_754 : i32
      %sign3A_756 = arith.extui %sign3A_755 : i1 to i32
      %sign3A_757 = arith.subi %sign3A_753, %sign3A_756 : i32
      %sign3A_758 = arith.constant 0 : i32
      %sign3A_759 = arith.cmpi sgt, %jit3A_749, %sign3A_758 : i32
      %sign3A_760 = arith.extui %sign3A_759 : i1 to i32
      %sign3A_761 = arith.constant 0 : i32
      %sign3A_762 = arith.cmpi slt, %jit3A_749, %sign3A_761 : i32
      %sign3A_763 = arith.extui %sign3A_762 : i1 to i32
      %sign3A_764 = arith.subi %sign3A_760, %sign3A_763 : i32
      %ne3A_765 = arith.cmpi ne, %sign3A_757, %sign3A_764 : i32
      %rem3A_766 = arith.remsi %add3A_711, %jit3A_749 : i32
      %ne3A_767 = arith.constant 0 : i32
      %ne3A_768 = arith.cmpi ne, %rem3A_766, %ne3A_767 : i32
      %and3A_769 = arith.andi %ne3A_765, %ne3A_768 : i1
      %sub3A_770 = arith.constant 1 : i32
      %sub3A_771 = arith.subi %div3A_750, %sub3A_770 : i32
      %select_n3A_772 = arith.select %and3A_769, %sub3A_771, %div3A_750 : i32
      %mul3A_773 = arith.constant 4 : i32
      %mul3A_774 = arith.muli %add3A, %mul3A_773 : i32
      %jit3A_775 = arith.constant 4 : i32
      %eq3A_776 = arith.constant 0 : i32
      %eq3A_777 = arith.cmpi eq, %jit3A_775, %eq3A_776 : i32
      %jit3A_778 = arith.constant 1 : i32
      %select_n3A_779 = arith.select %eq3A_777, %jit3A_778, %jit3A_775 : i32
      %rem3A_780 = arith.remsi %add3A_711, %select_n3A_779 : i32
      %ne3A_781 = arith.constant 0 : i32
      %ne3A_782 = arith.cmpi ne, %rem3A_780, %ne3A_781 : i32
      %lt3A_783 = arith.constant 0 : i32
      %lt3A_784 = arith.cmpi slt, %rem3A_780, %lt3A_783 : i32
      %lt3A_785 = arith.constant 0 : i32
      %lt3A_786 = arith.cmpi slt, %select_n3A_779, %lt3A_785 : i32
      %ne3A_787 = arith.xori %lt3A_784, %lt3A_786 : i1
      %and3A_788 = arith.andi %ne3A_787, %ne3A_782 : i1
      %add3A_789 = arith.addi %rem3A_780, %select_n3A_779 : i32
      %select_n3A_790 = arith.select %and3A_788, %add3A_789, %rem3A_780 : i32
      %add3A_791 = arith.addi %mul3A_774, %select_n3A_790 : i32
      %mul3A_792 = arith.constant 4096 : i32
      %mul3A_793 = arith.muli %select_n3A_772, %mul3A_792 : i32
      %mul3A_794 = arith.constant 8 : i32
      %mul3A_795 = arith.muli %add3A_791, %mul3A_794 : i32
      %add3A_796 = arith.addi %mul3A_793, %mul3A_795 : i32
      %add3A_797 = arith.constant 0 : i32
      %add3A_798 = arith.addi %add3A_796, %add3A_797 : i32
      %dma_start3A_799 = arith.constant 2 : i32
      %dma_start3A_800 = arith.constant 0 : i32
      %dma_start3A_801 = arith.constant 0 : i32
      %dma_start3A_802 = tpu.memref_slice %arg7[%dma_start3A_799, %dma_start3A_800, %dma_start3A_801] : memref<4x32x131xf32, #tpu.memory_space<vmem>> -> memref<1x32x131xf32, #tpu.memory_space<vmem>>
      %dma_start3A_803 = tpu.memref_squeeze %dma_start3A_802 : memref<1x32x131xf32, #tpu.memory_space<vmem>> -> memref<32x131xf32, #tpu.memory_space<vmem>>
      %dma_start3A_804 = arith.constant 0 : i32
      %dma_start3A_805 = arith.constant 0 : i32
      %dma_start3A_806 = tpu.memref_slice %dma_start3A_803[%dma_start3A_804, %dma_start3A_805] : memref<32x131xf32, #tpu.memory_space<vmem>> -> memref<8x128xf32, #tpu.memory_space<vmem>>
      %dma_start3A_807 = arith.constant 0 : i32
      %dma_start3A_808 = tpu.memref_slice %arg4[%add3A_798, %dma_start3A_807] : memref<204800x128xf32, #tpu.memory_space<hbm>> -> memref<8x128xf32, #tpu.memory_space<hbm>>
      %dma_start3A_809 = arith.constant 0 : i32
      %dma_start3A_810 = tpu.memref_slice %arg4[%add3A_798, %dma_start3A_809] : memref<204800x128xf32, #tpu.memory_space<hbm>> -> memref<8x128xf32, #tpu.memory_space<hbm>>
      %dma_start3A_811 = arith.constant 0 : i32
      %dma_start3A_812 = arith.constant 0 : i32
      %dma_start3A_813 = tpu.memref_slice %arg7[%dma_start3A_799, %dma_start3A_811, %dma_start3A_812] : memref<4x32x131xf32, #tpu.memory_space<vmem>> -> memref<1x32x131xf32, #tpu.memory_space<vmem>>
      %dma_start3A_814 = tpu.memref_squeeze %dma_start3A_813 : memref<1x32x131xf32, #tpu.memory_space<vmem>> -> memref<32x131xf32, #tpu.memory_space<vmem>>
      %dma_start3A_815 = arith.constant 0 : i32
      %dma_start3A_816 = arith.constant 0 : i32
      %dma_start3A_817 = tpu.memref_slice %dma_start3A_814[%dma_start3A_815, %dma_start3A_816] : memref<32x131xf32, #tpu.memory_space<vmem>> -> memref<8x128xf32, #tpu.memory_space<vmem>>
      tpu.enqueue_dma source(%dma_start3A_817 : memref<8x128xf32, #tpu.memory_space<vmem>>) target(%dma_start3A_810 : memref<8x128xf32, #tpu.memory_space<hbm>>) target_semaphore(%arg9 : memref<!tpu.dma_semaphore, #tpu.memory_space<semaphore_mem>>)
      %add3A_818 = arith.constant 1024 : i32
      %add3A_819 = arith.addi %add3A_796, %add3A_818 : i32
      %dma_start3A_820 = arith.constant 2 : i32
      %dma_start3A_821 = arith.constant 0 : i32
      %dma_start3A_822 = arith.constant 0 : i32
      %dma_start3A_823 = tpu.memref_slice %arg7[%dma_start3A_820, %dma_start3A_821, %dma_start3A_822] : memref<4x32x131xf32, #tpu.memory_space<vmem>> -> memref<1x32x131xf32, #tpu.memory_space<vmem>>
      %dma_start3A_824 = tpu.memref_squeeze %dma_start3A_823 : memref<1x32x131xf32, #tpu.memory_space<vmem>> -> memref<32x131xf32, #tpu.memory_space<vmem>>
      %dma_start3A_825 = arith.constant 8 : i32
      %dma_start3A_826 = arith.constant 0 : i32
      %dma_start3A_827 = tpu.memref_slice %dma_start3A_824[%dma_start3A_825, %dma_start3A_826] : memref<32x131xf32, #tpu.memory_space<vmem>> -> memref<8x128xf32, #tpu.memory_space<vmem>>
      %dma_start3A_828 = arith.constant 0 : i32
      %dma_start3A_829 = tpu.memref_slice %arg4[%add3A_819, %dma_start3A_828] : memref<204800x128xf32, #tpu.memory_space<hbm>> -> memref<8x128xf32, #tpu.memory_space<hbm>>
      %dma_start3A_830 = arith.constant 0 : i32
      %dma_start3A_831 = tpu.memref_slice %arg4[%add3A_819, %dma_start3A_830] : memref<204800x128xf32, #tpu.memory_space<hbm>> -> memref<8x128xf32, #tpu.memory_space<hbm>>
      %dma_start3A_832 = arith.constant 0 : i32
      %dma_start3A_833 = arith.constant 0 : i32
      %dma_start3A_834 = tpu.memref_slice %arg7[%dma_start3A_820, %dma_start3A_832, %dma_start3A_833] : memref<4x32x131xf32, #tpu.memory_space<vmem>> -> memref<1x32x131xf32, #tpu.memory_space<vmem>>
      %dma_start3A_835 = tpu.memref_squeeze %dma_start3A_834 : memref<1x32x131xf32, #tpu.memory_space<vmem>> -> memref<32x131xf32, #tpu.memory_space<vmem>>
      %dma_start3A_836 = arith.constant 8 : i32
      %dma_start3A_837 = arith.constant 0 : i32
      %dma_start3A_838 = tpu.memref_slice %dma_start3A_835[%dma_start3A_836, %dma_start3A_837] : memref<32x131xf32, #tpu.memory_space<vmem>> -> memref<8x128xf32, #tpu.memory_space<vmem>>
      tpu.enqueue_dma source(%dma_start3A_838 : memref<8x128xf32, #tpu.memory_space<vmem>>) target(%dma_start3A_831 : memref<8x128xf32, #tpu.memory_space<hbm>>) target_semaphore(%arg9 : memref<!tpu.dma_semaphore, #tpu.memory_space<semaphore_mem>>)
      %add3A_839 = arith.constant 2048 : i32
      %add3A_840 = arith.addi %add3A_796, %add3A_839 : i32
      %dma_start3A_841 = arith.constant 2 : i32
      %dma_start3A_842 = arith.constant 0 : i32
      %dma_start3A_843 = arith.constant 0 : i32
      %dma_start3A_844 = tpu.memref_slice %arg7[%dma_start3A_841, %dma_start3A_842, %dma_start3A_843] : memref<4x32x131xf32, #tpu.memory_space<vmem>> -> memref<1x32x131xf32, #tpu.memory_space<vmem>>
      %dma_start3A_845 = tpu.memref_squeeze %dma_start3A_844 : memref<1x32x131xf32, #tpu.memory_space<vmem>> -> memref<32x131xf32, #tpu.memory_space<vmem>>
      %dma_start3A_846 = arith.constant 16 : i32
      %dma_start3A_847 = arith.constant 0 : i32
      %dma_start3A_848 = tpu.memref_slice %dma_start3A_845[%dma_start3A_846, %dma_start3A_847] : memref<32x131xf32, #tpu.memory_space<vmem>> -> memref<8x128xf32, #tpu.memory_space<vmem>>
      %dma_start3A_849 = arith.constant 0 : i32
      %dma_start3A_850 = tpu.memref_slice %arg4[%add3A_840, %dma_start3A_849] : memref<204800x128xf32, #tpu.memory_space<hbm>> -> memref<8x128xf32, #tpu.memory_space<hbm>>
      %dma_start3A_851 = arith.constant 0 : i32
      %dma_start3A_852 = tpu.memref_slice %arg4[%add3A_840, %dma_start3A_851] : memref<204800x128xf32, #tpu.memory_space<hbm>> -> memref<8x128xf32, #tpu.memory_space<hbm>>
      %dma_start3A_853 = arith.constant 0 : i32
      %dma_start3A_854 = arith.constant 0 : i32
      %dma_start3A_855 = tpu.memref_slice %arg7[%dma_start3A_841, %dma_start3A_853, %dma_start3A_854] : memref<4x32x131xf32, #tpu.memory_space<vmem>> -> memref<1x32x131xf32, #tpu.memory_space<vmem>>
      %dma_start3A_856 = tpu.memref_squeeze %dma_start3A_855 : memref<1x32x131xf32, #tpu.memory_space<vmem>> -> memref<32x131xf32, #tpu.memory_space<vmem>>
      %dma_start3A_857 = arith.constant 16 : i32
      %dma_start3A_858 = arith.constant 0 : i32
      %dma_start3A_859 = tpu.memref_slice %dma_start3A_856[%dma_start3A_857, %dma_start3A_858] : memref<32x131xf32, #tpu.memory_space<vmem>> -> memref<8x128xf32, #tpu.memory_space<vmem>>
      tpu.enqueue_dma source(%dma_start3A_859 : memref<8x128xf32, #tpu.memory_space<vmem>>) target(%dma_start3A_852 : memref<8x128xf32, #tpu.memory_space<hbm>>) target_semaphore(%arg9 : memref<!tpu.dma_semaphore, #tpu.memory_space<semaphore_mem>>)
      %add3A_860 = arith.constant 3072 : i32
      %add3A_861 = arith.addi %add3A_796, %add3A_860 : i32
      %dma_start3A_862 = arith.constant 2 : i32
      %dma_start3A_863 = arith.constant 0 : i32
      %dma_start3A_864 = arith.constant 0 : i32
      %dma_start3A_865 = tpu.memref_slice %arg7[%dma_start3A_862, %dma_start3A_863, %dma_start3A_864] : memref<4x32x131xf32, #tpu.memory_space<vmem>> -> memref<1x32x131xf32, #tpu.memory_space<vmem>>
      %dma_start3A_866 = tpu.memref_squeeze %dma_start3A_865 : memref<1x32x131xf32, #tpu.memory_space<vmem>> -> memref<32x131xf32, #tpu.memory_space<vmem>>
      %dma_start3A_867 = arith.constant 24 : i32
      %dma_start3A_868 = arith.constant 0 : i32
      %dma_start3A_869 = tpu.memref_slice %dma_start3A_866[%dma_start3A_867, %dma_start3A_868] : memref<32x131xf32, #tpu.memory_space<vmem>> -> memref<8x128xf32, #tpu.memory_space<vmem>>
      %dma_start3A_870 = arith.constant 0 : i32
      %dma_start3A_871 = tpu.memref_slice %arg4[%add3A_861, %dma_start3A_870] : memref<204800x128xf32, #tpu.memory_space<hbm>> -> memref<8x128xf32, #tpu.memory_space<hbm>>
      %dma_start3A_872 = arith.constant 0 : i32
      %dma_start3A_873 = tpu.memref_slice %arg4[%add3A_861, %dma_start3A_872] : memref<204800x128xf32, #tpu.memory_space<hbm>> -> memref<8x128xf32, #tpu.memory_space<hbm>>
      %dma_start3A_874 = arith.constant 0 : i32
      %dma_start3A_875 = arith.constant 0 : i32
      %dma_start3A_876 = tpu.memref_slice %arg7[%dma_start3A_862, %dma_start3A_874, %dma_start3A_875] : memref<4x32x131xf32, #tpu.memory_space<vmem>> -> memref<1x32x131xf32, #tpu.memory_space<vmem>>
      %dma_start3A_877 = tpu.memref_squeeze %dma_start3A_876 : memref<1x32x131xf32, #tpu.memory_space<vmem>> -> memref<32x131xf32, #tpu.memory_space<vmem>>
      %dma_start3A_878 = arith.constant 24 : i32
      %dma_start3A_879 = arith.constant 0 : i32
      %dma_start3A_880 = tpu.memref_slice %dma_start3A_877[%dma_start3A_878, %dma_start3A_879] : memref<32x131xf32, #tpu.memory_space<vmem>> -> memref<8x128xf32, #tpu.memory_space<vmem>>
      tpu.enqueue_dma source(%dma_start3A_880 : memref<8x128xf32, #tpu.memory_space<vmem>>) target(%dma_start3A_873 : memref<8x128xf32, #tpu.memory_space<hbm>>) target_semaphore(%arg9 : memref<!tpu.dma_semaphore, #tpu.memory_space<semaphore_mem>>)
      %add3A_881 = arith.constant 3 : i32
      %add3A_882 = arith.addi %add3A_381, %add3A_881 : i32
      %add3A_883 = arith.constant 4 : i32
      %add3A_884 = arith.addi %add3A_882, %add3A_883 : i32
      %sub3A_885 = arith.constant 1 : i32
      %sub3A_886 = arith.subi %add3A_884, %sub3A_885 : i32
      %lt3A_887 = arith.constant 200 : i32
      %lt3A_888 = arith.cmpi slt, %sub3A_886, %lt3A_887 : i32
      %convert_element_type3A_889 = arith.extui %lt3A_888 : i1 to i32
      %cond3A_890 = arith.constant 0 : i32
      %cond3A_891 = arith.cmpi ne, %convert_element_type3A_889, %cond3A_890 : i32
      scf.if %cond3A_891 {
        %add3A_1052 = arith.constant 4 : i32
        %add3A_1053 = arith.addi %add3A_882, %add3A_1052 : i32
        %sub3A_1054 = arith.constant 1 : i32
        %sub3A_1055 = arith.subi %add3A_1053, %sub3A_1054 : i32
        %jit3A_1056 = arith.constant 4 : i32
        %div3A_1057 = arith.divsi %sub3A_1055, %jit3A_1056 : i32
        %sign3A_1058 = arith.constant 0 : i32
        %sign3A_1059 = arith.cmpi sgt, %sub3A_1055, %sign3A_1058 : i32
        %sign3A_1060 = arith.extui %sign3A_1059 : i1 to i32
        %sign3A_1061 = arith.constant 0 : i32
        %sign3A_1062 = arith.cmpi slt, %sub3A_1055, %sign3A_1061 : i32
        %sign3A_1063 = arith.extui %sign3A_1062 : i1 to i32
        %sign3A_1064 = arith.subi %sign3A_1060, %sign3A_1063 : i32
        %sign3A_1065 = arith.constant 0 : i32
        %sign3A_1066 = arith.cmpi sgt, %jit3A_1056, %sign3A_1065 : i32
        %sign3A_1067 = arith.extui %sign3A_1066 : i1 to i32
        %sign3A_1068 = arith.constant 0 : i32
        %sign3A_1069 = arith.cmpi slt, %jit3A_1056, %sign3A_1068 : i32
        %sign3A_1070 = arith.extui %sign3A_1069 : i1 to i32
        %sign3A_1071 = arith.subi %sign3A_1067, %sign3A_1070 : i32
        %ne3A_1072 = arith.cmpi ne, %sign3A_1064, %sign3A_1071 : i32
        %rem3A_1073 = arith.remsi %sub3A_1055, %jit3A_1056 : i32
        %ne3A_1074 = arith.constant 0 : i32
        %ne3A_1075 = arith.cmpi ne, %rem3A_1073, %ne3A_1074 : i32
        %and3A_1076 = arith.andi %ne3A_1072, %ne3A_1075 : i1
        %sub3A_1077 = arith.constant 1 : i32
        %sub3A_1078 = arith.subi %div3A_1057, %sub3A_1077 : i32
        %select_n3A_1079 = arith.select %and3A_1076, %sub3A_1078, %div3A_1057 : i32
        %jit3A_1080 = arith.constant 4 : i32
        %eq3A_1081 = arith.constant 0 : i32
        %eq3A_1082 = arith.cmpi eq, %jit3A_1080, %eq3A_1081 : i32
        %jit3A_1083 = arith.constant 1 : i32
        %select_n3A_1084 = arith.select %eq3A_1082, %jit3A_1083, %jit3A_1080 : i32
        %rem3A_1085 = arith.remsi %sub3A_1055, %select_n3A_1084 : i32
        %ne3A_1086 = arith.constant 0 : i32
        %ne3A_1087 = arith.cmpi ne, %rem3A_1085, %ne3A_1086 : i32
        %lt3A_1088 = arith.constant 0 : i32
        %lt3A_1089 = arith.cmpi slt, %rem3A_1085, %lt3A_1088 : i32
        %lt3A_1090 = arith.constant 0 : i32
        %lt3A_1091 = arith.cmpi slt, %select_n3A_1084, %lt3A_1090 : i32
        %ne3A_1092 = arith.xori %lt3A_1089, %lt3A_1091 : i1
        %and3A_1093 = arith.andi %ne3A_1092, %ne3A_1087 : i1
        %add3A_1094 = arith.addi %rem3A_1085, %select_n3A_1084 : i32
        %select_n3A_1095 = arith.select %and3A_1093, %add3A_1094, %rem3A_1085 : i32
        %mul3A_1096 = arith.constant 128 : i32
        %mul3A_1097 = arith.muli %select_n3A_1095, %mul3A_1096 : i32
        %dma_start3A_1098 = arith.constant 2 : i32
        %dma_start3A_1099 = arith.constant 0 : i32
        %dma_start3A_1100 = arith.constant 0 : i32
        %dma_start3A_1101 = tpu.memref_slice %arg6[%dma_start3A_1098, %dma_start3A_1099, %dma_start3A_1100] : memref<4x128x32xf32, #tpu.memory_space<vmem>> -> memref<1x128x32xf32, #tpu.memory_space<vmem>>
        %dma_start3A_1102 = tpu.memref_squeeze %dma_start3A_1101 : memref<1x128x32xf32, #tpu.memory_space<vmem>> -> memref<128x32xf32, #tpu.memory_space<vmem>>
        %dma_start3A_1103 = tpu.memref_slice %arg5[%select_n3A_1079, %mul3A_1097] : memref<50x512xi32, #tpu.memory_space<vmem>> -> memref<1x128xi32, #tpu.memory_space<vmem>>
        %dma_start3A_1104 = tpu.memref_squeeze %dma_start3A_1103 : memref<1x128xi32, #tpu.memory_space<vmem>> -> memref<128xi32, #tpu.memory_space<vmem>>
        %dma_start3A_1105 = arith.constant 0 : i32
        %dma_start3A_1106 = arith.constant 0 : i32
        %dma_start3A_1107 = tpu.memref_slice %arg3[%dma_start3A_1105, %dma_start3A_1106] : memref<1000000x32xf32, #tpu.memory_space<hbm>> -> memref<1000000x32xf32, #tpu.memory_space<hbm>>
        tpu.enqueue_indirect_dma source(%dma_start3A_1107 : memref<1000000x32xf32, #tpu.memory_space<hbm>>) target(%dma_start3A_1102 : memref<128x32xf32, #tpu.memory_space<vmem>>) offsets(%dma_start3A_1104 : memref<128xi32, #tpu.memory_space<vmem>>) semaphore(%arg8 : memref<!tpu.dma_semaphore, #tpu.memory_space<semaphore_mem>>)
      } else {
      }
      %dma_wait3A_892 = arith.constant 0 : i32
      %dma_wait3A_893 = arith.constant 3 : i32
      %dma_wait3A_894 = arith.constant 0 : i32
      %dma_wait3A_895 = arith.constant 0 : i32
      %dma_wait3A_896 = tpu.memref_slice %arg6[%dma_wait3A_893, %dma_wait3A_894, %dma_wait3A_895] : memref<4x128x32xf32, #tpu.memory_space<vmem>> -> memref<1x128x32xf32, #tpu.memory_space<vmem>>
      %dma_wait3A_897 = tpu.memref_squeeze %dma_wait3A_896 : memref<1x128x32xf32, #tpu.memory_space<vmem>> -> memref<128x32xf32, #tpu.memory_space<vmem>>
      %dma_wait3A_898 = arith.constant 0 : i32
      %dma_wait3A_899 = tpu.memref_slice %arg5[%dma_wait3A_892, %dma_wait3A_898] : memref<50x512xi32, #tpu.memory_space<vmem>> -> memref<1x128xi32, #tpu.memory_space<vmem>>
      %dma_wait3A_900 = tpu.memref_squeeze %dma_wait3A_899 : memref<1x128xi32, #tpu.memory_space<vmem>> -> memref<128xi32, #tpu.memory_space<vmem>>
      %dma_wait3A_901 = arith.constant 0 : i32
      %dma_wait3A_902 = arith.constant 0 : i32
      %dma_wait3A_903 = tpu.memref_slice %arg3[%dma_wait3A_901, %dma_wait3A_902] : memref<1000000x32xf32, #tpu.memory_space<hbm>> -> memref<1000000x32xf32, #tpu.memory_space<hbm>>
      tpu.wait_indirect_dma semaphore(%arg8 : memref<!tpu.dma_semaphore, #tpu.memory_space<semaphore_mem>>) src(%dma_wait3A_903 : memref<1000000x32xf32, #tpu.memory_space<hbm>>) dst(%dma_wait3A_897 : memref<128x32xf32, #tpu.memory_space<vmem>>)
      %ge3A_904 = arith.constant 4 : i32
      %ge3A_905 = arith.cmpi sge, %add3A_882, %ge3A_904 : i32
      %convert_element_type3A_906 = arith.extui %ge3A_905 : i1 to i32
      %cond3A_907 = arith.constant 0 : i32
      %cond3A_908 = arith.cmpi ne, %convert_element_type3A_906, %cond3A_907 : i32
      scf.if %cond3A_908 {
        %dma_wait3A_1052 = arith.constant 3 : i32
        %dma_wait3A_1053 = arith.constant 0 : i32
        %dma_wait3A_1054 = arith.constant 0 : i32
        %dma_wait3A_1055 = tpu.memref_slice %arg7[%dma_wait3A_1052, %dma_wait3A_1053, %dma_wait3A_1054] : memref<4x32x131xf32, #tpu.memory_space<vmem>> -> memref<1x32x131xf32, #tpu.memory_space<vmem>>
        %dma_wait3A_1056 = tpu.memref_squeeze %dma_wait3A_1055 : memref<1x32x131xf32, #tpu.memory_space<vmem>> -> memref<32x131xf32, #tpu.memory_space<vmem>>
        %dma_wait3A_1057 = arith.constant 0 : i32
        %dma_wait3A_1058 = arith.constant 0 : i32
        %dma_wait3A_1059 = tpu.memref_slice %dma_wait3A_1056[%dma_wait3A_1057, %dma_wait3A_1058] : memref<32x131xf32, #tpu.memory_space<vmem>> -> memref<8x128xf32, #tpu.memory_space<vmem>>
        %dma_wait3A_1060 = arith.constant 0 : i32
        %dma_wait3A_1061 = arith.constant 0 : i32
        %dma_wait3A_1062 = tpu.memref_slice %arg4[%dma_wait3A_1060, %dma_wait3A_1061] : memref<204800x128xf32, #tpu.memory_space<hbm>> -> memref<8x128xf32, #tpu.memory_space<hbm>>
        %dma_wait3A_1063 = arith.constant 0 : i32
        %dma_wait3A_1064 = arith.constant 0 : i32
        %dma_wait3A_1065 = tpu.memref_slice %arg4[%dma_wait3A_1063, %dma_wait3A_1064] : memref<204800x128xf32, #tpu.memory_space<hbm>> -> memref<8x128xf32, #tpu.memory_space<hbm>>
        %dma_wait3A_1066 = arith.constant 0 : i32
        %dma_wait3A_1067 = arith.constant 0 : i32
        %dma_wait3A_1068 = tpu.memref_slice %arg7[%dma_wait3A_1052, %dma_wait3A_1066, %dma_wait3A_1067] : memref<4x32x131xf32, #tpu.memory_space<vmem>> -> memref<1x32x131xf32, #tpu.memory_space<vmem>>
        %dma_wait3A_1069 = tpu.memref_squeeze %dma_wait3A_1068 : memref<1x32x131xf32, #tpu.memory_space<vmem>> -> memref<32x131xf32, #tpu.memory_space<vmem>>
        %dma_wait3A_1070 = arith.constant 0 : i32
        %dma_wait3A_1071 = arith.constant 0 : i32
        %dma_wait3A_1072 = tpu.memref_slice %dma_wait3A_1069[%dma_wait3A_1070, %dma_wait3A_1071] : memref<32x131xf32, #tpu.memory_space<vmem>> -> memref<8x128xf32, #tpu.memory_space<vmem>>
        tpu.wait_dma2 semaphore(%arg9 : memref<!tpu.dma_semaphore, #tpu.memory_space<semaphore_mem>>) src(%dma_wait3A_1072 : memref<8x128xf32, #tpu.memory_space<vmem>>) dst(%dma_wait3A_1065 : memref<8x128xf32, #tpu.memory_space<hbm>>)
        %dma_wait3A_1073 = arith.constant 3 : i32
        %dma_wait3A_1074 = arith.constant 0 : i32
        %dma_wait3A_1075 = arith.constant 0 : i32
        %dma_wait3A_1076 = tpu.memref_slice %arg7[%dma_wait3A_1073, %dma_wait3A_1074, %dma_wait3A_1075] : memref<4x32x131xf32, #tpu.memory_space<vmem>> -> memref<1x32x131xf32, #tpu.memory_space<vmem>>
        %dma_wait3A_1077 = tpu.memref_squeeze %dma_wait3A_1076 : memref<1x32x131xf32, #tpu.memory_space<vmem>> -> memref<32x131xf32, #tpu.memory_space<vmem>>
        %dma_wait3A_1078 = arith.constant 8 : i32
        %dma_wait3A_1079 = arith.constant 0 : i32
        %dma_wait3A_1080 = tpu.memref_slice %dma_wait3A_1077[%dma_wait3A_1078, %dma_wait3A_1079] : memref<32x131xf32, #tpu.memory_space<vmem>> -> memref<8x128xf32, #tpu.memory_space<vmem>>
        %dma_wait3A_1081 = arith.constant 0 : i32
        %dma_wait3A_1082 = arith.constant 0 : i32
        %dma_wait3A_1083 = tpu.memref_slice %arg4[%dma_wait3A_1081, %dma_wait3A_1082] : memref<204800x128xf32, #tpu.memory_space<hbm>> -> memref<8x128xf32, #tpu.memory_space<hbm>>
        %dma_wait3A_1084 = arith.constant 0 : i32
        %dma_wait3A_1085 = arith.constant 0 : i32
        %dma_wait3A_1086 = tpu.memref_slice %arg4[%dma_wait3A_1084, %dma_wait3A_1085] : memref<204800x128xf32, #tpu.memory_space<hbm>> -> memref<8x128xf32, #tpu.memory_space<hbm>>
        %dma_wait3A_1087 = arith.constant 0 : i32
        %dma_wait3A_1088 = arith.constant 0 : i32
        %dma_wait3A_1089 = tpu.memref_slice %arg7[%dma_wait3A_1073, %dma_wait3A_1087, %dma_wait3A_1088] : memref<4x32x131xf32, #tpu.memory_space<vmem>> -> memref<1x32x131xf32, #tpu.memory_space<vmem>>
        %dma_wait3A_1090 = tpu.memref_squeeze %dma_wait3A_1089 : memref<1x32x131xf32, #tpu.memory_space<vmem>> -> memref<32x131xf32, #tpu.memory_space<vmem>>
        %dma_wait3A_1091 = arith.constant 8 : i32
        %dma_wait3A_1092 = arith.constant 0 : i32
        %dma_wait3A_1093 = tpu.memref_slice %dma_wait3A_1090[%dma_wait3A_1091, %dma_wait3A_1092] : memref<32x131xf32, #tpu.memory_space<vmem>> -> memref<8x128xf32, #tpu.memory_space<vmem>>
        tpu.wait_dma2 semaphore(%arg9 : memref<!tpu.dma_semaphore, #tpu.memory_space<semaphore_mem>>) src(%dma_wait3A_1093 : memref<8x128xf32, #tpu.memory_space<vmem>>) dst(%dma_wait3A_1086 : memref<8x128xf32, #tpu.memory_space<hbm>>)
        %dma_wait3A_1094 = arith.constant 3 : i32
        %dma_wait3A_1095 = arith.constant 0 : i32
        %dma_wait3A_1096 = arith.constant 0 : i32
        %dma_wait3A_1097 = tpu.memref_slice %arg7[%dma_wait3A_1094, %dma_wait3A_1095, %dma_wait3A_1096] : memref<4x32x131xf32, #tpu.memory_space<vmem>> -> memref<1x32x131xf32, #tpu.memory_space<vmem>>
        %dma_wait3A_1098 = tpu.memref_squeeze %dma_wait3A_1097 : memref<1x32x131xf32, #tpu.memory_space<vmem>> -> memref<32x131xf32, #tpu.memory_space<vmem>>
        %dma_wait3A_1099 = arith.constant 16 : i32
        %dma_wait3A_1100 = arith.constant 0 : i32
        %dma_wait3A_1101 = tpu.memref_slice %dma_wait3A_1098[%dma_wait3A_1099, %dma_wait3A_1100] : memref<32x131xf32, #tpu.memory_space<vmem>> -> memref<8x128xf32, #tpu.memory_space<vmem>>
        %dma_wait3A_1102 = arith.constant 0 : i32
        %dma_wait3A_1103 = arith.constant 0 : i32
        %dma_wait3A_1104 = tpu.memref_slice %arg4[%dma_wait3A_1102, %dma_wait3A_1103] : memref<204800x128xf32, #tpu.memory_space<hbm>> -> memref<8x128xf32, #tpu.memory_space<hbm>>
        %dma_wait3A_1105 = arith.constant 0 : i32
        %dma_wait3A_1106 = arith.constant 0 : i32
        %dma_wait3A_1107 = tpu.memref_slice %arg4[%dma_wait3A_1105, %dma_wait3A_1106] : memref<204800x128xf32, #tpu.memory_space<hbm>> -> memref<8x128xf32, #tpu.memory_space<hbm>>
        %dma_wait3A_1108 = arith.constant 0 : i32
        %dma_wait3A_1109 = arith.constant 0 : i32
        %dma_wait3A_1110 = tpu.memref_slice %arg7[%dma_wait3A_1094, %dma_wait3A_1108, %dma_wait3A_1109] : memref<4x32x131xf32, #tpu.memory_space<vmem>> -> memref<1x32x131xf32, #tpu.memory_space<vmem>>
        %dma_wait3A_1111 = tpu.memref_squeeze %dma_wait3A_1110 : memref<1x32x131xf32, #tpu.memory_space<vmem>> -> memref<32x131xf32, #tpu.memory_space<vmem>>
        %dma_wait3A_1112 = arith.constant 16 : i32
        %dma_wait3A_1113 = arith.constant 0 : i32
        %dma_wait3A_1114 = tpu.memref_slice %dma_wait3A_1111[%dma_wait3A_1112, %dma_wait3A_1113] : memref<32x131xf32, #tpu.memory_space<vmem>> -> memref<8x128xf32, #tpu.memory_space<vmem>>
        tpu.wait_dma2 semaphore(%arg9 : memref<!tpu.dma_semaphore, #tpu.memory_space<semaphore_mem>>) src(%dma_wait3A_1114 : memref<8x128xf32, #tpu.memory_space<vmem>>) dst(%dma_wait3A_1107 : memref<8x128xf32, #tpu.memory_space<hbm>>)
        %dma_wait3A_1115 = arith.constant 3 : i32
        %dma_wait3A_1116 = arith.constant 0 : i32
        %dma_wait3A_1117 = arith.constant 0 : i32
        %dma_wait3A_1118 = tpu.memref_slice %arg7[%dma_wait3A_1115, %dma_wait3A_1116, %dma_wait3A_1117] : memref<4x32x131xf32, #tpu.memory_space<vmem>> -> memref<1x32x131xf32, #tpu.memory_space<vmem>>
        %dma_wait3A_1119 = tpu.memref_squeeze %dma_wait3A_1118 : memref<1x32x131xf32, #tpu.memory_space<vmem>> -> memref<32x131xf32, #tpu.memory_space<vmem>>
        %dma_wait3A_1120 = arith.constant 24 : i32
        %dma_wait3A_1121 = arith.constant 0 : i32
        %dma_wait3A_1122 = tpu.memref_slice %dma_wait3A_1119[%dma_wait3A_1120, %dma_wait3A_1121] : memref<32x131xf32, #tpu.memory_space<vmem>> -> memref<8x128xf32, #tpu.memory_space<vmem>>
        %dma_wait3A_1123 = arith.constant 0 : i32
        %dma_wait3A_1124 = arith.constant 0 : i32
        %dma_wait3A_1125 = tpu.memref_slice %arg4[%dma_wait3A_1123, %dma_wait3A_1124] : memref<204800x128xf32, #tpu.memory_space<hbm>> -> memref<8x128xf32, #tpu.memory_space<hbm>>
        %dma_wait3A_1126 = arith.constant 0 : i32
        %dma_wait3A_1127 = arith.constant 0 : i32
        %dma_wait3A_1128 = tpu.memref_slice %arg4[%dma_wait3A_1126, %dma_wait3A_1127] : memref<204800x128xf32, #tpu.memory_space<hbm>> -> memref<8x128xf32, #tpu.memory_space<hbm>>
        %dma_wait3A_1129 = arith.constant 0 : i32
        %dma_wait3A_1130 = arith.constant 0 : i32
        %dma_wait3A_1131 = tpu.memref_slice %arg7[%dma_wait3A_1115, %dma_wait3A_1129, %dma_wait3A_1130] : memref<4x32x131xf32, #tpu.memory_space<vmem>> -> memref<1x32x131xf32, #tpu.memory_space<vmem>>
        %dma_wait3A_1132 = tpu.memref_squeeze %dma_wait3A_1131 : memref<1x32x131xf32, #tpu.memory_space<vmem>> -> memref<32x131xf32, #tpu.memory_space<vmem>>
        %dma_wait3A_1133 = arith.constant 24 : i32
        %dma_wait3A_1134 = arith.constant 0 : i32
        %dma_wait3A_1135 = tpu.memref_slice %dma_wait3A_1132[%dma_wait3A_1133, %dma_wait3A_1134] : memref<32x131xf32, #tpu.memory_space<vmem>> -> memref<8x128xf32, #tpu.memory_space<vmem>>
        tpu.wait_dma2 semaphore(%arg9 : memref<!tpu.dma_semaphore, #tpu.memory_space<semaphore_mem>>) src(%dma_wait3A_1135 : memref<8x128xf32, #tpu.memory_space<vmem>>) dst(%dma_wait3A_1128 : memref<8x128xf32, #tpu.memory_space<hbm>>)
      } else {
      }
      %iota3A_909 = tpu.iota {dimensions = array<i32: 0>} : vector<16xi32>
      %add3A_910 = arith.constant 16 : i32
      %add3A_911 = vector.broadcast %add3A_910 : i32 to vector<16xi32>
      %add3A_912 = arith.addi %iota3A_909, %add3A_911 : vector<16xi32>
      %scan3A_913 = arith.constant 3 : i32
      %scan3A_914 = arith.constant 3 : i32
      %scan3A_915 = arith.constant 0 : i32
      %scan3A_916 = arith.constant 16 : i32
      %scan3A_917 = arith.addi %scan3A_915, %scan3A_916 : i32
      %scan3A_918 = arith.constant 1 : i32
      scf.for %scan3A_1052 = %scan3A_915 to %scan3A_917 step %scan3A_918  : i32 {
        %mul3A_1053 = arith.constant 8 : i32
        %mul3A_1054 = arith.muli %scan3A_1052, %mul3A_1053 : i32
        %add3A_1055 = arith.constant 0 : i32
        %add3A_1056 = arith.addi %add3A_1055, %mul3A_1054 : i32
        %add3A_1057 = arith.constant 0 : i32
        %add3A_1058 = arith.addi %add3A_1056, %add3A_1057 : i32
        %broadcast_in_dim3A = vector.broadcast %add3A_1058 : i32 to vector<16xi32>
        %get3A = arith.constant 0 : i32
        %get3A_1059 = arith.constant 0 : i32
        %get3A_1060 = tpu.memref_slice %arg6[%scan3A_913, %get3A, %get3A_1059] : memref<4x128x32xf32, #tpu.memory_space<vmem>> -> memref<1x128x32xf32, #tpu.memory_space<vmem>>
        %get3A_1061 = tpu.memref_squeeze %get3A_1060 : memref<1x128x32xf32, #tpu.memory_space<vmem>> -> memref<128x32xf32, #tpu.memory_space<vmem>>
        %get3A_1062 = arith.index_cast %add3A_1058 : i32 to index
        %get3A_1063 = arith.constant 0 : index
        %get3A_1064 = tpu.vector_load %get3A_1061[%get3A_1062, %get3A_1063] {strides = array<i32>} : memref<128x32xf32, #tpu.memory_space<vmem>>, vector<16xf32>,
        %get3A_1065 = arith.constant 0 : i32
        %get3A_1066 = arith.constant 0 : i32
        %get3A_1067 = tpu.memref_slice %arg6[%scan3A_913, %get3A_1065, %get3A_1066] : memref<4x128x32xf32, #tpu.memory_space<vmem>> -> memref<1x128x32xf32, #tpu.memory_space<vmem>>
        %get3A_1068 = tpu.memref_squeeze %get3A_1067 : memref<1x128x32xf32, #tpu.memory_space<vmem>> -> memref<128x32xf32, #tpu.memory_space<vmem>>
        %get3A_1069 = arith.index_cast %add3A_1058 : i32 to index
        %get3A_1070 = arith.constant 16 : index
        %get3A_1071 = tpu.vector_load %get3A_1068[%get3A_1069, %get3A_1070] {strides = array<i32>} : memref<128x32xf32, #tpu.memory_space<vmem>>, vector<16xf32>,
        %scatter3A = arith.constant 0 : i32
        %scatter3A_1072 = arith.constant 0 : i32
        %scatter3A_1073 = tpu.memref_slice %arg7[%scan3A_914, %scatter3A, %scatter3A_1072] : memref<4x32x131xf32, #tpu.memory_space<vmem>> -> memref<1x32x131xf32, #tpu.memory_space<vmem>>
        %scatter3A_1074 = tpu.memref_squeeze %scatter3A_1073 : memref<1x32x131xf32, #tpu.memory_space<vmem>> -> memref<32x131xf32, #tpu.memory_space<vmem>>
        tpu.vector_store_idx %scatter3A_1074[%iota3A_909, %broadcast_in_dim3A], %get3A_1064 : memref<32x131xf32, #tpu.memory_space<vmem>>[vector<16xi32>, vector<16xi32>], vector<16xf32>,
        %scatter3A_1075 = arith.constant 0 : i32
        %scatter3A_1076 = arith.constant 0 : i32
        %scatter3A_1077 = tpu.memref_slice %arg7[%scan3A_914, %scatter3A_1075, %scatter3A_1076] : memref<4x32x131xf32, #tpu.memory_space<vmem>> -> memref<1x32x131xf32, #tpu.memory_space<vmem>>
        %scatter3A_1078 = tpu.memref_squeeze %scatter3A_1077 : memref<1x32x131xf32, #tpu.memory_space<vmem>> -> memref<32x131xf32, #tpu.memory_space<vmem>>
        tpu.vector_store_idx %scatter3A_1078[%add3A_912, %broadcast_in_dim3A], %get3A_1071 : memref<32x131xf32, #tpu.memory_space<vmem>>[vector<16xi32>, vector<16xi32>], vector<16xf32>,
        %add3A_1079 = arith.constant 1 : i32
        %add3A_1080 = arith.addi %add3A_1056, %add3A_1079 : i32
        %broadcast_in_dim3A_1081 = vector.broadcast %add3A_1080 : i32 to vector<16xi32>
        %get3A_1082 = arith.constant 0 : i32
        %get3A_1083 = arith.constant 0 : i32
        %get3A_1084 = tpu.memref_slice %arg6[%scan3A_913, %get3A_1082, %get3A_1083] : memref<4x128x32xf32, #tpu.memory_space<vmem>> -> memref<1x128x32xf32, #tpu.memory_space<vmem>>
        %get3A_1085 = tpu.memref_squeeze %get3A_1084 : memref<1x128x32xf32, #tpu.memory_space<vmem>> -> memref<128x32xf32, #tpu.memory_space<vmem>>
        %get3A_1086 = arith.index_cast %add3A_1080 : i32 to index
        %get3A_1087 = arith.constant 0 : index
        %get3A_1088 = tpu.vector_load %get3A_1085[%get3A_1086, %get3A_1087] {strides = array<i32>} : memref<128x32xf32, #tpu.memory_space<vmem>>, vector<16xf32>,
        %get3A_1089 = arith.constant 0 : i32
        %get3A_1090 = arith.constant 0 : i32
        %get3A_1091 = tpu.memref_slice %arg6[%scan3A_913, %get3A_1089, %get3A_1090] : memref<4x128x32xf32, #tpu.memory_space<vmem>> -> memref<1x128x32xf32, #tpu.memory_space<vmem>>
        %get3A_1092 = tpu.memref_squeeze %get3A_1091 : memref<1x128x32xf32, #tpu.memory_space<vmem>> -> memref<128x32xf32, #tpu.memory_space<vmem>>
        %get3A_1093 = arith.index_cast %add3A_1080 : i32 to index
        %get3A_1094 = arith.constant 16 : index
        %get3A_1095 = tpu.vector_load %get3A_1092[%get3A_1093, %get3A_1094] {strides = array<i32>} : memref<128x32xf32, #tpu.memory_space<vmem>>, vector<16xf32>,
        %scatter3A_1096 = arith.constant 0 : i32
        %scatter3A_1097 = arith.constant 0 : i32
        %scatter3A_1098 = tpu.memref_slice %arg7[%scan3A_914, %scatter3A_1096, %scatter3A_1097] : memref<4x32x131xf32, #tpu.memory_space<vmem>> -> memref<1x32x131xf32, #tpu.memory_space<vmem>>
        %scatter3A_1099 = tpu.memref_squeeze %scatter3A_1098 : memref<1x32x131xf32, #tpu.memory_space<vmem>> -> memref<32x131xf32, #tpu.memory_space<vmem>>
        tpu.vector_store_idx %scatter3A_1099[%iota3A_909, %broadcast_in_dim3A_1081], %get3A_1088 : memref<32x131xf32, #tpu.memory_space<vmem>>[vector<16xi32>, vector<16xi32>], vector<16xf32>,
        %scatter3A_1100 = arith.constant 0 : i32
        %scatter3A_1101 = arith.constant 0 : i32
        %scatter3A_1102 = tpu.memref_slice %arg7[%scan3A_914, %scatter3A_1100, %scatter3A_1101] : memref<4x32x131xf32, #tpu.memory_space<vmem>> -> memref<1x32x131xf32, #tpu.memory_space<vmem>>
        %scatter3A_1103 = tpu.memref_squeeze %scatter3A_1102 : memref<1x32x131xf32, #tpu.memory_space<vmem>> -> memref<32x131xf32, #tpu.memory_space<vmem>>
        tpu.vector_store_idx %scatter3A_1103[%add3A_912, %broadcast_in_dim3A_1081], %get3A_1095 : memref<32x131xf32, #tpu.memory_space<vmem>>[vector<16xi32>, vector<16xi32>], vector<16xf32>,
        %add3A_1104 = arith.constant 2 : i32
        %add3A_1105 = arith.addi %add3A_1056, %add3A_1104 : i32
        %broadcast_in_dim3A_1106 = vector.broadcast %add3A_1105 : i32 to vector<16xi32>
        %get3A_1107 = arith.constant 0 : i32
        %get3A_1108 = arith.constant 0 : i32
        %get3A_1109 = tpu.memref_slice %arg6[%scan3A_913, %get3A_1107, %get3A_1108] : memref<4x128x32xf32, #tpu.memory_space<vmem>> -> memref<1x128x32xf32, #tpu.memory_space<vmem>>
        %get3A_1110 = tpu.memref_squeeze %get3A_1109 : memref<1x128x32xf32, #tpu.memory_space<vmem>> -> memref<128x32xf32, #tpu.memory_space<vmem>>
        %get3A_1111 = arith.index_cast %add3A_1105 : i32 to index
        %get3A_1112 = arith.constant 0 : index
        %get3A_1113 = tpu.vector_load %get3A_1110[%get3A_1111, %get3A_1112] {strides = array<i32>} : memref<128x32xf32, #tpu.memory_space<vmem>>, vector<16xf32>,
        %get3A_1114 = arith.constant 0 : i32
        %get3A_1115 = arith.constant 0 : i32
        %get3A_1116 = tpu.memref_slice %arg6[%scan3A_913, %get3A_1114, %get3A_1115] : memref<4x128x32xf32, #tpu.memory_space<vmem>> -> memref<1x128x32xf32, #tpu.memory_space<vmem>>
        %get3A_1117 = tpu.memref_squeeze %get3A_1116 : memref<1x128x32xf32, #tpu.memory_space<vmem>> -> memref<128x32xf32, #tpu.memory_space<vmem>>
        %get3A_1118 = arith.index_cast %add3A_1105 : i32 to index
        %get3A_1119 = arith.constant 16 : index
        %get3A_1120 = tpu.vector_load %get3A_1117[%get3A_1118, %get3A_1119] {strides = array<i32>} : memref<128x32xf32, #tpu.memory_space<vmem>>, vector<16xf32>,
        %scatter3A_1121 = arith.constant 0 : i32
        %scatter3A_1122 = arith.constant 0 : i32
        %scatter3A_1123 = tpu.memref_slice %arg7[%scan3A_914, %scatter3A_1121, %scatter3A_1122] : memref<4x32x131xf32, #tpu.memory_space<vmem>> -> memref<1x32x131xf32, #tpu.memory_space<vmem>>
        %scatter3A_1124 = tpu.memref_squeeze %scatter3A_1123 : memref<1x32x131xf32, #tpu.memory_space<vmem>> -> memref<32x131xf32, #tpu.memory_space<vmem>>
        tpu.vector_store_idx %scatter3A_1124[%iota3A_909, %broadcast_in_dim3A_1106], %get3A_1113 : memref<32x131xf32, #tpu.memory_space<vmem>>[vector<16xi32>, vector<16xi32>], vector<16xf32>,
        %scatter3A_1125 = arith.constant 0 : i32
        %scatter3A_1126 = arith.constant 0 : i32
        %scatter3A_1127 = tpu.memref_slice %arg7[%scan3A_914, %scatter3A_1125, %scatter3A_1126] : memref<4x32x131xf32, #tpu.memory_space<vmem>> -> memref<1x32x131xf32, #tpu.memory_space<vmem>>
        %scatter3A_1128 = tpu.memref_squeeze %scatter3A_1127 : memref<1x32x131xf32, #tpu.memory_space<vmem>> -> memref<32x131xf32, #tpu.memory_space<vmem>>
        tpu.vector_store_idx %scatter3A_1128[%add3A_912, %broadcast_in_dim3A_1106], %get3A_1120 : memref<32x131xf32, #tpu.memory_space<vmem>>[vector<16xi32>, vector<16xi32>], vector<16xf32>,
        %add3A_1129 = arith.constant 3 : i32
        %add3A_1130 = arith.addi %add3A_1056, %add3A_1129 : i32
        %broadcast_in_dim3A_1131 = vector.broadcast %add3A_1130 : i32 to vector<16xi32>
        %get3A_1132 = arith.constant 0 : i32
        %get3A_1133 = arith.constant 0 : i32
        %get3A_1134 = tpu.memref_slice %arg6[%scan3A_913, %get3A_1132, %get3A_1133] : memref<4x128x32xf32, #tpu.memory_space<vmem>> -> memref<1x128x32xf32, #tpu.memory_space<vmem>>
        %get3A_1135 = tpu.memref_squeeze %get3A_1134 : memref<1x128x32xf32, #tpu.memory_space<vmem>> -> memref<128x32xf32, #tpu.memory_space<vmem>>
        %get3A_1136 = arith.index_cast %add3A_1130 : i32 to index
        %get3A_1137 = arith.constant 0 : index
        %get3A_1138 = tpu.vector_load %get3A_1135[%get3A_1136, %get3A_1137] {strides = array<i32>} : memref<128x32xf32, #tpu.memory_space<vmem>>, vector<16xf32>,
        %get3A_1139 = arith.constant 0 : i32
        %get3A_1140 = arith.constant 0 : i32
        %get3A_1141 = tpu.memref_slice %arg6[%scan3A_913, %get3A_1139, %get3A_1140] : memref<4x128x32xf32, #tpu.memory_space<vmem>> -> memref<1x128x32xf32, #tpu.memory_space<vmem>>
        %get3A_1142 = tpu.memref_squeeze %get3A_1141 : memref<1x128x32xf32, #tpu.memory_space<vmem>> -> memref<128x32xf32, #tpu.memory_space<vmem>>
        %get3A_1143 = arith.index_cast %add3A_1130 : i32 to index
        %get3A_1144 = arith.constant 16 : index
        %get3A_1145 = tpu.vector_load %get3A_1142[%get3A_1143, %get3A_1144] {strides = array<i32>} : memref<128x32xf32, #tpu.memory_space<vmem>>, vector<16xf32>,
        %scatter3A_1146 = arith.constant 0 : i32
        %scatter3A_1147 = arith.constant 0 : i32
        %scatter3A_1148 = tpu.memref_slice %arg7[%scan3A_914, %scatter3A_1146, %scatter3A_1147] : memref<4x32x131xf32, #tpu.memory_space<vmem>> -> memref<1x32x131xf32, #tpu.memory_space<vmem>>
        %scatter3A_1149 = tpu.memref_squeeze %scatter3A_1148 : memref<1x32x131xf32, #tpu.memory_space<vmem>> -> memref<32x131xf32, #tpu.memory_space<vmem>>
        tpu.vector_store_idx %scatter3A_1149[%iota3A_909, %broadcast_in_dim3A_1131], %get3A_1138 : memref<32x131xf32, #tpu.memory_space<vmem>>[vector<16xi32>, vector<16xi32>], vector<16xf32>,
        %scatter3A_1150 = arith.constant 0 : i32
        %scatter3A_1151 = arith.constant 0 : i32
        %scatter3A_1152 = tpu.memref_slice %arg7[%scan3A_914, %scatter3A_1150, %scatter3A_1151] : memref<4x32x131xf32, #tpu.memory_space<vmem>> -> memref<1x32x131xf32, #tpu.memory_space<vmem>>
        %scatter3A_1153 = tpu.memref_squeeze %scatter3A_1152 : memref<1x32x131xf32, #tpu.memory_space<vmem>> -> memref<32x131xf32, #tpu.memory_space<vmem>>
        tpu.vector_store_idx %scatter3A_1153[%add3A_912, %broadcast_in_dim3A_1131], %get3A_1145 : memref<32x131xf32, #tpu.memory_space<vmem>>[vector<16xi32>, vector<16xi32>], vector<16xf32>,
        %add3A_1154 = arith.constant 4 : i32
        %add3A_1155 = arith.addi %add3A_1056, %add3A_1154 : i32
        %broadcast_in_dim3A_1156 = vector.broadcast %add3A_1155 : i32 to vector<16xi32>
        %get3A_1157 = arith.constant 0 : i32
        %get3A_1158 = arith.constant 0 : i32
        %get3A_1159 = tpu.memref_slice %arg6[%scan3A_913, %get3A_1157, %get3A_1158] : memref<4x128x32xf32, #tpu.memory_space<vmem>> -> memref<1x128x32xf32, #tpu.memory_space<vmem>>
        %get3A_1160 = tpu.memref_squeeze %get3A_1159 : memref<1x128x32xf32, #tpu.memory_space<vmem>> -> memref<128x32xf32, #tpu.memory_space<vmem>>
        %get3A_1161 = arith.index_cast %add3A_1155 : i32 to index
        %get3A_1162 = arith.constant 0 : index
        %get3A_1163 = tpu.vector_load %get3A_1160[%get3A_1161, %get3A_1162] {strides = array<i32>} : memref<128x32xf32, #tpu.memory_space<vmem>>, vector<16xf32>,
        %get3A_1164 = arith.constant 0 : i32
        %get3A_1165 = arith.constant 0 : i32
        %get3A_1166 = tpu.memref_slice %arg6[%scan3A_913, %get3A_1164, %get3A_1165] : memref<4x128x32xf32, #tpu.memory_space<vmem>> -> memref<1x128x32xf32, #tpu.memory_space<vmem>>
        %get3A_1167 = tpu.memref_squeeze %get3A_1166 : memref<1x128x32xf32, #tpu.memory_space<vmem>> -> memref<128x32xf32, #tpu.memory_space<vmem>>
        %get3A_1168 = arith.index_cast %add3A_1155 : i32 to index
        %get3A_1169 = arith.constant 16 : index
        %get3A_1170 = tpu.vector_load %get3A_1167[%get3A_1168, %get3A_1169] {strides = array<i32>} : memref<128x32xf32, #tpu.memory_space<vmem>>, vector<16xf32>,
        %scatter3A_1171 = arith.constant 0 : i32
        %scatter3A_1172 = arith.constant 0 : i32
        %scatter3A_1173 = tpu.memref_slice %arg7[%scan3A_914, %scatter3A_1171, %scatter3A_1172] : memref<4x32x131xf32, #tpu.memory_space<vmem>> -> memref<1x32x131xf32, #tpu.memory_space<vmem>>
        %scatter3A_1174 = tpu.memref_squeeze %scatter3A_1173 : memref<1x32x131xf32, #tpu.memory_space<vmem>> -> memref<32x131xf32, #tpu.memory_space<vmem>>
        tpu.vector_store_idx %scatter3A_1174[%iota3A_909, %broadcast_in_dim3A_1156], %get3A_1163 : memref<32x131xf32, #tpu.memory_space<vmem>>[vector<16xi32>, vector<16xi32>], vector<16xf32>,
        %scatter3A_1175 = arith.constant 0 : i32
        %scatter3A_1176 = arith.constant 0 : i32
        %scatter3A_1177 = tpu.memref_slice %arg7[%scan3A_914, %scatter3A_1175, %scatter3A_1176] : memref<4x32x131xf32, #tpu.memory_space<vmem>> -> memref<1x32x131xf32, #tpu.memory_space<vmem>>
        %scatter3A_1178 = tpu.memref_squeeze %scatter3A_1177 : memref<1x32x131xf32, #tpu.memory_space<vmem>> -> memref<32x131xf32, #tpu.memory_space<vmem>>
        tpu.vector_store_idx %scatter3A_1178[%add3A_912, %broadcast_in_dim3A_1156], %get3A_1170 : memref<32x131xf32, #tpu.memory_space<vmem>>[vector<16xi32>, vector<16xi32>], vector<16xf32>,
        %add3A_1179 = arith.constant 5 : i32
        %add3A_1180 = arith.addi %add3A_1056, %add3A_1179 : i32
        %broadcast_in_dim3A_1181 = vector.broadcast %add3A_1180 : i32 to vector<16xi32>
        %get3A_1182 = arith.constant 0 : i32
        %get3A_1183 = arith.constant 0 : i32
        %get3A_1184 = tpu.memref_slice %arg6[%scan3A_913, %get3A_1182, %get3A_1183] : memref<4x128x32xf32, #tpu.memory_space<vmem>> -> memref<1x128x32xf32, #tpu.memory_space<vmem>>
        %get3A_1185 = tpu.memref_squeeze %get3A_1184 : memref<1x128x32xf32, #tpu.memory_space<vmem>> -> memref<128x32xf32, #tpu.memory_space<vmem>>
        %get3A_1186 = arith.index_cast %add3A_1180 : i32 to index
        %get3A_1187 = arith.constant 0 : index
        %get3A_1188 = tpu.vector_load %get3A_1185[%get3A_1186, %get3A_1187] {strides = array<i32>} : memref<128x32xf32, #tpu.memory_space<vmem>>, vector<16xf32>,
        %get3A_1189 = arith.constant 0 : i32
        %get3A_1190 = arith.constant 0 : i32
        %get3A_1191 = tpu.memref_slice %arg6[%scan3A_913, %get3A_1189, %get3A_1190] : memref<4x128x32xf32, #tpu.memory_space<vmem>> -> memref<1x128x32xf32, #tpu.memory_space<vmem>>
        %get3A_1192 = tpu.memref_squeeze %get3A_1191 : memref<1x128x32xf32, #tpu.memory_space<vmem>> -> memref<128x32xf32, #tpu.memory_space<vmem>>
        %get3A_1193 = arith.index_cast %add3A_1180 : i32 to index
        %get3A_1194 = arith.constant 16 : index
        %get3A_1195 = tpu.vector_load %get3A_1192[%get3A_1193, %get3A_1194] {strides = array<i32>} : memref<128x32xf32, #tpu.memory_space<vmem>>, vector<16xf32>,
        %scatter3A_1196 = arith.constant 0 : i32
        %scatter3A_1197 = arith.constant 0 : i32
        %scatter3A_1198 = tpu.memref_slice %arg7[%scan3A_914, %scatter3A_1196, %scatter3A_1197] : memref<4x32x131xf32, #tpu.memory_space<vmem>> -> memref<1x32x131xf32, #tpu.memory_space<vmem>>
        %scatter3A_1199 = tpu.memref_squeeze %scatter3A_1198 : memref<1x32x131xf32, #tpu.memory_space<vmem>> -> memref<32x131xf32, #tpu.memory_space<vmem>>
        tpu.vector_store_idx %scatter3A_1199[%iota3A_909, %broadcast_in_dim3A_1181], %get3A_1188 : memref<32x131xf32, #tpu.memory_space<vmem>>[vector<16xi32>, vector<16xi32>], vector<16xf32>,
        %scatter3A_1200 = arith.constant 0 : i32
        %scatter3A_1201 = arith.constant 0 : i32
        %scatter3A_1202 = tpu.memref_slice %arg7[%scan3A_914, %scatter3A_1200, %scatter3A_1201] : memref<4x32x131xf32, #tpu.memory_space<vmem>> -> memref<1x32x131xf32, #tpu.memory_space<vmem>>
        %scatter3A_1203 = tpu.memref_squeeze %scatter3A_1202 : memref<1x32x131xf32, #tpu.memory_space<vmem>> -> memref<32x131xf32, #tpu.memory_space<vmem>>
        tpu.vector_store_idx %scatter3A_1203[%add3A_912, %broadcast_in_dim3A_1181], %get3A_1195 : memref<32x131xf32, #tpu.memory_space<vmem>>[vector<16xi32>, vector<16xi32>], vector<16xf32>,
        %add3A_1204 = arith.constant 6 : i32
        %add3A_1205 = arith.addi %add3A_1056, %add3A_1204 : i32
        %broadcast_in_dim3A_1206 = vector.broadcast %add3A_1205 : i32 to vector<16xi32>
        %get3A_1207 = arith.constant 0 : i32
        %get3A_1208 = arith.constant 0 : i32
        %get3A_1209 = tpu.memref_slice %arg6[%scan3A_913, %get3A_1207, %get3A_1208] : memref<4x128x32xf32, #tpu.memory_space<vmem>> -> memref<1x128x32xf32, #tpu.memory_space<vmem>>
        %get3A_1210 = tpu.memref_squeeze %get3A_1209 : memref<1x128x32xf32, #tpu.memory_space<vmem>> -> memref<128x32xf32, #tpu.memory_space<vmem>>
        %get3A_1211 = arith.index_cast %add3A_1205 : i32 to index
        %get3A_1212 = arith.constant 0 : index
        %get3A_1213 = tpu.vector_load %get3A_1210[%get3A_1211, %get3A_1212] {strides = array<i32>} : memref<128x32xf32, #tpu.memory_space<vmem>>, vector<16xf32>,
        %get3A_1214 = arith.constant 0 : i32
        %get3A_1215 = arith.constant 0 : i32
        %get3A_1216 = tpu.memref_slice %arg6[%scan3A_913, %get3A_1214, %get3A_1215] : memref<4x128x32xf32, #tpu.memory_space<vmem>> -> memref<1x128x32xf32, #tpu.memory_space<vmem>>
        %get3A_1217 = tpu.memref_squeeze %get3A_1216 : memref<1x128x32xf32, #tpu.memory_space<vmem>> -> memref<128x32xf32, #tpu.memory_space<vmem>>
        %get3A_1218 = arith.index_cast %add3A_1205 : i32 to index
        %get3A_1219 = arith.constant 16 : index
        %get3A_1220 = tpu.vector_load %get3A_1217[%get3A_1218, %get3A_1219] {strides = array<i32>} : memref<128x32xf32, #tpu.memory_space<vmem>>, vector<16xf32>,
        %scatter3A_1221 = arith.constant 0 : i32
        %scatter3A_1222 = arith.constant 0 : i32
        %scatter3A_1223 = tpu.memref_slice %arg7[%scan3A_914, %scatter3A_1221, %scatter3A_1222] : memref<4x32x131xf32, #tpu.memory_space<vmem>> -> memref<1x32x131xf32, #tpu.memory_space<vmem>>
        %scatter3A_1224 = tpu.memref_squeeze %scatter3A_1223 : memref<1x32x131xf32, #tpu.memory_space<vmem>> -> memref<32x131xf32, #tpu.memory_space<vmem>>
        tpu.vector_store_idx %scatter3A_1224[%iota3A_909, %broadcast_in_dim3A_1206], %get3A_1213 : memref<32x131xf32, #tpu.memory_space<vmem>>[vector<16xi32>, vector<16xi32>], vector<16xf32>,
        %scatter3A_1225 = arith.constant 0 : i32
        %scatter3A_1226 = arith.constant 0 : i32
        %scatter3A_1227 = tpu.memref_slice %arg7[%scan3A_914, %scatter3A_1225, %scatter3A_1226] : memref<4x32x131xf32, #tpu.memory_space<vmem>> -> memref<1x32x131xf32, #tpu.memory_space<vmem>>
        %scatter3A_1228 = tpu.memref_squeeze %scatter3A_1227 : memref<1x32x131xf32, #tpu.memory_space<vmem>> -> memref<32x131xf32, #tpu.memory_space<vmem>>
        tpu.vector_store_idx %scatter3A_1228[%add3A_912, %broadcast_in_dim3A_1206], %get3A_1220 : memref<32x131xf32, #tpu.memory_space<vmem>>[vector<16xi32>, vector<16xi32>], vector<16xf32>,
        %add3A_1229 = arith.constant 7 : i32
        %add3A_1230 = arith.addi %add3A_1056, %add3A_1229 : i32
        %broadcast_in_dim3A_1231 = vector.broadcast %add3A_1230 : i32 to vector<16xi32>
        %get3A_1232 = arith.constant 0 : i32
        %get3A_1233 = arith.constant 0 : i32
        %get3A_1234 = tpu.memref_slice %arg6[%scan3A_913, %get3A_1232, %get3A_1233] : memref<4x128x32xf32, #tpu.memory_space<vmem>> -> memref<1x128x32xf32, #tpu.memory_space<vmem>>
        %get3A_1235 = tpu.memref_squeeze %get3A_1234 : memref<1x128x32xf32, #tpu.memory_space<vmem>> -> memref<128x32xf32, #tpu.memory_space<vmem>>
        %get3A_1236 = arith.index_cast %add3A_1230 : i32 to index
        %get3A_1237 = arith.constant 0 : index
        %get3A_1238 = tpu.vector_load %get3A_1235[%get3A_1236, %get3A_1237] {strides = array<i32>} : memref<128x32xf32, #tpu.memory_space<vmem>>, vector<16xf32>,
        %get3A_1239 = arith.constant 0 : i32
        %get3A_1240 = arith.constant 0 : i32
        %get3A_1241 = tpu.memref_slice %arg6[%scan3A_913, %get3A_1239, %get3A_1240] : memref<4x128x32xf32, #tpu.memory_space<vmem>> -> memref<1x128x32xf32, #tpu.memory_space<vmem>>
        %get3A_1242 = tpu.memref_squeeze %get3A_1241 : memref<1x128x32xf32, #tpu.memory_space<vmem>> -> memref<128x32xf32, #tpu.memory_space<vmem>>
        %get3A_1243 = arith.index_cast %add3A_1230 : i32 to index
        %get3A_1244 = arith.constant 16 : index
        %get3A_1245 = tpu.vector_load %get3A_1242[%get3A_1243, %get3A_1244] {strides = array<i32>} : memref<128x32xf32, #tpu.memory_space<vmem>>, vector<16xf32>,
        %scatter3A_1246 = arith.constant 0 : i32
        %scatter3A_1247 = arith.constant 0 : i32
        %scatter3A_1248 = tpu.memref_slice %arg7[%scan3A_914, %scatter3A_1246, %scatter3A_1247] : memref<4x32x131xf32, #tpu.memory_space<vmem>> -> memref<1x32x131xf32, #tpu.memory_space<vmem>>
        %scatter3A_1249 = tpu.memref_squeeze %scatter3A_1248 : memref<1x32x131xf32, #tpu.memory_space<vmem>> -> memref<32x131xf32, #tpu.memory_space<vmem>>
        tpu.vector_store_idx %scatter3A_1249[%iota3A_909, %broadcast_in_dim3A_1231], %get3A_1238 : memref<32x131xf32, #tpu.memory_space<vmem>>[vector<16xi32>, vector<16xi32>], vector<16xf32>,
        %scatter3A_1250 = arith.constant 0 : i32
        %scatter3A_1251 = arith.constant 0 : i32
        %scatter3A_1252 = tpu.memref_slice %arg7[%scan3A_914, %scatter3A_1250, %scatter3A_1251] : memref<4x32x131xf32, #tpu.memory_space<vmem>> -> memref<1x32x131xf32, #tpu.memory_space<vmem>>
        %scatter3A_1253 = tpu.memref_squeeze %scatter3A_1252 : memref<1x32x131xf32, #tpu.memory_space<vmem>> -> memref<32x131xf32, #tpu.memory_space<vmem>>
        tpu.vector_store_idx %scatter3A_1253[%add3A_912, %broadcast_in_dim3A_1231], %get3A_1245 : memref<32x131xf32, #tpu.memory_space<vmem>>[vector<16xi32>, vector<16xi32>], vector<16xf32>,
      }
      %scan3A_919 = arith.constant 16 : i32
      %jit3A_920 = arith.constant 4 : i32
      %div3A_921 = arith.divsi %add3A_882, %jit3A_920 : i32
      %sign3A_922 = arith.constant 0 : i32
      %sign3A_923 = arith.cmpi sgt, %add3A_882, %sign3A_922 : i32
      %sign3A_924 = arith.extui %sign3A_923 : i1 to i32
      %sign3A_925 = arith.constant 0 : i32
      %sign3A_926 = arith.cmpi slt, %add3A_882, %sign3A_925 : i32
      %sign3A_927 = arith.extui %sign3A_926 : i1 to i32
      %sign3A_928 = arith.subi %sign3A_924, %sign3A_927 : i32
      %sign3A_929 = arith.constant 0 : i32
      %sign3A_930 = arith.cmpi sgt, %jit3A_920, %sign3A_929 : i32
      %sign3A_931 = arith.extui %sign3A_930 : i1 to i32
      %sign3A_932 = arith.constant 0 : i32
      %sign3A_933 = arith.cmpi slt, %jit3A_920, %sign3A_932 : i32
      %sign3A_934 = arith.extui %sign3A_933 : i1 to i32
      %sign3A_935 = arith.subi %sign3A_931, %sign3A_934 : i32
      %ne3A_936 = arith.cmpi ne, %sign3A_928, %sign3A_935 : i32
      %rem3A_937 = arith.remsi %add3A_882, %jit3A_920 : i32
      %ne3A_938 = arith.constant 0 : i32
      %ne3A_939 = arith.cmpi ne, %rem3A_937, %ne3A_938 : i32
      %and3A_940 = arith.andi %ne3A_936, %ne3A_939 : i1
      %sub3A_941 = arith.constant 1 : i32
      %sub3A_942 = arith.subi %div3A_921, %sub3A_941 : i32
      %select_n3A_943 = arith.select %and3A_940, %sub3A_942, %div3A_921 : i32
      %mul3A_944 = arith.constant 4 : i32
      %mul3A_945 = arith.muli %add3A, %mul3A_944 : i32
      %jit3A_946 = arith.constant 4 : i32
      %eq3A_947 = arith.constant 0 : i32
      %eq3A_948 = arith.cmpi eq, %jit3A_946, %eq3A_947 : i32
      %jit3A_949 = arith.constant 1 : i32
      %select_n3A_950 = arith.select %eq3A_948, %jit3A_949, %jit3A_946 : i32
      %rem3A_951 = arith.remsi %add3A_882, %select_n3A_950 : i32
      %ne3A_952 = arith.constant 0 : i32
      %ne3A_953 = arith.cmpi ne, %rem3A_951, %ne3A_952 : i32
      %lt3A_954 = arith.constant 0 : i32
      %lt3A_955 = arith.cmpi slt, %rem3A_951, %lt3A_954 : i32
      %lt3A_956 = arith.constant 0 : i32
      %lt3A_957 = arith.cmpi slt, %select_n3A_950, %lt3A_956 : i32
      %ne3A_958 = arith.xori %lt3A_955, %lt3A_957 : i1
      %and3A_959 = arith.andi %ne3A_958, %ne3A_953 : i1
      %add3A_960 = arith.addi %rem3A_951, %select_n3A_950 : i32
      %select_n3A_961 = arith.select %and3A_959, %add3A_960, %rem3A_951 : i32
      %add3A_962 = arith.addi %mul3A_945, %select_n3A_961 : i32
      %mul3A_963 = arith.constant 4096 : i32
      %mul3A_964 = arith.muli %select_n3A_943, %mul3A_963 : i32
      %mul3A_965 = arith.constant 8 : i32
      %mul3A_966 = arith.muli %add3A_962, %mul3A_965 : i32
      %add3A_967 = arith.addi %mul3A_964, %mul3A_966 : i32
      %add3A_968 = arith.constant 0 : i32
      %add3A_969 = arith.addi %add3A_967, %add3A_968 : i32
      %dma_start3A_970 = arith.constant 3 : i32
      %dma_start3A_971 = arith.constant 0 : i32
      %dma_start3A_972 = arith.constant 0 : i32
      %dma_start3A_973 = tpu.memref_slice %arg7[%dma_start3A_970, %dma_start3A_971, %dma_start3A_972] : memref<4x32x131xf32, #tpu.memory_space<vmem>> -> memref<1x32x131xf32, #tpu.memory_space<vmem>>
      %dma_start3A_974 = tpu.memref_squeeze %dma_start3A_973 : memref<1x32x131xf32, #tpu.memory_space<vmem>> -> memref<32x131xf32, #tpu.memory_space<vmem>>
      %dma_start3A_975 = arith.constant 0 : i32
      %dma_start3A_976 = arith.constant 0 : i32
      %dma_start3A_977 = tpu.memref_slice %dma_start3A_974[%dma_start3A_975, %dma_start3A_976] : memref<32x131xf32, #tpu.memory_space<vmem>> -> memref<8x128xf32, #tpu.memory_space<vmem>>
      %dma_start3A_978 = arith.constant 0 : i32
      %dma_start3A_979 = tpu.memref_slice %arg4[%add3A_969, %dma_start3A_978] : memref<204800x128xf32, #tpu.memory_space<hbm>> -> memref<8x128xf32, #tpu.memory_space<hbm>>
      %dma_start3A_980 = arith.constant 0 : i32
      %dma_start3A_981 = tpu.memref_slice %arg4[%add3A_969, %dma_start3A_980] : memref<204800x128xf32, #tpu.memory_space<hbm>> -> memref<8x128xf32, #tpu.memory_space<hbm>>
      %dma_start3A_982 = arith.constant 0 : i32
      %dma_start3A_983 = arith.constant 0 : i32
      %dma_start3A_984 = tpu.memref_slice %arg7[%dma_start3A_970, %dma_start3A_982, %dma_start3A_983] : memref<4x32x131xf32, #tpu.memory_space<vmem>> -> memref<1x32x131xf32, #tpu.memory_space<vmem>>
      %dma_start3A_985 = tpu.memref_squeeze %dma_start3A_984 : memref<1x32x131xf32, #tpu.memory_space<vmem>> -> memref<32x131xf32, #tpu.memory_space<vmem>>
      %dma_start3A_986 = arith.constant 0 : i32
      %dma_start3A_987 = arith.constant 0 : i32
      %dma_start3A_988 = tpu.memref_slice %dma_start3A_985[%dma_start3A_986, %dma_start3A_987] : memref<32x131xf32, #tpu.memory_space<vmem>> -> memref<8x128xf32, #tpu.memory_space<vmem>>
      tpu.enqueue_dma source(%dma_start3A_988 : memref<8x128xf32, #tpu.memory_space<vmem>>) target(%dma_start3A_981 : memref<8x128xf32, #tpu.memory_space<hbm>>) target_semaphore(%arg9 : memref<!tpu.dma_semaphore, #tpu.memory_space<semaphore_mem>>)
      %add3A_989 = arith.constant 1024 : i32
      %add3A_990 = arith.addi %add3A_967, %add3A_989 : i32
      %dma_start3A_991 = arith.constant 3 : i32
      %dma_start3A_992 = arith.constant 0 : i32
      %dma_start3A_993 = arith.constant 0 : i32
      %dma_start3A_994 = tpu.memref_slice %arg7[%dma_start3A_991, %dma_start3A_992, %dma_start3A_993] : memref<4x32x131xf32, #tpu.memory_space<vmem>> -> memref<1x32x131xf32, #tpu.memory_space<vmem>>
      %dma_start3A_995 = tpu.memref_squeeze %dma_start3A_994 : memref<1x32x131xf32, #tpu.memory_space<vmem>> -> memref<32x131xf32, #tpu.memory_space<vmem>>
      %dma_start3A_996 = arith.constant 8 : i32
      %dma_start3A_997 = arith.constant 0 : i32
      %dma_start3A_998 = tpu.memref_slice %dma_start3A_995[%dma_start3A_996, %dma_start3A_997] : memref<32x131xf32, #tpu.memory_space<vmem>> -> memref<8x128xf32, #tpu.memory_space<vmem>>
      %dma_start3A_999 = arith.constant 0 : i32
      %dma_start3A_1000 = tpu.memref_slice %arg4[%add3A_990, %dma_start3A_999] : memref<204800x128xf32, #tpu.memory_space<hbm>> -> memref<8x128xf32, #tpu.memory_space<hbm>>
      %dma_start3A_1001 = arith.constant 0 : i32
      %dma_start3A_1002 = tpu.memref_slice %arg4[%add3A_990, %dma_start3A_1001] : memref<204800x128xf32, #tpu.memory_space<hbm>> -> memref<8x128xf32, #tpu.memory_space<hbm>>
      %dma_start3A_1003 = arith.constant 0 : i32
      %dma_start3A_1004 = arith.constant 0 : i32
      %dma_start3A_1005 = tpu.memref_slice %arg7[%dma_start3A_991, %dma_start3A_1003, %dma_start3A_1004] : memref<4x32x131xf32, #tpu.memory_space<vmem>> -> memref<1x32x131xf32, #tpu.memory_space<vmem>>
      %dma_start3A_1006 = tpu.memref_squeeze %dma_start3A_1005 : memref<1x32x131xf32, #tpu.memory_space<vmem>> -> memref<32x131xf32, #tpu.memory_space<vmem>>
      %dma_start3A_1007 = arith.constant 8 : i32
      %dma_start3A_1008 = arith.constant 0 : i32
      %dma_start3A_1009 = tpu.memref_slice %dma_start3A_1006[%dma_start3A_1007, %dma_start3A_1008] : memref<32x131xf32, #tpu.memory_space<vmem>> -> memref<8x128xf32, #tpu.memory_space<vmem>>
      tpu.enqueue_dma source(%dma_start3A_1009 : memref<8x128xf32, #tpu.memory_space<vmem>>) target(%dma_start3A_1002 : memref<8x128xf32, #tpu.memory_space<hbm>>) target_semaphore(%arg9 : memref<!tpu.dma_semaphore, #tpu.memory_space<semaphore_mem>>)
      %add3A_1010 = arith.constant 2048 : i32
      %add3A_1011 = arith.addi %add3A_967, %add3A_1010 : i32
      %dma_start3A_1012 = arith.constant 3 : i32
      %dma_start3A_1013 = arith.constant 0 : i32
      %dma_start3A_1014 = arith.constant 0 : i32
      %dma_start3A_1015 = tpu.memref_slice %arg7[%dma_start3A_1012, %dma_start3A_1013, %dma_start3A_1014] : memref<4x32x131xf32, #tpu.memory_space<vmem>> -> memref<1x32x131xf32, #tpu.memory_space<vmem>>
      %dma_start3A_1016 = tpu.memref_squeeze %dma_start3A_1015 : memref<1x32x131xf32, #tpu.memory_space<vmem>> -> memref<32x131xf32, #tpu.memory_space<vmem>>
      %dma_start3A_1017 = arith.constant 16 : i32
      %dma_start3A_1018 = arith.constant 0 : i32
      %dma_start3A_1019 = tpu.memref_slice %dma_start3A_1016[%dma_start3A_1017, %dma_start3A_1018] : memref<32x131xf32, #tpu.memory_space<vmem>> -> memref<8x128xf32, #tpu.memory_space<vmem>>
      %dma_start3A_1020 = arith.constant 0 : i32
      %dma_start3A_1021 = tpu.memref_slice %arg4[%add3A_1011, %dma_start3A_1020] : memref<204800x128xf32, #tpu.memory_space<hbm>> -> memref<8x128xf32, #tpu.memory_space<hbm>>
      %dma_start3A_1022 = arith.constant 0 : i32
      %dma_start3A_1023 = tpu.memref_slice %arg4[%add3A_1011, %dma_start3A_1022] : memref<204800x128xf32, #tpu.memory_space<hbm>> -> memref<8x128xf32, #tpu.memory_space<hbm>>
      %dma_start3A_1024 = arith.constant 0 : i32
      %dma_start3A_1025 = arith.constant 0 : i32
      %dma_start3A_1026 = tpu.memref_slice %arg7[%dma_start3A_1012, %dma_start3A_1024, %dma_start3A_1025] : memref<4x32x131xf32, #tpu.memory_space<vmem>> -> memref<1x32x131xf32, #tpu.memory_space<vmem>>
      %dma_start3A_1027 = tpu.memref_squeeze %dma_start3A_1026 : memref<1x32x131xf32, #tpu.memory_space<vmem>> -> memref<32x131xf32, #tpu.memory_space<vmem>>
      %dma_start3A_1028 = arith.constant 16 : i32
      %dma_start3A_1029 = arith.constant 0 : i32
      %dma_start3A_1030 = tpu.memref_slice %dma_start3A_1027[%dma_start3A_1028, %dma_start3A_1029] : memref<32x131xf32, #tpu.memory_space<vmem>> -> memref<8x128xf32, #tpu.memory_space<vmem>>
      tpu.enqueue_dma source(%dma_start3A_1030 : memref<8x128xf32, #tpu.memory_space<vmem>>) target(%dma_start3A_1023 : memref<8x128xf32, #tpu.memory_space<hbm>>) target_semaphore(%arg9 : memref<!tpu.dma_semaphore, #tpu.memory_space<semaphore_mem>>)
      %add3A_1031 = arith.constant 3072 : i32
      %add3A_1032 = arith.addi %add3A_967, %add3A_1031 : i32
      %dma_start3A_1033 = arith.constant 3 : i32
      %dma_start3A_1034 = arith.constant 0 : i32
      %dma_start3A_1035 = arith.constant 0 : i32
      %dma_start3A_1036 = tpu.memref_slice %arg7[%dma_start3A_1033, %dma_start3A_1034, %dma_start3A_1035] : memref<4x32x131xf32, #tpu.memory_space<vmem>> -> memref<1x32x131xf32, #tpu.memory_space<vmem>>
      %dma_start3A_1037 = tpu.memref_squeeze %dma_start3A_1036 : memref<1x32x131xf32, #tpu.memory_space<vmem>> -> memref<32x131xf32, #tpu.memory_space<vmem>>
      %dma_start3A_1038 = arith.constant 24 : i32
      %dma_start3A_1039 = arith.constant 0 : i32
      %dma_start3A_1040 = tpu.memref_slice %dma_start3A_1037[%dma_start3A_1038, %dma_start3A_1039] : memref<32x131xf32, #tpu.memory_space<vmem>> -> memref<8x128xf32, #tpu.memory_space<vmem>>
      %dma_start3A_1041 = arith.constant 0 : i32
      %dma_start3A_1042 = tpu.memref_slice %arg4[%add3A_1032, %dma_start3A_1041] : memref<204800x128xf32, #tpu.memory_space<hbm>> -> memref<8x128xf32, #tpu.memory_space<hbm>>
      %dma_start3A_1043 = arith.constant 0 : i32
      %dma_start3A_1044 = tpu.memref_slice %arg4[%add3A_1032, %dma_start3A_1043] : memref<204800x128xf32, #tpu.memory_space<hbm>> -> memref<8x128xf32, #tpu.memory_space<hbm>>
      %dma_start3A_1045 = arith.constant 0 : i32
      %dma_start3A_1046 = arith.constant 0 : i32
      %dma_start3A_1047 = tpu.memref_slice %arg7[%dma_start3A_1033, %dma_start3A_1045, %dma_start3A_1046] : memref<4x32x131xf32, #tpu.memory_space<vmem>> -> memref<1x32x131xf32, #tpu.memory_space<vmem>>
      %dma_start3A_1048 = tpu.memref_squeeze %dma_start3A_1047 : memref<1x32x131xf32, #tpu.memory_space<vmem>> -> memref<32x131xf32, #tpu.memory_space<vmem>>
      %dma_start3A_1049 = arith.constant 24 : i32
      %dma_start3A_1050 = arith.constant 0 : i32
      %dma_start3A_1051 = tpu.memref_slice %dma_start3A_1048[%dma_start3A_1049, %dma_start3A_1050] : memref<32x131xf32, #tpu.memory_space<vmem>> -> memref<8x128xf32, #tpu.memory_space<vmem>>
      tpu.enqueue_dma source(%dma_start3A_1051 : memref<8x128xf32, #tpu.memory_space<vmem>>) target(%dma_start3A_1044 : memref<8x128xf32, #tpu.memory_space<hbm>>) target_semaphore(%arg9 : memref<!tpu.dma_semaphore, #tpu.memory_space<semaphore_mem>>)
    }
    %scan3A_41 = arith.constant 50 : i32
    %dma_wait3A = arith.constant 0 : i32
    %dma_wait3A_42 = arith.constant 0 : i32
    %dma_wait3A_43 = arith.constant 0 : i32
    %dma_wait3A_44 = tpu.memref_slice %arg7[%dma_wait3A, %dma_wait3A_42, %dma_wait3A_43] : memref<4x32x131xf32, #tpu.memory_space<vmem>> -> memref<1x32x131xf32, #tpu.memory_space<vmem>>
    %dma_wait3A_45 = tpu.memref_squeeze %dma_wait3A_44 : memref<1x32x131xf32, #tpu.memory_space<vmem>> -> memref<32x131xf32, #tpu.memory_space<vmem>>
    %dma_wait3A_46 = arith.constant 0 : i32
    %dma_wait3A_47 = arith.constant 0 : i32
    %dma_wait3A_48 = tpu.memref_slice %dma_wait3A_45[%dma_wait3A_46, %dma_wait3A_47] : memref<32x131xf32, #tpu.memory_space<vmem>> -> memref<8x128xf32, #tpu.memory_space<vmem>>
    %dma_wait3A_49 = arith.constant 0 : i32
    %dma_wait3A_50 = arith.constant 0 : i32
    %dma_wait3A_51 = tpu.memref_slice %arg4[%dma_wait3A_49, %dma_wait3A_50] : memref<204800x128xf32, #tpu.memory_space<hbm>> -> memref<8x128xf32, #tpu.memory_space<hbm>>
    %dma_wait3A_52 = arith.constant 0 : i32
    %dma_wait3A_53 = arith.constant 0 : i32
    %dma_wait3A_54 = tpu.memref_slice %arg4[%dma_wait3A_52, %dma_wait3A_53] : memref<204800x128xf32, #tpu.memory_space<hbm>> -> memref<8x128xf32, #tpu.memory_space<hbm>>
    %dma_wait3A_55 = arith.constant 0 : i32
    %dma_wait3A_56 = arith.constant 0 : i32
    %dma_wait3A_57 = tpu.memref_slice %arg7[%dma_wait3A, %dma_wait3A_55, %dma_wait3A_56] : memref<4x32x131xf32, #tpu.memory_space<vmem>> -> memref<1x32x131xf32, #tpu.memory_space<vmem>>
    %dma_wait3A_58 = tpu.memref_squeeze %dma_wait3A_57 : memref<1x32x131xf32, #tpu.memory_space<vmem>> -> memref<32x131xf32, #tpu.memory_space<vmem>>
    %dma_wait3A_59 = arith.constant 0 : i32
    %dma_wait3A_60 = arith.constant 0 : i32
    %dma_wait3A_61 = tpu.memref_slice %dma_wait3A_58[%dma_wait3A_59, %dma_wait3A_60] : memref<32x131xf32, #tpu.memory_space<vmem>> -> memref<8x128xf32, #tpu.memory_space<vmem>>
    tpu.wait_dma2 semaphore(%arg9 : memref<!tpu.dma_semaphore, #tpu.memory_space<semaphore_mem>>) src(%dma_wait3A_61 : memref<8x128xf32, #tpu.memory_space<vmem>>) dst(%dma_wait3A_54 : memref<8x128xf32, #tpu.memory_space<hbm>>)
    %dma_wait3A_62 = arith.constant 0 : i32
    %dma_wait3A_63 = arith.constant 0 : i32
    %dma_wait3A_64 = arith.constant 0 : i32
    %dma_wait3A_65 = tpu.memref_slice %arg7[%dma_wait3A_62, %dma_wait3A_63, %dma_wait3A_64] : memref<4x32x131xf32, #tpu.memory_space<vmem>> -> memref<1x32x131xf32, #tpu.memory_space<vmem>>
    %dma_wait3A_66 = tpu.memref_squeeze %dma_wait3A_65 : memref<1x32x131xf32, #tpu.memory_space<vmem>> -> memref<32x131xf32, #tpu.memory_space<vmem>>
    %dma_wait3A_67 = arith.constant 8 : i32
    %dma_wait3A_68 = arith.constant 0 : i32
    %dma_wait3A_69 = tpu.memref_slice %dma_wait3A_66[%dma_wait3A_67, %dma_wait3A_68] : memref<32x131xf32, #tpu.memory_space<vmem>> -> memref<8x128xf32, #tpu.memory_space<vmem>>
    %dma_wait3A_70 = arith.constant 0 : i32
    %dma_wait3A_71 = arith.constant 0 : i32
    %dma_wait3A_72 = tpu.memref_slice %arg4[%dma_wait3A_70, %dma_wait3A_71] : memref<204800x128xf32, #tpu.memory_space<hbm>> -> memref<8x128xf32, #tpu.memory_space<hbm>>
    %dma_wait3A_73 = arith.constant 0 : i32
    %dma_wait3A_74 = arith.constant 0 : i32
    %dma_wait3A_75 = tpu.memref_slice %arg4[%dma_wait3A_73, %dma_wait3A_74] : memref<204800x128xf32, #tpu.memory_space<hbm>> -> memref<8x128xf32, #tpu.memory_space<hbm>>
    %dma_wait3A_76 = arith.constant 0 : i32
    %dma_wait3A_77 = arith.constant 0 : i32
    %dma_wait3A_78 = tpu.memref_slice %arg7[%dma_wait3A_62, %dma_wait3A_76, %dma_wait3A_77] : memref<4x32x131xf32, #tpu.memory_space<vmem>> -> memref<1x32x131xf32, #tpu.memory_space<vmem>>
    %dma_wait3A_79 = tpu.memref_squeeze %dma_wait3A_78 : memref<1x32x131xf32, #tpu.memory_space<vmem>> -> memref<32x131xf32, #tpu.memory_space<vmem>>
    %dma_wait3A_80 = arith.constant 8 : i32
    %dma_wait3A_81 = arith.constant 0 : i32
    %dma_wait3A_82 = tpu.memref_slice %dma_wait3A_79[%dma_wait3A_80, %dma_wait3A_81] : memref<32x131xf32, #tpu.memory_space<vmem>> -> memref<8x128xf32, #tpu.memory_space<vmem>>
    tpu.wait_dma2 semaphore(%arg9 : memref<!tpu.dma_semaphore, #tpu.memory_space<semaphore_mem>>) src(%dma_wait3A_82 : memref<8x128xf32, #tpu.memory_space<vmem>>) dst(%dma_wait3A_75 : memref<8x128xf32, #tpu.memory_space<hbm>>)
    %dma_wait3A_83 = arith.constant 0 : i32
    %dma_wait3A_84 = arith.constant 0 : i32
    %dma_wait3A_85 = arith.constant 0 : i32
    %dma_wait3A_86 = tpu.memref_slice %arg7[%dma_wait3A_83, %dma_wait3A_84, %dma_wait3A_85] : memref<4x32x131xf32, #tpu.memory_space<vmem>> -> memref<1x32x131xf32, #tpu.memory_space<vmem>>
    %dma_wait3A_87 = tpu.memref_squeeze %dma_wait3A_86 : memref<1x32x131xf32, #tpu.memory_space<vmem>> -> memref<32x131xf32, #tpu.memory_space<vmem>>
    %dma_wait3A_88 = arith.constant 16 : i32
    %dma_wait3A_89 = arith.constant 0 : i32
    %dma_wait3A_90 = tpu.memref_slice %dma_wait3A_87[%dma_wait3A_88, %dma_wait3A_89] : memref<32x131xf32, #tpu.memory_space<vmem>> -> memref<8x128xf32, #tpu.memory_space<vmem>>
    %dma_wait3A_91 = arith.constant 0 : i32
    %dma_wait3A_92 = arith.constant 0 : i32
    %dma_wait3A_93 = tpu.memref_slice %arg4[%dma_wait3A_91, %dma_wait3A_92] : memref<204800x128xf32, #tpu.memory_space<hbm>> -> memref<8x128xf32, #tpu.memory_space<hbm>>
    %dma_wait3A_94 = arith.constant 0 : i32
    %dma_wait3A_95 = arith.constant 0 : i32
    %dma_wait3A_96 = tpu.memref_slice %arg4[%dma_wait3A_94, %dma_wait3A_95] : memref<204800x128xf32, #tpu.memory_space<hbm>> -> memref<8x128xf32, #tpu.memory_space<hbm>>
    %dma_wait3A_97 = arith.constant 0 : i32
    %dma_wait3A_98 = arith.constant 0 : i32
    %dma_wait3A_99 = tpu.memref_slice %arg7[%dma_wait3A_83, %dma_wait3A_97, %dma_wait3A_98] : memref<4x32x131xf32, #tpu.memory_space<vmem>> -> memref<1x32x131xf32, #tpu.memory_space<vmem>>
    %dma_wait3A_100 = tpu.memref_squeeze %dma_wait3A_99 : memref<1x32x131xf32, #tpu.memory_space<vmem>> -> memref<32x131xf32, #tpu.memory_space<vmem>>
    %dma_wait3A_101 = arith.constant 16 : i32
    %dma_wait3A_102 = arith.constant 0 : i32
    %dma_wait3A_103 = tpu.memref_slice %dma_wait3A_100[%dma_wait3A_101, %dma_wait3A_102] : memref<32x131xf32, #tpu.memory_space<vmem>> -> memref<8x128xf32, #tpu.memory_space<vmem>>
    tpu.wait_dma2 semaphore(%arg9 : memref<!tpu.dma_semaphore, #tpu.memory_space<semaphore_mem>>) src(%dma_wait3A_103 : memref<8x128xf32, #tpu.memory_space<vmem>>) dst(%dma_wait3A_96 : memref<8x128xf32, #tpu.memory_space<hbm>>)
    %dma_wait3A_104 = arith.constant 0 : i32
    %dma_wait3A_105 = arith.constant 0 : i32
    %dma_wait3A_106 = arith.constant 0 : i32
    %dma_wait3A_107 = tpu.memref_slice %arg7[%dma_wait3A_104, %dma_wait3A_105, %dma_wait3A_106] : memref<4x32x131xf32, #tpu.memory_space<vmem>> -> memref<1x32x131xf32, #tpu.memory_space<vmem>>
    %dma_wait3A_108 = tpu.memref_squeeze %dma_wait3A_107 : memref<1x32x131xf32, #tpu.memory_space<vmem>> -> memref<32x131xf32, #tpu.memory_space<vmem>>
    %dma_wait3A_109 = arith.constant 24 : i32
    %dma_wait3A_110 = arith.constant 0 : i32
    %dma_wait3A_111 = tpu.memref_slice %dma_wait3A_108[%dma_wait3A_109, %dma_wait3A_110] : memref<32x131xf32, #tpu.memory_space<vmem>> -> memref<8x128xf32, #tpu.memory_space<vmem>>
    %dma_wait3A_112 = arith.constant 0 : i32
    %dma_wait3A_113 = arith.constant 0 : i32
    %dma_wait3A_114 = tpu.memref_slice %arg4[%dma_wait3A_112, %dma_wait3A_113] : memref<204800x128xf32, #tpu.memory_space<hbm>> -> memref<8x128xf32, #tpu.memory_space<hbm>>
    %dma_wait3A_115 = arith.constant 0 : i32
    %dma_wait3A_116 = arith.constant 0 : i32
    %dma_wait3A_117 = tpu.memref_slice %arg4[%dma_wait3A_115, %dma_wait3A_116] : memref<204800x128xf32, #tpu.memory_space<hbm>> -> memref<8x128xf32, #tpu.memory_space<hbm>>
    %dma_wait3A_118 = arith.constant 0 : i32
    %dma_wait3A_119 = arith.constant 0 : i32
    %dma_wait3A_120 = tpu.memref_slice %arg7[%dma_wait3A_104, %dma_wait3A_118, %dma_wait3A_119] : memref<4x32x131xf32, #tpu.memory_space<vmem>> -> memref<1x32x131xf32, #tpu.memory_space<vmem>>
    %dma_wait3A_121 = tpu.memref_squeeze %dma_wait3A_120 : memref<1x32x131xf32, #tpu.memory_space<vmem>> -> memref<32x131xf32, #tpu.memory_space<vmem>>
    %dma_wait3A_122 = arith.constant 24 : i32
    %dma_wait3A_123 = arith.constant 0 : i32
    %dma_wait3A_124 = tpu.memref_slice %dma_wait3A_121[%dma_wait3A_122, %dma_wait3A_123] : memref<32x131xf32, #tpu.memory_space<vmem>> -> memref<8x128xf32, #tpu.memory_space<vmem>>
    tpu.wait_dma2 semaphore(%arg9 : memref<!tpu.dma_semaphore, #tpu.memory_space<semaphore_mem>>) src(%dma_wait3A_124 : memref<8x128xf32, #tpu.memory_space<vmem>>) dst(%dma_wait3A_117 : memref<8x128xf32, #tpu.memory_space<hbm>>)
    %dma_wait3A_125 = arith.constant 1 : i32
    %dma_wait3A_126 = arith.constant 0 : i32
    %dma_wait3A_127 = arith.constant 0 : i32
    %dma_wait3A_128 = tpu.memref_slice %arg7[%dma_wait3A_125, %dma_wait3A_126, %dma_wait3A_127] : memref<4x32x131xf32, #tpu.memory_space<vmem>> -> memref<1x32x131xf32, #tpu.memory_space<vmem>>
    %dma_wait3A_129 = tpu.memref_squeeze %dma_wait3A_128 : memref<1x32x131xf32, #tpu.memory_space<vmem>> -> memref<32x131xf32, #tpu.memory_space<vmem>>
    %dma_wait3A_130 = arith.constant 0 : i32
    %dma_wait3A_131 = arith.constant 0 : i32
    %dma_wait3A_132 = tpu.memref_slice %dma_wait3A_129[%dma_wait3A_130, %dma_wait3A_131] : memref<32x131xf32, #tpu.memory_space<vmem>> -> memref<8x128xf32, #tpu.memory_space<vmem>>
    %dma_wait3A_133 = arith.constant 0 : i32
    %dma_wait3A_134 = arith.constant 0 : i32
    %dma_wait3A_135 = tpu.memref_slice %arg4[%dma_wait3A_133, %dma_wait3A_134] : memref<204800x128xf32, #tpu.memory_space<hbm>> -> memref<8x128xf32, #tpu.memory_space<hbm>>
    %dma_wait3A_136 = arith.constant 0 : i32
    %dma_wait3A_137 = arith.constant 0 : i32
    %dma_wait3A_138 = tpu.memref_slice %arg4[%dma_wait3A_136, %dma_wait3A_137] : memref<204800x128xf32, #tpu.memory_space<hbm>> -> memref<8x128xf32, #tpu.memory_space<hbm>>
    %dma_wait3A_139 = arith.constant 0 : i32
    %dma_wait3A_140 = arith.constant 0 : i32
    %dma_wait3A_141 = tpu.memref_slice %arg7[%dma_wait3A_125, %dma_wait3A_139, %dma_wait3A_140] : memref<4x32x131xf32, #tpu.memory_space<vmem>> -> memref<1x32x131xf32, #tpu.memory_space<vmem>>
    %dma_wait3A_142 = tpu.memref_squeeze %dma_wait3A_141 : memref<1x32x131xf32, #tpu.memory_space<vmem>> -> memref<32x131xf32, #tpu.memory_space<vmem>>
    %dma_wait3A_143 = arith.constant 0 : i32
    %dma_wait3A_144 = arith.constant 0 : i32
    %dma_wait3A_145 = tpu.memref_slice %dma_wait3A_142[%dma_wait3A_143, %dma_wait3A_144] : memref<32x131xf32, #tpu.memory_space<vmem>> -> memref<8x128xf32, #tpu.memory_space<vmem>>
    tpu.wait_dma2 semaphore(%arg9 : memref<!tpu.dma_semaphore, #tpu.memory_space<semaphore_mem>>) src(%dma_wait3A_145 : memref<8x128xf32, #tpu.memory_space<vmem>>) dst(%dma_wait3A_138 : memref<8x128xf32, #tpu.memory_space<hbm>>)
    %dma_wait3A_146 = arith.constant 1 : i32
    %dma_wait3A_147 = arith.constant 0 : i32
    %dma_wait3A_148 = arith.constant 0 : i32
    %dma_wait3A_149 = tpu.memref_slice %arg7[%dma_wait3A_146, %dma_wait3A_147, %dma_wait3A_148] : memref<4x32x131xf32, #tpu.memory_space<vmem>> -> memref<1x32x131xf32, #tpu.memory_space<vmem>>
    %dma_wait3A_150 = tpu.memref_squeeze %dma_wait3A_149 : memref<1x32x131xf32, #tpu.memory_space<vmem>> -> memref<32x131xf32, #tpu.memory_space<vmem>>
    %dma_wait3A_151 = arith.constant 8 : i32
    %dma_wait3A_152 = arith.constant 0 : i32
    %dma_wait3A_153 = tpu.memref_slice %dma_wait3A_150[%dma_wait3A_151, %dma_wait3A_152] : memref<32x131xf32, #tpu.memory_space<vmem>> -> memref<8x128xf32, #tpu.memory_space<vmem>>
    %dma_wait3A_154 = arith.constant 0 : i32
    %dma_wait3A_155 = arith.constant 0 : i32
    %dma_wait3A_156 = tpu.memref_slice %arg4[%dma_wait3A_154, %dma_wait3A_155] : memref<204800x128xf32, #tpu.memory_space<hbm>> -> memref<8x128xf32, #tpu.memory_space<hbm>>
    %dma_wait3A_157 = arith.constant 0 : i32
    %dma_wait3A_158 = arith.constant 0 : i32
    %dma_wait3A_159 = tpu.memref_slice %arg4[%dma_wait3A_157, %dma_wait3A_158] : memref<204800x128xf32, #tpu.memory_space<hbm>> -> memref<8x128xf32, #tpu.memory_space<hbm>>
    %dma_wait3A_160 = arith.constant 0 : i32
    %dma_wait3A_161 = arith.constant 0 : i32
    %dma_wait3A_162 = tpu.memref_slice %arg7[%dma_wait3A_146, %dma_wait3A_160, %dma_wait3A_161] : memref<4x32x131xf32, #tpu.memory_space<vmem>> -> memref<1x32x131xf32, #tpu.memory_space<vmem>>
    %dma_wait3A_163 = tpu.memref_squeeze %dma_wait3A_162 : memref<1x32x131xf32, #tpu.memory_space<vmem>> -> memref<32x131xf32, #tpu.memory_space<vmem>>
    %dma_wait3A_164 = arith.constant 8 : i32
    %dma_wait3A_165 = arith.constant 0 : i32
    %dma_wait3A_166 = tpu.memref_slice %dma_wait3A_163[%dma_wait3A_164, %dma_wait3A_165] : memref<32x131xf32, #tpu.memory_space<vmem>> -> memref<8x128xf32, #tpu.memory_space<vmem>>
    tpu.wait_dma2 semaphore(%arg9 : memref<!tpu.dma_semaphore, #tpu.memory_space<semaphore_mem>>) src(%dma_wait3A_166 : memref<8x128xf32, #tpu.memory_space<vmem>>) dst(%dma_wait3A_159 : memref<8x128xf32, #tpu.memory_space<hbm>>)
    %dma_wait3A_167 = arith.constant 1 : i32
    %dma_wait3A_168 = arith.constant 0 : i32
    %dma_wait3A_169 = arith.constant 0 : i32
    %dma_wait3A_170 = tpu.memref_slice %arg7[%dma_wait3A_167, %dma_wait3A_168, %dma_wait3A_169] : memref<4x32x131xf32, #tpu.memory_space<vmem>> -> memref<1x32x131xf32, #tpu.memory_space<vmem>>
    %dma_wait3A_171 = tpu.memref_squeeze %dma_wait3A_170 : memref<1x32x131xf32, #tpu.memory_space<vmem>> -> memref<32x131xf32, #tpu.memory_space<vmem>>
    %dma_wait3A_172 = arith.constant 16 : i32
    %dma_wait3A_173 = arith.constant 0 : i32
    %dma_wait3A_174 = tpu.memref_slice %dma_wait3A_171[%dma_wait3A_172, %dma_wait3A_173] : memref<32x131xf32, #tpu.memory_space<vmem>> -> memref<8x128xf32, #tpu.memory_space<vmem>>
    %dma_wait3A_175 = arith.constant 0 : i32
    %dma_wait3A_176 = arith.constant 0 : i32
    %dma_wait3A_177 = tpu.memref_slice %arg4[%dma_wait3A_175, %dma_wait3A_176] : memref<204800x128xf32, #tpu.memory_space<hbm>> -> memref<8x128xf32, #tpu.memory_space<hbm>>
    %dma_wait3A_178 = arith.constant 0 : i32
    %dma_wait3A_179 = arith.constant 0 : i32
    %dma_wait3A_180 = tpu.memref_slice %arg4[%dma_wait3A_178, %dma_wait3A_179] : memref<204800x128xf32, #tpu.memory_space<hbm>> -> memref<8x128xf32, #tpu.memory_space<hbm>>
    %dma_wait3A_181 = arith.constant 0 : i32
    %dma_wait3A_182 = arith.constant 0 : i32
    %dma_wait3A_183 = tpu.memref_slice %arg7[%dma_wait3A_167, %dma_wait3A_181, %dma_wait3A_182] : memref<4x32x131xf32, #tpu.memory_space<vmem>> -> memref<1x32x131xf32, #tpu.memory_space<vmem>>
    %dma_wait3A_184 = tpu.memref_squeeze %dma_wait3A_183 : memref<1x32x131xf32, #tpu.memory_space<vmem>> -> memref<32x131xf32, #tpu.memory_space<vmem>>
    %dma_wait3A_185 = arith.constant 16 : i32
    %dma_wait3A_186 = arith.constant 0 : i32
    %dma_wait3A_187 = tpu.memref_slice %dma_wait3A_184[%dma_wait3A_185, %dma_wait3A_186] : memref<32x131xf32, #tpu.memory_space<vmem>> -> memref<8x128xf32, #tpu.memory_space<vmem>>
    tpu.wait_dma2 semaphore(%arg9 : memref<!tpu.dma_semaphore, #tpu.memory_space<semaphore_mem>>) src(%dma_wait3A_187 : memref<8x128xf32, #tpu.memory_space<vmem>>) dst(%dma_wait3A_180 : memref<8x128xf32, #tpu.memory_space<hbm>>)
    %dma_wait3A_188 = arith.constant 1 : i32
    %dma_wait3A_189 = arith.constant 0 : i32
    %dma_wait3A_190 = arith.constant 0 : i32
    %dma_wait3A_191 = tpu.memref_slice %arg7[%dma_wait3A_188, %dma_wait3A_189, %dma_wait3A_190] : memref<4x32x131xf32, #tpu.memory_space<vmem>> -> memref<1x32x131xf32, #tpu.memory_space<vmem>>
    %dma_wait3A_192 = tpu.memref_squeeze %dma_wait3A_191 : memref<1x32x131xf32, #tpu.memory_space<vmem>> -> memref<32x131xf32, #tpu.memory_space<vmem>>
    %dma_wait3A_193 = arith.constant 24 : i32
    %dma_wait3A_194 = arith.constant 0 : i32
    %dma_wait3A_195 = tpu.memref_slice %dma_wait3A_192[%dma_wait3A_193, %dma_wait3A_194] : memref<32x131xf32, #tpu.memory_space<vmem>> -> memref<8x128xf32, #tpu.memory_space<vmem>>
    %dma_wait3A_196 = arith.constant 0 : i32
    %dma_wait3A_197 = arith.constant 0 : i32
    %dma_wait3A_198 = tpu.memref_slice %arg4[%dma_wait3A_196, %dma_wait3A_197] : memref<204800x128xf32, #tpu.memory_space<hbm>> -> memref<8x128xf32, #tpu.memory_space<hbm>>
    %dma_wait3A_199 = arith.constant 0 : i32
    %dma_wait3A_200 = arith.constant 0 : i32
    %dma_wait3A_201 = tpu.memref_slice %arg4[%dma_wait3A_199, %dma_wait3A_200] : memref<204800x128xf32, #tpu.memory_space<hbm>> -> memref<8x128xf32, #tpu.memory_space<hbm>>
    %dma_wait3A_202 = arith.constant 0 : i32
    %dma_wait3A_203 = arith.constant 0 : i32
    %dma_wait3A_204 = tpu.memref_slice %arg7[%dma_wait3A_188, %dma_wait3A_202, %dma_wait3A_203] : memref<4x32x131xf32, #tpu.memory_space<vmem>> -> memref<1x32x131xf32, #tpu.memory_space<vmem>>
    %dma_wait3A_205 = tpu.memref_squeeze %dma_wait3A_204 : memref<1x32x131xf32, #tpu.memory_space<vmem>> -> memref<32x131xf32, #tpu.memory_space<vmem>>
    %dma_wait3A_206 = arith.constant 24 : i32
    %dma_wait3A_207 = arith.constant 0 : i32
    %dma_wait3A_208 = tpu.memref_slice %dma_wait3A_205[%dma_wait3A_206, %dma_wait3A_207] : memref<32x131xf32, #tpu.memory_space<vmem>> -> memref<8x128xf32, #tpu.memory_space<vmem>>
    tpu.wait_dma2 semaphore(%arg9 : memref<!tpu.dma_semaphore, #tpu.memory_space<semaphore_mem>>) src(%dma_wait3A_208 : memref<8x128xf32, #tpu.memory_space<vmem>>) dst(%dma_wait3A_201 : memref<8x128xf32, #tpu.memory_space<hbm>>)
    %dma_wait3A_209 = arith.constant 2 : i32
    %dma_wait3A_210 = arith.constant 0 : i32
    %dma_wait3A_211 = arith.constant 0 : i32
    %dma_wait3A_212 = tpu.memref_slice %arg7[%dma_wait3A_209, %dma_wait3A_210, %dma_wait3A_211] : memref<4x32x131xf32, #tpu.memory_space<vmem>> -> memref<1x32x131xf32, #tpu.memory_space<vmem>>
    %dma_wait3A_213 = tpu.memref_squeeze %dma_wait3A_212 : memref<1x32x131xf32, #tpu.memory_space<vmem>> -> memref<32x131xf32, #tpu.memory_space<vmem>>
    %dma_wait3A_214 = arith.constant 0 : i32
    %dma_wait3A_215 = arith.constant 0 : i32
    %dma_wait3A_216 = tpu.memref_slice %dma_wait3A_213[%dma_wait3A_214, %dma_wait3A_215] : memref<32x131xf32, #tpu.memory_space<vmem>> -> memref<8x128xf32, #tpu.memory_space<vmem>>
    %dma_wait3A_217 = arith.constant 0 : i32
    %dma_wait3A_218 = arith.constant 0 : i32
    %dma_wait3A_219 = tpu.memref_slice %arg4[%dma_wait3A_217, %dma_wait3A_218] : memref<204800x128xf32, #tpu.memory_space<hbm>> -> memref<8x128xf32, #tpu.memory_space<hbm>>
    %dma_wait3A_220 = arith.constant 0 : i32
    %dma_wait3A_221 = arith.constant 0 : i32
    %dma_wait3A_222 = tpu.memref_slice %arg4[%dma_wait3A_220, %dma_wait3A_221] : memref<204800x128xf32, #tpu.memory_space<hbm>> -> memref<8x128xf32, #tpu.memory_space<hbm>>
    %dma_wait3A_223 = arith.constant 0 : i32
    %dma_wait3A_224 = arith.constant 0 : i32
    %dma_wait3A_225 = tpu.memref_slice %arg7[%dma_wait3A_209, %dma_wait3A_223, %dma_wait3A_224] : memref<4x32x131xf32, #tpu.memory_space<vmem>> -> memref<1x32x131xf32, #tpu.memory_space<vmem>>
    %dma_wait3A_226 = tpu.memref_squeeze %dma_wait3A_225 : memref<1x32x131xf32, #tpu.memory_space<vmem>> -> memref<32x131xf32, #tpu.memory_space<vmem>>
    %dma_wait3A_227 = arith.constant 0 : i32
    %dma_wait3A_228 = arith.constant 0 : i32
    %dma_wait3A_229 = tpu.memref_slice %dma_wait3A_226[%dma_wait3A_227, %dma_wait3A_228] : memref<32x131xf32, #tpu.memory_space<vmem>> -> memref<8x128xf32, #tpu.memory_space<vmem>>
    tpu.wait_dma2 semaphore(%arg9 : memref<!tpu.dma_semaphore, #tpu.memory_space<semaphore_mem>>) src(%dma_wait3A_229 : memref<8x128xf32, #tpu.memory_space<vmem>>) dst(%dma_wait3A_222 : memref<8x128xf32, #tpu.memory_space<hbm>>)
    %dma_wait3A_230 = arith.constant 2 : i32
    %dma_wait3A_231 = arith.constant 0 : i32
    %dma_wait3A_232 = arith.constant 0 : i32
    %dma_wait3A_233 = tpu.memref_slice %arg7[%dma_wait3A_230, %dma_wait3A_231, %dma_wait3A_232] : memref<4x32x131xf32, #tpu.memory_space<vmem>> -> memref<1x32x131xf32, #tpu.memory_space<vmem>>
    %dma_wait3A_234 = tpu.memref_squeeze %dma_wait3A_233 : memref<1x32x131xf32, #tpu.memory_space<vmem>> -> memref<32x131xf32, #tpu.memory_space<vmem>>
    %dma_wait3A_235 = arith.constant 8 : i32
    %dma_wait3A_236 = arith.constant 0 : i32
    %dma_wait3A_237 = tpu.memref_slice %dma_wait3A_234[%dma_wait3A_235, %dma_wait3A_236] : memref<32x131xf32, #tpu.memory_space<vmem>> -> memref<8x128xf32, #tpu.memory_space<vmem>>
    %dma_wait3A_238 = arith.constant 0 : i32
    %dma_wait3A_239 = arith.constant 0 : i32
    %dma_wait3A_240 = tpu.memref_slice %arg4[%dma_wait3A_238, %dma_wait3A_239] : memref<204800x128xf32, #tpu.memory_space<hbm>> -> memref<8x128xf32, #tpu.memory_space<hbm>>
    %dma_wait3A_241 = arith.constant 0 : i32
    %dma_wait3A_242 = arith.constant 0 : i32
    %dma_wait3A_243 = tpu.memref_slice %arg4[%dma_wait3A_241, %dma_wait3A_242] : memref<204800x128xf32, #tpu.memory_space<hbm>> -> memref<8x128xf32, #tpu.memory_space<hbm>>
    %dma_wait3A_244 = arith.constant 0 : i32
    %dma_wait3A_245 = arith.constant 0 : i32
    %dma_wait3A_246 = tpu.memref_slice %arg7[%dma_wait3A_230, %dma_wait3A_244, %dma_wait3A_245] : memref<4x32x131xf32, #tpu.memory_space<vmem>> -> memref<1x32x131xf32, #tpu.memory_space<vmem>>
    %dma_wait3A_247 = tpu.memref_squeeze %dma_wait3A_246 : memref<1x32x131xf32, #tpu.memory_space<vmem>> -> memref<32x131xf32, #tpu.memory_space<vmem>>
    %dma_wait3A_248 = arith.constant 8 : i32
    %dma_wait3A_249 = arith.constant 0 : i32
    %dma_wait3A_250 = tpu.memref_slice %dma_wait3A_247[%dma_wait3A_248, %dma_wait3A_249] : memref<32x131xf32, #tpu.memory_space<vmem>> -> memref<8x128xf32, #tpu.memory_space<vmem>>
    tpu.wait_dma2 semaphore(%arg9 : memref<!tpu.dma_semaphore, #tpu.memory_space<semaphore_mem>>) src(%dma_wait3A_250 : memref<8x128xf32, #tpu.memory_space<vmem>>) dst(%dma_wait3A_243 : memref<8x128xf32, #tpu.memory_space<hbm>>)
    %dma_wait3A_251 = arith.constant 2 : i32
    %dma_wait3A_252 = arith.constant 0 : i32
    %dma_wait3A_253 = arith.constant 0 : i32
    %dma_wait3A_254 = tpu.memref_slice %arg7[%dma_wait3A_251, %dma_wait3A_252, %dma_wait3A_253] : memref<4x32x131xf32, #tpu.memory_space<vmem>> -> memref<1x32x131xf32, #tpu.memory_space<vmem>>
    %dma_wait3A_255 = tpu.memref_squeeze %dma_wait3A_254 : memref<1x32x131xf32, #tpu.memory_space<vmem>> -> memref<32x131xf32, #tpu.memory_space<vmem>>
    %dma_wait3A_256 = arith.constant 16 : i32
    %dma_wait3A_257 = arith.constant 0 : i32
    %dma_wait3A_258 = tpu.memref_slice %dma_wait3A_255[%dma_wait3A_256, %dma_wait3A_257] : memref<32x131xf32, #tpu.memory_space<vmem>> -> memref<8x128xf32, #tpu.memory_space<vmem>>
    %dma_wait3A_259 = arith.constant 0 : i32
    %dma_wait3A_260 = arith.constant 0 : i32
    %dma_wait3A_261 = tpu.memref_slice %arg4[%dma_wait3A_259, %dma_wait3A_260] : memref<204800x128xf32, #tpu.memory_space<hbm>> -> memref<8x128xf32, #tpu.memory_space<hbm>>
    %dma_wait3A_262 = arith.constant 0 : i32
    %dma_wait3A_263 = arith.constant 0 : i32
    %dma_wait3A_264 = tpu.memref_slice %arg4[%dma_wait3A_262, %dma_wait3A_263] : memref<204800x128xf32, #tpu.memory_space<hbm>> -> memref<8x128xf32, #tpu.memory_space<hbm>>
    %dma_wait3A_265 = arith.constant 0 : i32
    %dma_wait3A_266 = arith.constant 0 : i32
    %dma_wait3A_267 = tpu.memref_slice %arg7[%dma_wait3A_251, %dma_wait3A_265, %dma_wait3A_266] : memref<4x32x131xf32, #tpu.memory_space<vmem>> -> memref<1x32x131xf32, #tpu.memory_space<vmem>>
    %dma_wait3A_268 = tpu.memref_squeeze %dma_wait3A_267 : memref<1x32x131xf32, #tpu.memory_space<vmem>> -> memref<32x131xf32, #tpu.memory_space<vmem>>
    %dma_wait3A_269 = arith.constant 16 : i32
    %dma_wait3A_270 = arith.constant 0 : i32
    %dma_wait3A_271 = tpu.memref_slice %dma_wait3A_268[%dma_wait3A_269, %dma_wait3A_270] : memref<32x131xf32, #tpu.memory_space<vmem>> -> memref<8x128xf32, #tpu.memory_space<vmem>>
    tpu.wait_dma2 semaphore(%arg9 : memref<!tpu.dma_semaphore, #tpu.memory_space<semaphore_mem>>) src(%dma_wait3A_271 : memref<8x128xf32, #tpu.memory_space<vmem>>) dst(%dma_wait3A_264 : memref<8x128xf32, #tpu.memory_space<hbm>>)
    %dma_wait3A_272 = arith.constant 2 : i32
    %dma_wait3A_273 = arith.constant 0 : i32
    %dma_wait3A_274 = arith.constant 0 : i32
    %dma_wait3A_275 = tpu.memref_slice %arg7[%dma_wait3A_272, %dma_wait3A_273, %dma_wait3A_274] : memref<4x32x131xf32, #tpu.memory_space<vmem>> -> memref<1x32x131xf32, #tpu.memory_space<vmem>>
    %dma_wait3A_276 = tpu.memref_squeeze %dma_wait3A_275 : memref<1x32x131xf32, #tpu.memory_space<vmem>> -> memref<32x131xf32, #tpu.memory_space<vmem>>
    %dma_wait3A_277 = arith.constant 24 : i32
    %dma_wait3A_278 = arith.constant 0 : i32
    %dma_wait3A_279 = tpu.memref_slice %dma_wait3A_276[%dma_wait3A_277, %dma_wait3A_278] : memref<32x131xf32, #tpu.memory_space<vmem>> -> memref<8x128xf32, #tpu.memory_space<vmem>>
    %dma_wait3A_280 = arith.constant 0 : i32
    %dma_wait3A_281 = arith.constant 0 : i32
    %dma_wait3A_282 = tpu.memref_slice %arg4[%dma_wait3A_280, %dma_wait3A_281] : memref<204800x128xf32, #tpu.memory_space<hbm>> -> memref<8x128xf32, #tpu.memory_space<hbm>>
    %dma_wait3A_283 = arith.constant 0 : i32
    %dma_wait3A_284 = arith.constant 0 : i32
    %dma_wait3A_285 = tpu.memref_slice %arg4[%dma_wait3A_283, %dma_wait3A_284] : memref<204800x128xf32, #tpu.memory_space<hbm>> -> memref<8x128xf32, #tpu.memory_space<hbm>>
    %dma_wait3A_286 = arith.constant 0 : i32
    %dma_wait3A_287 = arith.constant 0 : i32
    %dma_wait3A_288 = tpu.memref_slice %arg7[%dma_wait3A_272, %dma_wait3A_286, %dma_wait3A_287] : memref<4x32x131xf32, #tpu.memory_space<vmem>> -> memref<1x32x131xf32, #tpu.memory_space<vmem>>
    %dma_wait3A_289 = tpu.memref_squeeze %dma_wait3A_288 : memref<1x32x131xf32, #tpu.memory_space<vmem>> -> memref<32x131xf32, #tpu.memory_space<vmem>>
    %dma_wait3A_290 = arith.constant 24 : i32
    %dma_wait3A_291 = arith.constant 0 : i32
    %dma_wait3A_292 = tpu.memref_slice %dma_wait3A_289[%dma_wait3A_290, %dma_wait3A_291] : memref<32x131xf32, #tpu.memory_space<vmem>> -> memref<8x128xf32, #tpu.memory_space<vmem>>
    tpu.wait_dma2 semaphore(%arg9 : memref<!tpu.dma_semaphore, #tpu.memory_space<semaphore_mem>>) src(%dma_wait3A_292 : memref<8x128xf32, #tpu.memory_space<vmem>>) dst(%dma_wait3A_285 : memref<8x128xf32, #tpu.memory_space<hbm>>)
    %dma_wait3A_293 = arith.constant 3 : i32
    %dma_wait3A_294 = arith.constant 0 : i32
    %dma_wait3A_295 = arith.constant 0 : i32
    %dma_wait3A_296 = tpu.memref_slice %arg7[%dma_wait3A_293, %dma_wait3A_294, %dma_wait3A_295] : memref<4x32x131xf32, #tpu.memory_space<vmem>> -> memref<1x32x131xf32, #tpu.memory_space<vmem>>
    %dma_wait3A_297 = tpu.memref_squeeze %dma_wait3A_296 : memref<1x32x131xf32, #tpu.memory_space<vmem>> -> memref<32x131xf32, #tpu.memory_space<vmem>>
    %dma_wait3A_298 = arith.constant 0 : i32
    %dma_wait3A_299 = arith.constant 0 : i32
    %dma_wait3A_300 = tpu.memref_slice %dma_wait3A_297[%dma_wait3A_298, %dma_wait3A_299] : memref<32x131xf32, #tpu.memory_space<vmem>> -> memref<8x128xf32, #tpu.memory_space<vmem>>
    %dma_wait3A_301 = arith.constant 0 : i32
    %dma_wait3A_302 = arith.constant 0 : i32
    %dma_wait3A_303 = tpu.memref_slice %arg4[%dma_wait3A_301, %dma_wait3A_302] : memref<204800x128xf32, #tpu.memory_space<hbm>> -> memref<8x128xf32, #tpu.memory_space<hbm>>
    %dma_wait3A_304 = arith.constant 0 : i32
    %dma_wait3A_305 = arith.constant 0 : i32
    %dma_wait3A_306 = tpu.memref_slice %arg4[%dma_wait3A_304, %dma_wait3A_305] : memref<204800x128xf32, #tpu.memory_space<hbm>> -> memref<8x128xf32, #tpu.memory_space<hbm>>
    %dma_wait3A_307 = arith.constant 0 : i32
    %dma_wait3A_308 = arith.constant 0 : i32
    %dma_wait3A_309 = tpu.memref_slice %arg7[%dma_wait3A_293, %dma_wait3A_307, %dma_wait3A_308] : memref<4x32x131xf32, #tpu.memory_space<vmem>> -> memref<1x32x131xf32, #tpu.memory_space<vmem>>
    %dma_wait3A_310 = tpu.memref_squeeze %dma_wait3A_309 : memref<1x32x131xf32, #tpu.memory_space<vmem>> -> memref<32x131xf32, #tpu.memory_space<vmem>>
    %dma_wait3A_311 = arith.constant 0 : i32
    %dma_wait3A_312 = arith.constant 0 : i32
    %dma_wait3A_313 = tpu.memref_slice %dma_wait3A_310[%dma_wait3A_311, %dma_wait3A_312] : memref<32x131xf32, #tpu.memory_space<vmem>> -> memref<8x128xf32, #tpu.memory_space<vmem>>
    tpu.wait_dma2 semaphore(%arg9 : memref<!tpu.dma_semaphore, #tpu.memory_space<semaphore_mem>>) src(%dma_wait3A_313 : memref<8x128xf32, #tpu.memory_space<vmem>>) dst(%dma_wait3A_306 : memref<8x128xf32, #tpu.memory_space<hbm>>)
    %dma_wait3A_314 = arith.constant 3 : i32
    %dma_wait3A_315 = arith.constant 0 : i32
    %dma_wait3A_316 = arith.constant 0 : i32
    %dma_wait3A_317 = tpu.memref_slice %arg7[%dma_wait3A_314, %dma_wait3A_315, %dma_wait3A_316] : memref<4x32x131xf32, #tpu.memory_space<vmem>> -> memref<1x32x131xf32, #tpu.memory_space<vmem>>
    %dma_wait3A_318 = tpu.memref_squeeze %dma_wait3A_317 : memref<1x32x131xf32, #tpu.memory_space<vmem>> -> memref<32x131xf32, #tpu.memory_space<vmem>>
    %dma_wait3A_319 = arith.constant 8 : i32
    %dma_wait3A_320 = arith.constant 0 : i32
    %dma_wait3A_321 = tpu.memref_slice %dma_wait3A_318[%dma_wait3A_319, %dma_wait3A_320] : memref<32x131xf32, #tpu.memory_space<vmem>> -> memref<8x128xf32, #tpu.memory_space<vmem>>
    %dma_wait3A_322 = arith.constant 0 : i32
    %dma_wait3A_323 = arith.constant 0 : i32
    %dma_wait3A_324 = tpu.memref_slice %arg4[%dma_wait3A_322, %dma_wait3A_323] : memref<204800x128xf32, #tpu.memory_space<hbm>> -> memref<8x128xf32, #tpu.memory_space<hbm>>
    %dma_wait3A_325 = arith.constant 0 : i32
    %dma_wait3A_326 = arith.constant 0 : i32
    %dma_wait3A_327 = tpu.memref_slice %arg4[%dma_wait3A_325, %dma_wait3A_326] : memref<204800x128xf32, #tpu.memory_space<hbm>> -> memref<8x128xf32, #tpu.memory_space<hbm>>
    %dma_wait3A_328 = arith.constant 0 : i32
    %dma_wait3A_329 = arith.constant 0 : i32
    %dma_wait3A_330 = tpu.memref_slice %arg7[%dma_wait3A_314, %dma_wait3A_328, %dma_wait3A_329] : memref<4x32x131xf32, #tpu.memory_space<vmem>> -> memref<1x32x131xf32, #tpu.memory_space<vmem>>
    %dma_wait3A_331 = tpu.memref_squeeze %dma_wait3A_330 : memref<1x32x131xf32, #tpu.memory_space<vmem>> -> memref<32x131xf32, #tpu.memory_space<vmem>>
    %dma_wait3A_332 = arith.constant 8 : i32
    %dma_wait3A_333 = arith.constant 0 : i32
    %dma_wait3A_334 = tpu.memref_slice %dma_wait3A_331[%dma_wait3A_332, %dma_wait3A_333] : memref<32x131xf32, #tpu.memory_space<vmem>> -> memref<8x128xf32, #tpu.memory_space<vmem>>
    tpu.wait_dma2 semaphore(%arg9 : memref<!tpu.dma_semaphore, #tpu.memory_space<semaphore_mem>>) src(%dma_wait3A_334 : memref<8x128xf32, #tpu.memory_space<vmem>>) dst(%dma_wait3A_327 : memref<8x128xf32, #tpu.memory_space<hbm>>)
    %dma_wait3A_335 = arith.constant 3 : i32
    %dma_wait3A_336 = arith.constant 0 : i32
    %dma_wait3A_337 = arith.constant 0 : i32
    %dma_wait3A_338 = tpu.memref_slice %arg7[%dma_wait3A_335, %dma_wait3A_336, %dma_wait3A_337] : memref<4x32x131xf32, #tpu.memory_space<vmem>> -> memref<1x32x131xf32, #tpu.memory_space<vmem>>
    %dma_wait3A_339 = tpu.memref_squeeze %dma_wait3A_338 : memref<1x32x131xf32, #tpu.memory_space<vmem>> -> memref<32x131xf32, #tpu.memory_space<vmem>>
    %dma_wait3A_340 = arith.constant 16 : i32
    %dma_wait3A_341 = arith.constant 0 : i32
    %dma_wait3A_342 = tpu.memref_slice %dma_wait3A_339[%dma_wait3A_340, %dma_wait3A_341] : memref<32x131xf32, #tpu.memory_space<vmem>> -> memref<8x128xf32, #tpu.memory_space<vmem>>
    %dma_wait3A_343 = arith.constant 0 : i32
    %dma_wait3A_344 = arith.constant 0 : i32
    %dma_wait3A_345 = tpu.memref_slice %arg4[%dma_wait3A_343, %dma_wait3A_344] : memref<204800x128xf32, #tpu.memory_space<hbm>> -> memref<8x128xf32, #tpu.memory_space<hbm>>
    %dma_wait3A_346 = arith.constant 0 : i32
    %dma_wait3A_347 = arith.constant 0 : i32
    %dma_wait3A_348 = tpu.memref_slice %arg4[%dma_wait3A_346, %dma_wait3A_347] : memref<204800x128xf32, #tpu.memory_space<hbm>> -> memref<8x128xf32, #tpu.memory_space<hbm>>
    %dma_wait3A_349 = arith.constant 0 : i32
    %dma_wait3A_350 = arith.constant 0 : i32
    %dma_wait3A_351 = tpu.memref_slice %arg7[%dma_wait3A_335, %dma_wait3A_349, %dma_wait3A_350] : memref<4x32x131xf32, #tpu.memory_space<vmem>> -> memref<1x32x131xf32, #tpu.memory_space<vmem>>
    %dma_wait3A_352 = tpu.memref_squeeze %dma_wait3A_351 : memref<1x32x131xf32, #tpu.memory_space<vmem>> -> memref<32x131xf32, #tpu.memory_space<vmem>>
    %dma_wait3A_353 = arith.constant 16 : i32
    %dma_wait3A_354 = arith.constant 0 : i32
    %dma_wait3A_355 = tpu.memref_slice %dma_wait3A_352[%dma_wait3A_353, %dma_wait3A_354] : memref<32x131xf32, #tpu.memory_space<vmem>> -> memref<8x128xf32, #tpu.memory_space<vmem>>
    tpu.wait_dma2 semaphore(%arg9 : memref<!tpu.dma_semaphore, #tpu.memory_space<semaphore_mem>>) src(%dma_wait3A_355 : memref<8x128xf32, #tpu.memory_space<vmem>>) dst(%dma_wait3A_348 : memref<8x128xf32, #tpu.memory_space<hbm>>)
    %dma_wait3A_356 = arith.constant 3 : i32
    %dma_wait3A_357 = arith.constant 0 : i32
    %dma_wait3A_358 = arith.constant 0 : i32
    %dma_wait3A_359 = tpu.memref_slice %arg7[%dma_wait3A_356, %dma_wait3A_357, %dma_wait3A_358] : memref<4x32x131xf32, #tpu.memory_space<vmem>> -> memref<1x32x131xf32, #tpu.memory_space<vmem>>
    %dma_wait3A_360 = tpu.memref_squeeze %dma_wait3A_359 : memref<1x32x131xf32, #tpu.memory_space<vmem>> -> memref<32x131xf32, #tpu.memory_space<vmem>>
    %dma_wait3A_361 = arith.constant 24 : i32
    %dma_wait3A_362 = arith.constant 0 : i32
    %dma_wait3A_363 = tpu.memref_slice %dma_wait3A_360[%dma_wait3A_361, %dma_wait3A_362] : memref<32x131xf32, #tpu.memory_space<vmem>> -> memref<8x128xf32, #tpu.memory_space<vmem>>
    %dma_wait3A_364 = arith.constant 0 : i32
    %dma_wait3A_365 = arith.constant 0 : i32
    %dma_wait3A_366 = tpu.memref_slice %arg4[%dma_wait3A_364, %dma_wait3A_365] : memref<204800x128xf32, #tpu.memory_space<hbm>> -> memref<8x128xf32, #tpu.memory_space<hbm>>
    %dma_wait3A_367 = arith.constant 0 : i32
    %dma_wait3A_368 = arith.constant 0 : i32
    %dma_wait3A_369 = tpu.memref_slice %arg4[%dma_wait3A_367, %dma_wait3A_368] : memref<204800x128xf32, #tpu.memory_space<hbm>> -> memref<8x128xf32, #tpu.memory_space<hbm>>
    %dma_wait3A_370 = arith.constant 0 : i32
    %dma_wait3A_371 = arith.constant 0 : i32
    %dma_wait3A_372 = tpu.memref_slice %arg7[%dma_wait3A_356, %dma_wait3A_370, %dma_wait3A_371] : memref<4x32x131xf32, #tpu.memory_space<vmem>> -> memref<1x32x131xf32, #tpu.memory_space<vmem>>
    %dma_wait3A_373 = tpu.memref_squeeze %dma_wait3A_372 : memref<1x32x131xf32, #tpu.memory_space<vmem>> -> memref<32x131xf32, #tpu.memory_space<vmem>>
    %dma_wait3A_374 = arith.constant 24 : i32
    %dma_wait3A_375 = arith.constant 0 : i32
    %dma_wait3A_376 = tpu.memref_slice %dma_wait3A_373[%dma_wait3A_374, %dma_wait3A_375] : memref<32x131xf32, #tpu.memory_space<vmem>> -> memref<8x128xf32, #tpu.memory_space<vmem>>
    tpu.wait_dma2 semaphore(%arg9 : memref<!tpu.dma_semaphore, #tpu.memory_space<semaphore_mem>>) src(%dma_wait3A_376 : memref<8x128xf32, #tpu.memory_space<vmem>>) dst(%dma_wait3A_369 : memref<8x128xf32, #tpu.memory_space<hbm>>)
    return
  }
}

</mosaic_0001>

<sc_bundles>
// kernel: kernel.3.cloned.1.call-start
scs
__scs_entry_jumppad:
0x0: {  	(pc) =	sbr.rel $0x88, $3  }
0x1: {  	(tag) =	ssettag $0x0;
	lr =	simm.s32 $0x1  }
0x2: {  	[smem:$0x3F9F] =	sst lr;
	_ =	strace $0xD0000000  }
0x3: {  	_ = 	snop  }
0x4: {  	_ = 	snop  }
0x5: {  	_ = 	snop  }
0x6: {  	_ = 	snop  }
0x7: {  	_ = 	snop  }
__scs_overlays_trampoline_lowered:
0x8: {  	[smem:$0x3FAE] =	sst s0  }
0x9: {  	[smem:$0x3FAF] =	sst s1  }
0xa: {  	[smem:$0x3FB0] =	sst s2  }
0xb: {  	[smem:$0x3FB1] =	sst s3  }
0xc: {  	[smem:$0x3FB2] =	sst s4  }
0xd: {  	[smem:$0x3FB3] =	sst s5  }
0xe: {  	[smem:$0x3FB4] =	sst s6  }
0xf: {  	[smem:$0x3FB5] =	sst s7  }
0x10: {  	[smem:$0x3FB6] =	sst s8  }
0x11: {  	[smem:$0x3FB7] =	sst s9;
	s0 =	simm.s32 @!p0 $0x0  }
0x12: {  	s1 =	sld [smem:$0x3F9D];
	s0 =	simm.s32 @p0 $0x1  }
0x13: {  	[smem:$0x3FB8] =	sst s0;
	s0 =	simm.s32 @!p1 $0x0  }
0x14: {  	s2 =	sld [smem:$0x3F9C];
	s0 =	simm.s32 @p1 $0x1  }
0x15: {  	[smem:$0x3FB9] =	sst s0;
	s0 =	simm.s32 @!p2 $0x0  }
0x16: {  	s3 =	sld [smem:$0x3FDB];
	s0 =	simm.s32 @p2 $0x1  }
0x17: {  	s4 =	simm.s32 $0x1BF5;
	[smem:$0x3FBB] =	sst s0  }
0x18: {  	s0 =	sld [smem:$0x3F9E];
	_ =	swait.ge [sflag:s4], $0x0  }
0x19: {  	s7 =	sld [smem:$0x3F9F]  }
0x1a: {  	s8 =	sadd.s32 $0xFFFFE003, lr  }
0x1b: {  	s9 =	sadd.s32 $0xFFFFFEF7, lr;
	s5 =	simm.s32 $0xFFFFFFFF;
	p2 =	slt.u32 s8, $0xFFFFF086  }
0x1c: {  	p1 =	slt.u32 s9, $0xF7A;
	s5 =	simm.s32 @!p2 $0x0  }
0x1d: {  	s5 =	simm.s32 @p1 $0x1;
	p0 =	seq.s32 s7, s2  }
0x1e: {  	s7 =	smul.u32 @!p0 $0xF7A, s2;
	p2 =	seq.s32 @!p0 s5, $0x0  }
0x1f: {  	s9 =	smul.u32 $0xF7A, s1;
	s8 =	simm.s32 @!p0 $0x1BF5;
	p2 =	por !p2, p0  }
0x20: {  	[sflag:s8] =	ssyncset.s32 @!p0 $0xFFFFF086;
	s6 =	sadd.s32 @!p0 s3, s7;
	s7 =	simm.s32 @!p0 $0x108  }
0x21: {  	s3 =	sadd.s32 s3, s9;
	s6 =	sadd.s32 @!p0 $0x88, s6;
	s7 =	simm.s32 @p2 $0x1082  }
0x22: {  	[simem:s7], [sflag:s8] =	dma.local @!p0 [hbm:s6], $0xF7A  }
0x23: {  	s9 =	sor.u32 $0xD0000000, s2;
	s6 =	simm.s32 $0x108;
	_ =	swait.ge @!p0 [sflag:s8], $0x0  }
0x24: {  	s3 =	sadd.s32 $0x88, s3;
	s6 =	simm.s32 @!p1 $0x1082;
	[sflag:s4] =	ssyncset.s32 $0xFFFFF086  }
0x25: {  	[simem:s6], [sflag:s4] =	dma.local [hbm:s3], $0xF7A  }
0x26: {  	[smem:$0x3F9F] =	sst s1;
	(tag) =	ssettag s2;
	_ =	strace s9  }
0x27: {  	s1 =	sld [smem:$0x3FAF]  }
0x28: {  	s2 =	sld [smem:$0x3FB0]  }
0x29: {  	s4 =	sld [smem:$0x3FB2]  }
0x2a: {  	p0 =	seq.s32 s5, $0x0;
	s5 =	sld [smem:$0x3FB3]  }
0x2b: {  	s6 =	sld [smem:$0x3FB4]  }
0x2c: {  	s7 =	sld [smem:$0x3FB5]  }
0x2d: {  	s3 =	simm.s32 $0x108;
	s8 =	sld [smem:$0x3FB6]  }
0x2e: {  	s3 =	simm.s32 @!p0 $0x1082;
	s9 =	sld [smem:$0x3FB7]  }
0x2f: {  	lr =	sadd.s32 s0, s3;
	s0 =	sld [smem:$0x3FAE]  }
0x30: {  	s3 =	sld [smem:$0x3FB1]  }
0x31: {  	[smem:$0x3FBA] =	sst s10  }
0x32: {  	s10 =	sld [smem:$0x3FB8];
	_ =	sdelay $0x3  }
0x33: {  	p0 =	seq.s32 s10, $0x1;
	s10 =	sld [smem:$0x3FBA];
	_ =	sdelay $0x3  }
0x34: {  	[smem:$0x3FBA] =	sst s10  }
0x35: {  	s10 =	sld [smem:$0x3FB9];
	_ =	sdelay $0x3  }
0x36: {  	p1 =	seq.s32 s10, $0x1;
	s10 =	sld [smem:$0x3FBA];
	_ =	sdelay $0x3  }
0x37: {  	[smem:$0x3FBA] =	sst s10  }
0x38: {  	s10 =	sld [smem:$0x3FBB]  }
0x39: {  	_ = 	snop;
	(pc) =	sbr.ind lr, $3  }
0x3a: {  	_ = 	snop  }
0x3b: {  	_ = 	snop  }
0x3c: {  	p2 =	seq.s32 s10, $0x1;
	s10 =	sld [smem:$0x3FBA]  }
0x3d: {  	_ =	shalt  }
0x3e: {  	_ =	shalt  }
0x3f: {  	_ =	shalt  }
0x40: {  	_ =	shalt  }
0x41: {  	_ =	shalt  }
0x42: {  	_ =	shalt  }
0x43: {  	_ =	shalt  }
0x44: {  	_ =	shalt  }
0x45: {  	_ =	shalt  }
0x46: {  	_ =	shalt  }
0x47: {  	_ =	shalt  }
0x48: {  	_ =	shalt  }
0x49: {  	_ =	shalt  }
0x4a: {  	_ =	shalt  }
0x4b: {  	_ =	shalt  }
0x4c: {  	_ =	shalt  }
0x4d: {  	_ =	shalt  }
0x4e: {  	_ =	shalt  }
0x4f: {  	_ =	shalt  }
0x50: {  	_ =	shalt  }
0x51: {  	_ =	shalt  }
0x52: {  	_ =	shalt  }
0x53: {  	_ =	shalt  }
0x54: {  	_ =	shalt  }
0x55: {  	_ =	shalt  }
0x56: {  	_ =	shalt  }
0x57: {  	_ =	shalt  }
0x58: {  	_ =	shalt  }
0x59: {  	_ =	shalt  }
0x5a: {  	_ =	shalt  }
0x5b: {  	_ =	shalt  }
0x5c: {  	_ =	shalt  }
0x5d: {  	_ =	shalt  }
0x5e: {  	_ =	shalt  }
0x5f: {  	_ =	shalt  }
0x60: {  	_ =	shalt  }
0x61: {  	_ =	shalt  }
0x62: {  	_ =	shalt  }
0x63: {  	_ =	shalt  }
0x64: {  	_ =	shalt  }
0x65: {  	_ =	shalt  }
0x66: {  	_ =	shalt  }
0x67: {  	_ =	shalt  }
0x68: {  	_ =	shalt  }
0x69: {  	_ =	shalt  }
0x6a: {  	_ =	shalt  }
0x6b: {  	_ =	shalt  }
0x6c: {  	_ =	shalt  }
0x6d: {  	_ =	shalt  }
0x6e: {  	_ =	shalt  }
0x6f: {  	_ =	shalt  }
0x70: {  	_ =	shalt  }
0x71: {  	_ =	shalt  }
0x72: {  	_ =	shalt  }
0x73: {  	_ =	shalt  }
0x74: {  	_ =	shalt  }
0x75: {  	_ =	shalt  }
0x76: {  	_ =	shalt  }
0x77: {  	_ =	shalt  }
0x78: {  	_ =	shalt  }
0x79: {  	_ =	shalt  }
0x7a: {  	_ =	shalt  }
0x7b: {  	_ =	shalt  }
0x7c: {  	_ =	shalt  }
0x7d: {  	_ =	shalt  }
0x7e: {  	_ =	shalt  }
0x7f: {  	_ =	shalt  }
0x80: {  	_ =	shalt  }
0x81: {  	_ =	shalt  }
0x82: {  	_ =	shalt  }
0x83: {  	_ =	shalt  }
0x84: {  	_ =	shalt  }
0x85: {  	_ =	shalt  }
0x86: {  	_ =	shalt  }
0x87: {  	_ =	shalt  }
.Lfunc_end0:
.L_simem_size_0:
called_computation_lowered:
.L_overlay_start_0:
0x88: {  	s2 =	sld [smem:$0x3FD9]  }
0x89: {  	s3 =	sld [smem:$0x3FFE];
	_ =	sdelay $0x1  }
0x8a: {  	s1 =	srdreg.scid  }
0x8b: {  	s0 =	sand.u32 $0x1, s1  }
0x8c: {  	s17 =	sshll.u32 s0, $0xA;
	s2 =	sadd.s32 s3, s2  }
0x8d: {  	s2 =	sadd.s32 s2, s17  }
0x8e: {  	[smem:$0x3FC6] =	sst s2  }
0x8f: {  	_ = 	snop  }
0x90: {  	s2 =	sld [smem:$0x3FD0];
	(tm) =	ssettm $0x1  }
0x91: {  	s18 =	sld [smem:$0x3FFB];
	_ =	sdelay $0x3  }
0x92: {  	_ =	strace s18  }
0x93: {  	s3 =	sld [smem:$0x3FFC];
	_ =	sdelay $0x3  }
0x94: {  	_ =	strace s3  }
0x95: {  	s3 =	sld [smem:$0x3FFD];
	_ =	sdelay $0x3  }
0x96: {  	_ =	strace s3  }
0x97: {  	_ =	strace $0x8FFFFFFF  }
0x98: {  	s19 =	sld [smem:$0x3FDB];
	_ =	sdelay $0x1  }
0x99: {  	s4 =	simm.s32 $_scs_section_size  }
0x9a: {  	s5 =	simm.s32 $_size__tile_overlayer_lowered;
	s6 =	simm.s32 $_tile_overlayer_lowered  }
0x9b: {  	s22 =	simm.s32 $0x1BFF;
	s21 =	sshll.u32 s6, $0x1;
	s3 =	sadd.s32 s4, s19  }
0x9c: {  	s7 =	simm.s32 $0x0;
	s20 =	sshll.u32 s5, $0x1;
	s5 =	sadd.s32 s21, s3  }
0x9d: {  	[timem:s7], [sflag:s22] =	dma.local [hbm:s5], s20  }
0x9e: {  	_ =	swait.ge [sflag:s22], s20  }
0x9f: {  	s4 =	ssub.s32 $0x0, s20;
	[sflag:s22] =	ssyncset.done $0x0  }
0xa0: {  	[sflag:s22] =	ssyncadd.s32 s4;
	_ =	sdelay $0x1  }
0xa1: {  	s23 =	simm.s32 $0x1B8B  }
0xa2: {  	_ =	swait.ge [sflag:s23], $0x1  }
0xa3: {  	[sflag:s23] =	ssyncset.done $0x0  }
0xa4: {  	s25 =	simm.s32 $0x1B8E;
	s24 =	sld [smem:$0x3FFE];
	[sflag:s23] =	ssyncadd.s32 $0xFFFFFFFF  }
0xa5: {  	s26 =	simm.s32 $execute0_lowered;
	[smem:$0x3FD2] =	sst s25  }
0xa6: {  	s5 =	sshll.u32 s26, $0x1;
	_ =	strace $0x80000046;
	[dreg:$0x1] =	wrdreg $0xFFFFFFFF  }
0xa7: {  	s28 =	simm.s32 $_size_execute0_lowered;
	s3 =	sadd.s32 s3, s5;
	[dreg:$0x0] =	wrdreg $0x0  }
0xa8: {  	s5 =	sshll.u32 s28, $0x1;
	[dreg:$0x2] =	wrdreg s3  }
0xa9: {  	[dreg:$0x3] =	wrdreg s5  }
0xaa: {  	[dreg:$0x4] =	wrdreg $0xC0  }
0xab: {  	_ =	task [dreg:s7], $0x5FFFF  }
0xac: {  	[dreg:$0x1] =	wrdreg $0xFFFFFFFF  }
0xad: {  	[dreg:$0x0] =	wrdreg $0x60  }
0xae: {  	[dreg:$0x2] =	wrdreg s24  }
0xaf: {  	[dreg:$0x3] =	wrdreg s2  }
0xb0: {  	[dreg:$0x4] =	wrdreg $0x9  }
0xb1: {  	_ =	task.clear_ibuf [dreg:s7], $0x5FFFF;
	_ =	strace $0x90000046  }
0xb2: {  	s29 =	simm.s32 $0x9;
	_ =	strace $0x80000048  }
0xb3: {  	_ =	swait.ge [sflag:s29], $0x1  }
0xb4: {  	[sflag:s29] =	ssyncadd.s32 $0xFFFFFFFF  }
0xb5: {  	_ =	strace $0x90000048  }
0xb6: {  	_ =	sfence  }
0xb7: {  	s30 =	sld [smem:$0x0];
	_ =	sdelay $0x2  }
0xb8: {  	s31 =	sshll.u32 s1, $0xD;
	s1 =	sshrl.u32 s1, $0x2  }
0xb9: {  	s3 =	sand.u32 $0x4000, s31;
	s1 =	sadd.s32 s1, s30  }
0xba: {  	s0 =	sor.u32 s3, s0;
	s1 =	sshll.u32 s1, $0x11  }
0xbb: {  	s0 =	sor.u32 s1, s0  }
0xbc: {  	s0 =	sadd.s32 $0x8F2B, s0  }
0xbd: {  	[sflag:s0] =	ssyncadd.remote.s32 $0x1  }
0xbe: {  	_ =	sfence.sel $0xFFFF  }
0xbf: {  	[dreg:$0x0] =	wrdreg $0xFFFFFFFF;
	(pc) =	sbr.abs _section_cstart, $3  }
0xc0: {  	[dreg:$0x1] =	wrdreg $0xFFFFFFFF  }
0xc1: {  	_ =	task.clear_ibuf [dreg:s7], $0x2FFFF;
	_ =	strace $0x9FFFFFFF  }
0xc2: {  	(tm) =	ssettm $0x7FFFFFFF  }
0xc3: {  	_ =	shalt  }
tec
execute0_lowered:
.L_overlay_start_1:
0x0: {  	(tag) =	ssettag $0x1  }
0x1: {  	s0 =	rddreg [dreg:$0x0]  }
0x2: {  	s2 =	rddreg [dreg:$0x1]  }
0x3: {  	s1 =	srdreg.scid;
	s4 =	stileid.u32;
	s3 =	simm.s32 $0x0  }
0x4: {  	s17 =	simm.s32 $0x80;
	s23 =	simm.s32 $0x1;
	s24 =	simm.s32 $0xA400  }
0x5: {  	s16 =	simm.s32 $0x2;
	s18 =	simm.s32 $0xB500;
	s13 =	simm.s32 $0xC600  }
0x6: {  	s21 =	simm.s32 $0xD700;
	s20 =	simm.s32 $0xE4D0;
	s19 =	simm.s32 $0xE5E0  }
0x7: {  	s22 =	simm.s32 $0xE668;
	s25 =	simm.s32 $0xE6F0;
	s26 =	simm.s32 $0xE778  }
0x8: {  	v0 =	vlaneseq.u32;
	s1 =	sand.u32 $0x1, s1;
	s4 =	sshll.u32 s4, $0x1;
	[smem:$0x7FF] =	sst s3  }
0x9: {  	v1 =	vimm.s32 $0x0;
	vm0 =	vcmask $0x300;
	s7 =	sadd.s32 $0x4000, s2;
	s8 =	sadd.s32 $0x8000, s2;
	v0 =	vmul.u32 $0x88, v0;
	s5 =	sor.u32 s1, s4  }
0xa: {  	s9 =	sadd.s32 $0xC000, s2;
	v1 =	vsel vm0, $0x3, v1;
	s1 =	ssub.s32 $0x2, s1;
	s4 =	sshll.u32 s5, $0x6  }
0xb: {  	_ =	strace $0x80000047;
	s30 =	sshrl.u32 s1, $0x1;
	v2 =	vadd.s32 $0x880, v0;
	v3 =	vor.u32 $0x1, v0;
	v4 =	vadd.s32 $0x881, v0;
	s6 =	sadd.s32 s4, s0  }
0xc: {  	v5 =	vor.u32 $0x2, v0;
	v6 =	vadd.s32 $0x882, v0;
	v7 =	vor.u32 $0x3, v0;
	s4 =	sadd.s32 $0xF42A00, s0;
	s0 =	ssub.s32 s1, s30;
	s1 =	simm.s32 $0x0  }
0xd: {  	v8 =	vadd.s32 $0x883, v0;
	v9 =	vor.u32 $0x4, v0;
	v10 =	vadd.s32 $0x884, v0;
	s31 =	sadd.s32 $0x600, s6;
	s6 =	sshll.u32 s5, $0x5;
	s0 =	smax.u32 s0, $0x1  }
0xe: {  	v11 =	vor.u32 $0x5, v0;
	v12 =	vadd.s32 $0x885, v0;
	v13 =	vor.u32 $0x6, v0;
	s5 =	simm.s32 $0xE558;
	[dreg:$0x3] =	wrdreg s31;
	s10 =	sor.u32 $0x8, s6  }
0xf: {  	v14 =	vadd.s32 $0x886, v0;
	v15 =	vor.u32 $0x7, v0;
	v16 =	vadd.s32 $0x887, v0;
	s11 =	sor.u32 $0x10, s6;
	s12 =	sor.u32 $0x18, s6;
	[dreg:$0x4] =	wrdreg s0  }
.LBB2_1:
0x10: {  	s0 =	rddreg [dreg:$0x3];
	s31 =	simm.s32 $0x200;
	s14 =	simm.s32 $0x4000  }
0x11: {  	[tilespmem:s3], [sflag:$0x3] =	stream.strided.gather [hbm4b:s0+s31], $0x6400, s14, s31, $0x38;
	[tilespmem:$0xE800] =	vst v63  }
0x12: {  	[dreg:$0x5] =	wrdreg s1;
	s14 =	simm.s32 $0x3  }
0x13: {  	_ =	swait.ge [sflag:s14], $0x6400  }
0x14: {  	[sflag:s14] =	ssyncset.done $0x0  }
0x15: {  	s15 =	simm.s32 $0x6400;
	[sflag:s14] =	ssyncadd.s32 $0xFFFF9C00  }
0x16: {  	[tilespmem:s15], [sflag:$0x1] =	stream.indirect.gather [hbm4b:s4+s17], $0x20, s3, s17, $0xb8;
	[tilespmem:$0xE800] =	vst v63  }
0x17: {  	s29 =	simm.s32 $0x7400  }
0x18: {  	[tilespmem:s29], [sflag:$0x1] =	stream.indirect.gather [hbm4b:s4+s17], $0x20, s17, s17, $0xb8;
	[tilespmem:$0xE800] =	vst v63  }
0x19: {  	s30 =	simm.s32 $0x100;
	s28 =	simm.s32 $0x0;
	s31 =	simm.s32 $0x8400  }
0x1a: {  	[tilespmem:s31], [sflag:$0x1] =	stream.indirect.gather [hbm4b:s4+s17], $0x20, s30, s17, $0xb8;
	[tilespmem:$0xE800] =	vst v63  }
.LBB2_2:
0x1b: {  	s0 =	sshll.u32 s28, $0x9  }
0x1c: {  	s30 =	sand.u32 $0x3FFFFE00, s0  }
0x1d: {  	s1 =	simm.s32 $0x9400;
	s0 =	sor.u32 $0x180, s30  }
0x1e: {  	[tilespmem:s1], [sflag:$0x1] =	stream.indirect.gather [hbm4b:s4+s17], $0x20, s0, s17, $0xb8;
	[tilespmem:$0xE800] =	vst v63  }
0x1f: {  	_ =	swait.ge [sflag:s23], $0x1000  }
0x20: {  	p0 =	seq.s32 s28, $0x0;
	[sflag:s23] =	ssyncset.done $0x0  }
0x21: {  	s0 =	simm.s32 @!p0 $0x2;
	[sflag:s23] =	ssyncadd.s32 $0xFFFFF000  }
0x22: {  	_ =	swait.ge @!p0 [sflag:s0], $0x400  }
0x23: {  	[sflag:s0] =	ssyncset.done @!p0 $0x0  }
0x24: {  	[sflag:s0] =	ssyncadd.s32 @!p0 $0xFFFFFC00  }
0x25: {  	_ =	swait.ge @!p0 [sflag:s0], $0x400  }
0x26: {  	[sflag:s0] =	ssyncset.done @!p0 $0x0  }
0x27: {  	[sflag:s0] =	ssyncadd.s32 @!p0 $0xFFFFFC00  }
0x28: {  	s15 =	simm.s32 $0x0;
	_ =	swait.ge @!p0 [sflag:s0], $0x400  }
0x29: {  	v17 =	vmov s15;
	[sflag:s0] =	ssyncset.done @!p0 $0x0  }
0x2a: {  	v17 =	vshrl.u32 v17, $0x3;
	[sflag:s0] =	ssyncadd.s32 @!p0 $0xFFFFFC00  }
0x2b: {  	v17 =	vshll.u32 v17, v1;
	_ =	swait.ge @!p0 [sflag:s0], $0x400  }
0x2c: {  	v17 =	vbroadcast v17, $0x0;
	[sflag:s0] =	ssyncset.done @!p0 $0x0  }
0x2d: {  	s29 =	simm.s32 $0x6480;
	[sflag:s0] =	ssyncadd.s32 @!p0 $0xFFFFFC00  }
0x2e: {  	v19 =	vadd.s32 v0, v17;
	v18 =	vld [tilespmem:s29+$0xFFFFFF80]  }
0x2f: {  	s14 =	simm.s32 $0x1;
	v17 =	vadd.s32 v2, v17;
	v20 =	vld [tilespmem:s29+$0xFFFFFF90]  }
0x30: {  	v21 =	vmov s14  }
0x31: {  	v21 =	vshrl.u32 v21, $0x3  }
0x32: {  	v21 =	vshll.u32 v21, v1  }
0x33: {  	[tilespmem:v19+s24+$0x0] =	vst.idx.msk $0xffff, v18;
	v18 =	vbroadcast v21, $0x0  }
0x34: {  	[tilespmem:v17+s24+$0x0] =	vst.idx.msk $0xffff, v20  }
0x35: {  	v17 =	vld [tilespmem:s29+$0xFFFFFFA0];
	v19 =	vadd.s32 v3, v18  }
0x36: {  	s15 =	simm.s32 $0x2;
	v20 =	vld [tilespmem:s29+$0xFFFFFFB0];
	v18 =	vadd.s32 v4, v18  }
0x37: {  	v58 =	vmov s15  }
0x38: {  	v21 =	vshrl.u32 v58, $0x3  }
0x39: {  	v21 =	vshll.u32 v21, v1  }
0x3a: {  	[tilespmem:v19+s24+$0x0] =	vst.idx.msk $0xffff, v17;
	v17 =	vbroadcast v21, $0x0  }
0x3b: {  	[tilespmem:v18+s24+$0x0] =	vst.idx.msk $0xffff, v20  }
0x3c: {  	v18 =	vld [tilespmem:s29+$0xFFFFFFC0];
	v19 =	vadd.s32 v5, v17  }
0x3d: {  	s1 =	simm.s32 $0x3;
	v20 =	vld [tilespmem:s29+$0xFFFFFFD0];
	v17 =	vadd.s32 v6, v17  }
0x3e: {  	v59 =	vmov s1  }
0x3f: {  	v21 =	vshrl.u32 v59, $0x3  }
0x40: {  	v21 =	vshll.u32 v21, v1  }
0x41: {  	[tilespmem:v19+s24+$0x0] =	vst.idx.msk $0xffff, v18;
	v18 =	vbroadcast v21, $0x0  }
0x42: {  	[tilespmem:v17+s24+$0x0] =	vst.idx.msk $0xffff, v20  }
0x43: {  	v17 =	vld [tilespmem:s29+$0xFFFFFFE0];
	v19 =	vadd.s32 v7, v18  }
0x44: {  	s14 =	simm.s32 $0x4;
	v20 =	vld [tilespmem:s29+$0xFFFFFFF0];
	v18 =	vadd.s32 v8, v18  }
0x45: {  	v60 =	vmov s14  }
0x46: {  	v21 =	vshrl.u32 v60, $0x3  }
0x47: {  	v21 =	vshll.u32 v21, v1  }
0x48: {  	[tilespmem:v19+s24+$0x0] =	vst.idx.msk $0xffff, v17;
	v17 =	vbroadcast v21, $0x0  }
0x49: {  	[tilespmem:v18+s24+$0x0] =	vst.idx.msk $0xffff, v20  }
0x4a: {  	v18 =	vld [tilespmem:s29+$0x0];
	v19 =	vadd.s32 v9, v17  }
0x4b: {  	s15 =	simm.s32 $0x5;
	v20 =	vld [tilespmem:s29+$0x10];
	v17 =	vadd.s32 v10, v17  }
0x4c: {  	v61 =	vmov s15  }
0x4d: {  	v21 =	vshrl.u32 v61, $0x3  }
0x4e: {  	v21 =	vshll.u32 v21, v1  }
0x4f: {  	[tilespmem:v19+s24+$0x0] =	vst.idx.msk $0xffff, v18;
	v18 =	vbroadcast v21, $0x0  }
0x50: {  	[tilespmem:v17+s24+$0x0] =	vst.idx.msk $0xffff, v20  }
0x51: {  	v17 =	vld [tilespmem:s29+$0x20];
	v19 =	vadd.s32 v11, v18  }
0x52: {  	s1 =	simm.s32 $0x6;
	v20 =	vld [tilespmem:s29+$0x30];
	v18 =	vadd.s32 v12, v18  }
0x53: {  	v62 =	vmov s1  }
0x54: {  	v21 =	vshrl.u32 v62, $0x3  }
0x55: {  	v21 =	vshll.u32 v21, v1  }
0x56: {  	[tilespmem:v19+s24+$0x0] =	vst.idx.msk $0xffff, v17;
	v17 =	vbroadcast v21, $0x0  }
0x57: {  	[tilespmem:v18+s24+$0x0] =	vst.idx.msk $0xffff, v20  }
0x58: {  	v18 =	vld [tilespmem:s29+$0x40];
	v19 =	vadd.s32 v13, v17  }
0x59: {  	s14 =	simm.s32 $0x7;
	v20 =	vld [tilespmem:s29+$0x50];
	v17 =	vadd.s32 v14, v17  }
0x5a: {  	v63 =	vmov s14  }
0x5b: {  	v21 =	vshrl.u32 v63, $0x3  }
0x5c: {  	v21 =	vshll.u32 v21, v1  }
0x5d: {  	[tilespmem:v19+s24+$0x0] =	vst.idx.msk $0xffff, v18;
	v18 =	vbroadcast v21, $0x0  }
0x5e: {  	s15 =	simm.s32 $0x8;
	[tilespmem:v17+s24+$0x0] =	vst.idx.msk $0xffff, v20  }
0x5f: {  	v17 =	vmov s15;
	v20 =	vld [tilespmem:s29+$0x60];
	v21 =	vadd.s32 v15, v18  }
0x60: {  	v19 =	vshrl.u32 v17, $0x3  }
0x61: {  	v17 =	vld [tilespmem:s29+$0x70];
	v22 =	vshll.u32 v19, v1;
	v19 =	vadd.s32 v16, v18;
	_ =	sdelay $0x2  }
0x62: {  	s31 =	simm.s32 $0xF;
	s0 =	simm.s32 $0x17;
	v18 =	vbroadcast v22, $0x0;
	[tilespmem:v21+s24+$0x0] =	vst.idx.msk $0xffff, v20  }
.LBB2_3:
0x63: {  	p1 =	sne.s32 s0, $0x7F  }
0x64: {  	[tilespmem:v19+s24+$0x0] =	vst.idx.msk $0xffff, v17;
	s29 =	sadd.s32 $0x100, s29;
	s1 =	smov.u32 s0;
	s0 =	sadd.s32 $0x8, s0  }
0x65: {  	v17 =	vld [tilespmem:s29+$0xFFFFFF80];
	v19 =	vadd.s32 v0, v18  }
0x66: {  	s14 =	sadd.s32 $0xFFFFFFFA, s31;
	v18 =	vadd.s32 v2, v18;
	v20 =	vld [tilespmem:s29+$0xFFFFFF90]  }
0x67: {  	v21 =	vmov s14  }
0x68: {  	v21 =	vshrl.u32 v21, $0x3  }
0x69: {  	v21 =	vshll.u32 v21, v1  }
0x6a: {  	[tilespmem:v19+s24+$0x0] =	vst.idx.msk $0xffff, v17;
	v17 =	vbroadcast v21, $0x0  }
0x6b: {  	[tilespmem:v18+s24+$0x0] =	vst.idx.msk $0xffff, v20  }
0x6c: {  	v18 =	vld [tilespmem:s29+$0xFFFFFFA0];
	v19 =	vadd.s32 v3, v17  }
0x6d: {  	s14 =	sadd.s32 $0xFFFFFFFB, s31;
	v17 =	vadd.s32 v4, v17;
	v20 =	vld [tilespmem:s29+$0xFFFFFFB0]  }
0x6e: {  	v21 =	vmov s14  }
0x6f: {  	v21 =	vshrl.u32 v21, $0x3  }
0x70: {  	v21 =	vshll.u32 v21, v1  }
0x71: {  	[tilespmem:v19+s24+$0x0] =	vst.idx.msk $0xffff, v18;
	v18 =	vbroadcast v21, $0x0  }
0x72: {  	[tilespmem:v17+s24+$0x0] =	vst.idx.msk $0xffff, v20  }
0x73: {  	v17 =	vld [tilespmem:s29+$0xFFFFFFC0];
	v19 =	vadd.s32 v5, v18  }
0x74: {  	s14 =	sadd.s32 $0xFFFFFFFC, s31;
	v18 =	vadd.s32 v6, v18;
	v20 =	vld [tilespmem:s29+$0xFFFFFFD0]  }
0x75: {  	v21 =	vmov s14  }
0x76: {  	v21 =	vshrl.u32 v21, $0x3  }
0x77: {  	v21 =	vshll.u32 v21, v1  }
0x78: {  	[tilespmem:v19+s24+$0x0] =	vst.idx.msk $0xffff, v17;
	v17 =	vbroadcast v21, $0x0  }
0x79: {  	[tilespmem:v18+s24+$0x0] =	vst.idx.msk $0xffff, v20  }
0x7a: {  	v18 =	vld [tilespmem:s29+$0xFFFFFFE0];
	v19 =	vadd.s32 v7, v17  }
0x7b: {  	s14 =	sadd.s32 $0xFFFFFFFD, s31;
	v17 =	vadd.s32 v8, v17;
	v20 =	vld [tilespmem:s29+$0xFFFFFFF0]  }
0x7c: {  	v21 =	vmov s14  }
0x7d: {  	v21 =	vshrl.u32 v21, $0x3  }
0x7e: {  	v21 =	vshll.u32 v21, v1  }
0x7f: {  	[tilespmem:v19+s24+$0x0] =	vst.idx.msk $0xffff, v18;
	v18 =	vbroadcast v21, $0x0  }
0x80: {  	[tilespmem:v17+s24+$0x0] =	vst.idx.msk $0xffff, v20  }
0x81: {  	v17 =	vld [tilespmem:s29+$0x0];
	v19 =	vadd.s32 v9, v18  }
0x82: {  	s14 =	sadd.s32 $0xFFFFFFFE, s31;
	v18 =	vadd.s32 v10, v18;
	v20 =	vld [tilespmem:s29+$0x10]  }
0x83: {  	v21 =	vmov s14  }
0x84: {  	v21 =	vshrl.u32 v21, $0x3  }
0x85: {  	v21 =	vshll.u32 v21, v1  }
0x86: {  	[tilespmem:v19+s24+$0x0] =	vst.idx.msk $0xffff, v17;
	v17 =	vbroadcast v21, $0x0  }
0x87: {  	[tilespmem:v18+s24+$0x0] =	vst.idx.msk $0xffff, v20  }
0x88: {  	v18 =	vld [tilespmem:s29+$0x20];
	v19 =	vadd.s32 v11, v17  }
0x89: {  	s14 =	sadd.s32 $0xFFFFFFFF, s31;
	v17 =	vadd.s32 v12, v17;
	v20 =	vld [tilespmem:s29+$0x30]  }
0x8a: {  	v21 =	vmov s14  }
0x8b: {  	v21 =	vshrl.u32 v21, $0x3  }
0x8c: {  	v21 =	vshll.u32 v21, v1  }
0x8d: {  	[tilespmem:v19+s24+$0x0] =	vst.idx.msk $0xffff, v18;
	v18 =	vbroadcast v21, $0x0  }
0x8e: {  	[tilespmem:v17+s24+$0x0] =	vst.idx.msk $0xffff, v20  }
0x8f: {  	v17 =	vld [tilespmem:s29+$0x40];
	v19 =	vadd.s32 v13, v18  }
0x90: {  	v18 =	vadd.s32 v14, v18;
	v20 =	vld [tilespmem:s29+$0x50]  }
0x91: {  	v21 =	vmov s31;
	s31 =	smov.u32 s1  }
0x92: {  	v21 =	vshrl.u32 v21, $0x3  }
0x93: {  	v21 =	vshll.u32 v21, v1  }
0x94: {  	[tilespmem:v19+s24+$0x0] =	vst.idx.msk $0xffff, v17;
	v19 =	vbroadcast v21, $0x0  }
0x95: {  	[tilespmem:v18+s24+$0x0] =	vst.idx.msk $0xffff, v20  }
0x96: {  	v20 =	vld [tilespmem:s29+$0x60];
	v21 =	vadd.s32 v15, v19  }
.Ltmp0:
0x97: {  	s1 =	sadd.s32 $0xFFFFFFF9, s31;
	v19 =	vadd.s32 v16, v19;
	v17 =	vld [tilespmem:s29+$0x70];
	(pc) =	sbr.rel @p1 .LBB2_3-.Ltmp0, $4  }
0x98: {  	v18 =	vmov s1  }
0x99: {  	v18 =	vshrl.u32 v18, $0x3  }
0x9a: {  	v18 =	vshll.u32 v18, v1  }
0x9b: {  	v18 =	vbroadcast v18, $0x0;
	[tilespmem:v21+s24+$0x0] =	vst.idx.msk $0xffff, v20  }
0x9c: {  	_ =	sdelay $0x3  }
0x9d: {  	[tilespmem:v19+s24+$0x0] =	vst.idx.msk $0xffff, v17;
	s0 =	sadd.s32 $0x100, s29  }
0x9e: {  	v17 =	vld [tilespmem:s0+$0xFFFFFF80];
	v19 =	vadd.s32 v0, v18  }
0x9f: {  	s1 =	sadd.s32 $0xFFFFFFFA, s31;
	v20 =	vld [tilespmem:s0+$0xFFFFFF90];
	v18 =	vadd.s32 v2, v18  }
0xa0: {  	v21 =	vmov s1  }
0xa1: {  	v21 =	vshrl.u32 v21, $0x3  }
0xa2: {  	v21 =	vshll.u32 v21, v1  }
0xa3: {  	[tilespmem:v19+s24+$0x0] =	vst.idx.msk $0xffff, v17;
	v17 =	vbroadcast v21, $0x0  }
0xa4: {  	[tilespmem:v18+s24+$0x0] =	vst.idx.msk $0xffff, v20  }
0xa5: {  	v18 =	vld [tilespmem:s0+$0xFFFFFFA0];
	v19 =	vadd.s32 v3, v17  }
0xa6: {  	s15 =	sadd.s32 $0xFFFFFFFB, s31;
	v20 =	vld [tilespmem:s0+$0xFFFFFFB0];
	v17 =	vadd.s32 v4, v17  }
0xa7: {  	v58 =	vmov s15  }
0xa8: {  	v21 =	vshrl.u32 v58, $0x3  }
0xa9: {  	v21 =	vshll.u32 v21, v1  }
0xaa: {  	[tilespmem:v19+s24+$0x0] =	vst.idx.msk $0xffff, v18;
	v18 =	vbroadcast v21, $0x0  }
0xab: {  	[tilespmem:v17+s24+$0x0] =	vst.idx.msk $0xffff, v20  }
0xac: {  	v17 =	vld [tilespmem:s0+$0xFFFFFFC0];
	v19 =	vadd.s32 v5, v18  }
0xad: {  	s14 =	sadd.s32 $0xFFFFFFFC, s31;
	v20 =	vld [tilespmem:s0+$0xFFFFFFD0];
	v18 =	vadd.s32 v6, v18  }
0xae: {  	v59 =	vmov s14  }
0xaf: {  	v21 =	vshrl.u32 v59, $0x3  }
0xb0: {  	v21 =	vshll.u32 v21, v1  }
0xb1: {  	[tilespmem:v19+s24+$0x0] =	vst.idx.msk $0xffff, v17;
	v17 =	vbroadcast v21, $0x0  }
0xb2: {  	[tilespmem:v18+s24+$0x0] =	vst.idx.msk $0xffff, v20  }
0xb3: {  	v18 =	vld [tilespmem:s0+$0xFFFFFFE0];
	v19 =	vadd.s32 v7, v17  }
0xb4: {  	s15 =	sadd.s32 $0xFFFFFFFD, s31;
	v20 =	vld [tilespmem:s0+$0xFFFFFFF0];
	v17 =	vadd.s32 v8, v17  }
0xb5: {  	v60 =	vmov s15  }
0xb6: {  	v21 =	vshrl.u32 v60, $0x3  }
0xb7: {  	v21 =	vshll.u32 v21, v1  }
0xb8: {  	[tilespmem:v19+s24+$0x0] =	vst.idx.msk $0xffff, v18;
	v18 =	vbroadcast v21, $0x0  }
0xb9: {  	[tilespmem:v17+s24+$0x0] =	vst.idx.msk $0xffff, v20  }
0xba: {  	v17 =	vld [tilespmem:s0+$0x0];
	v19 =	vadd.s32 v9, v18  }
0xbb: {  	s14 =	sadd.s32 $0xFFFFFFFE, s31;
	v20 =	vld [tilespmem:s0+$0x10];
	v18 =	vadd.s32 v10, v18  }
0xbc: {  	v61 =	vmov s14  }
0xbd: {  	v21 =	vshrl.u32 v61, $0x3  }
0xbe: {  	v21 =	vshll.u32 v21, v1  }
0xbf: {  	[tilespmem:v19+s24+$0x0] =	vst.idx.msk $0xffff, v17;
	v17 =	vbroadcast v21, $0x0  }
0xc0: {  	[tilespmem:v18+s24+$0x0] =	vst.idx.msk $0xffff, v20  }
0xc1: {  	v18 =	vld [tilespmem:s0+$0x20];
	v19 =	vadd.s32 v11, v17  }
0xc2: {  	s15 =	sadd.s32 $0xFFFFFFFF, s31;
	v20 =	vld [tilespmem:s0+$0x30];
	v17 =	vadd.s32 v12, v17  }
0xc3: {  	v62 =	vmov s15  }
0xc4: {  	v21 =	vshrl.u32 v62, $0x3  }
0xc5: {  	v21 =	vshll.u32 v21, v1  }
0xc6: {  	[tilespmem:v19+s24+$0x0] =	vst.idx.msk $0xffff, v18;
	v18 =	vbroadcast v21, $0x0  }
0xc7: {  	[tilespmem:v17+s24+$0x0] =	vst.idx.msk $0xffff, v20  }
0xc8: {  	v17 =	vld [tilespmem:s0+$0x40];
	v19 =	vadd.s32 v13, v18  }
0xc9: {  	v20 =	vld [tilespmem:s0+$0x50];
	v18 =	vadd.s32 v14, v18  }
0xca: {  	v63 =	vmov s31  }
0xcb: {  	v21 =	vshrl.u32 v63, $0x3  }
0xcc: {  	v21 =	vshll.u32 v21, v1  }
0xcd: {  	[tilespmem:v19+s24+$0x0] =	vst.idx.msk $0xffff, v17;
	v17 =	vbroadcast v21, $0x0  }
0xce: {  	[tilespmem:v18+s24+$0x0] =	vst.idx.msk $0xffff, v20  }
0xcf: {  	v18 =	vld [tilespmem:s0+$0x60];
	v19 =	vadd.s32 v15, v17  }
0xd0: {  	v20 =	vld [tilespmem:s0+$0x70];
	v17 =	vadd.s32 v16, v17;
	_ =	sdelay $0x1  }
0xd1: {  	s29 =	sshll.u32 s28, $0xC  }
0xd2: {  	s14 =	sor.u32 s6, s29  }
0xd3: {  	s0 =	sshll.u32 s14, $0x4;
	[tilespmem:v19+s24+$0x0] =	vst.idx.msk $0xffff, v18  }
0xd4: {  	s1 =	sadd.s32 s2, s0;
	[tilespmem:v17+s24+$0x0] =	vst.idx.msk $0xffff, v20  }
0xd5: {  	[hbm4b:s1+s3] =	stream.linear.scatter [tilespmem:s24], [sflag:$0x2], $0x80, $0x38;
	[tilespmem:$0xE800] =	vst v63  }
0xd6: {  	s15 =	simm.s32 $0xA488;
	s14 =	sadd.s32 $0x10, s1  }
0xd7: {  	[hbm4b:s14+s3] =	stream.linear.scatter [tilespmem:s15], [sflag:$0x2], $0x80, $0x38;
	[tilespmem:$0xE800] =	vst v63  }
0xd8: {  	s31 =	simm.s32 $0xA510;
	s15 =	sadd.s32 $0x20, s1  }
0xd9: {  	[hbm4b:s15+s3] =	stream.linear.scatter [tilespmem:s31], [sflag:$0x2], $0x80, $0x38;
	[tilespmem:$0xE800] =	vst v63  }
0xda: {  	s15 =	sadd.s32 $0x30, s1;
	s31 =	simm.s32 $0xA598  }
0xdb: {  	[hbm4b:s15+s3] =	stream.linear.scatter [tilespmem:s31], [sflag:$0x2], $0x80, $0x38;
	[tilespmem:$0xE800] =	vst v63  }
0xdc: {  	s15 =	sadd.s32 $0x40, s1;
	s31 =	simm.s32 $0xA620  }
0xdd: {  	[hbm4b:s15+s3] =	stream.linear.scatter [tilespmem:s31], [sflag:$0x2], $0x80, $0x38;
	[tilespmem:$0xE800] =	vst v63  }
0xde: {  	s15 =	sadd.s32 $0x50, s1;
	s31 =	simm.s32 $0xA6A8  }
0xdf: {  	[hbm4b:s15+s3] =	stream.linear.scatter [tilespmem:s31], [sflag:$0x2], $0x80, $0x38;
	[tilespmem:$0xE800] =	vst v63  }
0xe0: {  	s15 =	sadd.s32 $0x60, s1;
	s31 =	simm.s32 $0xA730  }
0xe1: {  	[hbm4b:s15+s3] =	stream.linear.scatter [tilespmem:s31], [sflag:$0x2], $0x80, $0x38;
	[tilespmem:$0xE800] =	vst v63  }
0xe2: {  	s1 =	sadd.s32 $0x70, s1;
	s15 =	simm.s32 $0xA7B8  }
0xe3: {  	[hbm4b:s1+s3] =	stream.linear.scatter [tilespmem:s15], [sflag:$0x2], $0x80, $0x38;
	[tilespmem:$0xE800] =	vst v63  }
0xe4: {  	s31 =	simm.s32 $0xA840;
	s1 =	sadd.s32 s0, s7  }
0xe5: {  	[hbm4b:s1+s3] =	stream.linear.scatter [tilespmem:s31], [sflag:$0x2], $0x80, $0x38;
	[tilespmem:$0xE800] =	vst v63  }
0xe6: {  	s15 =	sadd.s32 $0x10, s1;
	s31 =	simm.s32 $0xA8C8  }
0xe7: {  	[hbm4b:s15+s3] =	stream.linear.scatter [tilespmem:s31], [sflag:$0x2], $0x80, $0x38;
	[tilespmem:$0xE800] =	vst v63  }
0xe8: {  	s15 =	sadd.s32 $0x20, s1;
	s31 =	simm.s32 $0xA950  }
0xe9: {  	[hbm4b:s15+s3] =	stream.linear.scatter [tilespmem:s31], [sflag:$0x2], $0x80, $0x38;
	[tilespmem:$0xE800] =	vst v63  }
0xea: {  	s15 =	sadd.s32 $0x30, s1;
	s31 =	simm.s32 $0xA9D8  }
0xeb: {  	[hbm4b:s15+s3] =	stream.linear.scatter [tilespmem:s31], [sflag:$0x2], $0x80, $0x38;
	[tilespmem:$0xE800] =	vst v63  }
0xec: {  	s15 =	sadd.s32 $0x40, s1;
	s31 =	simm.s32 $0xAA60  }
0xed: {  	[hbm4b:s15+s3] =	stream.linear.scatter [tilespmem:s31], [sflag:$0x2], $0x80, $0x38;
	[tilespmem:$0xE800] =	vst v63  }
0xee: {  	s15 =	sadd.s32 $0x50, s1;
	s31 =	simm.s32 $0xAAE8  }
0xef: {  	[hbm4b:s15+s3] =	stream.linear.scatter [tilespmem:s31], [sflag:$0x2], $0x80, $0x38;
	[tilespmem:$0xE800] =	vst v63  }
0xf0: {  	s15 =	sadd.s32 $0x60, s1;
	s31 =	simm.s32 $0xAB70  }
0xf1: {  	[hbm4b:s15+s3] =	stream.linear.scatter [tilespmem:s31], [sflag:$0x2], $0x80, $0x38;
	[tilespmem:$0xE800] =	vst v63  }
0xf2: {  	s1 =	sadd.s32 $0x70, s1;
	s15 =	simm.s32 $0xABF8  }
0xf3: {  	[hbm4b:s1+s3] =	stream.linear.scatter [tilespmem:s15], [sflag:$0x2], $0x80, $0x38;
	[tilespmem:$0xE800] =	vst v63  }
0xf4: {  	s31 =	simm.s32 $0xAC80;
	s1 =	sadd.s32 s0, s8  }
0xf5: {  	[hbm4b:s1+s3] =	stream.linear.scatter [tilespmem:s31], [sflag:$0x2], $0x80, $0x38;
	[tilespmem:$0xE800] =	vst v63  }
0xf6: {  	s15 =	sadd.s32 $0x10, s1;
	s31 =	simm.s32 $0xAD08  }
0xf7: {  	[hbm4b:s15+s3] =	stream.linear.scatter [tilespmem:s31], [sflag:$0x2], $0x80, $0x38;
	[tilespmem:$0xE800] =	vst v63  }
0xf8: {  	s15 =	sadd.s32 $0x20, s1;
	s31 =	simm.s32 $0xAD90  }
0xf9: {  	[hbm4b:s15+s3] =	stream.linear.scatter [tilespmem:s31], [sflag:$0x2], $0x80, $0x38;
	[tilespmem:$0xE800] =	vst v63  }
0xfa: {  	s15 =	sadd.s32 $0x30, s1;
	s31 =	simm.s32 $0xAE18  }
0xfb: {  	[hbm4b:s15+s3] =	stream.linear.scatter [tilespmem:s31], [sflag:$0x2], $0x80, $0x38;
	[tilespmem:$0xE800] =	vst v63  }
0xfc: {  	s15 =	sadd.s32 $0x40, s1;
	s31 =	simm.s32 $0xAEA0  }
0xfd: {  	[hbm4b:s15+s3] =	stream.linear.scatter [tilespmem:s31], [sflag:$0x2], $0x80, $0x38;
	[tilespmem:$0xE800] =	vst v63  }
0xfe: {  	s15 =	sadd.s32 $0x50, s1;
	s31 =	simm.s32 $0xAF28  }
0xff: {  	[hbm4b:s15+s3] =	stream.linear.scatter [tilespmem:s31], [sflag:$0x2], $0x80, $0x38;
	[tilespmem:$0xE800] =	vst v63  }
0x100: {  	s15 =	sadd.s32 $0x60, s1;
	s31 =	simm.s32 $0xAFB0  }
0x101: {  	[hbm4b:s15+s3] =	stream.linear.scatter [tilespmem:s31], [sflag:$0x2], $0x80, $0x38;
	[tilespmem:$0xE800] =	vst v63  }
0x102: {  	s1 =	sadd.s32 $0x70, s1;
	s31 =	simm.s32 $0xB038  }
0x103: {  	[hbm4b:s1+s3] =	stream.linear.scatter [tilespmem:s31], [sflag:$0x2], $0x80, $0x38;
	[tilespmem:$0xE800] =	vst v63  }
0x104: {  	s14 =	simm.s32 $0xB0C0;
	s0 =	sadd.s32 s0, s9  }
0x105: {  	[hbm4b:s0+s3] =	stream.linear.scatter [tilespmem:s14], [sflag:$0x2], $0x80, $0x38;
	[tilespmem:$0xE800] =	vst v63  }
0x106: {  	s15 =	sadd.s32 $0x10, s0;
	s31 =	simm.s32 $0xB148  }
0x107: {  	[hbm4b:s15+s3] =	stream.linear.scatter [tilespmem:s31], [sflag:$0x2], $0x80, $0x38;
	[tilespmem:$0xE800] =	vst v63  }
0x108: {  	s15 =	sadd.s32 $0x20, s0;
	s31 =	simm.s32 $0xB1D0  }
0x109: {  	[hbm4b:s15+s3] =	stream.linear.scatter [tilespmem:s31], [sflag:$0x2], $0x80, $0x38;
	[tilespmem:$0xE800] =	vst v63  }
0x10a: {  	s15 =	sadd.s32 $0x30, s0;
	s31 =	simm.s32 $0xB258  }
0x10b: {  	[hbm4b:s15+s3] =	stream.linear.scatter [tilespmem:s31], [sflag:$0x2], $0x80, $0x38;
	[tilespmem:$0xE800] =	vst v63  }
0x10c: {  	s15 =	sadd.s32 $0x40, s0;
	s31 =	simm.s32 $0xB2E0  }
0x10d: {  	[hbm4b:s15+s3] =	stream.linear.scatter [tilespmem:s31], [sflag:$0x2], $0x80, $0x38;
	[tilespmem:$0xE800] =	vst v63  }
0x10e: {  	p1 =	sne.s32 s28, $0x31;
	s15 =	sadd.s32 $0x50, s0;
	s31 =	simm.s32 $0xB368  }
0x10f: {  	[hbm4b:s15+s3] =	stream.linear.scatter [tilespmem:s31], [sflag:$0x2], $0x80, $0x38;
	[tilespmem:$0xE800] =	vst v63  }
.Ltmp1:
0x110: {  	_ = 	snop;
	(pc) =	sbr.rel @p1 .LBB2_6-.Ltmp1, $4  }
0x111: {  	s14 =	sadd.s32 $0x60, s0;
	s15 =	simm.s32 $0xB3F0  }
0x112: {  	[hbm4b:s14+s3] =	stream.linear.scatter [tilespmem:s15], [sflag:$0x2], $0x80, $0x38;
	[tilespmem:$0xE800] =	vst v63  }
0x113: {  	s0 =	sadd.s32 $0x70, s0;
	s31 =	simm.s32 $0xB478  }
0x114: {  	[hbm4b:s0+s3] =	stream.linear.scatter [tilespmem:s31], [sflag:$0x2], $0x80, $0x38;
	[tilespmem:$0xE800] =	vst v63  }
.Ltmp2:
0x115: {  	(pc) =	sbr.rel .LBB2_7-.Ltmp2, $4  }
0x116: {  	_ = 	snop  }
0x117: {  	_ =	swait.ge [sflag:s23], $0x1000  }
0x118: {  	[sflag:s23] =	ssyncset.done $0x0  }
0x119: {  	[sflag:s23] =	ssyncadd.s32 $0xFFFFF000  }
.LBB2_6:
.Ltmp3:
0x11a: {  	s0 =	sadd.s32 $0x200, s30;
	s1 =	simm.s32 $0x6400;
	(pc) =	sbr.rel @p0 .LBB2_8-.Ltmp3, $4  }
0x11b: {  	[tilespmem:s1], [sflag:$0x1] =	stream.indirect.gather [hbm4b:s4+s17], $0x20, s0, s17, $0xb8;
	[tilespmem:$0xE800] =	vst v63  }
0x11c: {  	_ =	swait.ge [sflag:s23], $0x1000  }
0x11d: {  	[sflag:s23] =	ssyncset.done $0x0  }
0x11e: {  	[sflag:s23] =	ssyncadd.s32 $0xFFFFF000  }
.LBB2_7:
0x11f: {  	_ =	swait.ge [sflag:s16], $0x400  }
0x120: {  	[sflag:s16] =	ssyncset.done $0x0  }
0x121: {  	[sflag:s16] =	ssyncadd.s32 $0xFFFFFC00  }
0x122: {  	_ =	swait.ge [sflag:s16], $0x400  }
0x123: {  	[sflag:s16] =	ssyncset.done $0x0  }
0x124: {  	[sflag:s16] =	ssyncadd.s32 $0xFFFFFC00  }
0x125: {  	_ =	swait.ge [sflag:s16], $0x400  }
0x126: {  	[sflag:s16] =	ssyncset.done $0x0  }
0x127: {  	[sflag:s16] =	ssyncadd.s32 $0xFFFFFC00  }
0x128: {  	_ =	swait.ge [sflag:s16], $0x400  }
0x129: {  	[sflag:s16] =	ssyncset.done $0x0  }
0x12a: {  	[sflag:s16] =	ssyncadd.s32 $0xFFFFFC00  }
.LBB2_8:
0x12b: {  	s0 =	simm.s32 $0x0  }
0x12c: {  	v17 =	vmov s0  }
0x12d: {  	v17 =	vshrl.u32 v17, $0x3  }
0x12e: {  	v17 =	vshll.u32 v17, v1  }
0x12f: {  	v17 =	vbroadcast v17, $0x0  }
0x130: {  	s31 =	simm.s32 $0x74F0  }
0x131: {  	v18 =	vld [tilespmem:s31+$0xFFFFFF10];
	v19 =	vadd.s32 v0, v17  }
0x132: {  	s14 =	simm.s32 $0x1;
	v20 =	vld [tilespmem:s31+$0xFFFFFF20];
	v17 =	vadd.s32 v2, v17  }
0x133: {  	v21 =	vmov s14  }
0x134: {  	v21 =	vshrl.u32 v21, $0x3  }
0x135: {  	v21 =	vshll.u32 v21, v1  }
0x136: {  	[tilespmem:v19+s18+$0x0] =	vst.idx.msk $0xffff, v18;
	v18 =	vbroadcast v21, $0x0  }
0x137: {  	[tilespmem:v17+s18+$0x0] =	vst.idx.msk $0xffff, v20  }
0x138: {  	v17 =	vld [tilespmem:s31+$0xFFFFFF30];
	v19 =	vadd.s32 v3, v18  }
0x139: {  	s15 =	simm.s32 $0x2;
	v20 =	vld [tilespmem:s31+$0xFFFFFF40];
	v18 =	vadd.s32 v4, v18  }
0x13a: {  	v58 =	vmov s15  }
0x13b: {  	v21 =	vshrl.u32 v58, $0x3  }
0x13c: {  	v21 =	vshll.u32 v21, v1  }
0x13d: {  	[tilespmem:v19+s18+$0x0] =	vst.idx.msk $0xffff, v17;
	v17 =	vbroadcast v21, $0x0  }
0x13e: {  	[tilespmem:v18+s18+$0x0] =	vst.idx.msk $0xffff, v20  }
0x13f: {  	v18 =	vld [tilespmem:s31+$0xFFFFFF50];
	v19 =	vadd.s32 v5, v17  }
0x140: {  	s1 =	simm.s32 $0x3;
	v20 =	vld [tilespmem:s31+$0xFFFFFF60];
	v17 =	vadd.s32 v6, v17  }
0x141: {  	v59 =	vmov s1  }
0x142: {  	v21 =	vshrl.u32 v59, $0x3  }
0x143: {  	v21 =	vshll.u32 v21, v1  }
0x144: {  	[tilespmem:v19+s18+$0x0] =	vst.idx.msk $0xffff, v18;
	v18 =	vbroadcast v21, $0x0  }
0x145: {  	[tilespmem:v17+s18+$0x0] =	vst.idx.msk $0xffff, v20  }
0x146: {  	v17 =	vld [tilespmem:s31+$0xFFFFFF70];
	v19 =	vadd.s32 v7, v18  }
0x147: {  	s14 =	simm.s32 $0x4;
	v20 =	vld [tilespmem:s31+$0xFFFFFF80];
	v18 =	vadd.s32 v8, v18  }
0x148: {  	v60 =	vmov s14  }
0x149: {  	v21 =	vshrl.u32 v60, $0x3  }
0x14a: {  	v21 =	vshll.u32 v21, v1  }
0x14b: {  	[tilespmem:v19+s18+$0x0] =	vst.idx.msk $0xffff, v17;
	v17 =	vbroadcast v21, $0x0  }
0x14c: {  	[tilespmem:v18+s18+$0x0] =	vst.idx.msk $0xffff, v20  }
0x14d: {  	v18 =	vld [tilespmem:s31+$0xFFFFFF90];
	v19 =	vadd.s32 v9, v17  }
0x14e: {  	s15 =	simm.s32 $0x5;
	v20 =	vld [tilespmem:s31+$0xFFFFFFA0];
	v17 =	vadd.s32 v10, v17  }
0x14f: {  	v61 =	vmov s15  }
0x150: {  	v21 =	vshrl.u32 v61, $0x3  }
0x151: {  	v21 =	vshll.u32 v21, v1  }
0x152: {  	[tilespmem:v19+s18+$0x0] =	vst.idx.msk $0xffff, v18;
	v18 =	vbroadcast v21, $0x0  }
0x153: {  	[tilespmem:v17+s18+$0x0] =	vst.idx.msk $0xffff, v20  }
0x154: {  	v17 =	vld [tilespmem:s31+$0xFFFFFFB0];
	v19 =	vadd.s32 v11, v18  }
0x155: {  	s1 =	simm.s32 $0x6;
	v20 =	vld [tilespmem:s31+$0xFFFFFFC0];
	v18 =	vadd.s32 v12, v18  }
0x156: {  	v62 =	vmov s1  }
0x157: {  	v21 =	vshrl.u32 v62, $0x3  }
0x158: {  	v21 =	vshll.u32 v21, v1  }
0x159: {  	[tilespmem:v19+s18+$0x0] =	vst.idx.msk $0xffff, v17;
	v17 =	vbroadcast v21, $0x0  }
0x15a: {  	[tilespmem:v18+s18+$0x0] =	vst.idx.msk $0xffff, v20  }
0x15b: {  	v18 =	vld [tilespmem:s31+$0xFFFFFFD0];
	v19 =	vadd.s32 v13, v17  }
0x15c: {  	s14 =	simm.s32 $0x7;
	v20 =	vld [tilespmem:s31+$0xFFFFFFE0];
	v17 =	vadd.s32 v14, v17  }
0x15d: {  	v63 =	vmov s14  }
0x15e: {  	v21 =	vshrl.u32 v63, $0x3  }
0x15f: {  	v21 =	vshll.u32 v21, v1  }
0x160: {  	[tilespmem:v19+s18+$0x0] =	vst.idx.msk $0xffff, v18;
	v18 =	vbroadcast v21, $0x0  }
0x161: {  	s15 =	simm.s32 $0x8;
	[tilespmem:v17+s18+$0x0] =	vst.idx.msk $0xffff, v20  }
0x162: {  	v17 =	vmov s15;
	v20 =	vld [tilespmem:s31+$0xFFFFFFF0];
	v21 =	vadd.s32 v15, v18  }
0x163: {  	v19 =	vshrl.u32 v17, $0x3  }
0x164: {  	v17 =	vld [tilespmem:s31+$0x0];
	v22 =	vshll.u32 v19, v1;
	v19 =	vadd.s32 v16, v18;
	_ =	sdelay $0x2  }
0x165: {  	s0 =	simm.s32 $0xF;
	s1 =	simm.s32 $0x17;
	v18 =	vbroadcast v22, $0x0;
	[tilespmem:v21+s18+$0x0] =	vst.idx.msk $0xffff, v20  }
.LBB2_9:
0x166: {  	p2 =	sne.s32 s1, $0x7F  }
0x167: {  	[tilespmem:v19+s18+$0x0] =	vst.idx.msk $0xffff, v17;
	s31 =	sadd.s32 $0x100, s31;
	s14 =	smov.u32 s1;
	s1 =	sadd.s32 $0x8, s1  }
0x168: {  	v17 =	vld [tilespmem:s31+$0xFFFFFF10];
	v19 =	vadd.s32 v0, v18  }
0x169: {  	s15 =	sadd.s32 $0xFFFFFFFA, s0;
	v18 =	vadd.s32 v2, v18;
	v20 =	vld [tilespmem:s31+$0xFFFFFF20]  }
0x16a: {  	v21 =	vmov s15  }
0x16b: {  	v21 =	vshrl.u32 v21, $0x3  }
0x16c: {  	v21 =	vshll.u32 v21, v1  }
0x16d: {  	[tilespmem:v19+s18+$0x0] =	vst.idx.msk $0xffff, v17;
	v17 =	vbroadcast v21, $0x0  }
0x16e: {  	[tilespmem:v18+s18+$0x0] =	vst.idx.msk $0xffff, v20  }
0x16f: {  	v18 =	vld [tilespmem:s31+$0xFFFFFF30];
	v19 =	vadd.s32 v3, v17  }
0x170: {  	s15 =	sadd.s32 $0xFFFFFFFB, s0;
	v17 =	vadd.s32 v4, v17;
	v20 =	vld [tilespmem:s31+$0xFFFFFF40]  }
0x171: {  	v21 =	vmov s15  }
0x172: {  	v21 =	vshrl.u32 v21, $0x3  }
0x173: {  	v21 =	vshll.u32 v21, v1  }
0x174: {  	[tilespmem:v19+s18+$0x0] =	vst.idx.msk $0xffff, v18;
	v18 =	vbroadcast v21, $0x0  }
0x175: {  	[tilespmem:v17+s18+$0x0] =	vst.idx.msk $0xffff, v20  }
0x176: {  	v17 =	vld [tilespmem:s31+$0xFFFFFF50];
	v19 =	vadd.s32 v5, v18  }
0x177: {  	s15 =	sadd.s32 $0xFFFFFFFC, s0;
	v18 =	vadd.s32 v6, v18;
	v20 =	vld [tilespmem:s31+$0xFFFFFF60]  }
0x178: {  	v21 =	vmov s15  }
0x179: {  	v21 =	vshrl.u32 v21, $0x3  }
0x17a: {  	v21 =	vshll.u32 v21, v1  }
0x17b: {  	[tilespmem:v19+s18+$0x0] =	vst.idx.msk $0xffff, v17;
	v17 =	vbroadcast v21, $0x0  }
0x17c: {  	[tilespmem:v18+s18+$0x0] =	vst.idx.msk $0xffff, v20  }
0x17d: {  	v18 =	vld [tilespmem:s31+$0xFFFFFF70];
	v19 =	vadd.s32 v7, v17  }
0x17e: {  	s15 =	sadd.s32 $0xFFFFFFFD, s0;
	v17 =	vadd.s32 v8, v17;
	v20 =	vld [tilespmem:s31+$0xFFFFFF80]  }
0x17f: {  	v21 =	vmov s15  }
0x180: {  	v21 =	vshrl.u32 v21, $0x3  }
0x181: {  	v21 =	vshll.u32 v21, v1  }
0x182: {  	[tilespmem:v19+s18+$0x0] =	vst.idx.msk $0xffff, v18;
	v18 =	vbroadcast v21, $0x0  }
0x183: {  	[tilespmem:v17+s18+$0x0] =	vst.idx.msk $0xffff, v20  }
0x184: {  	v17 =	vld [tilespmem:s31+$0xFFFFFF90];
	v19 =	vadd.s32 v9, v18  }
0x185: {  	s15 =	sadd.s32 $0xFFFFFFFE, s0;
	v18 =	vadd.s32 v10, v18;
	v20 =	vld [tilespmem:s31+$0xFFFFFFA0]  }
0x186: {  	v21 =	vmov s15  }
0x187: {  	v21 =	vshrl.u32 v21, $0x3  }
0x188: {  	v21 =	vshll.u32 v21, v1  }
0x189: {  	[tilespmem:v19+s18+$0x0] =	vst.idx.msk $0xffff, v17;
	v17 =	vbroadcast v21, $0x0  }
0x18a: {  	[tilespmem:v18+s18+$0x0] =	vst.idx.msk $0xffff, v20  }
0x18b: {  	v18 =	vld [tilespmem:s31+$0xFFFFFFB0];
	v19 =	vadd.s32 v11, v17  }
0x18c: {  	s15 =	sadd.s32 $0xFFFFFFFF, s0;
	v17 =	vadd.s32 v12, v17;
	v20 =	vld [tilespmem:s31+$0xFFFFFFC0]  }
0x18d: {  	v21 =	vmov s15  }
0x18e: {  	v21 =	vshrl.u32 v21, $0x3  }
0x18f: {  	v21 =	vshll.u32 v21, v1  }
0x190: {  	[tilespmem:v19+s18+$0x0] =	vst.idx.msk $0xffff, v18;
	v18 =	vbroadcast v21, $0x0  }
0x191: {  	[tilespmem:v17+s18+$0x0] =	vst.idx.msk $0xffff, v20  }
0x192: {  	v17 =	vld [tilespmem:s31+$0xFFFFFFD0];
	v19 =	vadd.s32 v13, v18  }
0x193: {  	v18 =	vadd.s32 v14, v18;
	v20 =	vld [tilespmem:s31+$0xFFFFFFE0]  }
0x194: {  	v21 =	vmov s0;
	s0 =	smov.u32 s14  }
0x195: {  	v21 =	vshrl.u32 v21, $0x3  }
0x196: {  	v21 =	vshll.u32 v21, v1  }
0x197: {  	[tilespmem:v19+s18+$0x0] =	vst.idx.msk $0xffff, v17;
	v19 =	vbroadcast v21, $0x0  }
0x198: {  	[tilespmem:v18+s18+$0x0] =	vst.idx.msk $0xffff, v20  }
0x199: {  	v20 =	vld [tilespmem:s31+$0xFFFFFFF0];
	v21 =	vadd.s32 v15, v19  }
.Ltmp4:
0x19a: {  	s14 =	sadd.s32 $0xFFFFFFF9, s0;
	v19 =	vadd.s32 v16, v19;
	v17 =	vld [tilespmem:s31+$0x0];
	(pc) =	sbr.rel @p2 .LBB2_9-.Ltmp4, $4  }
0x19b: {  	v18 =	vmov s14  }
0x19c: {  	v18 =	vshrl.u32 v18, $0x3  }
0x19d: {  	v18 =	vshll.u32 v18, v1  }
0x19e: {  	v18 =	vbroadcast v18, $0x0;
	[tilespmem:v21+s18+$0x0] =	vst.idx.msk $0xffff, v20  }
0x19f: {  	_ =	sdelay $0x3  }
0x1a0: {  	[tilespmem:v19+s18+$0x0] =	vst.idx.msk $0xffff, v17;
	s1 =	sadd.s32 $0x100, s31  }
0x1a1: {  	v17 =	vld [tilespmem:s1+$0xFFFFFF10];
	v19 =	vadd.s32 v0, v18  }
0x1a2: {  	s14 =	sadd.s32 $0xFFFFFFFA, s0;
	v20 =	vld [tilespmem:s1+$0xFFFFFF20];
	v18 =	vadd.s32 v2, v18  }
0x1a3: {  	v21 =	vmov s14  }
0x1a4: {  	v21 =	vshrl.u32 v21, $0x3  }
0x1a5: {  	v21 =	vshll.u32 v21, v1  }
0x1a6: {  	[tilespmem:v19+s18+$0x0] =	vst.idx.msk $0xffff, v17;
	v17 =	vbroadcast v21, $0x0  }
0x1a7: {  	[tilespmem:v18+s18+$0x0] =	vst.idx.msk $0xffff, v20  }
0x1a8: {  	v18 =	vld [tilespmem:s1+$0xFFFFFF30];
	v19 =	vadd.s32 v3, v17  }
0x1a9: {  	s31 =	sadd.s32 $0xFFFFFFFB, s0;
	v20 =	vld [tilespmem:s1+$0xFFFFFF40];
	v17 =	vadd.s32 v4, v17  }
0x1aa: {  	v58 =	vmov s31  }
0x1ab: {  	v21 =	vshrl.u32 v58, $0x3  }
0x1ac: {  	v21 =	vshll.u32 v21, v1  }
0x1ad: {  	[tilespmem:v19+s18+$0x0] =	vst.idx.msk $0xffff, v18;
	v18 =	vbroadcast v21, $0x0  }
0x1ae: {  	[tilespmem:v17+s18+$0x0] =	vst.idx.msk $0xffff, v20  }
0x1af: {  	v17 =	vld [tilespmem:s1+$0xFFFFFF50];
	v19 =	vadd.s32 v5, v18  }
0x1b0: {  	s15 =	sadd.s32 $0xFFFFFFFC, s0;
	v20 =	vld [tilespmem:s1+$0xFFFFFF60];
	v18 =	vadd.s32 v6, v18  }
0x1b1: {  	v59 =	vmov s15  }
0x1b2: {  	v21 =	vshrl.u32 v59, $0x3  }
0x1b3: {  	v21 =	vshll.u32 v21, v1  }
0x1b4: {  	[tilespmem:v19+s18+$0x0] =	vst.idx.msk $0xffff, v17;
	v17 =	vbroadcast v21, $0x0  }
0x1b5: {  	[tilespmem:v18+s18+$0x0] =	vst.idx.msk $0xffff, v20  }
0x1b6: {  	v18 =	vld [tilespmem:s1+$0xFFFFFF70];
	v19 =	vadd.s32 v7, v17  }
0x1b7: {  	s31 =	sadd.s32 $0xFFFFFFFD, s0;
	v20 =	vld [tilespmem:s1+$0xFFFFFF80];
	v17 =	vadd.s32 v8, v17  }
0x1b8: {  	v60 =	vmov s31  }
0x1b9: {  	v21 =	vshrl.u32 v60, $0x3  }
0x1ba: {  	v21 =	vshll.u32 v21, v1  }
0x1bb: {  	[tilespmem:v19+s18+$0x0] =	vst.idx.msk $0xffff, v18;
	v18 =	vbroadcast v21, $0x0  }
0x1bc: {  	[tilespmem:v17+s18+$0x0] =	vst.idx.msk $0xffff, v20  }
0x1bd: {  	v17 =	vld [tilespmem:s1+$0xFFFFFF90];
	v19 =	vadd.s32 v9, v18  }
0x1be: {  	s15 =	sadd.s32 $0xFFFFFFFE, s0;
	v20 =	vld [tilespmem:s1+$0xFFFFFFA0];
	v18 =	vadd.s32 v10, v18  }
0x1bf: {  	v61 =	vmov s15  }
0x1c0: {  	v21 =	vshrl.u32 v61, $0x3  }
0x1c1: {  	v21 =	vshll.u32 v21, v1  }
0x1c2: {  	[tilespmem:v19+s18+$0x0] =	vst.idx.msk $0xffff, v17;
	v17 =	vbroadcast v21, $0x0  }
0x1c3: {  	[tilespmem:v18+s18+$0x0] =	vst.idx.msk $0xffff, v20  }
0x1c4: {  	v18 =	vld [tilespmem:s1+$0xFFFFFFB0];
	v19 =	vadd.s32 v11, v17  }
0x1c5: {  	s31 =	sadd.s32 $0xFFFFFFFF, s0;
	v20 =	vld [tilespmem:s1+$0xFFFFFFC0];
	v17 =	vadd.s32 v12, v17  }
0x1c6: {  	v62 =	vmov s31  }
0x1c7: {  	v21 =	vshrl.u32 v62, $0x3  }
0x1c8: {  	v21 =	vshll.u32 v21, v1  }
0x1c9: {  	[tilespmem:v19+s18+$0x0] =	vst.idx.msk $0xffff, v18;
	v18 =	vbroadcast v21, $0x0  }
0x1ca: {  	[tilespmem:v17+s18+$0x0] =	vst.idx.msk $0xffff, v20  }
0x1cb: {  	v17 =	vld [tilespmem:s1+$0xFFFFFFD0];
	v19 =	vadd.s32 v13, v18  }
0x1cc: {  	v20 =	vld [tilespmem:s1+$0xFFFFFFE0];
	v18 =	vadd.s32 v14, v18  }
0x1cd: {  	v63 =	vmov s0  }
0x1ce: {  	v21 =	vshrl.u32 v63, $0x3  }
0x1cf: {  	v21 =	vshll.u32 v21, v1  }
0x1d0: {  	[tilespmem:v19+s18+$0x0] =	vst.idx.msk $0xffff, v17;
	v17 =	vbroadcast v21, $0x0  }
0x1d1: {  	[tilespmem:v18+s18+$0x0] =	vst.idx.msk $0xffff, v20  }
0x1d2: {  	v18 =	vld [tilespmem:s1+$0xFFFFFFF0];
	v19 =	vadd.s32 v15, v17  }
0x1d3: {  	v20 =	vld [tilespmem:s1+$0x0];
	v17 =	vadd.s32 v16, v17;
	_ =	sdelay $0x1  }
0x1d4: {  	s14 =	sor.u32 s10, s29  }
0x1d5: {  	s0 =	sshll.u32 s14, $0x4  }
0x1d6: {  	s15 =	sand.u32 $0x1FFFFE80, s0;
	[tilespmem:v19+s18+$0x0] =	vst.idx.msk $0xffff, v18  }
0x1d7: {  	s1 =	sadd.s32 s2, s15;
	[tilespmem:v17+s18+$0x0] =	vst.idx.msk $0xffff, v20  }
0x1d8: {  	[hbm4b:s1+s3] =	stream.linear.scatter [tilespmem:s18], [sflag:$0x2], $0x80, $0x38;
	[tilespmem:$0xE800] =	vst v63  }
0x1d9: {  	s15 =	simm.s32 $0xB588;
	s31 =	sadd.s32 $0x10, s1  }
0x1da: {  	[hbm4b:s31+s3] =	stream.linear.scatter [tilespmem:s15], [sflag:$0x2], $0x80, $0x38;
	[tilespmem:$0xE800] =	vst v63  }
0x1db: {  	s15 =	sadd.s32 $0x20, s1;
	s31 =	simm.s32 $0xB610  }
0x1dc: {  	[hbm4b:s15+s3] =	stream.linear.scatter [tilespmem:s31], [sflag:$0x2], $0x80, $0x38;
	[tilespmem:$0xE800] =	vst v63  }
0x1dd: {  	s15 =	sadd.s32 $0x30, s1;
	s31 =	simm.s32 $0xB698  }
0x1de: {  	[hbm4b:s15+s3] =	stream.linear.scatter [tilespmem:s31], [sflag:$0x2], $0x80, $0x38;
	[tilespmem:$0xE800] =	vst v63  }
0x1df: {  	s15 =	sadd.s32 $0x40, s1;
	s31 =	simm.s32 $0xB720  }
0x1e0: {  	[hbm4b:s15+s3] =	stream.linear.scatter [tilespmem:s31], [sflag:$0x2], $0x80, $0x38;
	[tilespmem:$0xE800] =	vst v63  }
0x1e1: {  	s15 =	sadd.s32 $0x50, s1;
	s31 =	simm.s32 $0xB7A8  }
0x1e2: {  	[hbm4b:s15+s3] =	stream.linear.scatter [tilespmem:s31], [sflag:$0x2], $0x80, $0x38;
	[tilespmem:$0xE800] =	vst v63  }
0x1e3: {  	s15 =	sadd.s32 $0x60, s1;
	s31 =	simm.s32 $0xB830  }
0x1e4: {  	[hbm4b:s15+s3] =	stream.linear.scatter [tilespmem:s31], [sflag:$0x2], $0x80, $0x38;
	[tilespmem:$0xE800] =	vst v63  }
0x1e5: {  	s1 =	sadd.s32 $0x70, s1;
	s15 =	simm.s32 $0xB8B8  }
0x1e6: {  	[hbm4b:s1+s3] =	stream.linear.scatter [tilespmem:s15], [sflag:$0x2], $0x80, $0x38;
	[tilespmem:$0xE800] =	vst v63  }
0x1e7: {  	s31 =	simm.s32 $0xB940;
	s1 =	sadd.s32 s0, s7  }
0x1e8: {  	[hbm4b:s1+s3] =	stream.linear.scatter [tilespmem:s31], [sflag:$0x2], $0x80, $0x38;
	[tilespmem:$0xE800] =	vst v63  }
0x1e9: {  	s15 =	sadd.s32 $0x10, s1;
	s31 =	simm.s32 $0xB9C8  }
0x1ea: {  	[hbm4b:s15+s3] =	stream.linear.scatter [tilespmem:s31], [sflag:$0x2], $0x80, $0x38;
	[tilespmem:$0xE800] =	vst v63  }
0x1eb: {  	s15 =	sadd.s32 $0x20, s1;
	s31 =	simm.s32 $0xBA50  }
0x1ec: {  	[hbm4b:s15+s3] =	stream.linear.scatter [tilespmem:s31], [sflag:$0x2], $0x80, $0x38;
	[tilespmem:$0xE800] =	vst v63  }
0x1ed: {  	s15 =	sadd.s32 $0x30, s1;
	s31 =	simm.s32 $0xBAD8  }
0x1ee: {  	[hbm4b:s15+s3] =	stream.linear.scatter [tilespmem:s31], [sflag:$0x2], $0x80, $0x38;
	[tilespmem:$0xE800] =	vst v63  }
0x1ef: {  	s15 =	sadd.s32 $0x40, s1;
	s31 =	simm.s32 $0xBB60  }
0x1f0: {  	[hbm4b:s15+s3] =	stream.linear.scatter [tilespmem:s31], [sflag:$0x2], $0x80, $0x38;
	[tilespmem:$0xE800] =	vst v63  }
0x1f1: {  	s15 =	sadd.s32 $0x50, s1;
	s31 =	simm.s32 $0xBBE8  }
0x1f2: {  	[hbm4b:s15+s3] =	stream.linear.scatter [tilespmem:s31], [sflag:$0x2], $0x80, $0x38;
	[tilespmem:$0xE800] =	vst v63  }
0x1f3: {  	s15 =	sadd.s32 $0x60, s1;
	s31 =	simm.s32 $0xBC70  }
0x1f4: {  	[hbm4b:s15+s3] =	stream.linear.scatter [tilespmem:s31], [sflag:$0x2], $0x80, $0x38;
	[tilespmem:$0xE800] =	vst v63  }
0x1f5: {  	s1 =	sadd.s32 $0x70, s1;
	s15 =	simm.s32 $0xBCF8  }
0x1f6: {  	[hbm4b:s1+s3] =	stream.linear.scatter [tilespmem:s15], [sflag:$0x2], $0x80, $0x38;
	[tilespmem:$0xE800] =	vst v63  }
0x1f7: {  	s31 =	simm.s32 $0xBD80;
	s1 =	sadd.s32 s0, s8  }
0x1f8: {  	[hbm4b:s1+s3] =	stream.linear.scatter [tilespmem:s31], [sflag:$0x2], $0x80, $0x38;
	[tilespmem:$0xE800] =	vst v63  }
0x1f9: {  	s15 =	sadd.s32 $0x10, s1;
	s31 =	simm.s32 $0xBE08  }
0x1fa: {  	[hbm4b:s15+s3] =	stream.linear.scatter [tilespmem:s31], [sflag:$0x2], $0x80, $0x38;
	[tilespmem:$0xE800] =	vst v63  }
0x1fb: {  	s15 =	sadd.s32 $0x20, s1;
	s31 =	simm.s32 $0xBE90  }
0x1fc: {  	[hbm4b:s15+s3] =	stream.linear.scatter [tilespmem:s31], [sflag:$0x2], $0x80, $0x38;
	[tilespmem:$0xE800] =	vst v63  }
0x1fd: {  	s15 =	sadd.s32 $0x30, s1;
	s31 =	simm.s32 $0xBF18  }
0x1fe: {  	[hbm4b:s15+s3] =	stream.linear.scatter [tilespmem:s31], [sflag:$0x2], $0x80, $0x38;
	[tilespmem:$0xE800] =	vst v63  }
0x1ff: {  	s15 =	sadd.s32 $0x40, s1;
	s31 =	simm.s32 $0xBFA0  }
0x200: {  	[hbm4b:s15+s3] =	stream.linear.scatter [tilespmem:s31], [sflag:$0x2], $0x80, $0x38;
	[tilespmem:$0xE800] =	vst v63  }
0x201: {  	s15 =	sadd.s32 $0x50, s1;
	s31 =	simm.s32 $0xC028  }
0x202: {  	[hbm4b:s15+s3] =	stream.linear.scatter [tilespmem:s31], [sflag:$0x2], $0x80, $0x38;
	[tilespmem:$0xE800] =	vst v63  }
0x203: {  	s15 =	sadd.s32 $0x60, s1;
	s31 =	simm.s32 $0xC0B0  }
0x204: {  	[hbm4b:s15+s3] =	stream.linear.scatter [tilespmem:s31], [sflag:$0x2], $0x80, $0x38;
	[tilespmem:$0xE800] =	vst v63  }
0x205: {  	s1 =	sadd.s32 $0x70, s1;
	s31 =	simm.s32 $0xC138  }
0x206: {  	[hbm4b:s1+s3] =	stream.linear.scatter [tilespmem:s31], [sflag:$0x2], $0x80, $0x38;
	[tilespmem:$0xE800] =	vst v63  }
0x207: {  	s14 =	simm.s32 $0xC1C0;
	s0 =	sadd.s32 s0, s9  }
0x208: {  	[hbm4b:s0+s3] =	stream.linear.scatter [tilespmem:s14], [sflag:$0x2], $0x80, $0x38;
	[tilespmem:$0xE800] =	vst v63  }
0x209: {  	s15 =	sadd.s32 $0x10, s0;
	s31 =	simm.s32 $0xC248  }
0x20a: {  	[hbm4b:s15+s3] =	stream.linear.scatter [tilespmem:s31], [sflag:$0x2], $0x80, $0x38;
	[tilespmem:$0xE800] =	vst v63  }
0x20b: {  	s15 =	sadd.s32 $0x20, s0;
	s31 =	simm.s32 $0xC2D0  }
0x20c: {  	[hbm4b:s15+s3] =	stream.linear.scatter [tilespmem:s31], [sflag:$0x2], $0x80, $0x38;
	[tilespmem:$0xE800] =	vst v63  }
0x20d: {  	s15 =	sadd.s32 $0x30, s0;
	s31 =	simm.s32 $0xC358  }
0x20e: {  	[hbm4b:s15+s3] =	stream.linear.scatter [tilespmem:s31], [sflag:$0x2], $0x80, $0x38;
	[tilespmem:$0xE800] =	vst v63  }
0x20f: {  	s15 =	sadd.s32 $0x40, s0;
	s31 =	simm.s32 $0xC3E0  }
0x210: {  	[hbm4b:s15+s3] =	stream.linear.scatter [tilespmem:s31], [sflag:$0x2], $0x80, $0x38;
	[tilespmem:$0xE800] =	vst v63  }
0x211: {  	s15 =	sadd.s32 $0x50, s0;
	s31 =	simm.s32 $0xC468  }
0x212: {  	[hbm4b:s15+s3] =	stream.linear.scatter [tilespmem:s31], [sflag:$0x2], $0x80, $0x38;
	[tilespmem:$0xE800] =	vst v63  }
.Ltmp5:
0x213: {  	_ = 	snop;
	(pc) =	sbr.rel @p1 .LBB2_12-.Ltmp5, $4  }
0x214: {  	s14 =	sadd.s32 $0x60, s0;
	s15 =	simm.s32 $0xC4F0  }
0x215: {  	[hbm4b:s14+s3] =	stream.linear.scatter [tilespmem:s15], [sflag:$0x2], $0x80, $0x38;
	[tilespmem:$0xE800] =	vst v63  }
0x216: {  	s0 =	sadd.s32 $0x70, s0;
	s31 =	simm.s32 $0xC578  }
0x217: {  	[hbm4b:s0+s3] =	stream.linear.scatter [tilespmem:s31], [sflag:$0x2], $0x80, $0x38;
	[tilespmem:$0xE800] =	vst v63  }
.Ltmp6:
0x218: {  	(pc) =	sbr.rel .LBB2_13-.Ltmp6, $4  }
0x219: {  	_ = 	snop  }
0x21a: {  	_ =	swait.ge [sflag:s23], $0x1000  }
0x21b: {  	[sflag:s23] =	ssyncset.done $0x0  }
0x21c: {  	[sflag:s23] =	ssyncadd.s32 $0xFFFFF000  }
.LBB2_12:
.Ltmp7:
0x21d: {  	s0 =	sadd.s32 $0x280, s30;
	s1 =	simm.s32 $0x7400;
	(pc) =	sbr.rel @p0 .LBB2_14-.Ltmp7, $4  }
0x21e: {  	[tilespmem:s1], [sflag:$0x1] =	stream.indirect.gather [hbm4b:s4+s17], $0x20, s0, s17, $0xb8;
	[tilespmem:$0xE800] =	vst v63  }
0x21f: {  	_ =	swait.ge [sflag:s23], $0x1000  }
0x220: {  	[sflag:s23] =	ssyncset.done $0x0  }
0x221: {  	[sflag:s23] =	ssyncadd.s32 $0xFFFFF000  }
.LBB2_13:
0x222: {  	_ =	swait.ge [sflag:s16], $0x400  }
0x223: {  	[sflag:s16] =	ssyncset.done $0x0  }
0x224: {  	[sflag:s16] =	ssyncadd.s32 $0xFFFFFC00  }
0x225: {  	_ =	swait.ge [sflag:s16], $0x400  }
0x226: {  	[sflag:s16] =	ssyncset.done $0x0  }
0x227: {  	[sflag:s16] =	ssyncadd.s32 $0xFFFFFC00  }
0x228: {  	_ =	swait.ge [sflag:s16], $0x400  }
0x229: {  	[sflag:s16] =	ssyncset.done $0x0  }
0x22a: {  	[sflag:s16] =	ssyncadd.s32 $0xFFFFFC00  }
0x22b: {  	_ =	swait.ge [sflag:s16], $0x400  }
0x22c: {  	[sflag:s16] =	ssyncset.done $0x0  }
0x22d: {  	[sflag:s16] =	ssyncadd.s32 $0xFFFFFC00  }
.LBB2_14:
0x22e: {  	s0 =	simm.s32 $0x0  }
0x22f: {  	v17 =	vmov s0  }
0x230: {  	v17 =	vshrl.u32 v17, $0x3  }
0x231: {  	v17 =	vshll.u32 v17, v1  }
0x232: {  	v17 =	vbroadcast v17, $0x0  }
0x233: {  	s31 =	simm.s32 $0x84F0  }
0x234: {  	v18 =	vld [tilespmem:s31+$0xFFFFFF10];
	v19 =	vadd.s32 v0, v17  }
0x235: {  	s14 =	simm.s32 $0x1;
	v20 =	vld [tilespmem:s31+$0xFFFFFF20];
	v17 =	vadd.s32 v2, v17  }
0x236: {  	v21 =	vmov s14  }
0x237: {  	v21 =	vshrl.u32 v21, $0x3  }
0x238: {  	v21 =	vshll.u32 v21, v1  }
0x239: {  	[tilespmem:v19+s13+$0x0] =	vst.idx.msk $0xffff, v18;
	v18 =	vbroadcast v21, $0x0  }
0x23a: {  	[tilespmem:v17+s13+$0x0] =	vst.idx.msk $0xffff, v20  }
0x23b: {  	v17 =	vld [tilespmem:s31+$0xFFFFFF30];
	v19 =	vadd.s32 v3, v18  }
0x23c: {  	s15 =	simm.s32 $0x2;
	v20 =	vld [tilespmem:s31+$0xFFFFFF40];
	v18 =	vadd.s32 v4, v18  }
0x23d: {  	v58 =	vmov s15  }
0x23e: {  	v21 =	vshrl.u32 v58, $0x3  }
0x23f: {  	v21 =	vshll.u32 v21, v1  }
0x240: {  	[tilespmem:v19+s13+$0x0] =	vst.idx.msk $0xffff, v17;
	v17 =	vbroadcast v21, $0x0  }
0x241: {  	[tilespmem:v18+s13+$0x0] =	vst.idx.msk $0xffff, v20  }
0x242: {  	v18 =	vld [tilespmem:s31+$0xFFFFFF50];
	v19 =	vadd.s32 v5, v17  }
0x243: {  	s1 =	simm.s32 $0x3;
	v20 =	vld [tilespmem:s31+$0xFFFFFF60];
	v17 =	vadd.s32 v6, v17  }
0x244: {  	v59 =	vmov s1  }
0x245: {  	v21 =	vshrl.u32 v59, $0x3  }
0x246: {  	v21 =	vshll.u32 v21, v1  }
0x247: {  	[tilespmem:v19+s13+$0x0] =	vst.idx.msk $0xffff, v18;
	v18 =	vbroadcast v21, $0x0  }
0x248: {  	[tilespmem:v17+s13+$0x0] =	vst.idx.msk $0xffff, v20  }
0x249: {  	v17 =	vld [tilespmem:s31+$0xFFFFFF70];
	v19 =	vadd.s32 v7, v18  }
0x24a: {  	s14 =	simm.s32 $0x4;
	v20 =	vld [tilespmem:s31+$0xFFFFFF80];
	v18 =	vadd.s32 v8, v18  }
0x24b: {  	v60 =	vmov s14  }
0x24c: {  	v21 =	vshrl.u32 v60, $0x3  }
0x24d: {  	v21 =	vshll.u32 v21, v1  }
0x24e: {  	[tilespmem:v19+s13+$0x0] =	vst.idx.msk $0xffff, v17;
	v17 =	vbroadcast v21, $0x0  }
0x24f: {  	[tilespmem:v18+s13+$0x0] =	vst.idx.msk $0xffff, v20  }
0x250: {  	v18 =	vld [tilespmem:s31+$0xFFFFFF90];
	v19 =	vadd.s32 v9, v17  }
0x251: {  	s15 =	simm.s32 $0x5;
	v20 =	vld [tilespmem:s31+$0xFFFFFFA0];
	v17 =	vadd.s32 v10, v17  }
0x252: {  	v61 =	vmov s15  }
0x253: {  	v21 =	vshrl.u32 v61, $0x3  }
0x254: {  	v21 =	vshll.u32 v21, v1  }
0x255: {  	[tilespmem:v19+s13+$0x0] =	vst.idx.msk $0xffff, v18;
	v18 =	vbroadcast v21, $0x0  }
0x256: {  	[tilespmem:v17+s13+$0x0] =	vst.idx.msk $0xffff, v20  }
0x257: {  	v17 =	vld [tilespmem:s31+$0xFFFFFFB0];
	v19 =	vadd.s32 v11, v18  }
0x258: {  	s1 =	simm.s32 $0x6;
	v20 =	vld [tilespmem:s31+$0xFFFFFFC0];
	v18 =	vadd.s32 v12, v18  }
0x259: {  	v62 =	vmov s1  }
0x25a: {  	v21 =	vshrl.u32 v62, $0x3  }
0x25b: {  	v21 =	vshll.u32 v21, v1  }
0x25c: {  	[tilespmem:v19+s13+$0x0] =	vst.idx.msk $0xffff, v17;
	v17 =	vbroadcast v21, $0x0  }
0x25d: {  	[tilespmem:v18+s13+$0x0] =	vst.idx.msk $0xffff, v20  }
0x25e: {  	v18 =	vld [tilespmem:s31+$0xFFFFFFD0];
	v19 =	vadd.s32 v13, v17  }
0x25f: {  	s14 =	simm.s32 $0x7;
	v20 =	vld [tilespmem:s31+$0xFFFFFFE0];
	v17 =	vadd.s32 v14, v17  }
0x260: {  	v63 =	vmov s14  }
0x261: {  	v21 =	vshrl.u32 v63, $0x3  }
0x262: {  	v21 =	vshll.u32 v21, v1  }
0x263: {  	[tilespmem:v19+s13+$0x0] =	vst.idx.msk $0xffff, v18;
	v18 =	vbroadcast v21, $0x0  }
0x264: {  	s15 =	simm.s32 $0x8;
	[tilespmem:v17+s13+$0x0] =	vst.idx.msk $0xffff, v20  }
0x265: {  	v17 =	vmov s15;
	v20 =	vld [tilespmem:s31+$0xFFFFFFF0];
	v21 =	vadd.s32 v15, v18  }
0x266: {  	v19 =	vshrl.u32 v17, $0x3  }
0x267: {  	v17 =	vld [tilespmem:s31+$0x0];
	v22 =	vshll.u32 v19, v1;
	v19 =	vadd.s32 v16, v18;
	_ =	sdelay $0x2  }
0x268: {  	s0 =	simm.s32 $0xF;
	s1 =	simm.s32 $0x17;
	v18 =	vbroadcast v22, $0x0;
	[tilespmem:v21+s13+$0x0] =	vst.idx.msk $0xffff, v20  }
.LBB2_15:
0x269: {  	p2 =	sne.s32 s1, $0x7F  }
0x26a: {  	[tilespmem:v19+s13+$0x0] =	vst.idx.msk $0xffff, v17;
	s31 =	sadd.s32 $0x100, s31;
	s14 =	smov.u32 s1;
	s1 =	sadd.s32 $0x8, s1  }
0x26b: {  	v17 =	vld [tilespmem:s31+$0xFFFFFF10];
	v19 =	vadd.s32 v0, v18  }
0x26c: {  	s15 =	sadd.s32 $0xFFFFFFFA, s0;
	v18 =	vadd.s32 v2, v18;
	v20 =	vld [tilespmem:s31+$0xFFFFFF20]  }
0x26d: {  	v21 =	vmov s15  }
0x26e: {  	v21 =	vshrl.u32 v21, $0x3  }
0x26f: {  	v21 =	vshll.u32 v21, v1  }
0x270: {  	[tilespmem:v19+s13+$0x0] =	vst.idx.msk $0xffff, v17;
	v17 =	vbroadcast v21, $0x0  }
0x271: {  	[tilespmem:v18+s13+$0x0] =	vst.idx.msk $0xffff, v20  }
0x272: {  	v18 =	vld [tilespmem:s31+$0xFFFFFF30];
	v19 =	vadd.s32 v3, v17  }
0x273: {  	s15 =	sadd.s32 $0xFFFFFFFB, s0;
	v17 =	vadd.s32 v4, v17;
	v20 =	vld [tilespmem:s31+$0xFFFFFF40]  }
0x274: {  	v21 =	vmov s15  }
0x275: {  	v21 =	vshrl.u32 v21, $0x3  }
0x276: {  	v21 =	vshll.u32 v21, v1  }
0x277: {  	[tilespmem:v19+s13+$0x0] =	vst.idx.msk $0xffff, v18;
	v18 =	vbroadcast v21, $0x0  }
0x278: {  	[tilespmem:v17+s13+$0x0] =	vst.idx.msk $0xffff, v20  }
0x279: {  	v17 =	vld [tilespmem:s31+$0xFFFFFF50];
	v19 =	vadd.s32 v5, v18  }
0x27a: {  	s15 =	sadd.s32 $0xFFFFFFFC, s0;
	v18 =	vadd.s32 v6, v18;
	v20 =	vld [tilespmem:s31+$0xFFFFFF60]  }
0x27b: {  	v21 =	vmov s15  }
0x27c: {  	v21 =	vshrl.u32 v21, $0x3  }
0x27d: {  	v21 =	vshll.u32 v21, v1  }
0x27e: {  	[tilespmem:v19+s13+$0x0] =	vst.idx.msk $0xffff, v17;
	v17 =	vbroadcast v21, $0x0  }
0x27f: {  	[tilespmem:v18+s13+$0x0] =	vst.idx.msk $0xffff, v20  }
0x280: {  	v18 =	vld [tilespmem:s31+$0xFFFFFF70];
	v19 =	vadd.s32 v7, v17  }
0x281: {  	s15 =	sadd.s32 $0xFFFFFFFD, s0;
	v17 =	vadd.s32 v8, v17;
	v20 =	vld [tilespmem:s31+$0xFFFFFF80]  }
0x282: {  	v21 =	vmov s15  }
0x283: {  	v21 =	vshrl.u32 v21, $0x3  }
0x284: {  	v21 =	vshll.u32 v21, v1  }
0x285: {  	[tilespmem:v19+s13+$0x0] =	vst.idx.msk $0xffff, v18;
	v18 =	vbroadcast v21, $0x0  }
0x286: {  	[tilespmem:v17+s13+$0x0] =	vst.idx.msk $0xffff, v20  }
0x287: {  	v17 =	vld [tilespmem:s31+$0xFFFFFF90];
	v19 =	vadd.s32 v9, v18  }
0x288: {  	s15 =	sadd.s32 $0xFFFFFFFE, s0;
	v18 =	vadd.s32 v10, v18;
	v20 =	vld [tilespmem:s31+$0xFFFFFFA0]  }
0x289: {  	v21 =	vmov s15  }
0x28a: {  	v21 =	vshrl.u32 v21, $0x3  }
0x28b: {  	v21 =	vshll.u32 v21, v1  }
0x28c: {  	[tilespmem:v19+s13+$0x0] =	vst.idx.msk $0xffff, v17;
	v17 =	vbroadcast v21, $0x0  }
0x28d: {  	[tilespmem:v18+s13+$0x0] =	vst.idx.msk $0xffff, v20  }
0x28e: {  	v18 =	vld [tilespmem:s31+$0xFFFFFFB0];
	v19 =	vadd.s32 v11, v17  }
0x28f: {  	s15 =	sadd.s32 $0xFFFFFFFF, s0;
	v17 =	vadd.s32 v12, v17;
	v20 =	vld [tilespmem:s31+$0xFFFFFFC0]  }
0x290: {  	v21 =	vmov s15  }
0x291: {  	v21 =	vshrl.u32 v21, $0x3  }
0x292: {  	v21 =	vshll.u32 v21, v1  }
0x293: {  	[tilespmem:v19+s13+$0x0] =	vst.idx.msk $0xffff, v18;
	v18 =	vbroadcast v21, $0x0  }
0x294: {  	[tilespmem:v17+s13+$0x0] =	vst.idx.msk $0xffff, v20  }
0x295: {  	v17 =	vld [tilespmem:s31+$0xFFFFFFD0];
	v19 =	vadd.s32 v13, v18  }
0x296: {  	v18 =	vadd.s32 v14, v18;
	v20 =	vld [tilespmem:s31+$0xFFFFFFE0]  }
0x297: {  	v21 =	vmov s0;
	s0 =	smov.u32 s14  }
0x298: {  	v21 =	vshrl.u32 v21, $0x3  }
0x299: {  	v21 =	vshll.u32 v21, v1  }
0x29a: {  	[tilespmem:v19+s13+$0x0] =	vst.idx.msk $0xffff, v17;
	v19 =	vbroadcast v21, $0x0  }
0x29b: {  	[tilespmem:v18+s13+$0x0] =	vst.idx.msk $0xffff, v20  }
0x29c: {  	v20 =	vld [tilespmem:s31+$0xFFFFFFF0];
	v21 =	vadd.s32 v15, v19  }
.Ltmp8:
0x29d: {  	s14 =	sadd.s32 $0xFFFFFFF9, s0;
	v19 =	vadd.s32 v16, v19;
	v17 =	vld [tilespmem:s31+$0x0];
	(pc) =	sbr.rel @p2 .LBB2_15-.Ltmp8, $4  }
0x29e: {  	v18 =	vmov s14  }
0x29f: {  	v18 =	vshrl.u32 v18, $0x3  }
0x2a0: {  	v18 =	vshll.u32 v18, v1  }
0x2a1: {  	v18 =	vbroadcast v18, $0x0;
	[tilespmem:v21+s13+$0x0] =	vst.idx.msk $0xffff, v20  }
0x2a2: {  	_ =	sdelay $0x3  }
0x2a3: {  	[tilespmem:v19+s13+$0x0] =	vst.idx.msk $0xffff, v17;
	s1 =	sadd.s32 $0x100, s31  }
0x2a4: {  	v17 =	vld [tilespmem:s1+$0xFFFFFF10];
	v19 =	vadd.s32 v0, v18  }
0x2a5: {  	s14 =	sadd.s32 $0xFFFFFFFA, s0;
	v20 =	vld [tilespmem:s1+$0xFFFFFF20];
	v18 =	vadd.s32 v2, v18  }
0x2a6: {  	v21 =	vmov s14  }
0x2a7: {  	v21 =	vshrl.u32 v21, $0x3  }
0x2a8: {  	v21 =	vshll.u32 v21, v1  }
0x2a9: {  	[tilespmem:v19+s13+$0x0] =	vst.idx.msk $0xffff, v17;
	v17 =	vbroadcast v21, $0x0  }
0x2aa: {  	[tilespmem:v18+s13+$0x0] =	vst.idx.msk $0xffff, v20  }
0x2ab: {  	v18 =	vld [tilespmem:s1+$0xFFFFFF30];
	v19 =	vadd.s32 v3, v17  }
0x2ac: {  	s31 =	sadd.s32 $0xFFFFFFFB, s0;
	v20 =	vld [tilespmem:s1+$0xFFFFFF40];
	v17 =	vadd.s32 v4, v17  }
0x2ad: {  	v58 =	vmov s31  }
0x2ae: {  	v21 =	vshrl.u32 v58, $0x3  }
0x2af: {  	v21 =	vshll.u32 v21, v1  }
0x2b0: {  	[tilespmem:v19+s13+$0x0] =	vst.idx.msk $0xffff, v18;
	v18 =	vbroadcast v21, $0x0  }
0x2b1: {  	[tilespmem:v17+s13+$0x0] =	vst.idx.msk $0xffff, v20  }
0x2b2: {  	v17 =	vld [tilespmem:s1+$0xFFFFFF50];
	v19 =	vadd.s32 v5, v18  }
0x2b3: {  	s15 =	sadd.s32 $0xFFFFFFFC, s0;
	v20 =	vld [tilespmem:s1+$0xFFFFFF60];
	v18 =	vadd.s32 v6, v18  }
0x2b4: {  	v59 =	vmov s15  }
0x2b5: {  	v21 =	vshrl.u32 v59, $0x3  }
0x2b6: {  	v21 =	vshll.u32 v21, v1  }
0x2b7: {  	[tilespmem:v19+s13+$0x0] =	vst.idx.msk $0xffff, v17;
	v17 =	vbroadcast v21, $0x0  }
0x2b8: {  	[tilespmem:v18+s13+$0x0] =	vst.idx.msk $0xffff, v20  }
0x2b9: {  	v18 =	vld [tilespmem:s1+$0xFFFFFF70];
	v19 =	vadd.s32 v7, v17  }
0x2ba: {  	s31 =	sadd.s32 $0xFFFFFFFD, s0;
	v20 =	vld [tilespmem:s1+$0xFFFFFF80];
	v17 =	vadd.s32 v8, v17  }
0x2bb: {  	v60 =	vmov s31  }
0x2bc: {  	v21 =	vshrl.u32 v60, $0x3  }
0x2bd: {  	v21 =	vshll.u32 v21, v1  }
0x2be: {  	[tilespmem:v19+s13+$0x0] =	vst.idx.msk $0xffff, v18;
	v18 =	vbroadcast v21, $0x0  }
0x2bf: {  	[tilespmem:v17+s13+$0x0] =	vst.idx.msk $0xffff, v20  }
0x2c0: {  	v17 =	vld [tilespmem:s1+$0xFFFFFF90];
	v19 =	vadd.s32 v9, v18  }
0x2c1: {  	s15 =	sadd.s32 $0xFFFFFFFE, s0;
	v20 =	vld [tilespmem:s1+$0xFFFFFFA0];
	v18 =	vadd.s32 v10, v18  }
0x2c2: {  	v61 =	vmov s15  }
0x2c3: {  	v21 =	vshrl.u32 v61, $0x3  }
0x2c4: {  	v21 =	vshll.u32 v21, v1  }
0x2c5: {  	[tilespmem:v19+s13+$0x0] =	vst.idx.msk $0xffff, v17;
	v17 =	vbroadcast v21, $0x0  }
0x2c6: {  	[tilespmem:v18+s13+$0x0] =	vst.idx.msk $0xffff, v20  }
0x2c7: {  	v18 =	vld [tilespmem:s1+$0xFFFFFFB0];
	v19 =	vadd.s32 v11, v17  }
0x2c8: {  	s31 =	sadd.s32 $0xFFFFFFFF, s0;
	v20 =	vld [tilespmem:s1+$0xFFFFFFC0];
	v17 =	vadd.s32 v12, v17  }
0x2c9: {  	v62 =	vmov s31  }
0x2ca: {  	v21 =	vshrl.u32 v62, $0x3  }
0x2cb: {  	v21 =	vshll.u32 v21, v1  }
0x2cc: {  	[tilespmem:v19+s13+$0x0] =	vst.idx.msk $0xffff, v18;
	v18 =	vbroadcast v21, $0x0  }
0x2cd: {  	[tilespmem:v17+s13+$0x0] =	vst.idx.msk $0xffff, v20  }
0x2ce: {  	v17 =	vld [tilespmem:s1+$0xFFFFFFD0];
	v19 =	vadd.s32 v13, v18  }
0x2cf: {  	v20 =	vld [tilespmem:s1+$0xFFFFFFE0];
	v18 =	vadd.s32 v14, v18  }
0x2d0: {  	v63 =	vmov s0  }
0x2d1: {  	v21 =	vshrl.u32 v63, $0x3  }
0x2d2: {  	v21 =	vshll.u32 v21, v1  }
0x2d3: {  	[tilespmem:v19+s13+$0x0] =	vst.idx.msk $0xffff, v17;
	v17 =	vbroadcast v21, $0x0  }
0x2d4: {  	[tilespmem:v18+s13+$0x0] =	vst.idx.msk $0xffff, v20  }
0x2d5: {  	v18 =	vld [tilespmem:s1+$0xFFFFFFF0];
	v19 =	vadd.s32 v15, v17  }
0x2d6: {  	v20 =	vld [tilespmem:s1+$0x0];
	v17 =	vadd.s32 v16, v17;
	_ =	sdelay $0x1  }
0x2d7: {  	s14 =	sor.u32 s11, s29  }
0x2d8: {  	s0 =	sshll.u32 s14, $0x4  }
0x2d9: {  	s15 =	sand.u32 $0x1FFFFF00, s0;
	[tilespmem:v19+s13+$0x0] =	vst.idx.msk $0xffff, v18  }
0x2da: {  	s1 =	sadd.s32 s2, s15;
	[tilespmem:v17+s13+$0x0] =	vst.idx.msk $0xffff, v20  }
0x2db: {  	[hbm4b:s1+s3] =	stream.linear.scatter [tilespmem:s13], [sflag:$0x2], $0x80, $0x38;
	[tilespmem:$0xE800] =	vst v63  }
0x2dc: {  	s15 =	simm.s32 $0xC688;
	s31 =	sadd.s32 $0x10, s1  }
0x2dd: {  	[hbm4b:s31+s3] =	stream.linear.scatter [tilespmem:s15], [sflag:$0x2], $0x80, $0x38;
	[tilespmem:$0xE800] =	vst v63  }
0x2de: {  	s15 =	sadd.s32 $0x20, s1;
	s31 =	simm.s32 $0xC710  }
0x2df: {  	[hbm4b:s15+s3] =	stream.linear.scatter [tilespmem:s31], [sflag:$0x2], $0x80, $0x38;
	[tilespmem:$0xE800] =	vst v63  }
0x2e0: {  	s15 =	sadd.s32 $0x30, s1;
	s31 =	simm.s32 $0xC798  }
0x2e1: {  	[hbm4b:s15+s3] =	stream.linear.scatter [tilespmem:s31], [sflag:$0x2], $0x80, $0x38;
	[tilespmem:$0xE800] =	vst v63  }
0x2e2: {  	s15 =	sadd.s32 $0x40, s1;
	s31 =	simm.s32 $0xC820  }
0x2e3: {  	[hbm4b:s15+s3] =	stream.linear.scatter [tilespmem:s31], [sflag:$0x2], $0x80, $0x38;
	[tilespmem:$0xE800] =	vst v63  }
0x2e4: {  	s15 =	sadd.s32 $0x50, s1;
	s31 =	simm.s32 $0xC8A8  }
0x2e5: {  	[hbm4b:s15+s3] =	stream.linear.scatter [tilespmem:s31], [sflag:$0x2], $0x80, $0x38;
	[tilespmem:$0xE800] =	vst v63  }
0x2e6: {  	s15 =	sadd.s32 $0x60, s1;
	s31 =	simm.s32 $0xC930  }
0x2e7: {  	[hbm4b:s15+s3] =	stream.linear.scatter [tilespmem:s31], [sflag:$0x2], $0x80, $0x38;
	[tilespmem:$0xE800] =	vst v63  }
0x2e8: {  	s1 =	sadd.s32 $0x70, s1;
	s15 =	simm.s32 $0xC9B8  }
0x2e9: {  	[hbm4b:s1+s3] =	stream.linear.scatter [tilespmem:s15], [sflag:$0x2], $0x80, $0x38;
	[tilespmem:$0xE800] =	vst v63  }
0x2ea: {  	s31 =	simm.s32 $0xCA40;
	s1 =	sadd.s32 s0, s7  }
0x2eb: {  	[hbm4b:s1+s3] =	stream.linear.scatter [tilespmem:s31], [sflag:$0x2], $0x80, $0x38;
	[tilespmem:$0xE800] =	vst v63  }
0x2ec: {  	s15 =	sadd.s32 $0x10, s1;
	s31 =	simm.s32 $0xCAC8  }
0x2ed: {  	[hbm4b:s15+s3] =	stream.linear.scatter [tilespmem:s31], [sflag:$0x2], $0x80, $0x38;
	[tilespmem:$0xE800] =	vst v63  }
0x2ee: {  	s15 =	sadd.s32 $0x20, s1;
	s31 =	simm.s32 $0xCB50  }
0x2ef: {  	[hbm4b:s15+s3] =	stream.linear.scatter [tilespmem:s31], [sflag:$0x2], $0x80, $0x38;
	[tilespmem:$0xE800] =	vst v63  }
0x2f0: {  	s15 =	sadd.s32 $0x30, s1;
	s31 =	simm.s32 $0xCBD8  }
0x2f1: {  	[hbm4b:s15+s3] =	stream.linear.scatter [tilespmem:s31], [sflag:$0x2], $0x80, $0x38;
	[tilespmem:$0xE800] =	vst v63  }
0x2f2: {  	s15 =	sadd.s32 $0x40, s1;
	s31 =	simm.s32 $0xCC60  }
0x2f3: {  	[hbm4b:s15+s3] =	stream.linear.scatter [tilespmem:s31], [sflag:$0x2], $0x80, $0x38;
	[tilespmem:$0xE800] =	vst v63  }
0x2f4: {  	s15 =	sadd.s32 $0x50, s1;
	s31 =	simm.s32 $0xCCE8  }
0x2f5: {  	[hbm4b:s15+s3] =	stream.linear.scatter [tilespmem:s31], [sflag:$0x2], $0x80, $0x38;
	[tilespmem:$0xE800] =	vst v63  }
0x2f6: {  	s15 =	sadd.s32 $0x60, s1;
	s31 =	simm.s32 $0xCD70  }
0x2f7: {  	[hbm4b:s15+s3] =	stream.linear.scatter [tilespmem:s31], [sflag:$0x2], $0x80, $0x38;
	[tilespmem:$0xE800] =	vst v63  }
0x2f8: {  	s1 =	sadd.s32 $0x70, s1;
	s15 =	simm.s32 $0xCDF8  }
0x2f9: {  	[hbm4b:s1+s3] =	stream.linear.scatter [tilespmem:s15], [sflag:$0x2], $0x80, $0x38;
	[tilespmem:$0xE800] =	vst v63  }
0x2fa: {  	s31 =	simm.s32 $0xCE80;
	s1 =	sadd.s32 s0, s8  }
0x2fb: {  	[hbm4b:s1+s3] =	stream.linear.scatter [tilespmem:s31], [sflag:$0x2], $0x80, $0x38;
	[tilespmem:$0xE800] =	vst v63  }
0x2fc: {  	s15 =	sadd.s32 $0x10, s1;
	s31 =	simm.s32 $0xCF08  }
0x2fd: {  	[hbm4b:s15+s3] =	stream.linear.scatter [tilespmem:s31], [sflag:$0x2], $0x80, $0x38;
	[tilespmem:$0xE800] =	vst v63  }
0x2fe: {  	s15 =	sadd.s32 $0x20, s1;
	s31 =	simm.s32 $0xCF90  }
0x2ff: {  	[hbm4b:s15+s3] =	stream.linear.scatter [tilespmem:s31], [sflag:$0x2], $0x80, $0x38;
	[tilespmem:$0xE800] =	vst v63  }
0x300: {  	s15 =	sadd.s32 $0x30, s1;
	s31 =	simm.s32 $0xD018  }
0x301: {  	[hbm4b:s15+s3] =	stream.linear.scatter [tilespmem:s31], [sflag:$0x2], $0x80, $0x38;
	[tilespmem:$0xE800] =	vst v63  }
0x302: {  	s15 =	sadd.s32 $0x40, s1;
	s31 =	simm.s32 $0xD0A0  }
0x303: {  	[hbm4b:s15+s3] =	stream.linear.scatter [tilespmem:s31], [sflag:$0x2], $0x80, $0x38;
	[tilespmem:$0xE800] =	vst v63  }
0x304: {  	s15 =	sadd.s32 $0x50, s1;
	s31 =	simm.s32 $0xD128  }
0x305: {  	[hbm4b:s15+s3] =	stream.linear.scatter [tilespmem:s31], [sflag:$0x2], $0x80, $0x38;
	[tilespmem:$0xE800] =	vst v63  }
0x306: {  	s15 =	sadd.s32 $0x60, s1;
	s31 =	simm.s32 $0xD1B0  }
0x307: {  	[hbm4b:s15+s3] =	stream.linear.scatter [tilespmem:s31], [sflag:$0x2], $0x80, $0x38;
	[tilespmem:$0xE800] =	vst v63  }
0x308: {  	s1 =	sadd.s32 $0x70, s1;
	s31 =	simm.s32 $0xD238  }
0x309: {  	[hbm4b:s1+s3] =	stream.linear.scatter [tilespmem:s31], [sflag:$0x2], $0x80, $0x38;
	[tilespmem:$0xE800] =	vst v63  }
0x30a: {  	s14 =	simm.s32 $0xD2C0;
	s0 =	sadd.s32 s0, s9  }
0x30b: {  	[hbm4b:s0+s3] =	stream.linear.scatter [tilespmem:s14], [sflag:$0x2], $0x80, $0x38;
	[tilespmem:$0xE800] =	vst v63  }
0x30c: {  	s15 =	sadd.s32 $0x10, s0;
	s31 =	simm.s32 $0xD348  }
0x30d: {  	[hbm4b:s15+s3] =	stream.linear.scatter [tilespmem:s31], [sflag:$0x2], $0x80, $0x38;
	[tilespmem:$0xE800] =	vst v63  }
0x30e: {  	s15 =	sadd.s32 $0x20, s0;
	s31 =	simm.s32 $0xD3D0  }
0x30f: {  	[hbm4b:s15+s3] =	stream.linear.scatter [tilespmem:s31], [sflag:$0x2], $0x80, $0x38;
	[tilespmem:$0xE800] =	vst v63  }
0x310: {  	s15 =	sadd.s32 $0x30, s0;
	s31 =	simm.s32 $0xD458  }
0x311: {  	[hbm4b:s15+s3] =	stream.linear.scatter [tilespmem:s31], [sflag:$0x2], $0x80, $0x38;
	[tilespmem:$0xE800] =	vst v63  }
0x312: {  	s15 =	sadd.s32 $0x40, s0;
	s31 =	simm.s32 $0xD4E0  }
0x313: {  	[hbm4b:s15+s3] =	stream.linear.scatter [tilespmem:s31], [sflag:$0x2], $0x80, $0x38;
	[tilespmem:$0xE800] =	vst v63  }
0x314: {  	s15 =	sadd.s32 $0x50, s0;
	s31 =	simm.s32 $0xD568  }
0x315: {  	[hbm4b:s15+s3] =	stream.linear.scatter [tilespmem:s31], [sflag:$0x2], $0x80, $0x38;
	[tilespmem:$0xE800] =	vst v63  }
.Ltmp9:
0x316: {  	_ = 	snop;
	(pc) =	sbr.rel @p1 .LBB2_18-.Ltmp9, $4  }
0x317: {  	s14 =	sadd.s32 $0x60, s0;
	s15 =	simm.s32 $0xD5F0  }
0x318: {  	[hbm4b:s14+s3] =	stream.linear.scatter [tilespmem:s15], [sflag:$0x2], $0x80, $0x38;
	[tilespmem:$0xE800] =	vst v63  }
0x319: {  	s0 =	sadd.s32 $0x70, s0;
	s31 =	simm.s32 $0xD678  }
0x31a: {  	[hbm4b:s0+s3] =	stream.linear.scatter [tilespmem:s31], [sflag:$0x2], $0x80, $0x38;
	[tilespmem:$0xE800] =	vst v63  }
.Ltmp10:
0x31b: {  	(pc) =	sbr.rel .LBB2_19-.Ltmp10, $4  }
0x31c: {  	_ = 	snop  }
0x31d: {  	_ =	swait.ge [sflag:s23], $0x1000  }
0x31e: {  	[sflag:s23] =	ssyncset.done $0x0  }
0x31f: {  	[sflag:s23] =	ssyncadd.s32 $0xFFFFF000  }
.LBB2_18:
.Ltmp11:
0x320: {  	s0 =	sadd.s32 $0x300, s30;
	s1 =	simm.s32 $0x8400;
	(pc) =	sbr.rel @p0 .LBB2_20-.Ltmp11, $4  }
0x321: {  	[tilespmem:s1], [sflag:$0x1] =	stream.indirect.gather [hbm4b:s4+s17], $0x20, s0, s17, $0xb8;
	[tilespmem:$0xE800] =	vst v63  }
0x322: {  	_ =	swait.ge [sflag:s23], $0x1000  }
0x323: {  	[sflag:s23] =	ssyncset.done $0x0  }
0x324: {  	[sflag:s23] =	ssyncadd.s32 $0xFFFFF000  }
.LBB2_19:
0x325: {  	_ =	swait.ge [sflag:s16], $0x400  }
0x326: {  	[sflag:s16] =	ssyncset.done $0x0  }
0x327: {  	[sflag:s16] =	ssyncadd.s32 $0xFFFFFC00  }
0x328: {  	_ =	swait.ge [sflag:s16], $0x400  }
0x329: {  	[sflag:s16] =	ssyncset.done $0x0  }
0x32a: {  	[sflag:s16] =	ssyncadd.s32 $0xFFFFFC00  }
0x32b: {  	_ =	swait.ge [sflag:s16], $0x400  }
0x32c: {  	[sflag:s16] =	ssyncset.done $0x0  }
0x32d: {  	[sflag:s16] =	ssyncadd.s32 $0xFFFFFC00  }
0x32e: {  	_ =	swait.ge [sflag:s16], $0x400  }
0x32f: {  	[sflag:s16] =	ssyncset.done $0x0  }
0x330: {  	[sflag:s16] =	ssyncadd.s32 $0xFFFFFC00  }
.LBB2_20:
0x331: {  	s0 =	simm.s32 $0x0  }
0x332: {  	v17 =	vmov s0  }
0x333: {  	v17 =	vshrl.u32 v17, $0x3  }
0x334: {  	v17 =	vshll.u32 v17, v1  }
0x335: {  	v17 =	vbroadcast v17, $0x0  }
0x336: {  	s30 =	simm.s32 $0x94F0  }
0x337: {  	v18 =	vld [tilespmem:s30+$0xFFFFFF10];
	v19 =	vadd.s32 v0, v17  }
0x338: {  	s1 =	simm.s32 $0x1;
	v20 =	vld [tilespmem:s30+$0xFFFFFF20];
	v17 =	vadd.s32 v2, v17  }
0x339: {  	v21 =	vmov s1  }
0x33a: {  	v21 =	vshrl.u32 v21, $0x3  }
0x33b: {  	v21 =	vshll.u32 v21, v1  }
0x33c: {  	[tilespmem:v19+s21+$0x0] =	vst.idx.msk $0xffff, v18;
	v18 =	vbroadcast v21, $0x0  }
0x33d: {  	[tilespmem:v17+s21+$0x0] =	vst.idx.msk $0xffff, v20  }
0x33e: {  	v17 =	vld [tilespmem:s30+$0xFFFFFF30];
	v19 =	vadd.s32 v3, v18  }
0x33f: {  	s14 =	simm.s32 $0x2;
	v20 =	vld [tilespmem:s30+$0xFFFFFF40];
	v18 =	vadd.s32 v4, v18  }
0x340: {  	v58 =	vmov s14  }
0x341: {  	v21 =	vshrl.u32 v58, $0x3  }
0x342: {  	v21 =	vshll.u32 v21, v1  }
0x343: {  	[tilespmem:v19+s21+$0x0] =	vst.idx.msk $0xffff, v17;
	v17 =	vbroadcast v21, $0x0  }
0x344: {  	[tilespmem:v18+s21+$0x0] =	vst.idx.msk $0xffff, v20  }
0x345: {  	v18 =	vld [tilespmem:s30+$0xFFFFFF50];
	v19 =	vadd.s32 v5, v17  }
0x346: {  	s15 =	simm.s32 $0x3;
	v20 =	vld [tilespmem:s30+$0xFFFFFF60];
	v17 =	vadd.s32 v6, v17  }
0x347: {  	v59 =	vmov s15  }
0x348: {  	v21 =	vshrl.u32 v59, $0x3  }
0x349: {  	v21 =	vshll.u32 v21, v1  }
0x34a: {  	[tilespmem:v19+s21+$0x0] =	vst.idx.msk $0xffff, v18;
	v18 =	vbroadcast v21, $0x0  }
0x34b: {  	[tilespmem:v17+s21+$0x0] =	vst.idx.msk $0xffff, v20  }
0x34c: {  	v17 =	vld [tilespmem:s30+$0xFFFFFF70];
	v19 =	vadd.s32 v7, v18  }
0x34d: {  	s31 =	simm.s32 $0x4;
	v20 =	vld [tilespmem:s30+$0xFFFFFF80];
	v18 =	vadd.s32 v8, v18  }
0x34e: {  	v60 =	vmov s31  }
0x34f: {  	v21 =	vshrl.u32 v60, $0x3  }
0x350: {  	v21 =	vshll.u32 v21, v1  }
0x351: {  	[tilespmem:v19+s21+$0x0] =	vst.idx.msk $0xffff, v17;
	v17 =	vbroadcast v21, $0x0  }
0x352: {  	[tilespmem:v18+s21+$0x0] =	vst.idx.msk $0xffff, v20  }
0x353: {  	v18 =	vld [tilespmem:s30+$0xFFFFFF90];
	v19 =	vadd.s32 v9, v17  }
0x354: {  	s1 =	simm.s32 $0x5;
	v20 =	vld [tilespmem:s30+$0xFFFFFFA0];
	v17 =	vadd.s32 v10, v17  }
0x355: {  	v61 =	vmov s1  }
0x356: {  	v21 =	vshrl.u32 v61, $0x3  }
0x357: {  	v21 =	vshll.u32 v21, v1  }
0x358: {  	[tilespmem:v19+s21+$0x0] =	vst.idx.msk $0xffff, v18;
	v18 =	vbroadcast v21, $0x0  }
0x359: {  	[tilespmem:v17+s21+$0x0] =	vst.idx.msk $0xffff, v20  }
0x35a: {  	v17 =	vld [tilespmem:s30+$0xFFFFFFB0];
	v19 =	vadd.s32 v11, v18  }
0x35b: {  	s14 =	simm.s32 $0x6;
	v20 =	vld [tilespmem:s30+$0xFFFFFFC0];
	v18 =	vadd.s32 v12, v18  }
0x35c: {  	v62 =	vmov s14  }
0x35d: {  	v21 =	vshrl.u32 v62, $0x3  }
0x35e: {  	v21 =	vshll.u32 v21, v1  }
0x35f: {  	[tilespmem:v19+s21+$0x0] =	vst.idx.msk $0xffff, v17;
	v17 =	vbroadcast v21, $0x0  }
0x360: {  	[tilespmem:v18+s21+$0x0] =	vst.idx.msk $0xffff, v20  }
0x361: {  	v18 =	vld [tilespmem:s30+$0xFFFFFFD0];
	v19 =	vadd.s32 v13, v17  }
0x362: {  	s15 =	simm.s32 $0x7;
	v20 =	vld [tilespmem:s30+$0xFFFFFFE0];
	v17 =	vadd.s32 v14, v17  }
0x363: {  	v63 =	vmov s15  }
0x364: {  	v21 =	vshrl.u32 v63, $0x3  }
0x365: {  	v21 =	vshll.u32 v21, v1  }
0x366: {  	[tilespmem:v19+s21+$0x0] =	vst.idx.msk $0xffff, v18;
	v18 =	vbroadcast v21, $0x0  }
0x367: {  	s31 =	simm.s32 $0x8;
	[tilespmem:v17+s21+$0x0] =	vst.idx.msk $0xffff, v20  }
0x368: {  	v17 =	vmov s31;
	v20 =	vld [tilespmem:s30+$0xFFFFFFF0];
	v21 =	vadd.s32 v15, v18  }
0x369: {  	v19 =	vshrl.u32 v17, $0x3  }
0x36a: {  	v17 =	vld [tilespmem:s30+$0x0];
	v22 =	vshll.u32 v19, v1;
	v19 =	vadd.s32 v16, v18;
	_ =	sdelay $0x2  }
0x36b: {  	s0 =	simm.s32 $0xF;
	s1 =	simm.s32 $0x17;
	v18 =	vbroadcast v22, $0x0;
	[tilespmem:v21+s21+$0x0] =	vst.idx.msk $0xffff, v20  }
.LBB2_21:
0x36c: {  	p0 =	sne.s32 s1, $0x7F  }
0x36d: {  	[tilespmem:v19+s21+$0x0] =	vst.idx.msk $0xffff, v17;
	s30 =	sadd.s32 $0x100, s30;
	s14 =	smov.u32 s1;
	s1 =	sadd.s32 $0x8, s1  }
0x36e: {  	v17 =	vld [tilespmem:s30+$0xFFFFFF10];
	v19 =	vadd.s32 v0, v18  }
0x36f: {  	s15 =	sadd.s32 $0xFFFFFFFA, s0;
	v18 =	vadd.s32 v2, v18;
	v20 =	vld [tilespmem:s30+$0xFFFFFF20]  }
0x370: {  	v21 =	vmov s15  }
0x371: {  	v21 =	vshrl.u32 v21, $0x3  }
0x372: {  	v21 =	vshll.u32 v21, v1  }
0x373: {  	[tilespmem:v19+s21+$0x0] =	vst.idx.msk $0xffff, v17;
	v17 =	vbroadcast v21, $0x0  }
0x374: {  	[tilespmem:v18+s21+$0x0] =	vst.idx.msk $0xffff, v20  }
0x375: {  	v18 =	vld [tilespmem:s30+$0xFFFFFF30];
	v19 =	vadd.s32 v3, v17  }
0x376: {  	s15 =	sadd.s32 $0xFFFFFFFB, s0;
	v17 =	vadd.s32 v4, v17;
	v20 =	vld [tilespmem:s30+$0xFFFFFF40]  }
0x377: {  	v21 =	vmov s15  }
0x378: {  	v21 =	vshrl.u32 v21, $0x3  }
0x379: {  	v21 =	vshll.u32 v21, v1  }
0x37a: {  	[tilespmem:v19+s21+$0x0] =	vst.idx.msk $0xffff, v18;
	v18 =	vbroadcast v21, $0x0  }
0x37b: {  	[tilespmem:v17+s21+$0x0] =	vst.idx.msk $0xffff, v20  }
0x37c: {  	v17 =	vld [tilespmem:s30+$0xFFFFFF50];
	v19 =	vadd.s32 v5, v18  }
0x37d: {  	s15 =	sadd.s32 $0xFFFFFFFC, s0;
	v18 =	vadd.s32 v6, v18;
	v20 =	vld [tilespmem:s30+$0xFFFFFF60]  }
0x37e: {  	v21 =	vmov s15  }
0x37f: {  	v21 =	vshrl.u32 v21, $0x3  }
0x380: {  	v21 =	vshll.u32 v21, v1  }
0x381: {  	[tilespmem:v19+s21+$0x0] =	vst.idx.msk $0xffff, v17;
	v17 =	vbroadcast v21, $0x0  }
0x382: {  	[tilespmem:v18+s21+$0x0] =	vst.idx.msk $0xffff, v20  }
0x383: {  	v18 =	vld [tilespmem:s30+$0xFFFFFF70];
	v19 =	vadd.s32 v7, v17  }
0x384: {  	s15 =	sadd.s32 $0xFFFFFFFD, s0;
	v17 =	vadd.s32 v8, v17;
	v20 =	vld [tilespmem:s30+$0xFFFFFF80]  }
0x385: {  	v21 =	vmov s15  }
0x386: {  	v21 =	vshrl.u32 v21, $0x3  }
0x387: {  	v21 =	vshll.u32 v21, v1  }
0x388: {  	[tilespmem:v19+s21+$0x0] =	vst.idx.msk $0xffff, v18;
	v18 =	vbroadcast v21, $0x0  }
0x389: {  	[tilespmem:v17+s21+$0x0] =	vst.idx.msk $0xffff, v20  }
0x38a: {  	v17 =	vld [tilespmem:s30+$0xFFFFFF90];
	v19 =	vadd.s32 v9, v18  }
0x38b: {  	s15 =	sadd.s32 $0xFFFFFFFE, s0;
	v18 =	vadd.s32 v10, v18;
	v20 =	vld [tilespmem:s30+$0xFFFFFFA0]  }
0x38c: {  	v21 =	vmov s15  }
0x38d: {  	v21 =	vshrl.u32 v21, $0x3  }
0x38e: {  	v21 =	vshll.u32 v21, v1  }
0x38f: {  	[tilespmem:v19+s21+$0x0] =	vst.idx.msk $0xffff, v17;
	v17 =	vbroadcast v21, $0x0  }
0x390: {  	[tilespmem:v18+s21+$0x0] =	vst.idx.msk $0xffff, v20  }
0x391: {  	v18 =	vld [tilespmem:s30+$0xFFFFFFB0];
	v19 =	vadd.s32 v11, v17  }
0x392: {  	s15 =	sadd.s32 $0xFFFFFFFF, s0;
	v17 =	vadd.s32 v12, v17;
	v20 =	vld [tilespmem:s30+$0xFFFFFFC0]  }
0x393: {  	v21 =	vmov s15  }
0x394: {  	v21 =	vshrl.u32 v21, $0x3  }
0x395: {  	v21 =	vshll.u32 v21, v1  }
0x396: {  	[tilespmem:v19+s21+$0x0] =	vst.idx.msk $0xffff, v18;
	v18 =	vbroadcast v21, $0x0  }
0x397: {  	[tilespmem:v17+s21+$0x0] =	vst.idx.msk $0xffff, v20  }
0x398: {  	v17 =	vld [tilespmem:s30+$0xFFFFFFD0];
	v19 =	vadd.s32 v13, v18  }
0x399: {  	v18 =	vadd.s32 v14, v18;
	v20 =	vld [tilespmem:s30+$0xFFFFFFE0]  }
0x39a: {  	v21 =	vmov s0;
	s0 =	smov.u32 s14  }
0x39b: {  	v21 =	vshrl.u32 v21, $0x3  }
0x39c: {  	v21 =	vshll.u32 v21, v1  }
0x39d: {  	[tilespmem:v19+s21+$0x0] =	vst.idx.msk $0xffff, v17;
	v19 =	vbroadcast v21, $0x0  }
0x39e: {  	[tilespmem:v18+s21+$0x0] =	vst.idx.msk $0xffff, v20  }
0x39f: {  	v20 =	vld [tilespmem:s30+$0xFFFFFFF0];
	v21 =	vadd.s32 v15, v19  }
.Ltmp12:
0x3a0: {  	s14 =	sadd.s32 $0xFFFFFFF9, s0;
	v19 =	vadd.s32 v16, v19;
	v17 =	vld [tilespmem:s30+$0x0];
	(pc) =	sbr.rel @p0 .LBB2_21-.Ltmp12, $4  }
0x3a1: {  	v18 =	vmov s14  }
0x3a2: {  	v18 =	vshrl.u32 v18, $0x3  }
0x3a3: {  	v18 =	vshll.u32 v18, v1  }
0x3a4: {  	v18 =	vbroadcast v18, $0x0;
	[tilespmem:v21+s21+$0x0] =	vst.idx.msk $0xffff, v20  }
0x3a5: {  	_ =	sdelay $0x3  }
0x3a6: {  	[tilespmem:v19+s21+$0x0] =	vst.idx.msk $0xffff, v17;
	s1 =	sadd.s32 $0x100, s30  }
0x3a7: {  	v17 =	vld [tilespmem:s1+$0xFFFFFF10];
	v19 =	vadd.s32 v0, v18  }
0x3a8: {  	s14 =	sadd.s32 $0xFFFFFFFA, s0;
	v20 =	vld [tilespmem:s1+$0xFFFFFF20];
	v18 =	vadd.s32 v2, v18  }
0x3a9: {  	v21 =	vmov s14  }
0x3aa: {  	v21 =	vshrl.u32 v21, $0x3  }
0x3ab: {  	v21 =	vshll.u32 v21, v1  }
0x3ac: {  	[tilespmem:v19+s21+$0x0] =	vst.idx.msk $0xffff, v17;
	v17 =	vbroadcast v21, $0x0  }
0x3ad: {  	[tilespmem:v18+s21+$0x0] =	vst.idx.msk $0xffff, v20  }
0x3ae: {  	v18 =	vld [tilespmem:s1+$0xFFFFFF30];
	v19 =	vadd.s32 v3, v17  }
0x3af: {  	s30 =	sadd.s32 $0xFFFFFFFB, s0;
	v20 =	vld [tilespmem:s1+$0xFFFFFF40];
	v17 =	vadd.s32 v4, v17  }
0x3b0: {  	v58 =	vmov s30  }
0x3b1: {  	v21 =	vshrl.u32 v58, $0x3  }
0x3b2: {  	v21 =	vshll.u32 v21, v1  }
0x3b3: {  	[tilespmem:v19+s21+$0x0] =	vst.idx.msk $0xffff, v18;
	v18 =	vbroadcast v21, $0x0  }
0x3b4: {  	[tilespmem:v17+s21+$0x0] =	vst.idx.msk $0xffff, v20  }
0x3b5: {  	v17 =	vld [tilespmem:s1+$0xFFFFFF50];
	v19 =	vadd.s32 v5, v18  }
0x3b6: {  	s31 =	sadd.s32 $0xFFFFFFFC, s0;
	v20 =	vld [tilespmem:s1+$0xFFFFFF60];
	v18 =	vadd.s32 v6, v18  }
0x3b7: {  	v59 =	vmov s31  }
0x3b8: {  	v21 =	vshrl.u32 v59, $0x3  }
0x3b9: {  	v21 =	vshll.u32 v21, v1  }
0x3ba: {  	[tilespmem:v19+s21+$0x0] =	vst.idx.msk $0xffff, v17;
	v17 =	vbroadcast v21, $0x0  }
0x3bb: {  	[tilespmem:v18+s21+$0x0] =	vst.idx.msk $0xffff, v20  }
0x3bc: {  	v18 =	vld [tilespmem:s1+$0xFFFFFF70];
	v19 =	vadd.s32 v7, v17  }
0x3bd: {  	s15 =	sadd.s32 $0xFFFFFFFD, s0;
	v20 =	vld [tilespmem:s1+$0xFFFFFF80];
	v17 =	vadd.s32 v8, v17  }
0x3be: {  	v60 =	vmov s15  }
0x3bf: {  	v21 =	vshrl.u32 v60, $0x3  }
0x3c0: {  	v21 =	vshll.u32 v21, v1  }
0x3c1: {  	[tilespmem:v19+s21+$0x0] =	vst.idx.msk $0xffff, v18;
	v18 =	vbroadcast v21, $0x0  }
0x3c2: {  	[tilespmem:v17+s21+$0x0] =	vst.idx.msk $0xffff, v20  }
0x3c3: {  	v17 =	vld [tilespmem:s1+$0xFFFFFF90];
	v19 =	vadd.s32 v9, v18  }
0x3c4: {  	s30 =	sadd.s32 $0xFFFFFFFE, s0;
	v20 =	vld [tilespmem:s1+$0xFFFFFFA0];
	v18 =	vadd.s32 v10, v18  }
0x3c5: {  	v61 =	vmov s30  }
0x3c6: {  	v21 =	vshrl.u32 v61, $0x3  }
0x3c7: {  	v21 =	vshll.u32 v21, v1  }
0x3c8: {  	[tilespmem:v19+s21+$0x0] =	vst.idx.msk $0xffff, v17;
	v17 =	vbroadcast v21, $0x0  }
0x3c9: {  	[tilespmem:v18+s21+$0x0] =	vst.idx.msk $0xffff, v20  }
0x3ca: {  	v18 =	vld [tilespmem:s1+$0xFFFFFFB0];
	v19 =	vadd.s32 v11, v17  }
0x3cb: {  	s31 =	sadd.s32 $0xFFFFFFFF, s0;
	v20 =	vld [tilespmem:s1+$0xFFFFFFC0];
	v17 =	vadd.s32 v12, v17  }
0x3cc: {  	v62 =	vmov s31  }
0x3cd: {  	v21 =	vshrl.u32 v62, $0x3  }
0x3ce: {  	v21 =	vshll.u32 v21, v1  }
0x3cf: {  	[tilespmem:v19+s21+$0x0] =	vst.idx.msk $0xffff, v18;
	v18 =	vbroadcast v21, $0x0  }
0x3d0: {  	[tilespmem:v17+s21+$0x0] =	vst.idx.msk $0xffff, v20  }
0x3d1: {  	v17 =	vld [tilespmem:s1+$0xFFFFFFD0];
	v19 =	vadd.s32 v13, v18  }
0x3d2: {  	v20 =	vld [tilespmem:s1+$0xFFFFFFE0];
	v18 =	vadd.s32 v14, v18  }
0x3d3: {  	v63 =	vmov s0  }
0x3d4: {  	v21 =	vshrl.u32 v63, $0x3  }
0x3d5: {  	v21 =	vshll.u32 v21, v1  }
0x3d6: {  	[tilespmem:v19+s21+$0x0] =	vst.idx.msk $0xffff, v17;
	v17 =	vbroadcast v21, $0x0  }
0x3d7: {  	[tilespmem:v18+s21+$0x0] =	vst.idx.msk $0xffff, v20  }
0x3d8: {  	v18 =	vld [tilespmem:s1+$0xFFFFFFF0];
	v19 =	vadd.s32 v15, v17  }
0x3d9: {  	v20 =	vld [tilespmem:s1+$0x0];
	v17 =	vadd.s32 v16, v17;
	_ =	sdelay $0x1  }
0x3da: {  	s14 =	sor.u32 s12, s29  }
0x3db: {  	s0 =	sshll.u32 s14, $0x4  }
0x3dc: {  	s15 =	sand.u32 $0x1FFFFF80, s0;
	[tilespmem:v19+s21+$0x0] =	vst.idx.msk $0xffff, v18  }
0x3dd: {  	s1 =	sadd.s32 s2, s15;
	[tilespmem:v17+s21+$0x0] =	vst.idx.msk $0xffff, v20  }
0x3de: {  	[hbm4b:s1+s3] =	stream.linear.scatter [tilespmem:s21], [sflag:$0x2], $0x80, $0x38;
	[tilespmem:$0xE800] =	vst v63  }
0x3df: {  	s15 =	simm.s32 $0xD788;
	s29 =	sadd.s32 $0x10, s1  }
0x3e0: {  	[hbm4b:s29+s3] =	stream.linear.scatter [tilespmem:s15], [sflag:$0x2], $0x80, $0x38;
	[tilespmem:$0xE800] =	vst v63  }
0x3e1: {  	s31 =	simm.s32 $0xD810;
	s30 =	sadd.s32 $0x20, s1  }
0x3e2: {  	[hbm4b:s30+s3] =	stream.linear.scatter [tilespmem:s31], [sflag:$0x2], $0x80, $0x38;
	[tilespmem:$0xE800] =	vst v63  }
0x3e3: {  	s15 =	sadd.s32 $0x30, s1;
	s29 =	simm.s32 $0xD898  }
0x3e4: {  	[hbm4b:s15+s3] =	stream.linear.scatter [tilespmem:s29], [sflag:$0x2], $0x80, $0x38;
	[tilespmem:$0xE800] =	vst v63  }
0x3e5: {  	s30 =	sadd.s32 $0x40, s1;
	s31 =	simm.s32 $0xD920  }
0x3e6: {  	[hbm4b:s30+s3] =	stream.linear.scatter [tilespmem:s31], [sflag:$0x2], $0x80, $0x38;
	[tilespmem:$0xE800] =	vst v63  }
0x3e7: {  	s15 =	sadd.s32 $0x50, s1;
	s29 =	simm.s32 $0xD9A8  }
0x3e8: {  	[hbm4b:s15+s3] =	stream.linear.scatter [tilespmem:s29], [sflag:$0x2], $0x80, $0x38;
	[tilespmem:$0xE800] =	vst v63  }
0x3e9: {  	s30 =	sadd.s32 $0x60, s1;
	s31 =	simm.s32 $0xDA30  }
0x3ea: {  	[hbm4b:s30+s3] =	stream.linear.scatter [tilespmem:s31], [sflag:$0x2], $0x80, $0x38;
	[tilespmem:$0xE800] =	vst v63  }
0x3eb: {  	s1 =	sadd.s32 $0x70, s1;
	s15 =	simm.s32 $0xDAB8  }
0x3ec: {  	[hbm4b:s1+s3] =	stream.linear.scatter [tilespmem:s15], [sflag:$0x2], $0x80, $0x38;
	[tilespmem:$0xE800] =	vst v63  }
0x3ed: {  	s29 =	simm.s32 $0xDB40;
	s1 =	sadd.s32 s0, s7  }
0x3ee: {  	[hbm4b:s1+s3] =	stream.linear.scatter [tilespmem:s29], [sflag:$0x2], $0x80, $0x38;
	[tilespmem:$0xE800] =	vst v63  }
0x3ef: {  	s31 =	simm.s32 $0xDBC8;
	s30 =	sadd.s32 $0x10, s1  }
0x3f0: {  	[hbm4b:s30+s3] =	stream.linear.scatter [tilespmem:s31], [sflag:$0x2], $0x80, $0x38;
	[tilespmem:$0xE800] =	vst v63  }
0x3f1: {  	s15 =	sadd.s32 $0x20, s1;
	s29 =	simm.s32 $0xDC50  }
0x3f2: {  	[hbm4b:s15+s3] =	stream.linear.scatter [tilespmem:s29], [sflag:$0x2], $0x80, $0x38;
	[tilespmem:$0xE800] =	vst v63  }
0x3f3: {  	s30 =	sadd.s32 $0x30, s1;
	s31 =	simm.s32 $0xDCD8  }
0x3f4: {  	[hbm4b:s30+s3] =	stream.linear.scatter [tilespmem:s31], [sflag:$0x2], $0x80, $0x38;
	[tilespmem:$0xE800] =	vst v63  }
0x3f5: {  	s15 =	sadd.s32 $0x40, s1;
	s29 =	simm.s32 $0xDD60  }
0x3f6: {  	[hbm4b:s15+s3] =	stream.linear.scatter [tilespmem:s29], [sflag:$0x2], $0x80, $0x38;
	[tilespmem:$0xE800] =	vst v63  }
0x3f7: {  	s30 =	sadd.s32 $0x50, s1;
	s31 =	simm.s32 $0xDDE8  }
0x3f8: {  	[hbm4b:s30+s3] =	stream.linear.scatter [tilespmem:s31], [sflag:$0x2], $0x80, $0x38;
	[tilespmem:$0xE800] =	vst v63  }
0x3f9: {  	s15 =	sadd.s32 $0x60, s1;
	s29 =	simm.s32 $0xDE70  }
0x3fa: {  	[hbm4b:s15+s3] =	stream.linear.scatter [tilespmem:s29], [sflag:$0x2], $0x80, $0x38;
	[tilespmem:$0xE800] =	vst v63  }
0x3fb: {  	s1 =	sadd.s32 $0x70, s1;
	s30 =	simm.s32 $0xDEF8  }
0x3fc: {  	[hbm4b:s1+s3] =	stream.linear.scatter [tilespmem:s30], [sflag:$0x2], $0x80, $0x38;
	[tilespmem:$0xE800] =	vst v63  }
0x3fd: {  	s31 =	simm.s32 $0xDF80;
	s1 =	sadd.s32 s0, s8  }
0x3fe: {  	[hbm4b:s1+s3] =	stream.linear.scatter [tilespmem:s31], [sflag:$0x2], $0x80, $0x38;
	[tilespmem:$0xE800] =	vst v63  }
0x3ff: {  	s29 =	simm.s32 $0xE008;
	s15 =	sadd.s32 $0x10, s1  }
0x400: {  	[hbm4b:s15+s3] =	stream.linear.scatter [tilespmem:s29], [sflag:$0x2], $0x80, $0x38;
	[tilespmem:$0xE800] =	vst v63  }
0x401: {  	s30 =	sadd.s32 $0x20, s1;
	s31 =	simm.s32 $0xE090  }
0x402: {  	[hbm4b:s30+s3] =	stream.linear.scatter [tilespmem:s31], [sflag:$0x2], $0x80, $0x38;
	[tilespmem:$0xE800] =	vst v63  }
0x403: {  	s15 =	sadd.s32 $0x30, s1;
	s29 =	simm.s32 $0xE118  }
0x404: {  	[hbm4b:s15+s3] =	stream.linear.scatter [tilespmem:s29], [sflag:$0x2], $0x80, $0x38;
	[tilespmem:$0xE800] =	vst v63  }
0x405: {  	s30 =	sadd.s32 $0x40, s1;
	s31 =	simm.s32 $0xE1A0  }
0x406: {  	[hbm4b:s30+s3] =	stream.linear.scatter [tilespmem:s31], [sflag:$0x2], $0x80, $0x38;
	[tilespmem:$0xE800] =	vst v63  }
0x407: {  	s15 =	sadd.s32 $0x50, s1;
	s29 =	simm.s32 $0xE228  }
0x408: {  	[hbm4b:s15+s3] =	stream.linear.scatter [tilespmem:s29], [sflag:$0x2], $0x80, $0x38;
	[tilespmem:$0xE800] =	vst v63  }
0x409: {  	s30 =	sadd.s32 $0x60, s1;
	s31 =	simm.s32 $0xE2B0  }
0x40a: {  	[hbm4b:s30+s3] =	stream.linear.scatter [tilespmem:s31], [sflag:$0x2], $0x80, $0x38;
	[tilespmem:$0xE800] =	vst v63  }
0x40b: {  	s1 =	sadd.s32 $0x70, s1;
	s15 =	simm.s32 $0xE338  }
0x40c: {  	[hbm4b:s1+s3] =	stream.linear.scatter [tilespmem:s15], [sflag:$0x2], $0x80, $0x38;
	[tilespmem:$0xE800] =	vst v63  }
0x40d: {  	s0 =	sadd.s32 s0, s9;
	s29 =	simm.s32 $0xE3C0  }
0x40e: {  	[hbm4b:s0+s3] =	stream.linear.scatter [tilespmem:s29], [sflag:$0x2], $0x80, $0x38;
	[tilespmem:$0xE800] =	vst v63  }
0x40f: {  	s30 =	sadd.s32 $0x10, s0;
	s31 =	simm.s32 $0xE448  }
0x410: {  	[hbm4b:s30+s3] =	stream.linear.scatter [tilespmem:s31], [sflag:$0x2], $0x80, $0x38;
	[tilespmem:$0xE800] =	vst v63  }
0x411: {  	s14 =	sadd.s32 $0x20, s0  }
0x412: {  	[hbm4b:s14+s3] =	stream.linear.scatter [tilespmem:s20], [sflag:$0x2], $0x80, $0x38;
	[tilespmem:$0xE800] =	vst v63  }
0x413: {  	s15 =	sadd.s32 $0x30, s0  }
0x414: {  	[hbm4b:s15+s3] =	stream.linear.scatter [tilespmem:s5], [sflag:$0x2], $0x80, $0x38;
	[tilespmem:$0xE800] =	vst v63  }
0x415: {  	s28 =	sadd.s32 $0x1, s28;
	s29 =	sadd.s32 $0x40, s0  }
0x416: {  	[hbm4b:s29+s3] =	stream.linear.scatter [tilespmem:s19], [sflag:$0x2], $0x80, $0x38;
	[tilespmem:$0xE800] =	vst v63  }
0x417: {  	p0 =	sne.s32 s28, $0x32;
	s30 =	sadd.s32 $0x50, s0  }
0x418: {  	[hbm4b:s30+s3] =	stream.linear.scatter [tilespmem:s22], [sflag:$0x2], $0x80, $0x38;
	[tilespmem:$0xE800] =	vst v63  }
.Ltmp13:
0x419: {  	_ = 	snop;
	(pc) =	sbr.rel @p0 .LBB2_2-.Ltmp13, $4  }
0x41a: {  	s31 =	sadd.s32 $0x60, s0  }
0x41b: {  	[hbm4b:s31+s3] =	stream.linear.scatter [tilespmem:s25], [sflag:$0x2], $0x80, $0x38;
	[tilespmem:$0xE800] =	vst v63  }
0x41c: {  	s0 =	sadd.s32 $0x70, s0  }
0x41d: {  	[hbm4b:s0+s3] =	stream.linear.scatter [tilespmem:s26], [sflag:$0x2], $0x80, $0x38;
	[tilespmem:$0xE800] =	vst v63  }
0x41e: {  	_ =	swait.ge [sflag:s16], $0x400  }
0x41f: {  	[sflag:s16] =	ssyncset.done $0x0  }
0x420: {  	[sflag:s16] =	ssyncadd.s32 $0xFFFFFC00  }
0x421: {  	_ =	swait.ge [sflag:s16], $0x400  }
0x422: {  	[sflag:s16] =	ssyncset.done $0x0  }
0x423: {  	[sflag:s16] =	ssyncadd.s32 $0xFFFFFC00  }
0x424: {  	_ =	swait.ge [sflag:s16], $0x400  }
0x425: {  	[sflag:s16] =	ssyncset.done $0x0  }
0x426: {  	[sflag:s16] =	ssyncadd.s32 $0xFFFFFC00  }
0x427: {  	_ =	swait.ge [sflag:s16], $0x400  }
0x428: {  	[sflag:s16] =	ssyncset.done $0x0  }
0x429: {  	[sflag:s16] =	ssyncadd.s32 $0xFFFFFC00  }
0x42a: {  	_ =	swait.ge [sflag:s16], $0x400  }
0x42b: {  	[sflag:s16] =	ssyncset.done $0x0  }
0x42c: {  	[sflag:s16] =	ssyncadd.s32 $0xFFFFFC00  }
0x42d: {  	_ =	swait.ge [sflag:s16], $0x400  }
0x42e: {  	[sflag:s16] =	ssyncset.done $0x0  }
0x42f: {  	[sflag:s16] =	ssyncadd.s32 $0xFFFFFC00  }
0x430: {  	_ =	swait.ge [sflag:s16], $0x400  }
0x431: {  	[sflag:s16] =	ssyncset.done $0x0  }
0x432: {  	[sflag:s16] =	ssyncadd.s32 $0xFFFFFC00  }
0x433: {  	_ =	swait.ge [sflag:s16], $0x400  }
0x434: {  	[sflag:s16] =	ssyncset.done $0x0  }
0x435: {  	[sflag:s16] =	ssyncadd.s32 $0xFFFFFC00  }
0x436: {  	_ =	swait.ge [sflag:s16], $0x400  }
0x437: {  	[sflag:s16] =	ssyncset.done $0x0  }
0x438: {  	[sflag:s16] =	ssyncadd.s32 $0xFFFFFC00  }
0x439: {  	_ =	swait.ge [sflag:s16], $0x400  }
0x43a: {  	[sflag:s16] =	ssyncset.done $0x0  }
0x43b: {  	[sflag:s16] =	ssyncadd.s32 $0xFFFFFC00  }
0x43c: {  	_ =	swait.ge [sflag:s16], $0x400  }
0x43d: {  	[sflag:s16] =	ssyncset.done $0x0  }
0x43e: {  	[sflag:s16] =	ssyncadd.s32 $0xFFFFFC00  }
0x43f: {  	_ =	swait.ge [sflag:s16], $0x400  }
0x440: {  	[sflag:s16] =	ssyncset.done $0x0  }
0x441: {  	[sflag:s16] =	ssyncadd.s32 $0xFFFFFC00  }
0x442: {  	_ =	swait.ge [sflag:s16], $0x400  }
0x443: {  	[sflag:s16] =	ssyncset.done $0x0  }
0x444: {  	[sflag:s16] =	ssyncadd.s32 $0xFFFFFC00  }
0x445: {  	_ =	swait.ge [sflag:s16], $0x400  }
0x446: {  	[sflag:s16] =	ssyncset.done $0x0  }
0x447: {  	[sflag:s16] =	ssyncadd.s32 $0xFFFFFC00  }
0x448: {  	_ =	swait.ge [sflag:s16], $0x400  }
0x449: {  	[sflag:s16] =	ssyncset.done $0x0  }
0x44a: {  	[sflag:s16] =	ssyncadd.s32 $0xFFFFFC00  }
0x44b: {  	_ =	swait.ge [sflag:s16], $0x400  }
0x44c: {  	s1 =	rddreg [dreg:$0x5]  }
0x44d: {  	s0 =	rddreg [dreg:$0x4];
	s1 =	sadd.s32 $0x1, s1  }
0x44e: {  	p0 =	sne.s32 s1, s0  }
.Ltmp14:
0x44f: {  	_ = 	snop;
	(pc) =	sbr.rel @p0 .LBB2_1-.Ltmp14, $3  }
0x450: {  	_ =	sdelay $0x1  }
0x451: {  	[sflag:s16] =	ssyncset.done $0x0  }
0x452: {  	[sflag:s16] =	ssyncadd.s32 $0xFFFFFC00  }
0x453: {  	_ =	sfence.sel $0x180000  }
0x454: {  	[bflag:$0x0] =	sbarrier.arrive $0xFFFF  }
0x455: {  	_ =	strace $0x90000047  }
0x456: {  	s0 =	stileid.u32;
	[bflag:$0x2] =	sbarrier.arrive $0xFFFF  }
0x457: {  	p0 =	sne.s32 s0, $0x0;
	s0 =	rddreg [dreg:$0x2]  }
0x458: {  	s0 =	sadd.s32 @!p0 $0x100000, s0  }
0x459: {  	[sflag:s0] =	ssyncadd.tile.s32 @!p0 $0x1;
	_ =	shalt  }
.Lfunc_end2:
_tile_overlayer_lowered:
.L_overlay_start_2:
0x45a: {  	(tag) =	ssettag $0x2  }
0x45b: {  	s0 =	rddreg [dreg:$0x0];
	s2 =	stileid.u32  }
0x45c: {  	s1 =	rddreg [dreg:$0x1];
	p0 =	sne.s32 s2, $0x0  }
0x45d: {  	s3 =	rddreg [dreg:$0x2];
	[bflag:$0x3] =	sbarrier.arrive $0xFFFF;
	s2 =	simm.s32 @!p0 $0x1C03  }
0x45e: {  	[timem:s3], [sflag:s2] =	dma.local @!p0 [hbm:s0], s1  }
0x45f: {  	s0 =	simm.s32 @!p0 $0x3  }
0x460: {  	_ =	swait.ge @!p0 [sflag:s0], s1  }
0x461: {  	s1 =	ssub.s32 @!p0 $0x0, s1;
	[sflag:s0] =	ssyncset.done @!p0 $0x0  }
0x462: {  	[sflag:s0] =	ssyncadd.s32 @!p0 s1  }
0x463: {  	[bflag:$0x3] =	sbarrier.arrive $0xFFFF  }
0x464: {  	_ =	shalt  }

</sc_bundles>
